<compile_context>
chip_gen: v7x
topology: tpu7x:2x2x1
jax: 0.10.2.dev20260603
libtpu: 0.0.44.dev20260713+nightly
codegen_flags: <defaults>
</compile_context>

<pallas_src>
import jax
import jax.numpy as jnp
from jax import lax
from jax.experimental import pallas as pl
from jax.experimental.pallas import tpu as pltpu
from jax.experimental.pallas import tpu_sc as plsc

N_NODES = 10000
N_EDGES = 320000
D_FEAT = 128
D_EDGE = 16
U_DIM = 16
B_GRAPHS = 64
K = 64

NC = 2
NS = 16
NW = NC * NS
E_PER_W = N_EDGES // NW
E_CHUNK = 128
E_ROWS_FULL = 78
E_NCH = E_ROWS_FULL + 1
E_BLOCK_CH = 16
N_CHUNKS_FULL = N_NODES // 128
N_TAIL = N_NODES - N_CHUNKS_FULL * 128
DUMMY = B_GRAPHS
N_EACC = 4

_SC_PARAMS = pltpu.CompilerParams(
    needs_layout_passes=False, use_tc_tiling_on_sc=False)


def _seg_nodes_body(x_hbm, ei_hbm, batch_hbm, seg_hbm, pn_hbm,
                    col_v, batch_v, seg_v, xrows_v, nseg_v, zn_v, nacc,
                    sem_misc, sem_x, sem_n):
    c = lax.axis_index("c")
    s = lax.axis_index("s")
    wid = s * NC + c
    ebase = wid * E_PER_W

    d_batch = pltpu.async_copy(batch_hbm, batch_v, sem_misc)
    d_col = pltpu.async_copy(
        ei_hbm.at[:, pl.ds(ebase, E_PER_W)], col_v, sem_misc)
    d_x0 = pltpu.async_copy(
        x_hbm.at[pl.ds(wid * 128, 128), :], xrows_v, sem_x)
    d_nseg0 = pltpu.async_copy(
        batch_hbm.at[pl.ds(wid * 128, 128)], nseg_v.at[0], sem_n)
    d_nseg1 = pltpu.async_copy(
        batch_hbm.at[pl.ds((wid + NW) * 128, 128)], nseg_v.at[1], sem_n)

    @pl.when(s == 0)
    def _zero():
        def zrow(r, carry):
            for k in range(D_FEAT // 16):
                zn_v[r, pl.ds(k * 16, 16)] = jnp.zeros((16,), jnp.float32)
            return carry
        lax.fori_loop(0, B_GRAPHS + 1, zrow, 0)
        pltpu.sync_copy(zn_v, nacc)

    plsc.subcore_barrier()

    d_batch.wait()
    d_col.wait()

    def seg_row(r, carry):
        for k in range(8):
            col16 = col_v[1, pl.ds(r * 128 + k * 16, 16)]
            seg_v[r, pl.ds(k * 16, 16)] = plsc.load_gather(batch_v, [col16])
        return carry
    lax.fori_loop(0, E_ROWS_FULL, seg_row, 0)
    col16 = col_v[1, pl.ds(E_ROWS_FULL * 128, 16)]
    seg_v[E_ROWS_FULL, pl.ds(0, 16)] = plsc.load_gather(batch_v, [col16])
    for k in range(1, 8):
        seg_v[E_ROWS_FULL, pl.ds(k * 16, 16)] = jnp.full((16,), DUMMY, jnp.int32)
    pltpu.sync_copy(seg_v, seg_hbm.at[wid])

    def node_add(t):
        pltpu.sync_copy(xrows_v, nacc.at[nseg_v.at[t]], add=True)

    d_x0.wait()
    d_nseg0.wait()
    d_nseg1.wait()
    node_add(0)
    pltpu.sync_copy(x_hbm.at[pl.ds((wid + NW) * 128, 128), :], xrows_v)
    node_add(1)

    @pl.when(wid < N_CHUNKS_FULL - 2 * NW)
    def _third():
        q = wid + 2 * NW
        pltpu.sync_copy(batch_hbm.at[pl.ds(q * 128, 128)], nseg_v.at[2])
        pltpu.sync_copy(x_hbm.at[pl.ds(q * 128, 128), :], xrows_v)
        node_add(2)

    @pl.when(wid == NW - 1)
    def _tail():
        base = N_CHUNKS_FULL * 128
        pltpu.sync_copy(batch_hbm.at[pl.ds(base, N_TAIL)],
                        nseg_v.at[2, pl.ds(0, N_TAIL)])
        for k in range(N_TAIL // 16, 8):
            nseg_v[2, pl.ds(k * 16, 16)] = jnp.full((16,), DUMMY, jnp.int32)
        pltpu.sync_copy(x_hbm.at[pl.ds(base, N_TAIL), :],
                        xrows_v.at[pl.ds(0, N_TAIL), :])
        node_add(2)

    plsc.subcore_barrier()

    @pl.when(s == 0)
    def _out():
        pltpu.sync_copy(nacc, pn_hbm.at[c])


def _edges_body(ea_hbm, seg_hbm, pe_hbm,
                seg_v, rows0_v, rows1_v, ze_v,
                eacc0, eacc1, eacc2, eacc3,
                sem_misc, sem_in0, sem_in1,
                sem_add0, sem_add1, sem_add2, sem_add3):
    c = lax.axis_index("c")
    s = lax.axis_index("s")
    wid = s * NC + c
    ebase = wid * E_PER_W
    rows = (rows0_v, rows1_v)
    eacc = (eacc0, eacc1, eacc2, eacc3)
    sem_in = (sem_in0, sem_in1)
    sem_add = (sem_add0, sem_add1, sem_add2, sem_add3)
    BLK = E_BLOCK_CH * E_CHUNK
    NBLK = 5
    nvalid_tail = E_PER_W - 4 * BLK

    def start_load(blk):
        buf = rows[blk % 2]
        if blk < NBLK - 1:
            return pltpu.async_copy(
                ea_hbm.at[pl.ds(ebase + blk * BLK, BLK), :], buf, sem_in[blk % 2])
        return pltpu.async_copy(
            ea_hbm.at[pl.ds(ebase + 4 * BLK, nvalid_tail), :],
            buf.at[pl.ds(0, nvalid_tail), :], sem_in[blk % 2])

    d_seg = pltpu.async_copy(seg_hbm.at[wid], seg_v, sem_misc)
    d_in0 = start_load(0)
    d_in1 = start_load(1)

    @pl.when(s == 0)
    def _zero():
        def zrow(r, carry):
            ze_v[r, pl.ds(0, 16)] = jnp.zeros((16,), jnp.float32)
            return carry
        lax.fori_loop(0, B_GRAPHS + 1, zrow, 0)
        for a in range(N_EACC):
            pltpu.sync_copy(ze_v, eacc[a])

    plsc.subcore_barrier()
    d_seg.wait()

    in_desc = [d_in0, d_in1, None, None, None]
    for blk in range(NBLK):
        cur = blk % 2
        in_desc[blk].wait()
        if blk + 1 < NBLK:
            in_desc[blk + 1] = start_load(blk + 1)
        nch = E_BLOCK_CH if blk < 4 else E_NCH - 4 * E_BLOCK_CH

        def eadd(jj, carry, cur=cur, base_ch=blk * E_BLOCK_CH):
            a = jj % N_EACC
            pltpu.sync_copy(
                rows[cur].at[pl.ds(jj * E_CHUNK, E_CHUNK), :],
                eacc[a].at[seg_v.at[base_ch + jj]],
                add=True)
            return carry
        for jj in range(nch):
            eadd(jj, 0)

    plsc.subcore_barrier()

    @pl.when(s == 0)
    def _out():
        for a in range(N_EACC):
            pltpu.sync_copy(eacc[a], pe_hbm.at[c, a])


def _sc_aggregate(x, edge_index, edge_attr, batch):
    mesh = plsc.VectorSubcoreMesh(core_axis_name="c", subcore_axis_name="s")
    f32 = jnp.float32
    i32 = jnp.int32
    kern_a = pl.kernel(
        _seg_nodes_body,
        out_type=(
            jax.ShapeDtypeStruct((NW, E_NCH, E_CHUNK), i32),
            jax.ShapeDtypeStruct((NC, B_GRAPHS + 1, D_FEAT), f32),
        ),
        mesh=mesh,
        compiler_params=_SC_PARAMS,
        scratch_types=[
            pltpu.VMEM((2, E_PER_W), i32),
            pltpu.VMEM((N_NODES,), i32),
            pltpu.VMEM((E_NCH, E_CHUNK), i32),
            pltpu.VMEM((128, D_FEAT), f32),
            pltpu.VMEM((3, 128), i32),
            pltpu.VMEM((B_GRAPHS + 1, D_FEAT), f32),
            pltpu.VMEM_SHARED((B_GRAPHS + 1, D_FEAT), f32),
            pltpu.SemaphoreType.DMA,
            pltpu.SemaphoreType.DMA,
            pltpu.SemaphoreType.DMA,
        ],
    )
    seg_all, pn = kern_a(x, edge_index, batch)

    kern_b = pl.kernel(
        _edges_body,
        out_type=jax.ShapeDtypeStruct((NC, N_EACC, B_GRAPHS + 1, D_EDGE), f32),
        mesh=mesh,
        compiler_params=_SC_PARAMS,
        scratch_types=[
            pltpu.VMEM((E_NCH, E_CHUNK), i32),
            pltpu.VMEM((E_BLOCK_CH * E_CHUNK, D_EDGE), f32),
            pltpu.VMEM((E_BLOCK_CH * E_CHUNK, D_EDGE), f32),
            pltpu.VMEM((B_GRAPHS + 1, D_EDGE), f32),
            pltpu.VMEM_SHARED((B_GRAPHS + 1, D_EDGE), f32),
            pltpu.VMEM_SHARED((B_GRAPHS + 1, D_EDGE), f32),
            pltpu.VMEM_SHARED((B_GRAPHS + 1, D_EDGE), f32),
            pltpu.VMEM_SHARED((B_GRAPHS + 1, D_EDGE), f32),
            pltpu.SemaphoreType.DMA,
            pltpu.SemaphoreType.DMA,
            pltpu.SemaphoreType.DMA,
            pltpu.SemaphoreType.DMA,
            pltpu.SemaphoreType.DMA,
            pltpu.SemaphoreType.DMA,
            pltpu.SemaphoreType.DMA,
        ],
    )
    pe = kern_b(edge_attr, seg_all)
    return pe, pn


def _mlp_body(u_ref, pe_ref, pn_ref, w1_ref, b1_ref, w2_ref, b2_ref, o_ref):
    hi = jax.lax.Precision.HIGHEST
    pe = pe_ref[...]
    agg_e = (pe[0, 0, :B_GRAPHS, :] + pe[0, 1, :B_GRAPHS, :]
             + pe[0, 2, :B_GRAPHS, :] + pe[0, 3, :B_GRAPHS, :]
             + pe[1, 0, :B_GRAPHS, :] + pe[1, 1, :B_GRAPHS, :]
             + pe[1, 2, :B_GRAPHS, :] + pe[1, 3, :B_GRAPHS, :])
    agg_n = pn_ref[0, :B_GRAPHS, :] + pn_ref[1, :B_GRAPHS, :]
    w1 = w1_ref[...]
    dn = (((1,), (0,)), ((), ()))
    z = (lax.dot_general(u_ref[...], w1[:U_DIM, :], dn, precision=hi)
         + lax.dot_general(agg_e, w1[U_DIM:U_DIM + D_EDGE, :], dn, precision=hi)
         + lax.dot_general(agg_n, w1[U_DIM + D_EDGE:, :], dn, precision=hi)
         + b1_ref[...][None, :])
    h = z * jax.nn.sigmoid(z)
    z2 = lax.dot_general(h, w2_ref[...], dn, precision=hi) + b2_ref[...][None, :]
    o_ref[...] = z2 * jax.nn.sigmoid(z2)


def _tc_mlp(u, pe, pn, W1, b1, W2, b2):
    return pl.pallas_call(
        _mlp_body,
        out_shape=jax.ShapeDtypeStruct((B_GRAPHS, K), jnp.float32),
    )(u, pe, pn, W1, b1, W2, b2)


@jax.jit
def kernel(x, edge_index, edge_attr, u, batch, W1, b1, W2, b2):
    pe, pn = _sc_aggregate(x, edge_index, edge_attr, batch)
    return _tc_mlp(u, pe, pn, W1, b1, W2, b2)

# --- scband reference (transcript-rebuilt; emitter-appended) ---
"""Pipeline reference for scband-global-model-63402307223698 (READ-ONLY COPY).

The authoritative reference and input builder live on the scoring server;
editing this copy changes nothing except your own understanding.
"""

import jax, jax.numpy as jnp
import numpy as np

N_NODES = 10000
N_EDGES = 320000
D_FEAT = 128
D_EDGE = 16
U_DIM = 16
B_GRAPHS = 64
IN_DIM = U_DIM + D_EDGE + D_FEAT  # 160
K = 64


def swish(x):
    return x * jax.nn.sigmoid(x)


def setup_inputs(seed: int = 0) -> dict:
    key = jax.random.key(seed)
    ks = jax.random.split(key, 10)
    x = jax.random.normal(ks[0], (N_NODES, D_FEAT), dtype=jnp.float32)
    edge_index = jax.random.randint(ks[1], (2, N_EDGES), 0, N_NODES, dtype=jnp.int32)
    edge_attr = jax.random.normal(ks[2], (N_EDGES, D_EDGE), dtype=jnp.float32)
    u = jax.random.normal(ks[3], (B_GRAPHS, U_DIM), dtype=jnp.float32)
    batch = jnp.sort(jax.random.randint(ks[4], (N_NODES,), 0, B_GRAPHS, dtype=jnp.int32))
    W1 = jax.random.normal(ks[5], (IN_DIM, K), dtype=jnp.float32) * 0.05
    b1 = jnp.zeros((K,), dtype=jnp.float32)
    W2 = jax.random.normal(ks[6], (K, K), dtype=jnp.float32) * 0.05
    b2 = jnp.zeros((K,), dtype=jnp.float32)
    return {"x": x, "edge_index": edge_index, "edge_attr": edge_attr, "u": u,
            "batch": batch, "W1": W1, "b1": b1, "W2": W2, "b2": b2}


def reference(x, edge_index, edge_attr, u, batch, W1, b1, W2, b2):
    row = edge_index[0]
    col = edge_index[1]
    # scatter_add(edge_attr, batch[col], dim=0) -> per-graph edge-feature sums
    agg_edges = jax.ops.segment_sum(edge_attr, batch[col], num_segments=B_GRAPHS)
    # scatter_add(x, batch, dim=0) -> per-graph node-feature sums
    agg_nodes = jax.ops.segment_sum(x, batch, num_segments=B_GRAPHS)
    inputs = jnp.concatenate([u, agg_edges, agg_nodes], axis=1)
    h = swish(inputs @ W1 + b1)
    out = swish(h @ W2 + b2)
    return out

if __name__ == "__main__":
    import jax
    _d = setup_inputs()
    print(jax.jit(kernel)(*tuple(_d.values())))

</pallas_src>

<mosaic_0001>
#map = affine_map<(d0, d1) -> (0, 0)>
#map1 = affine_map<(d0, d1) -> (0)>
#map2 = affine_map<(d0, d1) -> (0, 0, 0)>
module attributes {stable_mosaic.version = 14 : i64} {
  func.func @_seg_nodes_body(%arg0: i32, %arg1: i32, %arg2: memref<10000x128xf32, #tpu.memory_space<hbm>>, %arg3: memref<2x320000xi32, #tpu.memory_space<hbm>>, %arg4: memref<10000xi32, #tpu.memory_space<hbm>>, %arg5: memref<32x79x128xi32, #tpu.memory_space<hbm>>, %arg6: memref<2x65x128xf32, #tpu.memory_space<hbm>>, %arg7: memref<2x10000xi32, #tpu.memory_space<vmem>>, %arg8: memref<10000xi32, #tpu.memory_space<vmem>>, %arg9: memref<79x128xi32, #tpu.memory_space<vmem>>, %arg10: memref<128x128xf32, #tpu.memory_space<vmem>>, %arg11: memref<3x128xi32, #tpu.memory_space<vmem>>, %arg12: memref<65x128xf32, #tpu.memory_space<vmem>>, %arg13: memref<65x128xf32, #tpu.memory_space<vmem_shared>>, %arg14: memref<!tpu.dma_semaphore, #tpu.memory_space<semaphore_mem>>, %arg15: memref<!tpu.dma_semaphore, #tpu.memory_space<semaphore_mem>>, %arg16: memref<!tpu.dma_semaphore, #tpu.memory_space<semaphore_mem>>) attributes {dimension_semantics = [#tpu.dimension_semantics<core_parallel>, #tpu.dimension_semantics<subcore_parallel>], iteration_bounds = array<i64: 2, 16>, scalar_prefetch = 0 : i64, scratch_operands = 10 : i64, tpu.core_type = #tpu.core_type<sc_vector_subcore>, window_params = [{transform_indices = #map}, {transform_indices = #map}, {transform_indices = #map1}, {transform_indices = #map2}, {transform_indices = #map2}]} {
    %mul3A = arith.constant 2 : i32
    %mul3A_0 = arith.muli %arg1, %mul3A : i32
    %add3A = arith.addi %mul3A_0, %arg0 : i32
    %mul3A_1 = arith.constant 10000 : i32
    %mul3A_2 = arith.muli %add3A, %mul3A_1 : i32
    tpu.enqueue_dma source(%arg4 : memref<10000xi32, #tpu.memory_space<hbm>>) target(%arg8 : memref<10000xi32, #tpu.memory_space<vmem>>) target_semaphore(%arg14 : memref<!tpu.dma_semaphore, #tpu.memory_space<semaphore_mem>>)
    %dma_start3A = arith.constant 0 : i32
    %dma_start3A_3 = tpu.memref_slice %arg3[%dma_start3A, %mul3A_2] : memref<2x320000xi32, #tpu.memory_space<hbm>> -> memref<2x10000xi32, #tpu.memory_space<hbm>>
    %dma_start3A_4 = arith.constant 0 : i32
    %dma_start3A_5 = tpu.memref_slice %arg3[%dma_start3A_4, %mul3A_2] : memref<2x320000xi32, #tpu.memory_space<hbm>> -> memref<2x10000xi32, #tpu.memory_space<hbm>>
    tpu.enqueue_dma source(%dma_start3A_5 : memref<2x10000xi32, #tpu.memory_space<hbm>>) target(%arg7 : memref<2x10000xi32, #tpu.memory_space<vmem>>) target_semaphore(%arg14 : memref<!tpu.dma_semaphore, #tpu.memory_space<semaphore_mem>>)
    %mul3A_6 = arith.constant 128 : i32
    %mul3A_7 = arith.muli %add3A, %mul3A_6 : i32
    %dma_start3A_8 = arith.constant 0 : i32
    %dma_start3A_9 = tpu.memref_slice %arg2[%mul3A_7, %dma_start3A_8] : memref<10000x128xf32, #tpu.memory_space<hbm>> -> memref<128x128xf32, #tpu.memory_space<hbm>>
    %dma_start3A_10 = arith.constant 0 : i32
    %dma_start3A_11 = tpu.memref_slice %arg2[%mul3A_7, %dma_start3A_10] : memref<10000x128xf32, #tpu.memory_space<hbm>> -> memref<128x128xf32, #tpu.memory_space<hbm>>
    tpu.enqueue_dma source(%dma_start3A_11 : memref<128x128xf32, #tpu.memory_space<hbm>>) target(%arg10 : memref<128x128xf32, #tpu.memory_space<vmem>>) target_semaphore(%arg15 : memref<!tpu.dma_semaphore, #tpu.memory_space<semaphore_mem>>)
    %mul3A_12 = arith.constant 128 : i32
    %mul3A_13 = arith.muli %add3A, %mul3A_12 : i32
    %dma_start3A_14 = arith.constant 0 : i32
    %dma_start3A_15 = arith.constant 0 : i32
    %dma_start3A_16 = tpu.memref_slice %arg11[%dma_start3A_14, %dma_start3A_15] : memref<3x128xi32, #tpu.memory_space<vmem>> -> memref<1x128xi32, #tpu.memory_space<vmem>>
    %dma_start3A_17 = tpu.memref_squeeze %dma_start3A_16 : memref<1x128xi32, #tpu.memory_space<vmem>> -> memref<128xi32, #tpu.memory_space<vmem>>
    %dma_start3A_18 = tpu.memref_slice %arg4[%mul3A_13] : memref<10000xi32, #tpu.memory_space<hbm>> -> memref<128xi32, #tpu.memory_space<hbm>>
    %dma_start3A_19 = arith.constant 0 : i32
    %dma_start3A_20 = tpu.memref_slice %arg11[%dma_start3A_14, %dma_start3A_19] : memref<3x128xi32, #tpu.memory_space<vmem>> -> memref<1x128xi32, #tpu.memory_space<vmem>>
    %dma_start3A_21 = tpu.memref_squeeze %dma_start3A_20 : memref<1x128xi32, #tpu.memory_space<vmem>> -> memref<128xi32, #tpu.memory_space<vmem>>
    %dma_start3A_22 = tpu.memref_slice %arg4[%mul3A_13] : memref<10000xi32, #tpu.memory_space<hbm>> -> memref<128xi32, #tpu.memory_space<hbm>>
    tpu.enqueue_dma source(%dma_start3A_22 : memref<128xi32, #tpu.memory_space<hbm>>) target(%dma_start3A_21 : memref<128xi32, #tpu.memory_space<vmem>>) target_semaphore(%arg16 : memref<!tpu.dma_semaphore, #tpu.memory_space<semaphore_mem>>)
    %add3A_23 = arith.constant 32 : i32
    %add3A_24 = arith.addi %add3A, %add3A_23 : i32
    %mul3A_25 = arith.constant 128 : i32
    %mul3A_26 = arith.muli %add3A_24, %mul3A_25 : i32
    %dma_start3A_27 = arith.constant 1 : i32
    %dma_start3A_28 = arith.constant 0 : i32
    %dma_start3A_29 = tpu.memref_slice %arg11[%dma_start3A_27, %dma_start3A_28] : memref<3x128xi32, #tpu.memory_space<vmem>> -> memref<1x128xi32, #tpu.memory_space<vmem>>
    %dma_start3A_30 = tpu.memref_squeeze %dma_start3A_29 : memref<1x128xi32, #tpu.memory_space<vmem>> -> memref<128xi32, #tpu.memory_space<vmem>>
    %dma_start3A_31 = tpu.memref_slice %arg4[%mul3A_26] : memref<10000xi32, #tpu.memory_space<hbm>> -> memref<128xi32, #tpu.memory_space<hbm>>
    %dma_start3A_32 = arith.constant 0 : i32
    %dma_start3A_33 = tpu.memref_slice %arg11[%dma_start3A_27, %dma_start3A_32] : memref<3x128xi32, #tpu.memory_space<vmem>> -> memref<1x128xi32, #tpu.memory_space<vmem>>
    %dma_start3A_34 = tpu.memref_squeeze %dma_start3A_33 : memref<1x128xi32, #tpu.memory_space<vmem>> -> memref<128xi32, #tpu.memory_space<vmem>>
    %dma_start3A_35 = tpu.memref_slice %arg4[%mul3A_26] : memref<10000xi32, #tpu.memory_space<hbm>> -> memref<128xi32, #tpu.memory_space<hbm>>
    tpu.enqueue_dma source(%dma_start3A_35 : memref<128xi32, #tpu.memory_space<hbm>>) target(%dma_start3A_34 : memref<128xi32, #tpu.memory_space<vmem>>) target_semaphore(%arg16 : memref<!tpu.dma_semaphore, #tpu.memory_space<semaphore_mem>>)
    %eq3A = arith.constant 0 : i32
    %eq3A_36 = arith.cmpi eq, %arg1, %eq3A : i32
    %convert_element_type3A = arith.extui %eq3A_36 : i1 to i32
    %cond3A = arith.constant 0 : i32
    %cond3A_37 = arith.cmpi ne, %convert_element_type3A, %cond3A : i32
    scf.if %cond3A_37 {
      %scan3A_135 = arith.constant 0 : i32
      %scan3A_136 = arith.constant 0 : i32
      %scan3A_137 = arith.constant 65 : i32
      %scan3A_138 = arith.addi %scan3A_136, %scan3A_137 : i32
      %scan3A_139 = arith.constant 1 : i32
      scf.for %scan3A_141 = %scan3A_136 to %scan3A_138 step %scan3A_139  : i32 {
        %broadcast_in_dim3A_142 = arith.constant 0.000000e+00 : f32
        %broadcast_in_dim3A_143 = vector.broadcast %broadcast_in_dim3A_142 : f32 to vector<16xf32>
        %swap3A_144 = arith.index_cast %scan3A_141 : i32 to index
        %swap3A_145 = arith.constant 0 : index
        %swap3A_146 = tpu.vector_load %arg12[%swap3A_144, %swap3A_145] {strides = array<i32>} : memref<65x128xf32, #tpu.memory_space<vmem>>, vector<16xf32>,
        tpu.vector_store %arg12[%swap3A_144, %swap3A_145], %broadcast_in_dim3A_143 {strides = array<i32>} : memref<65x128xf32, #tpu.memory_space<vmem>>, vector<16xf32>,
        %broadcast_in_dim3A_147 = arith.constant 0.000000e+00 : f32
        %broadcast_in_dim3A_148 = vector.broadcast %broadcast_in_dim3A_147 : f32 to vector<16xf32>
        %swap3A_149 = arith.index_cast %scan3A_141 : i32 to index
        %swap3A_150 = arith.constant 16 : index
        %swap3A_151 = tpu.vector_load %arg12[%swap3A_149, %swap3A_150] {strides = array<i32>} : memref<65x128xf32, #tpu.memory_space<vmem>>, vector<16xf32>,
        tpu.vector_store %arg12[%swap3A_149, %swap3A_150], %broadcast_in_dim3A_148 {strides = array<i32>} : memref<65x128xf32, #tpu.memory_space<vmem>>, vector<16xf32>,
        %broadcast_in_dim3A_152 = arith.constant 0.000000e+00 : f32
        %broadcast_in_dim3A_153 = vector.broadcast %broadcast_in_dim3A_152 : f32 to vector<16xf32>
        %swap3A_154 = arith.index_cast %scan3A_141 : i32 to index
        %swap3A_155 = arith.constant 32 : index
        %swap3A_156 = tpu.vector_load %arg12[%swap3A_154, %swap3A_155] {strides = array<i32>} : memref<65x128xf32, #tpu.memory_space<vmem>>, vector<16xf32>,
        tpu.vector_store %arg12[%swap3A_154, %swap3A_155], %broadcast_in_dim3A_153 {strides = array<i32>} : memref<65x128xf32, #tpu.memory_space<vmem>>, vector<16xf32>,
        %broadcast_in_dim3A_157 = arith.constant 0.000000e+00 : f32
        %broadcast_in_dim3A_158 = vector.broadcast %broadcast_in_dim3A_157 : f32 to vector<16xf32>
        %swap3A_159 = arith.index_cast %scan3A_141 : i32 to index
        %swap3A_160 = arith.constant 48 : index
        %swap3A_161 = tpu.vector_load %arg12[%swap3A_159, %swap3A_160] {strides = array<i32>} : memref<65x128xf32, #tpu.memory_space<vmem>>, vector<16xf32>,
        tpu.vector_store %arg12[%swap3A_159, %swap3A_160], %broadcast_in_dim3A_158 {strides = array<i32>} : memref<65x128xf32, #tpu.memory_space<vmem>>, vector<16xf32>,
        %broadcast_in_dim3A_162 = arith.constant 0.000000e+00 : f32
        %broadcast_in_dim3A_163 = vector.broadcast %broadcast_in_dim3A_162 : f32 to vector<16xf32>
        %swap3A_164 = arith.index_cast %scan3A_141 : i32 to index
        %swap3A_165 = arith.constant 64 : index
        %swap3A_166 = tpu.vector_load %arg12[%swap3A_164, %swap3A_165] {strides = array<i32>} : memref<65x128xf32, #tpu.memory_space<vmem>>, vector<16xf32>,
        tpu.vector_store %arg12[%swap3A_164, %swap3A_165], %broadcast_in_dim3A_163 {strides = array<i32>} : memref<65x128xf32, #tpu.memory_space<vmem>>, vector<16xf32>,
        %broadcast_in_dim3A_167 = arith.constant 0.000000e+00 : f32
        %broadcast_in_dim3A_168 = vector.broadcast %broadcast_in_dim3A_167 : f32 to vector<16xf32>
        %swap3A_169 = arith.index_cast %scan3A_141 : i32 to index
        %swap3A_170 = arith.constant 80 : index
        %swap3A_171 = tpu.vector_load %arg12[%swap3A_169, %swap3A_170] {strides = array<i32>} : memref<65x128xf32, #tpu.memory_space<vmem>>, vector<16xf32>,
        tpu.vector_store %arg12[%swap3A_169, %swap3A_170], %broadcast_in_dim3A_168 {strides = array<i32>} : memref<65x128xf32, #tpu.memory_space<vmem>>, vector<16xf32>,
        %broadcast_in_dim3A_172 = arith.constant 0.000000e+00 : f32
        %broadcast_in_dim3A_173 = vector.broadcast %broadcast_in_dim3A_172 : f32 to vector<16xf32>
        %swap3A_174 = arith.index_cast %scan3A_141 : i32 to index
        %swap3A_175 = arith.constant 96 : index
        %swap3A_176 = tpu.vector_load %arg12[%swap3A_174, %swap3A_175] {strides = array<i32>} : memref<65x128xf32, #tpu.memory_space<vmem>>, vector<16xf32>,
        tpu.vector_store %arg12[%swap3A_174, %swap3A_175], %broadcast_in_dim3A_173 {strides = array<i32>} : memref<65x128xf32, #tpu.memory_space<vmem>>, vector<16xf32>,
        %broadcast_in_dim3A_177 = arith.constant 0.000000e+00 : f32
        %broadcast_in_dim3A_178 = vector.broadcast %broadcast_in_dim3A_177 : f32 to vector<16xf32>
        %swap3A_179 = arith.index_cast %scan3A_141 : i32 to index
        %swap3A_180 = arith.constant 112 : index
        %swap3A_181 = tpu.vector_load %arg12[%swap3A_179, %swap3A_180] {strides = array<i32>} : memref<65x128xf32, #tpu.memory_space<vmem>>, vector<16xf32>,
        tpu.vector_store %arg12[%swap3A_179, %swap3A_180], %broadcast_in_dim3A_178 {strides = array<i32>} : memref<65x128xf32, #tpu.memory_space<vmem>>, vector<16xf32>,
      }
      %scan3A_140 = arith.constant 65 : i32
      "tpu.region"() ({
        %run_scoped3A_141 = tpu.sem_alloc : memref<!tpu.dma_semaphore, #tpu.memory_space<semaphore_mem>>
        tpu.enqueue_dma source(%arg12 : memref<65x128xf32, #tpu.memory_space<vmem>>) target(%arg13 : memref<65x128xf32, #tpu.memory_space<vmem_shared>>) target_semaphore(%run_scoped3A_141 : memref<!tpu.dma_semaphore, #tpu.memory_space<semaphore_mem>>)
        tpu.wait_dma2 semaphore(%run_scoped3A_141 : memref<!tpu.dma_semaphore, #tpu.memory_space<semaphore_mem>>) src(%arg12 : memref<65x128xf32, #tpu.memory_space<vmem>>) dst(%arg13 : memref<65x128xf32, #tpu.memory_space<vmem_shared>>)
        tpu.yield
      }) : () -> ()
    } else {
    }
    %barrier3A = arith.constant 0 : index
    tpu.barrier barrier_id(%barrier3A)
    tpu.wait_dma2 semaphore(%arg14 : memref<!tpu.dma_semaphore, #tpu.memory_space<semaphore_mem>>) src(%arg4 : memref<10000xi32, #tpu.memory_space<hbm>>) dst(%arg8 : memref<10000xi32, #tpu.memory_space<vmem>>)
    %dma_wait3A = arith.constant 0 : i32
    %dma_wait3A_38 = tpu.memref_slice %arg3[%dma_wait3A, %mul3A_2] : memref<2x320000xi32, #tpu.memory_space<hbm>> -> memref<2x10000xi32, #tpu.memory_space<hbm>>
    %dma_wait3A_39 = arith.constant 0 : i32
    %dma_wait3A_40 = tpu.memref_slice %arg3[%dma_wait3A_39, %mul3A_2] : memref<2x320000xi32, #tpu.memory_space<hbm>> -> memref<2x10000xi32, #tpu.memory_space<hbm>>
    tpu.wait_dma2 semaphore(%arg14 : memref<!tpu.dma_semaphore, #tpu.memory_space<semaphore_mem>>) src(%dma_wait3A_40 : memref<2x10000xi32, #tpu.memory_space<hbm>>) dst(%arg7 : memref<2x10000xi32, #tpu.memory_space<vmem>>)
    %scan3A = arith.constant 0 : i32
    %scan3A_41 = arith.constant 0 : i32
    %scan3A_42 = arith.constant 78 : i32
    %scan3A_43 = arith.addi %scan3A_41, %scan3A_42 : i32
    %scan3A_44 = arith.constant 1 : i32
    scf.for %scan3A_135 = %scan3A_41 to %scan3A_43 step %scan3A_44  : i32 {
      %mul3A_136 = arith.constant 128 : i32
      %mul3A_137 = arith.muli %scan3A_135, %mul3A_136 : i32
      %add3A_138 = arith.constant 0 : i32
      %add3A_139 = arith.addi %mul3A_137, %add3A_138 : i32
      %get3A_140 = arith.constant 1 : i32
      %get3A_141 = arith.index_cast %get3A_140 : i32 to index
      %get3A_142 = arith.index_cast %add3A_139 : i32 to index
      %get3A_143 = tpu.vector_load %arg7[%get3A_141, %get3A_142] {strides = array<i32>} : memref<2x10000xi32, #tpu.memory_space<vmem>>, vector<16xi32>,
      %gather3A_144 = tpu.vector_load_idx %arg8[%get3A_143] : memref<10000xi32, #tpu.memory_space<vmem>>[vector<16xi32>], vector<16xi32>,
      %swap3A_145 = arith.index_cast %scan3A_135 : i32 to index
      %swap3A_146 = arith.constant 0 : index
      %swap3A_147 = tpu.vector_load %arg9[%swap3A_145, %swap3A_146] {strides = array<i32>} : memref<79x128xi32, #tpu.memory_space<vmem>>, vector<16xi32>,
      tpu.vector_store %arg9[%swap3A_145, %swap3A_146], %gather3A_144 {strides = array<i32>} : memref<79x128xi32, #tpu.memory_space<vmem>>, vector<16xi32>,
      %mul3A_148 = arith.constant 128 : i32
      %mul3A_149 = arith.muli %scan3A_135, %mul3A_148 : i32
      %add3A_150 = arith.constant 16 : i32
      %add3A_151 = arith.addi %mul3A_149, %add3A_150 : i32
      %get3A_152 = arith.constant 1 : i32
      %get3A_153 = arith.index_cast %get3A_152 : i32 to index
      %get3A_154 = arith.index_cast %add3A_151 : i32 to index
      %get3A_155 = tpu.vector_load %arg7[%get3A_153, %get3A_154] {strides = array<i32>} : memref<2x10000xi32, #tpu.memory_space<vmem>>, vector<16xi32>,
      %gather3A_156 = tpu.vector_load_idx %arg8[%get3A_155] : memref<10000xi32, #tpu.memory_space<vmem>>[vector<16xi32>], vector<16xi32>,
      %swap3A_157 = arith.index_cast %scan3A_135 : i32 to index
      %swap3A_158 = arith.constant 16 : index
      %swap3A_159 = tpu.vector_load %arg9[%swap3A_157, %swap3A_158] {strides = array<i32>} : memref<79x128xi32, #tpu.memory_space<vmem>>, vector<16xi32>,
      tpu.vector_store %arg9[%swap3A_157, %swap3A_158], %gather3A_156 {strides = array<i32>} : memref<79x128xi32, #tpu.memory_space<vmem>>, vector<16xi32>,
      %mul3A_160 = arith.constant 128 : i32
      %mul3A_161 = arith.muli %scan3A_135, %mul3A_160 : i32
      %add3A_162 = arith.constant 32 : i32
      %add3A_163 = arith.addi %mul3A_161, %add3A_162 : i32
      %get3A_164 = arith.constant 1 : i32
      %get3A_165 = arith.index_cast %get3A_164 : i32 to index
      %get3A_166 = arith.index_cast %add3A_163 : i32 to index
      %get3A_167 = tpu.vector_load %arg7[%get3A_165, %get3A_166] {strides = array<i32>} : memref<2x10000xi32, #tpu.memory_space<vmem>>, vector<16xi32>,
      %gather3A_168 = tpu.vector_load_idx %arg8[%get3A_167] : memref<10000xi32, #tpu.memory_space<vmem>>[vector<16xi32>], vector<16xi32>,
      %swap3A_169 = arith.index_cast %scan3A_135 : i32 to index
      %swap3A_170 = arith.constant 32 : index
      %swap3A_171 = tpu.vector_load %arg9[%swap3A_169, %swap3A_170] {strides = array<i32>} : memref<79x128xi32, #tpu.memory_space<vmem>>, vector<16xi32>,
      tpu.vector_store %arg9[%swap3A_169, %swap3A_170], %gather3A_168 {strides = array<i32>} : memref<79x128xi32, #tpu.memory_space<vmem>>, vector<16xi32>,
      %mul3A_172 = arith.constant 128 : i32
      %mul3A_173 = arith.muli %scan3A_135, %mul3A_172 : i32
      %add3A_174 = arith.constant 48 : i32
      %add3A_175 = arith.addi %mul3A_173, %add3A_174 : i32
      %get3A_176 = arith.constant 1 : i32
      %get3A_177 = arith.index_cast %get3A_176 : i32 to index
      %get3A_178 = arith.index_cast %add3A_175 : i32 to index
      %get3A_179 = tpu.vector_load %arg7[%get3A_177, %get3A_178] {strides = array<i32>} : memref<2x10000xi32, #tpu.memory_space<vmem>>, vector<16xi32>,
      %gather3A_180 = tpu.vector_load_idx %arg8[%get3A_179] : memref<10000xi32, #tpu.memory_space<vmem>>[vector<16xi32>], vector<16xi32>,
      %swap3A_181 = arith.index_cast %scan3A_135 : i32 to index
      %swap3A_182 = arith.constant 48 : index
      %swap3A_183 = tpu.vector_load %arg9[%swap3A_181, %swap3A_182] {strides = array<i32>} : memref<79x128xi32, #tpu.memory_space<vmem>>, vector<16xi32>,
      tpu.vector_store %arg9[%swap3A_181, %swap3A_182], %gather3A_180 {strides = array<i32>} : memref<79x128xi32, #tpu.memory_space<vmem>>, vector<16xi32>,
      %mul3A_184 = arith.constant 128 : i32
      %mul3A_185 = arith.muli %scan3A_135, %mul3A_184 : i32
      %add3A_186 = arith.constant 64 : i32
      %add3A_187 = arith.addi %mul3A_185, %add3A_186 : i32
      %get3A_188 = arith.constant 1 : i32
      %get3A_189 = arith.index_cast %get3A_188 : i32 to index
      %get3A_190 = arith.index_cast %add3A_187 : i32 to index
      %get3A_191 = tpu.vector_load %arg7[%get3A_189, %get3A_190] {strides = array<i32>} : memref<2x10000xi32, #tpu.memory_space<vmem>>, vector<16xi32>,
      %gather3A_192 = tpu.vector_load_idx %arg8[%get3A_191] : memref<10000xi32, #tpu.memory_space<vmem>>[vector<16xi32>], vector<16xi32>,
      %swap3A_193 = arith.index_cast %scan3A_135 : i32 to index
      %swap3A_194 = arith.constant 64 : index
      %swap3A_195 = tpu.vector_load %arg9[%swap3A_193, %swap3A_194] {strides = array<i32>} : memref<79x128xi32, #tpu.memory_space<vmem>>, vector<16xi32>,
      tpu.vector_store %arg9[%swap3A_193, %swap3A_194], %gather3A_192 {strides = array<i32>} : memref<79x128xi32, #tpu.memory_space<vmem>>, vector<16xi32>,
      %mul3A_196 = arith.constant 128 : i32
      %mul3A_197 = arith.muli %scan3A_135, %mul3A_196 : i32
      %add3A_198 = arith.constant 80 : i32
      %add3A_199 = arith.addi %mul3A_197, %add3A_198 : i32
      %get3A_200 = arith.constant 1 : i32
      %get3A_201 = arith.index_cast %get3A_200 : i32 to index
      %get3A_202 = arith.index_cast %add3A_199 : i32 to index
      %get3A_203 = tpu.vector_load %arg7[%get3A_201, %get3A_202] {strides = array<i32>} : memref<2x10000xi32, #tpu.memory_space<vmem>>, vector<16xi32>,
      %gather3A_204 = tpu.vector_load_idx %arg8[%get3A_203] : memref<10000xi32, #tpu.memory_space<vmem>>[vector<16xi32>], vector<16xi32>,
      %swap3A_205 = arith.index_cast %scan3A_135 : i32 to index
      %swap3A_206 = arith.constant 80 : index
      %swap3A_207 = tpu.vector_load %arg9[%swap3A_205, %swap3A_206] {strides = array<i32>} : memref<79x128xi32, #tpu.memory_space<vmem>>, vector<16xi32>,
      tpu.vector_store %arg9[%swap3A_205, %swap3A_206], %gather3A_204 {strides = array<i32>} : memref<79x128xi32, #tpu.memory_space<vmem>>, vector<16xi32>,
      %mul3A_208 = arith.constant 128 : i32
      %mul3A_209 = arith.muli %scan3A_135, %mul3A_208 : i32
      %add3A_210 = arith.constant 96 : i32
      %add3A_211 = arith.addi %mul3A_209, %add3A_210 : i32
      %get3A_212 = arith.constant 1 : i32
      %get3A_213 = arith.index_cast %get3A_212 : i32 to index
      %get3A_214 = arith.index_cast %add3A_211 : i32 to index
      %get3A_215 = tpu.vector_load %arg7[%get3A_213, %get3A_214] {strides = array<i32>} : memref<2x10000xi32, #tpu.memory_space<vmem>>, vector<16xi32>,
      %gather3A_216 = tpu.vector_load_idx %arg8[%get3A_215] : memref<10000xi32, #tpu.memory_space<vmem>>[vector<16xi32>], vector<16xi32>,
      %swap3A_217 = arith.index_cast %scan3A_135 : i32 to index
      %swap3A_218 = arith.constant 96 : index
      %swap3A_219 = tpu.vector_load %arg9[%swap3A_217, %swap3A_218] {strides = array<i32>} : memref<79x128xi32, #tpu.memory_space<vmem>>, vector<16xi32>,
      tpu.vector_store %arg9[%swap3A_217, %swap3A_218], %gather3A_216 {strides = array<i32>} : memref<79x128xi32, #tpu.memory_space<vmem>>, vector<16xi32>,
      %mul3A_220 = arith.constant 128 : i32
      %mul3A_221 = arith.muli %scan3A_135, %mul3A_220 : i32
      %add3A_222 = arith.constant 112 : i32
      %add3A_223 = arith.addi %mul3A_221, %add3A_222 : i32
      %get3A_224 = arith.constant 1 : i32
      %get3A_225 = arith.index_cast %get3A_224 : i32 to index
      %get3A_226 = arith.index_cast %add3A_223 : i32 to index
      %get3A_227 = tpu.vector_load %arg7[%get3A_225, %get3A_226] {strides = array<i32>} : memref<2x10000xi32, #tpu.memory_space<vmem>>, vector<16xi32>,
      %gather3A_228 = tpu.vector_load_idx %arg8[%get3A_227] : memref<10000xi32, #tpu.memory_space<vmem>>[vector<16xi32>], vector<16xi32>,
      %swap3A_229 = arith.index_cast %scan3A_135 : i32 to index
      %swap3A_230 = arith.constant 112 : index
      %swap3A_231 = tpu.vector_load %arg9[%swap3A_229, %swap3A_230] {strides = array<i32>} : memref<79x128xi32, #tpu.memory_space<vmem>>, vector<16xi32>,
      tpu.vector_store %arg9[%swap3A_229, %swap3A_230], %gather3A_228 {strides = array<i32>} : memref<79x128xi32, #tpu.memory_space<vmem>>, vector<16xi32>,
    }
    %scan3A_45 = arith.constant 78 : i32
    %get3A = arith.constant 1 : i32
    %get3A_46 = arith.index_cast %get3A : i32 to index
    %get3A_47 = arith.constant 9984 : index
    %get3A_48 = tpu.vector_load %arg7[%get3A_46, %get3A_47] {strides = array<i32>} : memref<2x10000xi32, #tpu.memory_space<vmem>>, vector<16xi32>,
    %gather3A = tpu.vector_load_idx %arg8[%get3A_48] : memref<10000xi32, #tpu.memory_space<vmem>>[vector<16xi32>], vector<16xi32>,
    %swap3A = arith.constant 78 : i32
    %swap3A_49 = arith.index_cast %swap3A : i32 to index
    %swap3A_50 = arith.constant 0 : index
    %swap3A_51 = tpu.vector_load %arg9[%swap3A_49, %swap3A_50] {strides = array<i32>} : memref<79x128xi32, #tpu.memory_space<vmem>>, vector<16xi32>,
    tpu.vector_store %arg9[%swap3A_49, %swap3A_50], %gather3A {strides = array<i32>} : memref<79x128xi32, #tpu.memory_space<vmem>>, vector<16xi32>,
    %broadcast_in_dim3A = arith.constant 64 : i32
    %broadcast_in_dim3A_52 = vector.broadcast %broadcast_in_dim3A : i32 to vector<16xi32>
    %swap3A_53 = arith.constant 78 : i32
    %swap3A_54 = arith.index_cast %swap3A_53 : i32 to index
    %swap3A_55 = arith.constant 16 : index
    %swap3A_56 = tpu.vector_load %arg9[%swap3A_54, %swap3A_55] {strides = array<i32>} : memref<79x128xi32, #tpu.memory_space<vmem>>, vector<16xi32>,
    tpu.vector_store %arg9[%swap3A_54, %swap3A_55], %broadcast_in_dim3A_52 {strides = array<i32>} : memref<79x128xi32, #tpu.memory_space<vmem>>, vector<16xi32>,
    %broadcast_in_dim3A_57 = arith.constant 64 : i32
    %broadcast_in_dim3A_58 = vector.broadcast %broadcast_in_dim3A_57 : i32 to vector<16xi32>
    %swap3A_59 = arith.constant 78 : i32
    %swap3A_60 = arith.index_cast %swap3A_59 : i32 to index
    %swap3A_61 = arith.constant 32 : index
    %swap3A_62 = tpu.vector_load %arg9[%swap3A_60, %swap3A_61] {strides = array<i32>} : memref<79x128xi32, #tpu.memory_space<vmem>>, vector<16xi32>,
    tpu.vector_store %arg9[%swap3A_60, %swap3A_61], %broadcast_in_dim3A_58 {strides = array<i32>} : memref<79x128xi32, #tpu.memory_space<vmem>>, vector<16xi32>,
    %broadcast_in_dim3A_63 = arith.constant 64 : i32
    %broadcast_in_dim3A_64 = vector.broadcast %broadcast_in_dim3A_63 : i32 to vector<16xi32>
    %swap3A_65 = arith.constant 78 : i32
    %swap3A_66 = arith.index_cast %swap3A_65 : i32 to index
    %swap3A_67 = arith.constant 48 : index
    %swap3A_68 = tpu.vector_load %arg9[%swap3A_66, %swap3A_67] {strides = array<i32>} : memref<79x128xi32, #tpu.memory_space<vmem>>, vector<16xi32>,
    tpu.vector_store %arg9[%swap3A_66, %swap3A_67], %broadcast_in_dim3A_64 {strides = array<i32>} : memref<79x128xi32, #tpu.memory_space<vmem>>, vector<16xi32>,
    %broadcast_in_dim3A_69 = arith.constant 64 : i32
    %broadcast_in_dim3A_70 = vector.broadcast %broadcast_in_dim3A_69 : i32 to vector<16xi32>
    %swap3A_71 = arith.constant 78 : i32
    %swap3A_72 = arith.index_cast %swap3A_71 : i32 to index
    %swap3A_73 = arith.constant 64 : index
    %swap3A_74 = tpu.vector_load %arg9[%swap3A_72, %swap3A_73] {strides = array<i32>} : memref<79x128xi32, #tpu.memory_space<vmem>>, vector<16xi32>,
    tpu.vector_store %arg9[%swap3A_72, %swap3A_73], %broadcast_in_dim3A_70 {strides = array<i32>} : memref<79x128xi32, #tpu.memory_space<vmem>>, vector<16xi32>,
    %broadcast_in_dim3A_75 = arith.constant 64 : i32
    %broadcast_in_dim3A_76 = vector.broadcast %broadcast_in_dim3A_75 : i32 to vector<16xi32>
    %swap3A_77 = arith.constant 78 : i32
    %swap3A_78 = arith.index_cast %swap3A_77 : i32 to index
    %swap3A_79 = arith.constant 80 : index
    %swap3A_80 = tpu.vector_load %arg9[%swap3A_78, %swap3A_79] {strides = array<i32>} : memref<79x128xi32, #tpu.memory_space<vmem>>, vector<16xi32>,
    tpu.vector_store %arg9[%swap3A_78, %swap3A_79], %broadcast_in_dim3A_76 {strides = array<i32>} : memref<79x128xi32, #tpu.memory_space<vmem>>, vector<16xi32>,
    %broadcast_in_dim3A_81 = arith.constant 64 : i32
    %broadcast_in_dim3A_82 = vector.broadcast %broadcast_in_dim3A_81 : i32 to vector<16xi32>
    %swap3A_83 = arith.constant 78 : i32
    %swap3A_84 = arith.index_cast %swap3A_83 : i32 to index
    %swap3A_85 = arith.constant 96 : index
    %swap3A_86 = tpu.vector_load %arg9[%swap3A_84, %swap3A_85] {strides = array<i32>} : memref<79x128xi32, #tpu.memory_space<vmem>>, vector<16xi32>,
    tpu.vector_store %arg9[%swap3A_84, %swap3A_85], %broadcast_in_dim3A_82 {strides = array<i32>} : memref<79x128xi32, #tpu.memory_space<vmem>>, vector<16xi32>,
    %broadcast_in_dim3A_87 = arith.constant 64 : i32
    %broadcast_in_dim3A_88 = vector.broadcast %broadcast_in_dim3A_87 : i32 to vector<16xi32>
    %swap3A_89 = arith.constant 78 : i32
    %swap3A_90 = arith.index_cast %swap3A_89 : i32 to index
    %swap3A_91 = arith.constant 112 : index
    %swap3A_92 = tpu.vector_load %arg9[%swap3A_90, %swap3A_91] {strides = array<i32>} : memref<79x128xi32, #tpu.memory_space<vmem>>, vector<16xi32>,
    tpu.vector_store %arg9[%swap3A_90, %swap3A_91], %broadcast_in_dim3A_88 {strides = array<i32>} : memref<79x128xi32, #tpu.memory_space<vmem>>, vector<16xi32>,
    "tpu.region"() ({
      %run_scoped3A_135 = tpu.sem_alloc : memref<!tpu.dma_semaphore, #tpu.memory_space<semaphore_mem>>
      %dma_start3A_136 = arith.constant 0 : i32
      %dma_start3A_137 = arith.constant 0 : i32
      %dma_start3A_138 = tpu.memref_slice %arg5[%add3A, %dma_start3A_136, %dma_start3A_137] : memref<32x79x128xi32, #tpu.memory_space<hbm>> -> memref<1x79x128xi32, #tpu.memory_space<hbm>>
      %dma_start3A_139 = tpu.memref_squeeze %dma_start3A_138 : memref<1x79x128xi32, #tpu.memory_space<hbm>> -> memref<79x128xi32, #tpu.memory_space<hbm>>
      %dma_start3A_140 = arith.constant 0 : i32
      %dma_start3A_141 = arith.constant 0 : i32
      %dma_start3A_142 = tpu.memref_slice %arg5[%add3A, %dma_start3A_140, %dma_start3A_141] : memref<32x79x128xi32, #tpu.memory_space<hbm>> -> memref<1x79x128xi32, #tpu.memory_space<hbm>>
      %dma_start3A_143 = tpu.memref_squeeze %dma_start3A_142 : memref<1x79x128xi32, #tpu.memory_space<hbm>> -> memref<79x128xi32, #tpu.memory_space<hbm>>
      tpu.enqueue_dma source(%arg9 : memref<79x128xi32, #tpu.memory_space<vmem>>) target(%dma_start3A_143 : memref<79x128xi32, #tpu.memory_space<hbm>>) target_semaphore(%run_scoped3A_135 : memref<!tpu.dma_semaphore, #tpu.memory_space<semaphore_mem>>)
      %dma_wait3A_144 = arith.constant 0 : i32
      %dma_wait3A_145 = arith.constant 0 : i32
      %dma_wait3A_146 = tpu.memref_slice %arg5[%add3A, %dma_wait3A_144, %dma_wait3A_145] : memref<32x79x128xi32, #tpu.memory_space<hbm>> -> memref<1x79x128xi32, #tpu.memory_space<hbm>>
      %dma_wait3A_147 = tpu.memref_squeeze %dma_wait3A_146 : memref<1x79x128xi32, #tpu.memory_space<hbm>> -> memref<79x128xi32, #tpu.memory_space<hbm>>
      %dma_wait3A_148 = arith.constant 0 : i32
      %dma_wait3A_149 = arith.constant 0 : i32
      %dma_wait3A_150 = tpu.memref_slice %arg5[%add3A, %dma_wait3A_148, %dma_wait3A_149] : memref<32x79x128xi32, #tpu.memory_space<hbm>> -> memref<1x79x128xi32, #tpu.memory_space<hbm>>
      %dma_wait3A_151 = tpu.memref_squeeze %dma_wait3A_150 : memref<1x79x128xi32, #tpu.memory_space<hbm>> -> memref<79x128xi32, #tpu.memory_space<hbm>>
      tpu.wait_dma2 semaphore(%run_scoped3A_135 : memref<!tpu.dma_semaphore, #tpu.memory_space<semaphore_mem>>) src(%arg9 : memref<79x128xi32, #tpu.memory_space<vmem>>) dst(%dma_wait3A_151 : memref<79x128xi32, #tpu.memory_space<hbm>>)
      tpu.yield
    }) : () -> ()
    %dma_wait3A_93 = arith.constant 0 : i32
    %dma_wait3A_94 = tpu.memref_slice %arg2[%mul3A_7, %dma_wait3A_93] : memref<10000x128xf32, #tpu.memory_space<hbm>> -> memref<128x128xf32, #tpu.memory_space<hbm>>
    %dma_wait3A_95 = arith.constant 0 : i32
    %dma_wait3A_96 = tpu.memref_slice %arg2[%mul3A_7, %dma_wait3A_95] : memref<10000x128xf32, #tpu.memory_space<hbm>> -> memref<128x128xf32, #tpu.memory_space<hbm>>
    tpu.wait_dma2 semaphore(%arg15 : memref<!tpu.dma_semaphore, #tpu.memory_space<semaphore_mem>>) src(%dma_wait3A_96 : memref<128x128xf32, #tpu.memory_space<hbm>>) dst(%arg10 : memref<128x128xf32, #tpu.memory_space<vmem>>)
    %dma_wait3A_97 = arith.constant 0 : i32
    %dma_wait3A_98 = arith.constant 0 : i32
    %dma_wait3A_99 = tpu.memref_slice %arg11[%dma_wait3A_97, %dma_wait3A_98] : memref<3x128xi32, #tpu.memory_space<vmem>> -> memref<1x128xi32, #tpu.memory_space<vmem>>
    %dma_wait3A_100 = tpu.memref_squeeze %dma_wait3A_99 : memref<1x128xi32, #tpu.memory_space<vmem>> -> memref<128xi32, #tpu.memory_space<vmem>>
    %dma_wait3A_101 = tpu.memref_slice %arg4[%mul3A_13] : memref<10000xi32, #tpu.memory_space<hbm>> -> memref<128xi32, #tpu.memory_space<hbm>>
    %dma_wait3A_102 = arith.constant 0 : i32
    %dma_wait3A_103 = tpu.memref_slice %arg11[%dma_wait3A_97, %dma_wait3A_102] : memref<3x128xi32, #tpu.memory_space<vmem>> -> memref<1x128xi32, #tpu.memory_space<vmem>>
    %dma_wait3A_104 = tpu.memref_squeeze %dma_wait3A_103 : memref<1x128xi32, #tpu.memory_space<vmem>> -> memref<128xi32, #tpu.memory_space<vmem>>
    %dma_wait3A_105 = tpu.memref_slice %arg4[%mul3A_13] : memref<10000xi32, #tpu.memory_space<hbm>> -> memref<128xi32, #tpu.memory_space<hbm>>
    tpu.wait_dma2 semaphore(%arg16 : memref<!tpu.dma_semaphore, #tpu.memory_space<semaphore_mem>>) src(%dma_wait3A_105 : memref<128xi32, #tpu.memory_space<hbm>>) dst(%dma_wait3A_104 : memref<128xi32, #tpu.memory_space<vmem>>)
    %dma_wait3A_106 = arith.constant 1 : i32
    %dma_wait3A_107 = arith.constant 0 : i32
    %dma_wait3A_108 = tpu.memref_slice %arg11[%dma_wait3A_106, %dma_wait3A_107] : memref<3x128xi32, #tpu.memory_space<vmem>> -> memref<1x128xi32, #tpu.memory_space<vmem>>
    %dma_wait3A_109 = tpu.memref_squeeze %dma_wait3A_108 : memref<1x128xi32, #tpu.memory_space<vmem>> -> memref<128xi32, #tpu.memory_space<vmem>>
    %dma_wait3A_110 = tpu.memref_slice %arg4[%mul3A_26] : memref<10000xi32, #tpu.memory_space<hbm>> -> memref<128xi32, #tpu.memory_space<hbm>>
    %dma_wait3A_111 = arith.constant 0 : i32
    %dma_wait3A_112 = tpu.memref_slice %arg11[%dma_wait3A_106, %dma_wait3A_111] : memref<3x128xi32, #tpu.memory_space<vmem>> -> memref<1x128xi32, #tpu.memory_space<vmem>>
    %dma_wait3A_113 = tpu.memref_squeeze %dma_wait3A_112 : memref<1x128xi32, #tpu.memory_space<vmem>> -> memref<128xi32, #tpu.memory_space<vmem>>
    %dma_wait3A_114 = tpu.memref_slice %arg4[%mul3A_26] : memref<10000xi32, #tpu.memory_space<hbm>> -> memref<128xi32, #tpu.memory_space<hbm>>
    tpu.wait_dma2 semaphore(%arg16 : memref<!tpu.dma_semaphore, #tpu.memory_space<semaphore_mem>>) src(%dma_wait3A_114 : memref<128xi32, #tpu.memory_space<hbm>>) dst(%dma_wait3A_113 : memref<128xi32, #tpu.memory_space<vmem>>)
    %run_scoped3A = arith.constant 0 : i32
    "tpu.region"() ({
      %run_scoped3A_135 = tpu.sem_alloc : memref<!tpu.dma_semaphore, #tpu.memory_space<semaphore_mem>>
      %dma_start3A_136 = arith.constant 0 : i32
      %dma_start3A_137 = tpu.memref_slice %arg11[%run_scoped3A, %dma_start3A_136] : memref<3x128xi32, #tpu.memory_space<vmem>> -> memref<1x128xi32, #tpu.memory_space<vmem>>
      %dma_start3A_138 = tpu.memref_squeeze %dma_start3A_137 : memref<1x128xi32, #tpu.memory_space<vmem>> -> memref<128xi32, #tpu.memory_space<vmem>>
      %dma_start3A_139 = arith.constant 0 : i32
      %dma_start3A_140 = arith.constant 0 : i32
      %dma_start3A_141 = tpu.memref_slice %arg13[%dma_start3A_139, %dma_start3A_140] : memref<65x128xf32, #tpu.memory_space<vmem_shared>> -> memref<65x128xf32, #tpu.memory_space<vmem_shared>>
      tpu.enqueue_indirect_dma source(%arg10 : memref<128x128xf32, #tpu.memory_space<vmem>>) target(%dma_start3A_141 : memref<65x128xf32, #tpu.memory_space<vmem_shared>>) offsets(%dma_start3A_138 : memref<128xi32, #tpu.memory_space<vmem>>) semaphore(%run_scoped3A_135 : memref<!tpu.dma_semaphore, #tpu.memory_space<semaphore_mem>>) {add = true}
      %dma_wait3A_142 = arith.constant 0 : i32
      %dma_wait3A_143 = tpu.memref_slice %arg11[%run_scoped3A, %dma_wait3A_142] : memref<3x128xi32, #tpu.memory_space<vmem>> -> memref<1x128xi32, #tpu.memory_space<vmem>>
      %dma_wait3A_144 = tpu.memref_squeeze %dma_wait3A_143 : memref<1x128xi32, #tpu.memory_space<vmem>> -> memref<128xi32, #tpu.memory_space<vmem>>
      %dma_wait3A_145 = arith.constant 0 : i32
      %dma_wait3A_146 = arith.constant 0 : i32
      %dma_wait3A_147 = tpu.memref_slice %arg13[%dma_wait3A_145, %dma_wait3A_146] : memref<65x128xf32, #tpu.memory_space<vmem_shared>> -> memref<65x128xf32, #tpu.memory_space<vmem_shared>>
      tpu.wait_indirect_dma semaphore(%run_scoped3A_135 : memref<!tpu.dma_semaphore, #tpu.memory_space<semaphore_mem>>) src(%arg10 : memref<128x128xf32, #tpu.memory_space<vmem>>) dst(%dma_wait3A_147 : memref<65x128xf32, #tpu.memory_space<vmem_shared>>)
      tpu.yield
    }) : () -> ()
    %add3A_115 = arith.constant 32 : i32
    %add3A_116 = arith.addi %add3A, %add3A_115 : i32
    %mul3A_117 = arith.constant 128 : i32
    %mul3A_118 = arith.muli %add3A_116, %mul3A_117 : i32
    "tpu.region"() ({
      %run_scoped3A_135 = tpu.sem_alloc : memref<!tpu.dma_semaphore, #tpu.memory_space<semaphore_mem>>
      %dma_start3A_136 = arith.constant 0 : i32
      %dma_start3A_137 = tpu.memref_slice %arg2[%mul3A_118, %dma_start3A_136] : memref<10000x128xf32, #tpu.memory_space<hbm>> -> memref<128x128xf32, #tpu.memory_space<hbm>>
      %dma_start3A_138 = arith.constant 0 : i32
      %dma_start3A_139 = tpu.memref_slice %arg2[%mul3A_118, %dma_start3A_138] : memref<10000x128xf32, #tpu.memory_space<hbm>> -> memref<128x128xf32, #tpu.memory_space<hbm>>
      tpu.enqueue_dma source(%dma_start3A_139 : memref<128x128xf32, #tpu.memory_space<hbm>>) target(%arg10 : memref<128x128xf32, #tpu.memory_space<vmem>>) target_semaphore(%run_scoped3A_135 : memref<!tpu.dma_semaphore, #tpu.memory_space<semaphore_mem>>)
      %dma_wait3A_140 = arith.constant 0 : i32
      %dma_wait3A_141 = tpu.memref_slice %arg2[%mul3A_118, %dma_wait3A_140] : memref<10000x128xf32, #tpu.memory_space<hbm>> -> memref<128x128xf32, #tpu.memory_space<hbm>>
      %dma_wait3A_142 = arith.constant 0 : i32
      %dma_wait3A_143 = tpu.memref_slice %arg2[%mul3A_118, %dma_wait3A_142] : memref<10000x128xf32, #tpu.memory_space<hbm>> -> memref<128x128xf32, #tpu.memory_space<hbm>>
      tpu.wait_dma2 semaphore(%run_scoped3A_135 : memref<!tpu.dma_semaphore, #tpu.memory_space<semaphore_mem>>) src(%dma_wait3A_143 : memref<128x128xf32, #tpu.memory_space<hbm>>) dst(%arg10 : memref<128x128xf32, #tpu.memory_space<vmem>>)
      tpu.yield
    }) : () -> ()
    %run_scoped3A_119 = arith.constant 1 : i32
    "tpu.region"() ({
      %run_scoped3A_135 = tpu.sem_alloc : memref<!tpu.dma_semaphore, #tpu.memory_space<semaphore_mem>>
      %dma_start3A_136 = arith.constant 0 : i32
      %dma_start3A_137 = tpu.memref_slice %arg11[%run_scoped3A_119, %dma_start3A_136] : memref<3x128xi32, #tpu.memory_space<vmem>> -> memref<1x128xi32, #tpu.memory_space<vmem>>
      %dma_start3A_138 = tpu.memref_squeeze %dma_start3A_137 : memref<1x128xi32, #tpu.memory_space<vmem>> -> memref<128xi32, #tpu.memory_space<vmem>>
      %dma_start3A_139 = arith.constant 0 : i32
      %dma_start3A_140 = arith.constant 0 : i32
      %dma_start3A_141 = tpu.memref_slice %arg13[%dma_start3A_139, %dma_start3A_140] : memref<65x128xf32, #tpu.memory_space<vmem_shared>> -> memref<65x128xf32, #tpu.memory_space<vmem_shared>>
      tpu.enqueue_indirect_dma source(%arg10 : memref<128x128xf32, #tpu.memory_space<vmem>>) target(%dma_start3A_141 : memref<65x128xf32, #tpu.memory_space<vmem_shared>>) offsets(%dma_start3A_138 : memref<128xi32, #tpu.memory_space<vmem>>) semaphore(%run_scoped3A_135 : memref<!tpu.dma_semaphore, #tpu.memory_space<semaphore_mem>>) {add = true}
      %dma_wait3A_142 = arith.constant 0 : i32
      %dma_wait3A_143 = tpu.memref_slice %arg11[%run_scoped3A_119, %dma_wait3A_142] : memref<3x128xi32, #tpu.memory_space<vmem>> -> memref<1x128xi32, #tpu.memory_space<vmem>>
      %dma_wait3A_144 = tpu.memref_squeeze %dma_wait3A_143 : memref<1x128xi32, #tpu.memory_space<vmem>> -> memref<128xi32, #tpu.memory_space<vmem>>
      %dma_wait3A_145 = arith.constant 0 : i32
      %dma_wait3A_146 = arith.constant 0 : i32
      %dma_wait3A_147 = tpu.memref_slice %arg13[%dma_wait3A_145, %dma_wait3A_146] : memref<65x128xf32, #tpu.memory_space<vmem_shared>> -> memref<65x128xf32, #tpu.memory_space<vmem_shared>>
      tpu.wait_indirect_dma semaphore(%run_scoped3A_135 : memref<!tpu.dma_semaphore, #tpu.memory_space<semaphore_mem>>) src(%arg10 : memref<128x128xf32, #tpu.memory_space<vmem>>) dst(%dma_wait3A_147 : memref<65x128xf32, #tpu.memory_space<vmem_shared>>)
      tpu.yield
    }) : () -> ()
    %lt3A = arith.constant 14 : i32
    %lt3A_120 = arith.cmpi slt, %add3A, %lt3A : i32
    %convert_element_type3A_121 = arith.extui %lt3A_120 : i1 to i32
    %cond3A_122 = arith.constant 0 : i32
    %cond3A_123 = arith.cmpi ne, %convert_element_type3A_121, %cond3A_122 : i32
    scf.if %cond3A_123 {
      %add3A_135 = arith.constant 64 : i32
      %add3A_136 = arith.addi %add3A, %add3A_135 : i32
      %mul3A_137 = arith.constant 128 : i32
      %mul3A_138 = arith.muli %add3A_136, %mul3A_137 : i32
      %run_scoped3A_139 = arith.constant 2 : i32
      "tpu.region"() ({
        %run_scoped3A_143 = tpu.sem_alloc : memref<!tpu.dma_semaphore, #tpu.memory_space<semaphore_mem>>
        %dma_start3A_144 = arith.constant 0 : i32
        %dma_start3A_145 = tpu.memref_slice %arg11[%run_scoped3A_139, %dma_start3A_144] : memref<3x128xi32, #tpu.memory_space<vmem>> -> memref<1x128xi32, #tpu.memory_space<vmem>>
        %dma_start3A_146 = tpu.memref_squeeze %dma_start3A_145 : memref<1x128xi32, #tpu.memory_space<vmem>> -> memref<128xi32, #tpu.memory_space<vmem>>
        %dma_start3A_147 = tpu.memref_slice %arg4[%mul3A_138] : memref<10000xi32, #tpu.memory_space<hbm>> -> memref<128xi32, #tpu.memory_space<hbm>>
        %dma_start3A_148 = arith.constant 0 : i32
        %dma_start3A_149 = tpu.memref_slice %arg11[%run_scoped3A_139, %dma_start3A_148] : memref<3x128xi32, #tpu.memory_space<vmem>> -> memref<1x128xi32, #tpu.memory_space<vmem>>
        %dma_start3A_150 = tpu.memref_squeeze %dma_start3A_149 : memref<1x128xi32, #tpu.memory_space<vmem>> -> memref<128xi32, #tpu.memory_space<vmem>>
        %dma_start3A_151 = tpu.memref_slice %arg4[%mul3A_138] : memref<10000xi32, #tpu.memory_space<hbm>> -> memref<128xi32, #tpu.memory_space<hbm>>
        tpu.enqueue_dma source(%dma_start3A_151 : memref<128xi32, #tpu.memory_space<hbm>>) target(%dma_start3A_150 : memref<128xi32, #tpu.memory_space<vmem>>) target_semaphore(%run_scoped3A_143 : memref<!tpu.dma_semaphore, #tpu.memory_space<semaphore_mem>>)
        %dma_wait3A_152 = arith.constant 0 : i32
        %dma_wait3A_153 = tpu.memref_slice %arg11[%run_scoped3A_139, %dma_wait3A_152] : memref<3x128xi32, #tpu.memory_space<vmem>> -> memref<1x128xi32, #tpu.memory_space<vmem>>
        %dma_wait3A_154 = tpu.memref_squeeze %dma_wait3A_153 : memref<1x128xi32, #tpu.memory_space<vmem>> -> memref<128xi32, #tpu.memory_space<vmem>>
        %dma_wait3A_155 = tpu.memref_slice %arg4[%mul3A_138] : memref<10000xi32, #tpu.memory_space<hbm>> -> memref<128xi32, #tpu.memory_space<hbm>>
        %dma_wait3A_156 = arith.constant 0 : i32
        %dma_wait3A_157 = tpu.memref_slice %arg11[%run_scoped3A_139, %dma_wait3A_156] : memref<3x128xi32, #tpu.memory_space<vmem>> -> memref<1x128xi32, #tpu.memory_space<vmem>>
        %dma_wait3A_158 = tpu.memref_squeeze %dma_wait3A_157 : memref<1x128xi32, #tpu.memory_space<vmem>> -> memref<128xi32, #tpu.memory_space<vmem>>
        %dma_wait3A_159 = tpu.memref_slice %arg4[%mul3A_138] : memref<10000xi32, #tpu.memory_space<hbm>> -> memref<128xi32, #tpu.memory_space<hbm>>
        tpu.wait_dma2 semaphore(%run_scoped3A_143 : memref<!tpu.dma_semaphore, #tpu.memory_space<semaphore_mem>>) src(%dma_wait3A_159 : memref<128xi32, #tpu.memory_space<hbm>>) dst(%dma_wait3A_158 : memref<128xi32, #tpu.memory_space<vmem>>)
        tpu.yield
      }) : () -> ()
      %mul3A_140 = arith.constant 128 : i32
      %mul3A_141 = arith.muli %add3A_136, %mul3A_140 : i32
      "tpu.region"() ({
        %run_scoped3A_143 = tpu.sem_alloc : memref<!tpu.dma_semaphore, #tpu.memory_space<semaphore_mem>>
        %dma_start3A_144 = arith.constant 0 : i32
        %dma_start3A_145 = tpu.memref_slice %arg2[%mul3A_141, %dma_start3A_144] : memref<10000x128xf32, #tpu.memory_space<hbm>> -> memref<128x128xf32, #tpu.memory_space<hbm>>
        %dma_start3A_146 = arith.constant 0 : i32
        %dma_start3A_147 = tpu.memref_slice %arg2[%mul3A_141, %dma_start3A_146] : memref<10000x128xf32, #tpu.memory_space<hbm>> -> memref<128x128xf32, #tpu.memory_space<hbm>>
        tpu.enqueue_dma source(%dma_start3A_147 : memref<128x128xf32, #tpu.memory_space<hbm>>) target(%arg10 : memref<128x128xf32, #tpu.memory_space<vmem>>) target_semaphore(%run_scoped3A_143 : memref<!tpu.dma_semaphore, #tpu.memory_space<semaphore_mem>>)
        %dma_wait3A_148 = arith.constant 0 : i32
        %dma_wait3A_149 = tpu.memref_slice %arg2[%mul3A_141, %dma_wait3A_148] : memref<10000x128xf32, #tpu.memory_space<hbm>> -> memref<128x128xf32, #tpu.memory_space<hbm>>
        %dma_wait3A_150 = arith.constant 0 : i32
        %dma_wait3A_151 = tpu.memref_slice %arg2[%mul3A_141, %dma_wait3A_150] : memref<10000x128xf32, #tpu.memory_space<hbm>> -> memref<128x128xf32, #tpu.memory_space<hbm>>
        tpu.wait_dma2 semaphore(%run_scoped3A_143 : memref<!tpu.dma_semaphore, #tpu.memory_space<semaphore_mem>>) src(%dma_wait3A_151 : memref<128x128xf32, #tpu.memory_space<hbm>>) dst(%arg10 : memref<128x128xf32, #tpu.memory_space<vmem>>)
        tpu.yield
      }) : () -> ()
      %run_scoped3A_142 = arith.constant 2 : i32
      "tpu.region"() ({
        %run_scoped3A_143 = tpu.sem_alloc : memref<!tpu.dma_semaphore, #tpu.memory_space<semaphore_mem>>
        %dma_start3A_144 = arith.constant 0 : i32
        %dma_start3A_145 = tpu.memref_slice %arg11[%run_scoped3A_142, %dma_start3A_144] : memref<3x128xi32, #tpu.memory_space<vmem>> -> memref<1x128xi32, #tpu.memory_space<vmem>>
        %dma_start3A_146 = tpu.memref_squeeze %dma_start3A_145 : memref<1x128xi32, #tpu.memory_space<vmem>> -> memref<128xi32, #tpu.memory_space<vmem>>
        %dma_start3A_147 = arith.constant 0 : i32
        %dma_start3A_148 = arith.constant 0 : i32
        %dma_start3A_149 = tpu.memref_slice %arg13[%dma_start3A_147, %dma_start3A_148] : memref<65x128xf32, #tpu.memory_space<vmem_shared>> -> memref<65x128xf32, #tpu.memory_space<vmem_shared>>
        tpu.enqueue_indirect_dma source(%arg10 : memref<128x128xf32, #tpu.memory_space<vmem>>) target(%dma_start3A_149 : memref<65x128xf32, #tpu.memory_space<vmem_shared>>) offsets(%dma_start3A_146 : memref<128xi32, #tpu.memory_space<vmem>>) semaphore(%run_scoped3A_143 : memref<!tpu.dma_semaphore, #tpu.memory_space<semaphore_mem>>) {add = true}
        %dma_wait3A_150 = arith.constant 0 : i32
        %dma_wait3A_151 = tpu.memref_slice %arg11[%run_scoped3A_142, %dma_wait3A_150] : memref<3x128xi32, #tpu.memory_space<vmem>> -> memref<1x128xi32, #tpu.memory_space<vmem>>
        %dma_wait3A_152 = tpu.memref_squeeze %dma_wait3A_151 : memref<1x128xi32, #tpu.memory_space<vmem>> -> memref<128xi32, #tpu.memory_space<vmem>>
        %dma_wait3A_153 = arith.constant 0 : i32
        %dma_wait3A_154 = arith.constant 0 : i32
        %dma_wait3A_155 = tpu.memref_slice %arg13[%dma_wait3A_153, %dma_wait3A_154] : memref<65x128xf32, #tpu.memory_space<vmem_shared>> -> memref<65x128xf32, #tpu.memory_space<vmem_shared>>
        tpu.wait_indirect_dma semaphore(%run_scoped3A_143 : memref<!tpu.dma_semaphore, #tpu.memory_space<semaphore_mem>>) src(%arg10 : memref<128x128xf32, #tpu.memory_space<vmem>>) dst(%dma_wait3A_155 : memref<65x128xf32, #tpu.memory_space<vmem_shared>>)
        tpu.yield
      }) : () -> ()
    } else {
    }
    %eq3A_124 = arith.constant 31 : i32
    %eq3A_125 = arith.cmpi eq, %add3A, %eq3A_124 : i32
    %convert_element_type3A_126 = arith.extui %eq3A_125 : i1 to i32
    %cond3A_127 = arith.constant 0 : i32
    %cond3A_128 = arith.cmpi ne, %convert_element_type3A_126, %cond3A_127 : i32
    scf.if %cond3A_128 {
      %run_scoped3A_135 = arith.constant 2 : i32
      "tpu.region"() ({
        %run_scoped3A_179 = tpu.sem_alloc : memref<!tpu.dma_semaphore, #tpu.memory_space<semaphore_mem>>
        %dma_start3A_180 = arith.constant 0 : i32
        %dma_start3A_181 = tpu.memref_slice %arg11[%run_scoped3A_135, %dma_start3A_180] : memref<3x128xi32, #tpu.memory_space<vmem>> -> memref<1x16xi32, #tpu.memory_space<vmem>>
        %dma_start3A_182 = tpu.memref_squeeze %dma_start3A_181 : memref<1x16xi32, #tpu.memory_space<vmem>> -> memref<16xi32, #tpu.memory_space<vmem>>
        %dma_start3A_183 = arith.constant 9984 : i32
        %dma_start3A_184 = tpu.memref_slice %arg4[%dma_start3A_183] : memref<10000xi32, #tpu.memory_space<hbm>> -> memref<16xi32, #tpu.memory_space<hbm>>
        %dma_start3A_185 = arith.constant 0 : i32
        %dma_start3A_186 = tpu.memref_slice %arg11[%run_scoped3A_135, %dma_start3A_185] : memref<3x128xi32, #tpu.memory_space<vmem>> -> memref<1x16xi32, #tpu.memory_space<vmem>>
        %dma_start3A_187 = tpu.memref_squeeze %dma_start3A_186 : memref<1x16xi32, #tpu.memory_space<vmem>> -> memref<16xi32, #tpu.memory_space<vmem>>
        %dma_start3A_188 = arith.constant 9984 : i32
        %dma_start3A_189 = tpu.memref_slice %arg4[%dma_start3A_188] : memref<10000xi32, #tpu.memory_space<hbm>> -> memref<16xi32, #tpu.memory_space<hbm>>
        tpu.enqueue_dma source(%dma_start3A_189 : memref<16xi32, #tpu.memory_space<hbm>>) target(%dma_start3A_187 : memref<16xi32, #tpu.memory_space<vmem>>) target_semaphore(%run_scoped3A_179 : memref<!tpu.dma_semaphore, #tpu.memory_space<semaphore_mem>>)
        %dma_wait3A_190 = arith.constant 0 : i32
        %dma_wait3A_191 = tpu.memref_slice %arg11[%run_scoped3A_135, %dma_wait3A_190] : memref<3x128xi32, #tpu.memory_space<vmem>> -> memref<1x16xi32, #tpu.memory_space<vmem>>
        %dma_wait3A_192 = tpu.memref_squeeze %dma_wait3A_191 : memref<1x16xi32, #tpu.memory_space<vmem>> -> memref<16xi32, #tpu.memory_space<vmem>>
        %dma_wait3A_193 = arith.constant 9984 : i32
        %dma_wait3A_194 = tpu.memref_slice %arg4[%dma_wait3A_193] : memref<10000xi32, #tpu.memory_space<hbm>> -> memref<16xi32, #tpu.memory_space<hbm>>
        %dma_wait3A_195 = arith.constant 0 : i32
        %dma_wait3A_196 = tpu.memref_slice %arg11[%run_scoped3A_135, %dma_wait3A_195] : memref<3x128xi32, #tpu.memory_space<vmem>> -> memref<1x16xi32, #tpu.memory_space<vmem>>
        %dma_wait3A_197 = tpu.memref_squeeze %dma_wait3A_196 : memref<1x16xi32, #tpu.memory_space<vmem>> -> memref<16xi32, #tpu.memory_space<vmem>>
        %dma_wait3A_198 = arith.constant 9984 : i32
        %dma_wait3A_199 = tpu.memref_slice %arg4[%dma_wait3A_198] : memref<10000xi32, #tpu.memory_space<hbm>> -> memref<16xi32, #tpu.memory_space<hbm>>
        tpu.wait_dma2 semaphore(%run_scoped3A_179 : memref<!tpu.dma_semaphore, #tpu.memory_space<semaphore_mem>>) src(%dma_wait3A_199 : memref<16xi32, #tpu.memory_space<hbm>>) dst(%dma_wait3A_197 : memref<16xi32, #tpu.memory_space<vmem>>)
        tpu.yield
      }) : () -> ()
      %broadcast_in_dim3A_136 = arith.constant 64 : i32
      %broadcast_in_dim3A_137 = vector.broadcast %broadcast_in_dim3A_136 : i32 to vector<16xi32>
      %swap3A_138 = arith.constant 2 : i32
      %swap3A_139 = arith.index_cast %swap3A_138 : i32 to index
      %swap3A_140 = arith.constant 16 : index
      %swap3A_141 = tpu.vector_load %arg11[%swap3A_139, %swap3A_140] {strides = array<i32>} : memref<3x128xi32, #tpu.memory_space<vmem>>, vector<16xi32>,
      tpu.vector_store %arg11[%swap3A_139, %swap3A_140], %broadcast_in_dim3A_137 {strides = array<i32>} : memref<3x128xi32, #tpu.memory_space<vmem>>, vector<16xi32>,
      %broadcast_in_dim3A_142 = arith.constant 64 : i32
      %broadcast_in_dim3A_143 = vector.broadcast %broadcast_in_dim3A_142 : i32 to vector<16xi32>
      %swap3A_144 = arith.constant 2 : i32
      %swap3A_145 = arith.index_cast %swap3A_144 : i32 to index
      %swap3A_146 = arith.constant 32 : index
      %swap3A_147 = tpu.vector_load %arg11[%swap3A_145, %swap3A_146] {strides = array<i32>} : memref<3x128xi32, #tpu.memory_space<vmem>>, vector<16xi32>,
      tpu.vector_store %arg11[%swap3A_145, %swap3A_146], %broadcast_in_dim3A_143 {strides = array<i32>} : memref<3x128xi32, #tpu.memory_space<vmem>>, vector<16xi32>,
      %broadcast_in_dim3A_148 = arith.constant 64 : i32
      %broadcast_in_dim3A_149 = vector.broadcast %broadcast_in_dim3A_148 : i32 to vector<16xi32>
      %swap3A_150 = arith.constant 2 : i32
      %swap3A_151 = arith.index_cast %swap3A_150 : i32 to index
      %swap3A_152 = arith.constant 48 : index
      %swap3A_153 = tpu.vector_load %arg11[%swap3A_151, %swap3A_152] {strides = array<i32>} : memref<3x128xi32, #tpu.memory_space<vmem>>, vector<16xi32>,
      tpu.vector_store %arg11[%swap3A_151, %swap3A_152], %broadcast_in_dim3A_149 {strides = array<i32>} : memref<3x128xi32, #tpu.memory_space<vmem>>, vector<16xi32>,
      %broadcast_in_dim3A_154 = arith.constant 64 : i32
      %broadcast_in_dim3A_155 = vector.broadcast %broadcast_in_dim3A_154 : i32 to vector<16xi32>
      %swap3A_156 = arith.constant 2 : i32
      %swap3A_157 = arith.index_cast %swap3A_156 : i32 to index
      %swap3A_158 = arith.constant 64 : index
      %swap3A_159 = tpu.vector_load %arg11[%swap3A_157, %swap3A_158] {strides = array<i32>} : memref<3x128xi32, #tpu.memory_space<vmem>>, vector<16xi32>,
      tpu.vector_store %arg11[%swap3A_157, %swap3A_158], %broadcast_in_dim3A_155 {strides = array<i32>} : memref<3x128xi32, #tpu.memory_space<vmem>>, vector<16xi32>,
      %broadcast_in_dim3A_160 = arith.constant 64 : i32
      %broadcast_in_dim3A_161 = vector.broadcast %broadcast_in_dim3A_160 : i32 to vector<16xi32>
      %swap3A_162 = arith.constant 2 : i32
      %swap3A_163 = arith.index_cast %swap3A_162 : i32 to index
      %swap3A_164 = arith.constant 80 : index
      %swap3A_165 = tpu.vector_load %arg11[%swap3A_163, %swap3A_164] {strides = array<i32>} : memref<3x128xi32, #tpu.memory_space<vmem>>, vector<16xi32>,
      tpu.vector_store %arg11[%swap3A_163, %swap3A_164], %broadcast_in_dim3A_161 {strides = array<i32>} : memref<3x128xi32, #tpu.memory_space<vmem>>, vector<16xi32>,
      %broadcast_in_dim3A_166 = arith.constant 64 : i32
      %broadcast_in_dim3A_167 = vector.broadcast %broadcast_in_dim3A_166 : i32 to vector<16xi32>
      %swap3A_168 = arith.constant 2 : i32
      %swap3A_169 = arith.index_cast %swap3A_168 : i32 to index
      %swap3A_170 = arith.constant 96 : index
      %swap3A_171 = tpu.vector_load %arg11[%swap3A_169, %swap3A_170] {strides = array<i32>} : memref<3x128xi32, #tpu.memory_space<vmem>>, vector<16xi32>,
      tpu.vector_store %arg11[%swap3A_169, %swap3A_170], %broadcast_in_dim3A_167 {strides = array<i32>} : memref<3x128xi32, #tpu.memory_space<vmem>>, vector<16xi32>,
      %broadcast_in_dim3A_172 = arith.constant 64 : i32
      %broadcast_in_dim3A_173 = vector.broadcast %broadcast_in_dim3A_172 : i32 to vector<16xi32>
      %swap3A_174 = arith.constant 2 : i32
      %swap3A_175 = arith.index_cast %swap3A_174 : i32 to index
      %swap3A_176 = arith.constant 112 : index
      %swap3A_177 = tpu.vector_load %arg11[%swap3A_175, %swap3A_176] {strides = array<i32>} : memref<3x128xi32, #tpu.memory_space<vmem>>, vector<16xi32>,
      tpu.vector_store %arg11[%swap3A_175, %swap3A_176], %broadcast_in_dim3A_173 {strides = array<i32>} : memref<3x128xi32, #tpu.memory_space<vmem>>, vector<16xi32>,
      "tpu.region"() ({
        %run_scoped3A_179 = tpu.sem_alloc : memref<!tpu.dma_semaphore, #tpu.memory_space<semaphore_mem>>
        %dma_start3A_180 = arith.constant 0 : i32
        %dma_start3A_181 = arith.constant 0 : i32
        %dma_start3A_182 = tpu.memref_slice %arg10[%dma_start3A_180, %dma_start3A_181] : memref<128x128xf32, #tpu.memory_space<vmem>> -> memref<16x128xf32, #tpu.memory_space<vmem>>
        %dma_start3A_183 = arith.constant 9984 : i32
        %dma_start3A_184 = arith.constant 0 : i32
        %dma_start3A_185 = tpu.memref_slice %arg2[%dma_start3A_183, %dma_start3A_184] : memref<10000x128xf32, #tpu.memory_space<hbm>> -> memref<16x128xf32, #tpu.memory_space<hbm>>
        %dma_start3A_186 = arith.constant 0 : i32
        %dma_start3A_187 = arith.constant 0 : i32
        %dma_start3A_188 = tpu.memref_slice %arg10[%dma_start3A_186, %dma_start3A_187] : memref<128x128xf32, #tpu.memory_space<vmem>> -> memref<16x128xf32, #tpu.memory_space<vmem>>
        %dma_start3A_189 = arith.constant 9984 : i32
        %dma_start3A_190 = arith.constant 0 : i32
        %dma_start3A_191 = tpu.memref_slice %arg2[%dma_start3A_189, %dma_start3A_190] : memref<10000x128xf32, #tpu.memory_space<hbm>> -> memref<16x128xf32, #tpu.memory_space<hbm>>
        tpu.enqueue_dma source(%dma_start3A_191 : memref<16x128xf32, #tpu.memory_space<hbm>>) target(%dma_start3A_188 : memref<16x128xf32, #tpu.memory_space<vmem>>) target_semaphore(%run_scoped3A_179 : memref<!tpu.dma_semaphore, #tpu.memory_space<semaphore_mem>>)
        %dma_wait3A_192 = arith.constant 0 : i32
        %dma_wait3A_193 = arith.constant 0 : i32
        %dma_wait3A_194 = tpu.memref_slice %arg10[%dma_wait3A_192, %dma_wait3A_193] : memref<128x128xf32, #tpu.memory_space<vmem>> -> memref<16x128xf32, #tpu.memory_space<vmem>>
        %dma_wait3A_195 = arith.constant 9984 : i32
        %dma_wait3A_196 = arith.constant 0 : i32
        %dma_wait3A_197 = tpu.memref_slice %arg2[%dma_wait3A_195, %dma_wait3A_196] : memref<10000x128xf32, #tpu.memory_space<hbm>> -> memref<16x128xf32, #tpu.memory_space<hbm>>
        %dma_wait3A_198 = arith.constant 0 : i32
        %dma_wait3A_199 = arith.constant 0 : i32
        %dma_wait3A_200 = tpu.memref_slice %arg10[%dma_wait3A_198, %dma_wait3A_199] : memref<128x128xf32, #tpu.memory_space<vmem>> -> memref<16x128xf32, #tpu.memory_space<vmem>>
        %dma_wait3A_201 = arith.constant 9984 : i32
        %dma_wait3A_202 = arith.constant 0 : i32
        %dma_wait3A_203 = tpu.memref_slice %arg2[%dma_wait3A_201, %dma_wait3A_202] : memref<10000x128xf32, #tpu.memory_space<hbm>> -> memref<16x128xf32, #tpu.memory_space<hbm>>
        tpu.wait_dma2 semaphore(%run_scoped3A_179 : memref<!tpu.dma_semaphore, #tpu.memory_space<semaphore_mem>>) src(%dma_wait3A_203 : memref<16x128xf32, #tpu.memory_space<hbm>>) dst(%dma_wait3A_200 : memref<16x128xf32, #tpu.memory_space<vmem>>)
        tpu.yield
      }) : () -> ()
      %run_scoped3A_178 = arith.constant 2 : i32
      "tpu.region"() ({
        %run_scoped3A_179 = tpu.sem_alloc : memref<!tpu.dma_semaphore, #tpu.memory_space<semaphore_mem>>
        %dma_start3A_180 = arith.constant 0 : i32
        %dma_start3A_181 = tpu.memref_slice %arg11[%run_scoped3A_178, %dma_start3A_180] : memref<3x128xi32, #tpu.memory_space<vmem>> -> memref<1x128xi32, #tpu.memory_space<vmem>>
        %dma_start3A_182 = tpu.memref_squeeze %dma_start3A_181 : memref<1x128xi32, #tpu.memory_space<vmem>> -> memref<128xi32, #tpu.memory_space<vmem>>
        %dma_start3A_183 = arith.constant 0 : i32
        %dma_start3A_184 = arith.constant 0 : i32
        %dma_start3A_185 = tpu.memref_slice %arg13[%dma_start3A_183, %dma_start3A_184] : memref<65x128xf32, #tpu.memory_space<vmem_shared>> -> memref<65x128xf32, #tpu.memory_space<vmem_shared>>
        tpu.enqueue_indirect_dma source(%arg10 : memref<128x128xf32, #tpu.memory_space<vmem>>) target(%dma_start3A_185 : memref<65x128xf32, #tpu.memory_space<vmem_shared>>) offsets(%dma_start3A_182 : memref<128xi32, #tpu.memory_space<vmem>>) semaphore(%run_scoped3A_179 : memref<!tpu.dma_semaphore, #tpu.memory_space<semaphore_mem>>) {add = true}
        %dma_wait3A_186 = arith.constant 0 : i32
        %dma_wait3A_187 = tpu.memref_slice %arg11[%run_scoped3A_178, %dma_wait3A_186] : memref<3x128xi32, #tpu.memory_space<vmem>> -> memref<1x128xi32, #tpu.memory_space<vmem>>
        %dma_wait3A_188 = tpu.memref_squeeze %dma_wait3A_187 : memref<1x128xi32, #tpu.memory_space<vmem>> -> memref<128xi32, #tpu.memory_space<vmem>>
        %dma_wait3A_189 = arith.constant 0 : i32
        %dma_wait3A_190 = arith.constant 0 : i32
        %dma_wait3A_191 = tpu.memref_slice %arg13[%dma_wait3A_189, %dma_wait3A_190] : memref<65x128xf32, #tpu.memory_space<vmem_shared>> -> memref<65x128xf32, #tpu.memory_space<vmem_shared>>
        tpu.wait_indirect_dma semaphore(%run_scoped3A_179 : memref<!tpu.dma_semaphore, #tpu.memory_space<semaphore_mem>>) src(%arg10 : memref<128x128xf32, #tpu.memory_space<vmem>>) dst(%dma_wait3A_191 : memref<65x128xf32, #tpu.memory_space<vmem_shared>>)
        tpu.yield
      }) : () -> ()
    } else {
    }
    %barrier3A_129 = arith.constant 0 : index
    tpu.barrier barrier_id(%barrier3A_129)
    %eq3A_130 = arith.constant 0 : i32
    %eq3A_131 = arith.cmpi eq, %arg1, %eq3A_130 : i32
    %convert_element_type3A_132 = arith.extui %eq3A_131 : i1 to i32
    %cond3A_133 = arith.constant 0 : i32
    %cond3A_134 = arith.cmpi ne, %convert_element_type3A_132, %cond3A_133 : i32
    scf.if %cond3A_134 {
      "tpu.region"() ({
        %run_scoped3A_135 = tpu.sem_alloc : memref<!tpu.dma_semaphore, #tpu.memory_space<semaphore_mem>>
        %dma_start3A_136 = arith.constant 0 : i32
        %dma_start3A_137 = arith.constant 0 : i32
        %dma_start3A_138 = tpu.memref_slice %arg6[%arg0, %dma_start3A_136, %dma_start3A_137] : memref<2x65x128xf32, #tpu.memory_space<hbm>> -> memref<1x65x128xf32, #tpu.memory_space<hbm>>
        %dma_start3A_139 = tpu.memref_squeeze %dma_start3A_138 : memref<1x65x128xf32, #tpu.memory_space<hbm>> -> memref<65x128xf32, #tpu.memory_space<hbm>>
        tpu.enqueue_dma source(%arg13 : memref<65x128xf32, #tpu.memory_space<vmem_shared>>) target(%dma_start3A_139 : memref<65x128xf32, #tpu.memory_space<hbm>>) target_semaphore(%run_scoped3A_135 : memref<!tpu.dma_semaphore, #tpu.memory_space<semaphore_mem>>)
        %dma_wait3A_140 = arith.constant 0 : i32
        %dma_wait3A_141 = arith.constant 0 : i32
        %dma_wait3A_142 = tpu.memref_slice %arg6[%arg0, %dma_wait3A_140, %dma_wait3A_141] : memref<2x65x128xf32, #tpu.memory_space<hbm>> -> memref<1x65x128xf32, #tpu.memory_space<hbm>>
        %dma_wait3A_143 = tpu.memref_squeeze %dma_wait3A_142 : memref<1x65x128xf32, #tpu.memory_space<hbm>> -> memref<65x128xf32, #tpu.memory_space<hbm>>
        tpu.wait_dma2 semaphore(%run_scoped3A_135 : memref<!tpu.dma_semaphore, #tpu.memory_space<semaphore_mem>>) src(%arg13 : memref<65x128xf32, #tpu.memory_space<vmem_shared>>) dst(%dma_wait3A_143 : memref<65x128xf32, #tpu.memory_space<hbm>>)
        tpu.yield
      }) : () -> ()
    } else {
    }
    return
  }
}

#map = affine_map<(d0, d1) -> (0, 0)>
#map1 = affine_map<(d0, d1) -> (0, 0, 0)>
#map2 = affine_map<(d0, d1) -> (0, 0, 0, 0)>
module attributes {stable_mosaic.version = 14 : i64} {
  func.func @_edges_body(%arg0: i32, %arg1: i32, %arg2: memref<320000x16xf32, #tpu.memory_space<hbm>>, %arg3: memref<32x79x128xi32, #tpu.memory_space<hbm>>, %arg4: memref<2x4x65x16xf32, #tpu.memory_space<hbm>>, %arg5: memref<79x128xi32, #tpu.memory_space<vmem>>, %arg6: memref<2048x16xf32, #tpu.memory_space<vmem>>, %arg7: memref<2048x16xf32, #tpu.memory_space<vmem>>, %arg8: memref<65x16xf32, #tpu.memory_space<vmem>>, %arg9: memref<65x16xf32, #tpu.memory_space<vmem_shared>>, %arg10: memref<65x16xf32, #tpu.memory_space<vmem_shared>>, %arg11: memref<65x16xf32, #tpu.memory_space<vmem_shared>>, %arg12: memref<65x16xf32, #tpu.memory_space<vmem_shared>>, %arg13: memref<!tpu.dma_semaphore, #tpu.memory_space<semaphore_mem>>, %arg14: memref<!tpu.dma_semaphore, #tpu.memory_space<semaphore_mem>>, %arg15: memref<!tpu.dma_semaphore, #tpu.memory_space<semaphore_mem>>, %arg16: memref<!tpu.dma_semaphore, #tpu.memory_space<semaphore_mem>>, %arg17: memref<!tpu.dma_semaphore, #tpu.memory_space<semaphore_mem>>, %arg18: memref<!tpu.dma_semaphore, #tpu.memory_space<semaphore_mem>>, %arg19: memref<!tpu.dma_semaphore, #tpu.memory_space<semaphore_mem>>) attributes {dimension_semantics = [#tpu.dimension_semantics<core_parallel>, #tpu.dimension_semantics<subcore_parallel>], iteration_bounds = array<i64: 2, 16>, scalar_prefetch = 0 : i64, scratch_operands = 15 : i64, tpu.core_type = #tpu.core_type<sc_vector_subcore>, window_params = [{transform_indices = #map}, {transform_indices = #map1}, {transform_indices = #map2}]} {
    %mul3A = arith.constant 2 : i32
    %mul3A_0 = arith.muli %arg1, %mul3A : i32
    %add3A = arith.addi %mul3A_0, %arg0 : i32
    %mul3A_1 = arith.constant 10000 : i32
    %mul3A_2 = arith.muli %add3A, %mul3A_1 : i32
    %dma_start3A = arith.constant 0 : i32
    %dma_start3A_3 = arith.constant 0 : i32
    %dma_start3A_4 = tpu.memref_slice %arg3[%add3A, %dma_start3A, %dma_start3A_3] : memref<32x79x128xi32, #tpu.memory_space<hbm>> -> memref<1x79x128xi32, #tpu.memory_space<hbm>>
    %dma_start3A_5 = tpu.memref_squeeze %dma_start3A_4 : memref<1x79x128xi32, #tpu.memory_space<hbm>> -> memref<79x128xi32, #tpu.memory_space<hbm>>
    %dma_start3A_6 = arith.constant 0 : i32
    %dma_start3A_7 = arith.constant 0 : i32
    %dma_start3A_8 = tpu.memref_slice %arg3[%add3A, %dma_start3A_6, %dma_start3A_7] : memref<32x79x128xi32, #tpu.memory_space<hbm>> -> memref<1x79x128xi32, #tpu.memory_space<hbm>>
    %dma_start3A_9 = tpu.memref_squeeze %dma_start3A_8 : memref<1x79x128xi32, #tpu.memory_space<hbm>> -> memref<79x128xi32, #tpu.memory_space<hbm>>
    tpu.enqueue_dma source(%dma_start3A_9 : memref<79x128xi32, #tpu.memory_space<hbm>>) target(%arg5 : memref<79x128xi32, #tpu.memory_space<vmem>>) target_semaphore(%arg13 : memref<!tpu.dma_semaphore, #tpu.memory_space<semaphore_mem>>)
    %add3A_10 = arith.constant 0 : i32
    %add3A_11 = arith.addi %mul3A_2, %add3A_10 : i32
    %dma_start3A_12 = arith.constant 0 : i32
    %dma_start3A_13 = tpu.memref_slice %arg2[%add3A_11, %dma_start3A_12] : memref<320000x16xf32, #tpu.memory_space<hbm>> -> memref<2048x16xf32, #tpu.memory_space<hbm>>
    %dma_start3A_14 = arith.constant 0 : i32
    %dma_start3A_15 = tpu.memref_slice %arg2[%add3A_11, %dma_start3A_14] : memref<320000x16xf32, #tpu.memory_space<hbm>> -> memref<2048x16xf32, #tpu.memory_space<hbm>>
    tpu.enqueue_dma source(%dma_start3A_15 : memref<2048x16xf32, #tpu.memory_space<hbm>>) target(%arg6 : memref<2048x16xf32, #tpu.memory_space<vmem>>) target_semaphore(%arg14 : memref<!tpu.dma_semaphore, #tpu.memory_space<semaphore_mem>>)
    %add3A_16 = arith.constant 2048 : i32
    %add3A_17 = arith.addi %mul3A_2, %add3A_16 : i32
    %dma_start3A_18 = arith.constant 0 : i32
    %dma_start3A_19 = tpu.memref_slice %arg2[%add3A_17, %dma_start3A_18] : memref<320000x16xf32, #tpu.memory_space<hbm>> -> memref<2048x16xf32, #tpu.memory_space<hbm>>
    %dma_start3A_20 = arith.constant 0 : i32
    %dma_start3A_21 = tpu.memref_slice %arg2[%add3A_17, %dma_start3A_20] : memref<320000x16xf32, #tpu.memory_space<hbm>> -> memref<2048x16xf32, #tpu.memory_space<hbm>>
    tpu.enqueue_dma source(%dma_start3A_21 : memref<2048x16xf32, #tpu.memory_space<hbm>>) target(%arg7 : memref<2048x16xf32, #tpu.memory_space<vmem>>) target_semaphore(%arg15 : memref<!tpu.dma_semaphore, #tpu.memory_space<semaphore_mem>>)
    %eq3A = arith.constant 0 : i32
    %eq3A_22 = arith.cmpi eq, %arg1, %eq3A : i32
    %convert_element_type3A = arith.extui %eq3A_22 : i1 to i32
    %cond3A = arith.constant 0 : i32
    %cond3A_23 = arith.cmpi ne, %convert_element_type3A, %cond3A : i32
    scf.if %cond3A_23 {
      %scan3A = arith.constant 0 : i32
      %scan3A_171 = arith.constant 0 : i32
      %scan3A_172 = arith.constant 65 : i32
      %scan3A_173 = arith.addi %scan3A_171, %scan3A_172 : i32
      %scan3A_174 = arith.constant 1 : i32
      scf.for %scan3A_176 = %scan3A_171 to %scan3A_173 step %scan3A_174  : i32 {
        %broadcast_in_dim3A = arith.constant 0.000000e+00 : f32
        %broadcast_in_dim3A_177 = vector.broadcast %broadcast_in_dim3A : f32 to vector<16xf32>
        %swap3A = arith.index_cast %scan3A_176 : i32 to index
        %swap3A_178 = arith.constant 0 : index
        %swap3A_179 = tpu.vector_load %arg8[%swap3A, %swap3A_178] {strides = array<i32>} : memref<65x16xf32, #tpu.memory_space<vmem>>, vector<16xf32>,
        tpu.vector_store %arg8[%swap3A, %swap3A_178], %broadcast_in_dim3A_177 {strides = array<i32>} : memref<65x16xf32, #tpu.memory_space<vmem>>, vector<16xf32>,
      }
      %scan3A_175 = arith.constant 65 : i32
      "tpu.region"() ({
        %run_scoped3A_176 = tpu.sem_alloc : memref<!tpu.dma_semaphore, #tpu.memory_space<semaphore_mem>>
        tpu.enqueue_dma source(%arg8 : memref<65x16xf32, #tpu.memory_space<vmem>>) target(%arg9 : memref<65x16xf32, #tpu.memory_space<vmem_shared>>) target_semaphore(%run_scoped3A_176 : memref<!tpu.dma_semaphore, #tpu.memory_space<semaphore_mem>>)
        tpu.wait_dma2 semaphore(%run_scoped3A_176 : memref<!tpu.dma_semaphore, #tpu.memory_space<semaphore_mem>>) src(%arg8 : memref<65x16xf32, #tpu.memory_space<vmem>>) dst(%arg9 : memref<65x16xf32, #tpu.memory_space<vmem_shared>>)
        tpu.yield
      }) : () -> ()
      "tpu.region"() ({
        %run_scoped3A_176 = tpu.sem_alloc : memref<!tpu.dma_semaphore, #tpu.memory_space<semaphore_mem>>
        tpu.enqueue_dma source(%arg8 : memref<65x16xf32, #tpu.memory_space<vmem>>) target(%arg10 : memref<65x16xf32, #tpu.memory_space<vmem_shared>>) target_semaphore(%run_scoped3A_176 : memref<!tpu.dma_semaphore, #tpu.memory_space<semaphore_mem>>)
        tpu.wait_dma2 semaphore(%run_scoped3A_176 : memref<!tpu.dma_semaphore, #tpu.memory_space<semaphore_mem>>) src(%arg8 : memref<65x16xf32, #tpu.memory_space<vmem>>) dst(%arg10 : memref<65x16xf32, #tpu.memory_space<vmem_shared>>)
        tpu.yield
      }) : () -> ()
      "tpu.region"() ({
        %run_scoped3A_176 = tpu.sem_alloc : memref<!tpu.dma_semaphore, #tpu.memory_space<semaphore_mem>>
        tpu.enqueue_dma source(%arg8 : memref<65x16xf32, #tpu.memory_space<vmem>>) target(%arg11 : memref<65x16xf32, #tpu.memory_space<vmem_shared>>) target_semaphore(%run_scoped3A_176 : memref<!tpu.dma_semaphore, #tpu.memory_space<semaphore_mem>>)
        tpu.wait_dma2 semaphore(%run_scoped3A_176 : memref<!tpu.dma_semaphore, #tpu.memory_space<semaphore_mem>>) src(%arg8 : memref<65x16xf32, #tpu.memory_space<vmem>>) dst(%arg11 : memref<65x16xf32, #tpu.memory_space<vmem_shared>>)
        tpu.yield
      }) : () -> ()
      "tpu.region"() ({
        %run_scoped3A_176 = tpu.sem_alloc : memref<!tpu.dma_semaphore, #tpu.memory_space<semaphore_mem>>
        tpu.enqueue_dma source(%arg8 : memref<65x16xf32, #tpu.memory_space<vmem>>) target(%arg12 : memref<65x16xf32, #tpu.memory_space<vmem_shared>>) target_semaphore(%run_scoped3A_176 : memref<!tpu.dma_semaphore, #tpu.memory_space<semaphore_mem>>)
        tpu.wait_dma2 semaphore(%run_scoped3A_176 : memref<!tpu.dma_semaphore, #tpu.memory_space<semaphore_mem>>) src(%arg8 : memref<65x16xf32, #tpu.memory_space<vmem>>) dst(%arg12 : memref<65x16xf32, #tpu.memory_space<vmem_shared>>)
        tpu.yield
      }) : () -> ()
    } else {
    }
    %barrier3A = arith.constant 0 : index
    tpu.barrier barrier_id(%barrier3A)
    %dma_wait3A = arith.constant 0 : i32
    %dma_wait3A_24 = arith.constant 0 : i32
    %dma_wait3A_25 = tpu.memref_slice %arg3[%add3A, %dma_wait3A, %dma_wait3A_24] : memref<32x79x128xi32, #tpu.memory_space<hbm>> -> memref<1x79x128xi32, #tpu.memory_space<hbm>>
    %dma_wait3A_26 = tpu.memref_squeeze %dma_wait3A_25 : memref<1x79x128xi32, #tpu.memory_space<hbm>> -> memref<79x128xi32, #tpu.memory_space<hbm>>
    %dma_wait3A_27 = arith.constant 0 : i32
    %dma_wait3A_28 = arith.constant 0 : i32
    %dma_wait3A_29 = tpu.memref_slice %arg3[%add3A, %dma_wait3A_27, %dma_wait3A_28] : memref<32x79x128xi32, #tpu.memory_space<hbm>> -> memref<1x79x128xi32, #tpu.memory_space<hbm>>
    %dma_wait3A_30 = tpu.memref_squeeze %dma_wait3A_29 : memref<1x79x128xi32, #tpu.memory_space<hbm>> -> memref<79x128xi32, #tpu.memory_space<hbm>>
    tpu.wait_dma2 semaphore(%arg13 : memref<!tpu.dma_semaphore, #tpu.memory_space<semaphore_mem>>) src(%dma_wait3A_30 : memref<79x128xi32, #tpu.memory_space<hbm>>) dst(%arg5 : memref<79x128xi32, #tpu.memory_space<vmem>>)
    %dma_wait3A_31 = arith.constant 0 : i32
    %dma_wait3A_32 = tpu.memref_slice %arg2[%add3A_11, %dma_wait3A_31] : memref<320000x16xf32, #tpu.memory_space<hbm>> -> memref<2048x16xf32, #tpu.memory_space<hbm>>
    %dma_wait3A_33 = arith.constant 0 : i32
    %dma_wait3A_34 = tpu.memref_slice %arg2[%add3A_11, %dma_wait3A_33] : memref<320000x16xf32, #tpu.memory_space<hbm>> -> memref<2048x16xf32, #tpu.memory_space<hbm>>
    tpu.wait_dma2 semaphore(%arg14 : memref<!tpu.dma_semaphore, #tpu.memory_space<semaphore_mem>>) src(%dma_wait3A_34 : memref<2048x16xf32, #tpu.memory_space<hbm>>) dst(%arg6 : memref<2048x16xf32, #tpu.memory_space<vmem>>)
    %add3A_35 = arith.constant 2048 : i32
    %add3A_36 = arith.addi %mul3A_2, %add3A_35 : i32
    %dma_start3A_37 = arith.constant 0 : i32
    %dma_start3A_38 = tpu.memref_slice %arg2[%add3A_36, %dma_start3A_37] : memref<320000x16xf32, #tpu.memory_space<hbm>> -> memref<2048x16xf32, #tpu.memory_space<hbm>>
    %dma_start3A_39 = arith.constant 0 : i32
    %dma_start3A_40 = tpu.memref_slice %arg2[%add3A_36, %dma_start3A_39] : memref<320000x16xf32, #tpu.memory_space<hbm>> -> memref<2048x16xf32, #tpu.memory_space<hbm>>
    tpu.enqueue_dma source(%dma_start3A_40 : memref<2048x16xf32, #tpu.memory_space<hbm>>) target(%arg7 : memref<2048x16xf32, #tpu.memory_space<vmem>>) target_semaphore(%arg15 : memref<!tpu.dma_semaphore, #tpu.memory_space<semaphore_mem>>)
    %run_scoped3A = arith.constant 0 : i32
    "tpu.region"() ({
      %run_scoped3A_171 = tpu.sem_alloc : memref<!tpu.dma_semaphore, #tpu.memory_space<semaphore_mem>>
      %dma_start3A_172 = arith.constant 0 : i32
      %dma_start3A_173 = arith.constant 0 : i32
      %dma_start3A_174 = tpu.memref_slice %arg6[%dma_start3A_172, %dma_start3A_173] : memref<2048x16xf32, #tpu.memory_space<vmem>> -> memref<128x16xf32, #tpu.memory_space<vmem>>
      %dma_start3A_175 = arith.constant 0 : i32
      %dma_start3A_176 = tpu.memref_slice %arg5[%run_scoped3A, %dma_start3A_175] : memref<79x128xi32, #tpu.memory_space<vmem>> -> memref<1x128xi32, #tpu.memory_space<vmem>>
      %dma_start3A_177 = tpu.memref_squeeze %dma_start3A_176 : memref<1x128xi32, #tpu.memory_space<vmem>> -> memref<128xi32, #tpu.memory_space<vmem>>
      %dma_start3A_178 = arith.constant 0 : i32
      %dma_start3A_179 = arith.constant 0 : i32
      %dma_start3A_180 = tpu.memref_slice %arg9[%dma_start3A_178, %dma_start3A_179] : memref<65x16xf32, #tpu.memory_space<vmem_shared>> -> memref<65x16xf32, #tpu.memory_space<vmem_shared>>
      tpu.enqueue_indirect_dma source(%dma_start3A_174 : memref<128x16xf32, #tpu.memory_space<vmem>>) target(%dma_start3A_180 : memref<65x16xf32, #tpu.memory_space<vmem_shared>>) offsets(%dma_start3A_177 : memref<128xi32, #tpu.memory_space<vmem>>) semaphore(%run_scoped3A_171 : memref<!tpu.dma_semaphore, #tpu.memory_space<semaphore_mem>>) {add = true}
      %dma_wait3A_181 = arith.constant 0 : i32
      %dma_wait3A_182 = arith.constant 0 : i32
      %dma_wait3A_183 = tpu.memref_slice %arg6[%dma_wait3A_181, %dma_wait3A_182] : memref<2048x16xf32, #tpu.memory_space<vmem>> -> memref<128x16xf32, #tpu.memory_space<vmem>>
      %dma_wait3A_184 = arith.constant 0 : i32
      %dma_wait3A_185 = tpu.memref_slice %arg5[%run_scoped3A, %dma_wait3A_184] : memref<79x128xi32, #tpu.memory_space<vmem>> -> memref<1x128xi32, #tpu.memory_space<vmem>>
      %dma_wait3A_186 = tpu.memref_squeeze %dma_wait3A_185 : memref<1x128xi32, #tpu.memory_space<vmem>> -> memref<128xi32, #tpu.memory_space<vmem>>
      %dma_wait3A_187 = arith.constant 0 : i32
      %dma_wait3A_188 = arith.constant 0 : i32
      %dma_wait3A_189 = tpu.memref_slice %arg9[%dma_wait3A_187, %dma_wait3A_188] : memref<65x16xf32, #tpu.memory_space<vmem_shared>> -> memref<65x16xf32, #tpu.memory_space<vmem_shared>>
      tpu.wait_indirect_dma semaphore(%run_scoped3A_171 : memref<!tpu.dma_semaphore, #tpu.memory_space<semaphore_mem>>) src(%dma_wait3A_183 : memref<128x16xf32, #tpu.memory_space<vmem>>) dst(%dma_wait3A_189 : memref<65x16xf32, #tpu.memory_space<vmem_shared>>)
      tpu.yield
    }) : () -> ()
    %run_scoped3A_41 = arith.constant 1 : i32
    "tpu.region"() ({
      %run_scoped3A_171 = tpu.sem_alloc : memref<!tpu.dma_semaphore, #tpu.memory_space<semaphore_mem>>
      %dma_start3A_172 = arith.constant 128 : i32
      %dma_start3A_173 = arith.constant 0 : i32
      %dma_start3A_174 = tpu.memref_slice %arg6[%dma_start3A_172, %dma_start3A_173] : memref<2048x16xf32, #tpu.memory_space<vmem>> -> memref<128x16xf32, #tpu.memory_space<vmem>>
      %dma_start3A_175 = arith.constant 0 : i32
      %dma_start3A_176 = tpu.memref_slice %arg5[%run_scoped3A_41, %dma_start3A_175] : memref<79x128xi32, #tpu.memory_space<vmem>> -> memref<1x128xi32, #tpu.memory_space<vmem>>
      %dma_start3A_177 = tpu.memref_squeeze %dma_start3A_176 : memref<1x128xi32, #tpu.memory_space<vmem>> -> memref<128xi32, #tpu.memory_space<vmem>>
      %dma_start3A_178 = arith.constant 0 : i32
      %dma_start3A_179 = arith.constant 0 : i32
      %dma_start3A_180 = tpu.memref_slice %arg10[%dma_start3A_178, %dma_start3A_179] : memref<65x16xf32, #tpu.memory_space<vmem_shared>> -> memref<65x16xf32, #tpu.memory_space<vmem_shared>>
      tpu.enqueue_indirect_dma source(%dma_start3A_174 : memref<128x16xf32, #tpu.memory_space<vmem>>) target(%dma_start3A_180 : memref<65x16xf32, #tpu.memory_space<vmem_shared>>) offsets(%dma_start3A_177 : memref<128xi32, #tpu.memory_space<vmem>>) semaphore(%run_scoped3A_171 : memref<!tpu.dma_semaphore, #tpu.memory_space<semaphore_mem>>) {add = true}
      %dma_wait3A_181 = arith.constant 128 : i32
      %dma_wait3A_182 = arith.constant 0 : i32
      %dma_wait3A_183 = tpu.memref_slice %arg6[%dma_wait3A_181, %dma_wait3A_182] : memref<2048x16xf32, #tpu.memory_space<vmem>> -> memref<128x16xf32, #tpu.memory_space<vmem>>
      %dma_wait3A_184 = arith.constant 0 : i32
      %dma_wait3A_185 = tpu.memref_slice %arg5[%run_scoped3A_41, %dma_wait3A_184] : memref<79x128xi32, #tpu.memory_space<vmem>> -> memref<1x128xi32, #tpu.memory_space<vmem>>
      %dma_wait3A_186 = tpu.memref_squeeze %dma_wait3A_185 : memref<1x128xi32, #tpu.memory_space<vmem>> -> memref<128xi32, #tpu.memory_space<vmem>>
      %dma_wait3A_187 = arith.constant 0 : i32
      %dma_wait3A_188 = arith.constant 0 : i32
      %dma_wait3A_189 = tpu.memref_slice %arg10[%dma_wait3A_187, %dma_wait3A_188] : memref<65x16xf32, #tpu.memory_space<vmem_shared>> -> memref<65x16xf32, #tpu.memory_space<vmem_shared>>
      tpu.wait_indirect_dma semaphore(%run_scoped3A_171 : memref<!tpu.dma_semaphore, #tpu.memory_space<semaphore_mem>>) src(%dma_wait3A_183 : memref<128x16xf32, #tpu.memory_space<vmem>>) dst(%dma_wait3A_189 : memref<65x16xf32, #tpu.memory_space<vmem_shared>>)
      tpu.yield
    }) : () -> ()
    %run_scoped3A_42 = arith.constant 2 : i32
    "tpu.region"() ({
      %run_scoped3A_171 = tpu.sem_alloc : memref<!tpu.dma_semaphore, #tpu.memory_space<semaphore_mem>>
      %dma_start3A_172 = arith.constant 256 : i32
      %dma_start3A_173 = arith.constant 0 : i32
      %dma_start3A_174 = tpu.memref_slice %arg6[%dma_start3A_172, %dma_start3A_173] : memref<2048x16xf32, #tpu.memory_space<vmem>> -> memref<128x16xf32, #tpu.memory_space<vmem>>
      %dma_start3A_175 = arith.constant 0 : i32
      %dma_start3A_176 = tpu.memref_slice %arg5[%run_scoped3A_42, %dma_start3A_175] : memref<79x128xi32, #tpu.memory_space<vmem>> -> memref<1x128xi32, #tpu.memory_space<vmem>>
      %dma_start3A_177 = tpu.memref_squeeze %dma_start3A_176 : memref<1x128xi32, #tpu.memory_space<vmem>> -> memref<128xi32, #tpu.memory_space<vmem>>
      %dma_start3A_178 = arith.constant 0 : i32
      %dma_start3A_179 = arith.constant 0 : i32
      %dma_start3A_180 = tpu.memref_slice %arg11[%dma_start3A_178, %dma_start3A_179] : memref<65x16xf32, #tpu.memory_space<vmem_shared>> -> memref<65x16xf32, #tpu.memory_space<vmem_shared>>
      tpu.enqueue_indirect_dma source(%dma_start3A_174 : memref<128x16xf32, #tpu.memory_space<vmem>>) target(%dma_start3A_180 : memref<65x16xf32, #tpu.memory_space<vmem_shared>>) offsets(%dma_start3A_177 : memref<128xi32, #tpu.memory_space<vmem>>) semaphore(%run_scoped3A_171 : memref<!tpu.dma_semaphore, #tpu.memory_space<semaphore_mem>>) {add = true}
      %dma_wait3A_181 = arith.constant 256 : i32
      %dma_wait3A_182 = arith.constant 0 : i32
      %dma_wait3A_183 = tpu.memref_slice %arg6[%dma_wait3A_181, %dma_wait3A_182] : memref<2048x16xf32, #tpu.memory_space<vmem>> -> memref<128x16xf32, #tpu.memory_space<vmem>>
      %dma_wait3A_184 = arith.constant 0 : i32
      %dma_wait3A_185 = tpu.memref_slice %arg5[%run_scoped3A_42, %dma_wait3A_184] : memref<79x128xi32, #tpu.memory_space<vmem>> -> memref<1x128xi32, #tpu.memory_space<vmem>>
      %dma_wait3A_186 = tpu.memref_squeeze %dma_wait3A_185 : memref<1x128xi32, #tpu.memory_space<vmem>> -> memref<128xi32, #tpu.memory_space<vmem>>
      %dma_wait3A_187 = arith.constant 0 : i32
      %dma_wait3A_188 = arith.constant 0 : i32
      %dma_wait3A_189 = tpu.memref_slice %arg11[%dma_wait3A_187, %dma_wait3A_188] : memref<65x16xf32, #tpu.memory_space<vmem_shared>> -> memref<65x16xf32, #tpu.memory_space<vmem_shared>>
      tpu.wait_indirect_dma semaphore(%run_scoped3A_171 : memref<!tpu.dma_semaphore, #tpu.memory_space<semaphore_mem>>) src(%dma_wait3A_183 : memref<128x16xf32, #tpu.memory_space<vmem>>) dst(%dma_wait3A_189 : memref<65x16xf32, #tpu.memory_space<vmem_shared>>)
      tpu.yield
    }) : () -> ()
    %run_scoped3A_43 = arith.constant 3 : i32
    "tpu.region"() ({
      %run_scoped3A_171 = tpu.sem_alloc : memref<!tpu.dma_semaphore, #tpu.memory_space<semaphore_mem>>
      %dma_start3A_172 = arith.constant 384 : i32
      %dma_start3A_173 = arith.constant 0 : i32
      %dma_start3A_174 = tpu.memref_slice %arg6[%dma_start3A_172, %dma_start3A_173] : memref<2048x16xf32, #tpu.memory_space<vmem>> -> memref<128x16xf32, #tpu.memory_space<vmem>>
      %dma_start3A_175 = arith.constant 0 : i32
      %dma_start3A_176 = tpu.memref_slice %arg5[%run_scoped3A_43, %dma_start3A_175] : memref<79x128xi32, #tpu.memory_space<vmem>> -> memref<1x128xi32, #tpu.memory_space<vmem>>
      %dma_start3A_177 = tpu.memref_squeeze %dma_start3A_176 : memref<1x128xi32, #tpu.memory_space<vmem>> -> memref<128xi32, #tpu.memory_space<vmem>>
      %dma_start3A_178 = arith.constant 0 : i32
      %dma_start3A_179 = arith.constant 0 : i32
      %dma_start3A_180 = tpu.memref_slice %arg12[%dma_start3A_178, %dma_start3A_179] : memref<65x16xf32, #tpu.memory_space<vmem_shared>> -> memref<65x16xf32, #tpu.memory_space<vmem_shared>>
      tpu.enqueue_indirect_dma source(%dma_start3A_174 : memref<128x16xf32, #tpu.memory_space<vmem>>) target(%dma_start3A_180 : memref<65x16xf32, #tpu.memory_space<vmem_shared>>) offsets(%dma_start3A_177 : memref<128xi32, #tpu.memory_space<vmem>>) semaphore(%run_scoped3A_171 : memref<!tpu.dma_semaphore, #tpu.memory_space<semaphore_mem>>) {add = true}
      %dma_wait3A_181 = arith.constant 384 : i32
      %dma_wait3A_182 = arith.constant 0 : i32
      %dma_wait3A_183 = tpu.memref_slice %arg6[%dma_wait3A_181, %dma_wait3A_182] : memref<2048x16xf32, #tpu.memory_space<vmem>> -> memref<128x16xf32, #tpu.memory_space<vmem>>
      %dma_wait3A_184 = arith.constant 0 : i32
      %dma_wait3A_185 = tpu.memref_slice %arg5[%run_scoped3A_43, %dma_wait3A_184] : memref<79x128xi32, #tpu.memory_space<vmem>> -> memref<1x128xi32, #tpu.memory_space<vmem>>
      %dma_wait3A_186 = tpu.memref_squeeze %dma_wait3A_185 : memref<1x128xi32, #tpu.memory_space<vmem>> -> memref<128xi32, #tpu.memory_space<vmem>>
      %dma_wait3A_187 = arith.constant 0 : i32
      %dma_wait3A_188 = arith.constant 0 : i32
      %dma_wait3A_189 = tpu.memref_slice %arg12[%dma_wait3A_187, %dma_wait3A_188] : memref<65x16xf32, #tpu.memory_space<vmem_shared>> -> memref<65x16xf32, #tpu.memory_space<vmem_shared>>
      tpu.wait_indirect_dma semaphore(%run_scoped3A_171 : memref<!tpu.dma_semaphore, #tpu.memory_space<semaphore_mem>>) src(%dma_wait3A_183 : memref<128x16xf32, #tpu.memory_space<vmem>>) dst(%dma_wait3A_189 : memref<65x16xf32, #tpu.memory_space<vmem_shared>>)
      tpu.yield
    }) : () -> ()
    %run_scoped3A_44 = arith.constant 4 : i32
    "tpu.region"() ({
      %run_scoped3A_171 = tpu.sem_alloc : memref<!tpu.dma_semaphore, #tpu.memory_space<semaphore_mem>>
      %dma_start3A_172 = arith.constant 512 : i32
      %dma_start3A_173 = arith.constant 0 : i32
      %dma_start3A_174 = tpu.memref_slice %arg6[%dma_start3A_172, %dma_start3A_173] : memref<2048x16xf32, #tpu.memory_space<vmem>> -> memref<128x16xf32, #tpu.memory_space<vmem>>
      %dma_start3A_175 = arith.constant 0 : i32
      %dma_start3A_176 = tpu.memref_slice %arg5[%run_scoped3A_44, %dma_start3A_175] : memref<79x128xi32, #tpu.memory_space<vmem>> -> memref<1x128xi32, #tpu.memory_space<vmem>>
      %dma_start3A_177 = tpu.memref_squeeze %dma_start3A_176 : memref<1x128xi32, #tpu.memory_space<vmem>> -> memref<128xi32, #tpu.memory_space<vmem>>
      %dma_start3A_178 = arith.constant 0 : i32
      %dma_start3A_179 = arith.constant 0 : i32
      %dma_start3A_180 = tpu.memref_slice %arg9[%dma_start3A_178, %dma_start3A_179] : memref<65x16xf32, #tpu.memory_space<vmem_shared>> -> memref<65x16xf32, #tpu.memory_space<vmem_shared>>
      tpu.enqueue_indirect_dma source(%dma_start3A_174 : memref<128x16xf32, #tpu.memory_space<vmem>>) target(%dma_start3A_180 : memref<65x16xf32, #tpu.memory_space<vmem_shared>>) offsets(%dma_start3A_177 : memref<128xi32, #tpu.memory_space<vmem>>) semaphore(%run_scoped3A_171 : memref<!tpu.dma_semaphore, #tpu.memory_space<semaphore_mem>>) {add = true}
      %dma_wait3A_181 = arith.constant 512 : i32
      %dma_wait3A_182 = arith.constant 0 : i32
      %dma_wait3A_183 = tpu.memref_slice %arg6[%dma_wait3A_181, %dma_wait3A_182] : memref<2048x16xf32, #tpu.memory_space<vmem>> -> memref<128x16xf32, #tpu.memory_space<vmem>>
      %dma_wait3A_184 = arith.constant 0 : i32
      %dma_wait3A_185 = tpu.memref_slice %arg5[%run_scoped3A_44, %dma_wait3A_184] : memref<79x128xi32, #tpu.memory_space<vmem>> -> memref<1x128xi32, #tpu.memory_space<vmem>>
      %dma_wait3A_186 = tpu.memref_squeeze %dma_wait3A_185 : memref<1x128xi32, #tpu.memory_space<vmem>> -> memref<128xi32, #tpu.memory_space<vmem>>
      %dma_wait3A_187 = arith.constant 0 : i32
      %dma_wait3A_188 = arith.constant 0 : i32
      %dma_wait3A_189 = tpu.memref_slice %arg9[%dma_wait3A_187, %dma_wait3A_188] : memref<65x16xf32, #tpu.memory_space<vmem_shared>> -> memref<65x16xf32, #tpu.memory_space<vmem_shared>>
      tpu.wait_indirect_dma semaphore(%run_scoped3A_171 : memref<!tpu.dma_semaphore, #tpu.memory_space<semaphore_mem>>) src(%dma_wait3A_183 : memref<128x16xf32, #tpu.memory_space<vmem>>) dst(%dma_wait3A_189 : memref<65x16xf32, #tpu.memory_space<vmem_shared>>)
      tpu.yield
    }) : () -> ()
    %run_scoped3A_45 = arith.constant 5 : i32
    "tpu.region"() ({
      %run_scoped3A_171 = tpu.sem_alloc : memref<!tpu.dma_semaphore, #tpu.memory_space<semaphore_mem>>
      %dma_start3A_172 = arith.constant 640 : i32
      %dma_start3A_173 = arith.constant 0 : i32
      %dma_start3A_174 = tpu.memref_slice %arg6[%dma_start3A_172, %dma_start3A_173] : memref<2048x16xf32, #tpu.memory_space<vmem>> -> memref<128x16xf32, #tpu.memory_space<vmem>>
      %dma_start3A_175 = arith.constant 0 : i32
      %dma_start3A_176 = tpu.memref_slice %arg5[%run_scoped3A_45, %dma_start3A_175] : memref<79x128xi32, #tpu.memory_space<vmem>> -> memref<1x128xi32, #tpu.memory_space<vmem>>
      %dma_start3A_177 = tpu.memref_squeeze %dma_start3A_176 : memref<1x128xi32, #tpu.memory_space<vmem>> -> memref<128xi32, #tpu.memory_space<vmem>>
      %dma_start3A_178 = arith.constant 0 : i32
      %dma_start3A_179 = arith.constant 0 : i32
      %dma_start3A_180 = tpu.memref_slice %arg10[%dma_start3A_178, %dma_start3A_179] : memref<65x16xf32, #tpu.memory_space<vmem_shared>> -> memref<65x16xf32, #tpu.memory_space<vmem_shared>>
      tpu.enqueue_indirect_dma source(%dma_start3A_174 : memref<128x16xf32, #tpu.memory_space<vmem>>) target(%dma_start3A_180 : memref<65x16xf32, #tpu.memory_space<vmem_shared>>) offsets(%dma_start3A_177 : memref<128xi32, #tpu.memory_space<vmem>>) semaphore(%run_scoped3A_171 : memref<!tpu.dma_semaphore, #tpu.memory_space<semaphore_mem>>) {add = true}
      %dma_wait3A_181 = arith.constant 640 : i32
      %dma_wait3A_182 = arith.constant 0 : i32
      %dma_wait3A_183 = tpu.memref_slice %arg6[%dma_wait3A_181, %dma_wait3A_182] : memref<2048x16xf32, #tpu.memory_space<vmem>> -> memref<128x16xf32, #tpu.memory_space<vmem>>
      %dma_wait3A_184 = arith.constant 0 : i32
      %dma_wait3A_185 = tpu.memref_slice %arg5[%run_scoped3A_45, %dma_wait3A_184] : memref<79x128xi32, #tpu.memory_space<vmem>> -> memref<1x128xi32, #tpu.memory_space<vmem>>
      %dma_wait3A_186 = tpu.memref_squeeze %dma_wait3A_185 : memref<1x128xi32, #tpu.memory_space<vmem>> -> memref<128xi32, #tpu.memory_space<vmem>>
      %dma_wait3A_187 = arith.constant 0 : i32
      %dma_wait3A_188 = arith.constant 0 : i32
      %dma_wait3A_189 = tpu.memref_slice %arg10[%dma_wait3A_187, %dma_wait3A_188] : memref<65x16xf32, #tpu.memory_space<vmem_shared>> -> memref<65x16xf32, #tpu.memory_space<vmem_shared>>
      tpu.wait_indirect_dma semaphore(%run_scoped3A_171 : memref<!tpu.dma_semaphore, #tpu.memory_space<semaphore_mem>>) src(%dma_wait3A_183 : memref<128x16xf32, #tpu.memory_space<vmem>>) dst(%dma_wait3A_189 : memref<65x16xf32, #tpu.memory_space<vmem_shared>>)
      tpu.yield
    }) : () -> ()
    %run_scoped3A_46 = arith.constant 6 : i32
    "tpu.region"() ({
      %run_scoped3A_171 = tpu.sem_alloc : memref<!tpu.dma_semaphore, #tpu.memory_space<semaphore_mem>>
      %dma_start3A_172 = arith.constant 768 : i32
      %dma_start3A_173 = arith.constant 0 : i32
      %dma_start3A_174 = tpu.memref_slice %arg6[%dma_start3A_172, %dma_start3A_173] : memref<2048x16xf32, #tpu.memory_space<vmem>> -> memref<128x16xf32, #tpu.memory_space<vmem>>
      %dma_start3A_175 = arith.constant 0 : i32
      %dma_start3A_176 = tpu.memref_slice %arg5[%run_scoped3A_46, %dma_start3A_175] : memref<79x128xi32, #tpu.memory_space<vmem>> -> memref<1x128xi32, #tpu.memory_space<vmem>>
      %dma_start3A_177 = tpu.memref_squeeze %dma_start3A_176 : memref<1x128xi32, #tpu.memory_space<vmem>> -> memref<128xi32, #tpu.memory_space<vmem>>
      %dma_start3A_178 = arith.constant 0 : i32
      %dma_start3A_179 = arith.constant 0 : i32
      %dma_start3A_180 = tpu.memref_slice %arg11[%dma_start3A_178, %dma_start3A_179] : memref<65x16xf32, #tpu.memory_space<vmem_shared>> -> memref<65x16xf32, #tpu.memory_space<vmem_shared>>
      tpu.enqueue_indirect_dma source(%dma_start3A_174 : memref<128x16xf32, #tpu.memory_space<vmem>>) target(%dma_start3A_180 : memref<65x16xf32, #tpu.memory_space<vmem_shared>>) offsets(%dma_start3A_177 : memref<128xi32, #tpu.memory_space<vmem>>) semaphore(%run_scoped3A_171 : memref<!tpu.dma_semaphore, #tpu.memory_space<semaphore_mem>>) {add = true}
      %dma_wait3A_181 = arith.constant 768 : i32
      %dma_wait3A_182 = arith.constant 0 : i32
      %dma_wait3A_183 = tpu.memref_slice %arg6[%dma_wait3A_181, %dma_wait3A_182] : memref<2048x16xf32, #tpu.memory_space<vmem>> -> memref<128x16xf32, #tpu.memory_space<vmem>>
      %dma_wait3A_184 = arith.constant 0 : i32
      %dma_wait3A_185 = tpu.memref_slice %arg5[%run_scoped3A_46, %dma_wait3A_184] : memref<79x128xi32, #tpu.memory_space<vmem>> -> memref<1x128xi32, #tpu.memory_space<vmem>>
      %dma_wait3A_186 = tpu.memref_squeeze %dma_wait3A_185 : memref<1x128xi32, #tpu.memory_space<vmem>> -> memref<128xi32, #tpu.memory_space<vmem>>
      %dma_wait3A_187 = arith.constant 0 : i32
      %dma_wait3A_188 = arith.constant 0 : i32
      %dma_wait3A_189 = tpu.memref_slice %arg11[%dma_wait3A_187, %dma_wait3A_188] : memref<65x16xf32, #tpu.memory_space<vmem_shared>> -> memref<65x16xf32, #tpu.memory_space<vmem_shared>>
      tpu.wait_indirect_dma semaphore(%run_scoped3A_171 : memref<!tpu.dma_semaphore, #tpu.memory_space<semaphore_mem>>) src(%dma_wait3A_183 : memref<128x16xf32, #tpu.memory_space<vmem>>) dst(%dma_wait3A_189 : memref<65x16xf32, #tpu.memory_space<vmem_shared>>)
      tpu.yield
    }) : () -> ()
    %run_scoped3A_47 = arith.constant 7 : i32
    "tpu.region"() ({
      %run_scoped3A_171 = tpu.sem_alloc : memref<!tpu.dma_semaphore, #tpu.memory_space<semaphore_mem>>
      %dma_start3A_172 = arith.constant 896 : i32
      %dma_start3A_173 = arith.constant 0 : i32
      %dma_start3A_174 = tpu.memref_slice %arg6[%dma_start3A_172, %dma_start3A_173] : memref<2048x16xf32, #tpu.memory_space<vmem>> -> memref<128x16xf32, #tpu.memory_space<vmem>>
      %dma_start3A_175 = arith.constant 0 : i32
      %dma_start3A_176 = tpu.memref_slice %arg5[%run_scoped3A_47, %dma_start3A_175] : memref<79x128xi32, #tpu.memory_space<vmem>> -> memref<1x128xi32, #tpu.memory_space<vmem>>
      %dma_start3A_177 = tpu.memref_squeeze %dma_start3A_176 : memref<1x128xi32, #tpu.memory_space<vmem>> -> memref<128xi32, #tpu.memory_space<vmem>>
      %dma_start3A_178 = arith.constant 0 : i32
      %dma_start3A_179 = arith.constant 0 : i32
      %dma_start3A_180 = tpu.memref_slice %arg12[%dma_start3A_178, %dma_start3A_179] : memref<65x16xf32, #tpu.memory_space<vmem_shared>> -> memref<65x16xf32, #tpu.memory_space<vmem_shared>>
      tpu.enqueue_indirect_dma source(%dma_start3A_174 : memref<128x16xf32, #tpu.memory_space<vmem>>) target(%dma_start3A_180 : memref<65x16xf32, #tpu.memory_space<vmem_shared>>) offsets(%dma_start3A_177 : memref<128xi32, #tpu.memory_space<vmem>>) semaphore(%run_scoped3A_171 : memref<!tpu.dma_semaphore, #tpu.memory_space<semaphore_mem>>) {add = true}
      %dma_wait3A_181 = arith.constant 896 : i32
      %dma_wait3A_182 = arith.constant 0 : i32
      %dma_wait3A_183 = tpu.memref_slice %arg6[%dma_wait3A_181, %dma_wait3A_182] : memref<2048x16xf32, #tpu.memory_space<vmem>> -> memref<128x16xf32, #tpu.memory_space<vmem>>
      %dma_wait3A_184 = arith.constant 0 : i32
      %dma_wait3A_185 = tpu.memref_slice %arg5[%run_scoped3A_47, %dma_wait3A_184] : memref<79x128xi32, #tpu.memory_space<vmem>> -> memref<1x128xi32, #tpu.memory_space<vmem>>
      %dma_wait3A_186 = tpu.memref_squeeze %dma_wait3A_185 : memref<1x128xi32, #tpu.memory_space<vmem>> -> memref<128xi32, #tpu.memory_space<vmem>>
      %dma_wait3A_187 = arith.constant 0 : i32
      %dma_wait3A_188 = arith.constant 0 : i32
      %dma_wait3A_189 = tpu.memref_slice %arg12[%dma_wait3A_187, %dma_wait3A_188] : memref<65x16xf32, #tpu.memory_space<vmem_shared>> -> memref<65x16xf32, #tpu.memory_space<vmem_shared>>
      tpu.wait_indirect_dma semaphore(%run_scoped3A_171 : memref<!tpu.dma_semaphore, #tpu.memory_space<semaphore_mem>>) src(%dma_wait3A_183 : memref<128x16xf32, #tpu.memory_space<vmem>>) dst(%dma_wait3A_189 : memref<65x16xf32, #tpu.memory_space<vmem_shared>>)
      tpu.yield
    }) : () -> ()
    %run_scoped3A_48 = arith.constant 8 : i32
    "tpu.region"() ({
      %run_scoped3A_171 = tpu.sem_alloc : memref<!tpu.dma_semaphore, #tpu.memory_space<semaphore_mem>>
      %dma_start3A_172 = arith.constant 1024 : i32
      %dma_start3A_173 = arith.constant 0 : i32
      %dma_start3A_174 = tpu.memref_slice %arg6[%dma_start3A_172, %dma_start3A_173] : memref<2048x16xf32, #tpu.memory_space<vmem>> -> memref<128x16xf32, #tpu.memory_space<vmem>>
      %dma_start3A_175 = arith.constant 0 : i32
      %dma_start3A_176 = tpu.memref_slice %arg5[%run_scoped3A_48, %dma_start3A_175] : memref<79x128xi32, #tpu.memory_space<vmem>> -> memref<1x128xi32, #tpu.memory_space<vmem>>
      %dma_start3A_177 = tpu.memref_squeeze %dma_start3A_176 : memref<1x128xi32, #tpu.memory_space<vmem>> -> memref<128xi32, #tpu.memory_space<vmem>>
      %dma_start3A_178 = arith.constant 0 : i32
      %dma_start3A_179 = arith.constant 0 : i32
      %dma_start3A_180 = tpu.memref_slice %arg9[%dma_start3A_178, %dma_start3A_179] : memref<65x16xf32, #tpu.memory_space<vmem_shared>> -> memref<65x16xf32, #tpu.memory_space<vmem_shared>>
      tpu.enqueue_indirect_dma source(%dma_start3A_174 : memref<128x16xf32, #tpu.memory_space<vmem>>) target(%dma_start3A_180 : memref<65x16xf32, #tpu.memory_space<vmem_shared>>) offsets(%dma_start3A_177 : memref<128xi32, #tpu.memory_space<vmem>>) semaphore(%run_scoped3A_171 : memref<!tpu.dma_semaphore, #tpu.memory_space<semaphore_mem>>) {add = true}
      %dma_wait3A_181 = arith.constant 1024 : i32
      %dma_wait3A_182 = arith.constant 0 : i32
      %dma_wait3A_183 = tpu.memref_slice %arg6[%dma_wait3A_181, %dma_wait3A_182] : memref<2048x16xf32, #tpu.memory_space<vmem>> -> memref<128x16xf32, #tpu.memory_space<vmem>>
      %dma_wait3A_184 = arith.constant 0 : i32
      %dma_wait3A_185 = tpu.memref_slice %arg5[%run_scoped3A_48, %dma_wait3A_184] : memref<79x128xi32, #tpu.memory_space<vmem>> -> memref<1x128xi32, #tpu.memory_space<vmem>>
      %dma_wait3A_186 = tpu.memref_squeeze %dma_wait3A_185 : memref<1x128xi32, #tpu.memory_space<vmem>> -> memref<128xi32, #tpu.memory_space<vmem>>
      %dma_wait3A_187 = arith.constant 0 : i32
      %dma_wait3A_188 = arith.constant 0 : i32
      %dma_wait3A_189 = tpu.memref_slice %arg9[%dma_wait3A_187, %dma_wait3A_188] : memref<65x16xf32, #tpu.memory_space<vmem_shared>> -> memref<65x16xf32, #tpu.memory_space<vmem_shared>>
      tpu.wait_indirect_dma semaphore(%run_scoped3A_171 : memref<!tpu.dma_semaphore, #tpu.memory_space<semaphore_mem>>) src(%dma_wait3A_183 : memref<128x16xf32, #tpu.memory_space<vmem>>) dst(%dma_wait3A_189 : memref<65x16xf32, #tpu.memory_space<vmem_shared>>)
      tpu.yield
    }) : () -> ()
    %run_scoped3A_49 = arith.constant 9 : i32
    "tpu.region"() ({
      %run_scoped3A_171 = tpu.sem_alloc : memref<!tpu.dma_semaphore, #tpu.memory_space<semaphore_mem>>
      %dma_start3A_172 = arith.constant 1152 : i32
      %dma_start3A_173 = arith.constant 0 : i32
      %dma_start3A_174 = tpu.memref_slice %arg6[%dma_start3A_172, %dma_start3A_173] : memref<2048x16xf32, #tpu.memory_space<vmem>> -> memref<128x16xf32, #tpu.memory_space<vmem>>
      %dma_start3A_175 = arith.constant 0 : i32
      %dma_start3A_176 = tpu.memref_slice %arg5[%run_scoped3A_49, %dma_start3A_175] : memref<79x128xi32, #tpu.memory_space<vmem>> -> memref<1x128xi32, #tpu.memory_space<vmem>>
      %dma_start3A_177 = tpu.memref_squeeze %dma_start3A_176 : memref<1x128xi32, #tpu.memory_space<vmem>> -> memref<128xi32, #tpu.memory_space<vmem>>
      %dma_start3A_178 = arith.constant 0 : i32
      %dma_start3A_179 = arith.constant 0 : i32
      %dma_start3A_180 = tpu.memref_slice %arg10[%dma_start3A_178, %dma_start3A_179] : memref<65x16xf32, #tpu.memory_space<vmem_shared>> -> memref<65x16xf32, #tpu.memory_space<vmem_shared>>
      tpu.enqueue_indirect_dma source(%dma_start3A_174 : memref<128x16xf32, #tpu.memory_space<vmem>>) target(%dma_start3A_180 : memref<65x16xf32, #tpu.memory_space<vmem_shared>>) offsets(%dma_start3A_177 : memref<128xi32, #tpu.memory_space<vmem>>) semaphore(%run_scoped3A_171 : memref<!tpu.dma_semaphore, #tpu.memory_space<semaphore_mem>>) {add = true}
      %dma_wait3A_181 = arith.constant 1152 : i32
      %dma_wait3A_182 = arith.constant 0 : i32
      %dma_wait3A_183 = tpu.memref_slice %arg6[%dma_wait3A_181, %dma_wait3A_182] : memref<2048x16xf32, #tpu.memory_space<vmem>> -> memref<128x16xf32, #tpu.memory_space<vmem>>
      %dma_wait3A_184 = arith.constant 0 : i32
      %dma_wait3A_185 = tpu.memref_slice %arg5[%run_scoped3A_49, %dma_wait3A_184] : memref<79x128xi32, #tpu.memory_space<vmem>> -> memref<1x128xi32, #tpu.memory_space<vmem>>
      %dma_wait3A_186 = tpu.memref_squeeze %dma_wait3A_185 : memref<1x128xi32, #tpu.memory_space<vmem>> -> memref<128xi32, #tpu.memory_space<vmem>>
      %dma_wait3A_187 = arith.constant 0 : i32
      %dma_wait3A_188 = arith.constant 0 : i32
      %dma_wait3A_189 = tpu.memref_slice %arg10[%dma_wait3A_187, %dma_wait3A_188] : memref<65x16xf32, #tpu.memory_space<vmem_shared>> -> memref<65x16xf32, #tpu.memory_space<vmem_shared>>
      tpu.wait_indirect_dma semaphore(%run_scoped3A_171 : memref<!tpu.dma_semaphore, #tpu.memory_space<semaphore_mem>>) src(%dma_wait3A_183 : memref<128x16xf32, #tpu.memory_space<vmem>>) dst(%dma_wait3A_189 : memref<65x16xf32, #tpu.memory_space<vmem_shared>>)
      tpu.yield
    }) : () -> ()
    %run_scoped3A_50 = arith.constant 10 : i32
    "tpu.region"() ({
      %run_scoped3A_171 = tpu.sem_alloc : memref<!tpu.dma_semaphore, #tpu.memory_space<semaphore_mem>>
      %dma_start3A_172 = arith.constant 1280 : i32
      %dma_start3A_173 = arith.constant 0 : i32
      %dma_start3A_174 = tpu.memref_slice %arg6[%dma_start3A_172, %dma_start3A_173] : memref<2048x16xf32, #tpu.memory_space<vmem>> -> memref<128x16xf32, #tpu.memory_space<vmem>>
      %dma_start3A_175 = arith.constant 0 : i32
      %dma_start3A_176 = tpu.memref_slice %arg5[%run_scoped3A_50, %dma_start3A_175] : memref<79x128xi32, #tpu.memory_space<vmem>> -> memref<1x128xi32, #tpu.memory_space<vmem>>
      %dma_start3A_177 = tpu.memref_squeeze %dma_start3A_176 : memref<1x128xi32, #tpu.memory_space<vmem>> -> memref<128xi32, #tpu.memory_space<vmem>>
      %dma_start3A_178 = arith.constant 0 : i32
      %dma_start3A_179 = arith.constant 0 : i32
      %dma_start3A_180 = tpu.memref_slice %arg11[%dma_start3A_178, %dma_start3A_179] : memref<65x16xf32, #tpu.memory_space<vmem_shared>> -> memref<65x16xf32, #tpu.memory_space<vmem_shared>>
      tpu.enqueue_indirect_dma source(%dma_start3A_174 : memref<128x16xf32, #tpu.memory_space<vmem>>) target(%dma_start3A_180 : memref<65x16xf32, #tpu.memory_space<vmem_shared>>) offsets(%dma_start3A_177 : memref<128xi32, #tpu.memory_space<vmem>>) semaphore(%run_scoped3A_171 : memref<!tpu.dma_semaphore, #tpu.memory_space<semaphore_mem>>) {add = true}
      %dma_wait3A_181 = arith.constant 1280 : i32
      %dma_wait3A_182 = arith.constant 0 : i32
      %dma_wait3A_183 = tpu.memref_slice %arg6[%dma_wait3A_181, %dma_wait3A_182] : memref<2048x16xf32, #tpu.memory_space<vmem>> -> memref<128x16xf32, #tpu.memory_space<vmem>>
      %dma_wait3A_184 = arith.constant 0 : i32
      %dma_wait3A_185 = tpu.memref_slice %arg5[%run_scoped3A_50, %dma_wait3A_184] : memref<79x128xi32, #tpu.memory_space<vmem>> -> memref<1x128xi32, #tpu.memory_space<vmem>>
      %dma_wait3A_186 = tpu.memref_squeeze %dma_wait3A_185 : memref<1x128xi32, #tpu.memory_space<vmem>> -> memref<128xi32, #tpu.memory_space<vmem>>
      %dma_wait3A_187 = arith.constant 0 : i32
      %dma_wait3A_188 = arith.constant 0 : i32
      %dma_wait3A_189 = tpu.memref_slice %arg11[%dma_wait3A_187, %dma_wait3A_188] : memref<65x16xf32, #tpu.memory_space<vmem_shared>> -> memref<65x16xf32, #tpu.memory_space<vmem_shared>>
      tpu.wait_indirect_dma semaphore(%run_scoped3A_171 : memref<!tpu.dma_semaphore, #tpu.memory_space<semaphore_mem>>) src(%dma_wait3A_183 : memref<128x16xf32, #tpu.memory_space<vmem>>) dst(%dma_wait3A_189 : memref<65x16xf32, #tpu.memory_space<vmem_shared>>)
      tpu.yield
    }) : () -> ()
    %run_scoped3A_51 = arith.constant 11 : i32
    "tpu.region"() ({
      %run_scoped3A_171 = tpu.sem_alloc : memref<!tpu.dma_semaphore, #tpu.memory_space<semaphore_mem>>
      %dma_start3A_172 = arith.constant 1408 : i32
      %dma_start3A_173 = arith.constant 0 : i32
      %dma_start3A_174 = tpu.memref_slice %arg6[%dma_start3A_172, %dma_start3A_173] : memref<2048x16xf32, #tpu.memory_space<vmem>> -> memref<128x16xf32, #tpu.memory_space<vmem>>
      %dma_start3A_175 = arith.constant 0 : i32
      %dma_start3A_176 = tpu.memref_slice %arg5[%run_scoped3A_51, %dma_start3A_175] : memref<79x128xi32, #tpu.memory_space<vmem>> -> memref<1x128xi32, #tpu.memory_space<vmem>>
      %dma_start3A_177 = tpu.memref_squeeze %dma_start3A_176 : memref<1x128xi32, #tpu.memory_space<vmem>> -> memref<128xi32, #tpu.memory_space<vmem>>
      %dma_start3A_178 = arith.constant 0 : i32
      %dma_start3A_179 = arith.constant 0 : i32
      %dma_start3A_180 = tpu.memref_slice %arg12[%dma_start3A_178, %dma_start3A_179] : memref<65x16xf32, #tpu.memory_space<vmem_shared>> -> memref<65x16xf32, #tpu.memory_space<vmem_shared>>
      tpu.enqueue_indirect_dma source(%dma_start3A_174 : memref<128x16xf32, #tpu.memory_space<vmem>>) target(%dma_start3A_180 : memref<65x16xf32, #tpu.memory_space<vmem_shared>>) offsets(%dma_start3A_177 : memref<128xi32, #tpu.memory_space<vmem>>) semaphore(%run_scoped3A_171 : memref<!tpu.dma_semaphore, #tpu.memory_space<semaphore_mem>>) {add = true}
      %dma_wait3A_181 = arith.constant 1408 : i32
      %dma_wait3A_182 = arith.constant 0 : i32
      %dma_wait3A_183 = tpu.memref_slice %arg6[%dma_wait3A_181, %dma_wait3A_182] : memref<2048x16xf32, #tpu.memory_space<vmem>> -> memref<128x16xf32, #tpu.memory_space<vmem>>
      %dma_wait3A_184 = arith.constant 0 : i32
      %dma_wait3A_185 = tpu.memref_slice %arg5[%run_scoped3A_51, %dma_wait3A_184] : memref<79x128xi32, #tpu.memory_space<vmem>> -> memref<1x128xi32, #tpu.memory_space<vmem>>
      %dma_wait3A_186 = tpu.memref_squeeze %dma_wait3A_185 : memref<1x128xi32, #tpu.memory_space<vmem>> -> memref<128xi32, #tpu.memory_space<vmem>>
      %dma_wait3A_187 = arith.constant 0 : i32
      %dma_wait3A_188 = arith.constant 0 : i32
      %dma_wait3A_189 = tpu.memref_slice %arg12[%dma_wait3A_187, %dma_wait3A_188] : memref<65x16xf32, #tpu.memory_space<vmem_shared>> -> memref<65x16xf32, #tpu.memory_space<vmem_shared>>
      tpu.wait_indirect_dma semaphore(%run_scoped3A_171 : memref<!tpu.dma_semaphore, #tpu.memory_space<semaphore_mem>>) src(%dma_wait3A_183 : memref<128x16xf32, #tpu.memory_space<vmem>>) dst(%dma_wait3A_189 : memref<65x16xf32, #tpu.memory_space<vmem_shared>>)
      tpu.yield
    }) : () -> ()
    %run_scoped3A_52 = arith.constant 12 : i32
    "tpu.region"() ({
      %run_scoped3A_171 = tpu.sem_alloc : memref<!tpu.dma_semaphore, #tpu.memory_space<semaphore_mem>>
      %dma_start3A_172 = arith.constant 1536 : i32
      %dma_start3A_173 = arith.constant 0 : i32
      %dma_start3A_174 = tpu.memref_slice %arg6[%dma_start3A_172, %dma_start3A_173] : memref<2048x16xf32, #tpu.memory_space<vmem>> -> memref<128x16xf32, #tpu.memory_space<vmem>>
      %dma_start3A_175 = arith.constant 0 : i32
      %dma_start3A_176 = tpu.memref_slice %arg5[%run_scoped3A_52, %dma_start3A_175] : memref<79x128xi32, #tpu.memory_space<vmem>> -> memref<1x128xi32, #tpu.memory_space<vmem>>
      %dma_start3A_177 = tpu.memref_squeeze %dma_start3A_176 : memref<1x128xi32, #tpu.memory_space<vmem>> -> memref<128xi32, #tpu.memory_space<vmem>>
      %dma_start3A_178 = arith.constant 0 : i32
      %dma_start3A_179 = arith.constant 0 : i32
      %dma_start3A_180 = tpu.memref_slice %arg9[%dma_start3A_178, %dma_start3A_179] : memref<65x16xf32, #tpu.memory_space<vmem_shared>> -> memref<65x16xf32, #tpu.memory_space<vmem_shared>>
      tpu.enqueue_indirect_dma source(%dma_start3A_174 : memref<128x16xf32, #tpu.memory_space<vmem>>) target(%dma_start3A_180 : memref<65x16xf32, #tpu.memory_space<vmem_shared>>) offsets(%dma_start3A_177 : memref<128xi32, #tpu.memory_space<vmem>>) semaphore(%run_scoped3A_171 : memref<!tpu.dma_semaphore, #tpu.memory_space<semaphore_mem>>) {add = true}
      %dma_wait3A_181 = arith.constant 1536 : i32
      %dma_wait3A_182 = arith.constant 0 : i32
      %dma_wait3A_183 = tpu.memref_slice %arg6[%dma_wait3A_181, %dma_wait3A_182] : memref<2048x16xf32, #tpu.memory_space<vmem>> -> memref<128x16xf32, #tpu.memory_space<vmem>>
      %dma_wait3A_184 = arith.constant 0 : i32
      %dma_wait3A_185 = tpu.memref_slice %arg5[%run_scoped3A_52, %dma_wait3A_184] : memref<79x128xi32, #tpu.memory_space<vmem>> -> memref<1x128xi32, #tpu.memory_space<vmem>>
      %dma_wait3A_186 = tpu.memref_squeeze %dma_wait3A_185 : memref<1x128xi32, #tpu.memory_space<vmem>> -> memref<128xi32, #tpu.memory_space<vmem>>
      %dma_wait3A_187 = arith.constant 0 : i32
      %dma_wait3A_188 = arith.constant 0 : i32
      %dma_wait3A_189 = tpu.memref_slice %arg9[%dma_wait3A_187, %dma_wait3A_188] : memref<65x16xf32, #tpu.memory_space<vmem_shared>> -> memref<65x16xf32, #tpu.memory_space<vmem_shared>>
      tpu.wait_indirect_dma semaphore(%run_scoped3A_171 : memref<!tpu.dma_semaphore, #tpu.memory_space<semaphore_mem>>) src(%dma_wait3A_183 : memref<128x16xf32, #tpu.memory_space<vmem>>) dst(%dma_wait3A_189 : memref<65x16xf32, #tpu.memory_space<vmem_shared>>)
      tpu.yield
    }) : () -> ()
    %run_scoped3A_53 = arith.constant 13 : i32
    "tpu.region"() ({
      %run_scoped3A_171 = tpu.sem_alloc : memref<!tpu.dma_semaphore, #tpu.memory_space<semaphore_mem>>
      %dma_start3A_172 = arith.constant 1664 : i32
      %dma_start3A_173 = arith.constant 0 : i32
      %dma_start3A_174 = tpu.memref_slice %arg6[%dma_start3A_172, %dma_start3A_173] : memref<2048x16xf32, #tpu.memory_space<vmem>> -> memref<128x16xf32, #tpu.memory_space<vmem>>
      %dma_start3A_175 = arith.constant 0 : i32
      %dma_start3A_176 = tpu.memref_slice %arg5[%run_scoped3A_53, %dma_start3A_175] : memref<79x128xi32, #tpu.memory_space<vmem>> -> memref<1x128xi32, #tpu.memory_space<vmem>>
      %dma_start3A_177 = tpu.memref_squeeze %dma_start3A_176 : memref<1x128xi32, #tpu.memory_space<vmem>> -> memref<128xi32, #tpu.memory_space<vmem>>
      %dma_start3A_178 = arith.constant 0 : i32
      %dma_start3A_179 = arith.constant 0 : i32
      %dma_start3A_180 = tpu.memref_slice %arg10[%dma_start3A_178, %dma_start3A_179] : memref<65x16xf32, #tpu.memory_space<vmem_shared>> -> memref<65x16xf32, #tpu.memory_space<vmem_shared>>
      tpu.enqueue_indirect_dma source(%dma_start3A_174 : memref<128x16xf32, #tpu.memory_space<vmem>>) target(%dma_start3A_180 : memref<65x16xf32, #tpu.memory_space<vmem_shared>>) offsets(%dma_start3A_177 : memref<128xi32, #tpu.memory_space<vmem>>) semaphore(%run_scoped3A_171 : memref<!tpu.dma_semaphore, #tpu.memory_space<semaphore_mem>>) {add = true}
      %dma_wait3A_181 = arith.constant 1664 : i32
      %dma_wait3A_182 = arith.constant 0 : i32
      %dma_wait3A_183 = tpu.memref_slice %arg6[%dma_wait3A_181, %dma_wait3A_182] : memref<2048x16xf32, #tpu.memory_space<vmem>> -> memref<128x16xf32, #tpu.memory_space<vmem>>
      %dma_wait3A_184 = arith.constant 0 : i32
      %dma_wait3A_185 = tpu.memref_slice %arg5[%run_scoped3A_53, %dma_wait3A_184] : memref<79x128xi32, #tpu.memory_space<vmem>> -> memref<1x128xi32, #tpu.memory_space<vmem>>
      %dma_wait3A_186 = tpu.memref_squeeze %dma_wait3A_185 : memref<1x128xi32, #tpu.memory_space<vmem>> -> memref<128xi32, #tpu.memory_space<vmem>>
      %dma_wait3A_187 = arith.constant 0 : i32
      %dma_wait3A_188 = arith.constant 0 : i32
      %dma_wait3A_189 = tpu.memref_slice %arg10[%dma_wait3A_187, %dma_wait3A_188] : memref<65x16xf32, #tpu.memory_space<vmem_shared>> -> memref<65x16xf32, #tpu.memory_space<vmem_shared>>
      tpu.wait_indirect_dma semaphore(%run_scoped3A_171 : memref<!tpu.dma_semaphore, #tpu.memory_space<semaphore_mem>>) src(%dma_wait3A_183 : memref<128x16xf32, #tpu.memory_space<vmem>>) dst(%dma_wait3A_189 : memref<65x16xf32, #tpu.memory_space<vmem_shared>>)
      tpu.yield
    }) : () -> ()
    %run_scoped3A_54 = arith.constant 14 : i32
    "tpu.region"() ({
      %run_scoped3A_171 = tpu.sem_alloc : memref<!tpu.dma_semaphore, #tpu.memory_space<semaphore_mem>>
      %dma_start3A_172 = arith.constant 1792 : i32
      %dma_start3A_173 = arith.constant 0 : i32
      %dma_start3A_174 = tpu.memref_slice %arg6[%dma_start3A_172, %dma_start3A_173] : memref<2048x16xf32, #tpu.memory_space<vmem>> -> memref<128x16xf32, #tpu.memory_space<vmem>>
      %dma_start3A_175 = arith.constant 0 : i32
      %dma_start3A_176 = tpu.memref_slice %arg5[%run_scoped3A_54, %dma_start3A_175] : memref<79x128xi32, #tpu.memory_space<vmem>> -> memref<1x128xi32, #tpu.memory_space<vmem>>
      %dma_start3A_177 = tpu.memref_squeeze %dma_start3A_176 : memref<1x128xi32, #tpu.memory_space<vmem>> -> memref<128xi32, #tpu.memory_space<vmem>>
      %dma_start3A_178 = arith.constant 0 : i32
      %dma_start3A_179 = arith.constant 0 : i32
      %dma_start3A_180 = tpu.memref_slice %arg11[%dma_start3A_178, %dma_start3A_179] : memref<65x16xf32, #tpu.memory_space<vmem_shared>> -> memref<65x16xf32, #tpu.memory_space<vmem_shared>>
      tpu.enqueue_indirect_dma source(%dma_start3A_174 : memref<128x16xf32, #tpu.memory_space<vmem>>) target(%dma_start3A_180 : memref<65x16xf32, #tpu.memory_space<vmem_shared>>) offsets(%dma_start3A_177 : memref<128xi32, #tpu.memory_space<vmem>>) semaphore(%run_scoped3A_171 : memref<!tpu.dma_semaphore, #tpu.memory_space<semaphore_mem>>) {add = true}
      %dma_wait3A_181 = arith.constant 1792 : i32
      %dma_wait3A_182 = arith.constant 0 : i32
      %dma_wait3A_183 = tpu.memref_slice %arg6[%dma_wait3A_181, %dma_wait3A_182] : memref<2048x16xf32, #tpu.memory_space<vmem>> -> memref<128x16xf32, #tpu.memory_space<vmem>>
      %dma_wait3A_184 = arith.constant 0 : i32
      %dma_wait3A_185 = tpu.memref_slice %arg5[%run_scoped3A_54, %dma_wait3A_184] : memref<79x128xi32, #tpu.memory_space<vmem>> -> memref<1x128xi32, #tpu.memory_space<vmem>>
      %dma_wait3A_186 = tpu.memref_squeeze %dma_wait3A_185 : memref<1x128xi32, #tpu.memory_space<vmem>> -> memref<128xi32, #tpu.memory_space<vmem>>
      %dma_wait3A_187 = arith.constant 0 : i32
      %dma_wait3A_188 = arith.constant 0 : i32
      %dma_wait3A_189 = tpu.memref_slice %arg11[%dma_wait3A_187, %dma_wait3A_188] : memref<65x16xf32, #tpu.memory_space<vmem_shared>> -> memref<65x16xf32, #tpu.memory_space<vmem_shared>>
      tpu.wait_indirect_dma semaphore(%run_scoped3A_171 : memref<!tpu.dma_semaphore, #tpu.memory_space<semaphore_mem>>) src(%dma_wait3A_183 : memref<128x16xf32, #tpu.memory_space<vmem>>) dst(%dma_wait3A_189 : memref<65x16xf32, #tpu.memory_space<vmem_shared>>)
      tpu.yield
    }) : () -> ()
    %run_scoped3A_55 = arith.constant 15 : i32
    "tpu.region"() ({
      %run_scoped3A_171 = tpu.sem_alloc : memref<!tpu.dma_semaphore, #tpu.memory_space<semaphore_mem>>
      %dma_start3A_172 = arith.constant 1920 : i32
      %dma_start3A_173 = arith.constant 0 : i32
      %dma_start3A_174 = tpu.memref_slice %arg6[%dma_start3A_172, %dma_start3A_173] : memref<2048x16xf32, #tpu.memory_space<vmem>> -> memref<128x16xf32, #tpu.memory_space<vmem>>
      %dma_start3A_175 = arith.constant 0 : i32
      %dma_start3A_176 = tpu.memref_slice %arg5[%run_scoped3A_55, %dma_start3A_175] : memref<79x128xi32, #tpu.memory_space<vmem>> -> memref<1x128xi32, #tpu.memory_space<vmem>>
      %dma_start3A_177 = tpu.memref_squeeze %dma_start3A_176 : memref<1x128xi32, #tpu.memory_space<vmem>> -> memref<128xi32, #tpu.memory_space<vmem>>
      %dma_start3A_178 = arith.constant 0 : i32
      %dma_start3A_179 = arith.constant 0 : i32
      %dma_start3A_180 = tpu.memref_slice %arg12[%dma_start3A_178, %dma_start3A_179] : memref<65x16xf32, #tpu.memory_space<vmem_shared>> -> memref<65x16xf32, #tpu.memory_space<vmem_shared>>
      tpu.enqueue_indirect_dma source(%dma_start3A_174 : memref<128x16xf32, #tpu.memory_space<vmem>>) target(%dma_start3A_180 : memref<65x16xf32, #tpu.memory_space<vmem_shared>>) offsets(%dma_start3A_177 : memref<128xi32, #tpu.memory_space<vmem>>) semaphore(%run_scoped3A_171 : memref<!tpu.dma_semaphore, #tpu.memory_space<semaphore_mem>>) {add = true}
      %dma_wait3A_181 = arith.constant 1920 : i32
      %dma_wait3A_182 = arith.constant 0 : i32
      %dma_wait3A_183 = tpu.memref_slice %arg6[%dma_wait3A_181, %dma_wait3A_182] : memref<2048x16xf32, #tpu.memory_space<vmem>> -> memref<128x16xf32, #tpu.memory_space<vmem>>
      %dma_wait3A_184 = arith.constant 0 : i32
      %dma_wait3A_185 = tpu.memref_slice %arg5[%run_scoped3A_55, %dma_wait3A_184] : memref<79x128xi32, #tpu.memory_space<vmem>> -> memref<1x128xi32, #tpu.memory_space<vmem>>
      %dma_wait3A_186 = tpu.memref_squeeze %dma_wait3A_185 : memref<1x128xi32, #tpu.memory_space<vmem>> -> memref<128xi32, #tpu.memory_space<vmem>>
      %dma_wait3A_187 = arith.constant 0 : i32
      %dma_wait3A_188 = arith.constant 0 : i32
      %dma_wait3A_189 = tpu.memref_slice %arg12[%dma_wait3A_187, %dma_wait3A_188] : memref<65x16xf32, #tpu.memory_space<vmem_shared>> -> memref<65x16xf32, #tpu.memory_space<vmem_shared>>
      tpu.wait_indirect_dma semaphore(%run_scoped3A_171 : memref<!tpu.dma_semaphore, #tpu.memory_space<semaphore_mem>>) src(%dma_wait3A_183 : memref<128x16xf32, #tpu.memory_space<vmem>>) dst(%dma_wait3A_189 : memref<65x16xf32, #tpu.memory_space<vmem_shared>>)
      tpu.yield
    }) : () -> ()
    %dma_wait3A_56 = arith.constant 0 : i32
    %dma_wait3A_57 = tpu.memref_slice %arg2[%add3A_36, %dma_wait3A_56] : memref<320000x16xf32, #tpu.memory_space<hbm>> -> memref<2048x16xf32, #tpu.memory_space<hbm>>
    %dma_wait3A_58 = arith.constant 0 : i32
    %dma_wait3A_59 = tpu.memref_slice %arg2[%add3A_36, %dma_wait3A_58] : memref<320000x16xf32, #tpu.memory_space<hbm>> -> memref<2048x16xf32, #tpu.memory_space<hbm>>
    tpu.wait_dma2 semaphore(%arg15 : memref<!tpu.dma_semaphore, #tpu.memory_space<semaphore_mem>>) src(%dma_wait3A_59 : memref<2048x16xf32, #tpu.memory_space<hbm>>) dst(%arg7 : memref<2048x16xf32, #tpu.memory_space<vmem>>)
    %add3A_60 = arith.constant 4096 : i32
    %add3A_61 = arith.addi %mul3A_2, %add3A_60 : i32
    %dma_start3A_62 = arith.constant 0 : i32
    %dma_start3A_63 = tpu.memref_slice %arg2[%add3A_61, %dma_start3A_62] : memref<320000x16xf32, #tpu.memory_space<hbm>> -> memref<2048x16xf32, #tpu.memory_space<hbm>>
    %dma_start3A_64 = arith.constant 0 : i32
    %dma_start3A_65 = tpu.memref_slice %arg2[%add3A_61, %dma_start3A_64] : memref<320000x16xf32, #tpu.memory_space<hbm>> -> memref<2048x16xf32, #tpu.memory_space<hbm>>
    tpu.enqueue_dma source(%dma_start3A_65 : memref<2048x16xf32, #tpu.memory_space<hbm>>) target(%arg6 : memref<2048x16xf32, #tpu.memory_space<vmem>>) target_semaphore(%arg14 : memref<!tpu.dma_semaphore, #tpu.memory_space<semaphore_mem>>)
    %run_scoped3A_66 = arith.constant 16 : i32
    "tpu.region"() ({
      %run_scoped3A_171 = tpu.sem_alloc : memref<!tpu.dma_semaphore, #tpu.memory_space<semaphore_mem>>
      %dma_start3A_172 = arith.constant 0 : i32
      %dma_start3A_173 = arith.constant 0 : i32
      %dma_start3A_174 = tpu.memref_slice %arg7[%dma_start3A_172, %dma_start3A_173] : memref<2048x16xf32, #tpu.memory_space<vmem>> -> memref<128x16xf32, #tpu.memory_space<vmem>>
      %dma_start3A_175 = arith.constant 0 : i32
      %dma_start3A_176 = tpu.memref_slice %arg5[%run_scoped3A_66, %dma_start3A_175] : memref<79x128xi32, #tpu.memory_space<vmem>> -> memref<1x128xi32, #tpu.memory_space<vmem>>
      %dma_start3A_177 = tpu.memref_squeeze %dma_start3A_176 : memref<1x128xi32, #tpu.memory_space<vmem>> -> memref<128xi32, #tpu.memory_space<vmem>>
      %dma_start3A_178 = arith.constant 0 : i32
      %dma_start3A_179 = arith.constant 0 : i32
      %dma_start3A_180 = tpu.memref_slice %arg9[%dma_start3A_178, %dma_start3A_179] : memref<65x16xf32, #tpu.memory_space<vmem_shared>> -> memref<65x16xf32, #tpu.memory_space<vmem_shared>>
      tpu.enqueue_indirect_dma source(%dma_start3A_174 : memref<128x16xf32, #tpu.memory_space<vmem>>) target(%dma_start3A_180 : memref<65x16xf32, #tpu.memory_space<vmem_shared>>) offsets(%dma_start3A_177 : memref<128xi32, #tpu.memory_space<vmem>>) semaphore(%run_scoped3A_171 : memref<!tpu.dma_semaphore, #tpu.memory_space<semaphore_mem>>) {add = true}
      %dma_wait3A_181 = arith.constant 0 : i32
      %dma_wait3A_182 = arith.constant 0 : i32
      %dma_wait3A_183 = tpu.memref_slice %arg7[%dma_wait3A_181, %dma_wait3A_182] : memref<2048x16xf32, #tpu.memory_space<vmem>> -> memref<128x16xf32, #tpu.memory_space<vmem>>
      %dma_wait3A_184 = arith.constant 0 : i32
      %dma_wait3A_185 = tpu.memref_slice %arg5[%run_scoped3A_66, %dma_wait3A_184] : memref<79x128xi32, #tpu.memory_space<vmem>> -> memref<1x128xi32, #tpu.memory_space<vmem>>
      %dma_wait3A_186 = tpu.memref_squeeze %dma_wait3A_185 : memref<1x128xi32, #tpu.memory_space<vmem>> -> memref<128xi32, #tpu.memory_space<vmem>>
      %dma_wait3A_187 = arith.constant 0 : i32
      %dma_wait3A_188 = arith.constant 0 : i32
      %dma_wait3A_189 = tpu.memref_slice %arg9[%dma_wait3A_187, %dma_wait3A_188] : memref<65x16xf32, #tpu.memory_space<vmem_shared>> -> memref<65x16xf32, #tpu.memory_space<vmem_shared>>
      tpu.wait_indirect_dma semaphore(%run_scoped3A_171 : memref<!tpu.dma_semaphore, #tpu.memory_space<semaphore_mem>>) src(%dma_wait3A_183 : memref<128x16xf32, #tpu.memory_space<vmem>>) dst(%dma_wait3A_189 : memref<65x16xf32, #tpu.memory_space<vmem_shared>>)
      tpu.yield
    }) : () -> ()
    %run_scoped3A_67 = arith.constant 17 : i32
    "tpu.region"() ({
      %run_scoped3A_171 = tpu.sem_alloc : memref<!tpu.dma_semaphore, #tpu.memory_space<semaphore_mem>>
      %dma_start3A_172 = arith.constant 128 : i32
      %dma_start3A_173 = arith.constant 0 : i32
      %dma_start3A_174 = tpu.memref_slice %arg7[%dma_start3A_172, %dma_start3A_173] : memref<2048x16xf32, #tpu.memory_space<vmem>> -> memref<128x16xf32, #tpu.memory_space<vmem>>
      %dma_start3A_175 = arith.constant 0 : i32
      %dma_start3A_176 = tpu.memref_slice %arg5[%run_scoped3A_67, %dma_start3A_175] : memref<79x128xi32, #tpu.memory_space<vmem>> -> memref<1x128xi32, #tpu.memory_space<vmem>>
      %dma_start3A_177 = tpu.memref_squeeze %dma_start3A_176 : memref<1x128xi32, #tpu.memory_space<vmem>> -> memref<128xi32, #tpu.memory_space<vmem>>
      %dma_start3A_178 = arith.constant 0 : i32
      %dma_start3A_179 = arith.constant 0 : i32
      %dma_start3A_180 = tpu.memref_slice %arg10[%dma_start3A_178, %dma_start3A_179] : memref<65x16xf32, #tpu.memory_space<vmem_shared>> -> memref<65x16xf32, #tpu.memory_space<vmem_shared>>
      tpu.enqueue_indirect_dma source(%dma_start3A_174 : memref<128x16xf32, #tpu.memory_space<vmem>>) target(%dma_start3A_180 : memref<65x16xf32, #tpu.memory_space<vmem_shared>>) offsets(%dma_start3A_177 : memref<128xi32, #tpu.memory_space<vmem>>) semaphore(%run_scoped3A_171 : memref<!tpu.dma_semaphore, #tpu.memory_space<semaphore_mem>>) {add = true}
      %dma_wait3A_181 = arith.constant 128 : i32
      %dma_wait3A_182 = arith.constant 0 : i32
      %dma_wait3A_183 = tpu.memref_slice %arg7[%dma_wait3A_181, %dma_wait3A_182] : memref<2048x16xf32, #tpu.memory_space<vmem>> -> memref<128x16xf32, #tpu.memory_space<vmem>>
      %dma_wait3A_184 = arith.constant 0 : i32
      %dma_wait3A_185 = tpu.memref_slice %arg5[%run_scoped3A_67, %dma_wait3A_184] : memref<79x128xi32, #tpu.memory_space<vmem>> -> memref<1x128xi32, #tpu.memory_space<vmem>>
      %dma_wait3A_186 = tpu.memref_squeeze %dma_wait3A_185 : memref<1x128xi32, #tpu.memory_space<vmem>> -> memref<128xi32, #tpu.memory_space<vmem>>
      %dma_wait3A_187 = arith.constant 0 : i32
      %dma_wait3A_188 = arith.constant 0 : i32
      %dma_wait3A_189 = tpu.memref_slice %arg10[%dma_wait3A_187, %dma_wait3A_188] : memref<65x16xf32, #tpu.memory_space<vmem_shared>> -> memref<65x16xf32, #tpu.memory_space<vmem_shared>>
      tpu.wait_indirect_dma semaphore(%run_scoped3A_171 : memref<!tpu.dma_semaphore, #tpu.memory_space<semaphore_mem>>) src(%dma_wait3A_183 : memref<128x16xf32, #tpu.memory_space<vmem>>) dst(%dma_wait3A_189 : memref<65x16xf32, #tpu.memory_space<vmem_shared>>)
      tpu.yield
    }) : () -> ()
    %run_scoped3A_68 = arith.constant 18 : i32
    "tpu.region"() ({
      %run_scoped3A_171 = tpu.sem_alloc : memref<!tpu.dma_semaphore, #tpu.memory_space<semaphore_mem>>
      %dma_start3A_172 = arith.constant 256 : i32
      %dma_start3A_173 = arith.constant 0 : i32
      %dma_start3A_174 = tpu.memref_slice %arg7[%dma_start3A_172, %dma_start3A_173] : memref<2048x16xf32, #tpu.memory_space<vmem>> -> memref<128x16xf32, #tpu.memory_space<vmem>>
      %dma_start3A_175 = arith.constant 0 : i32
      %dma_start3A_176 = tpu.memref_slice %arg5[%run_scoped3A_68, %dma_start3A_175] : memref<79x128xi32, #tpu.memory_space<vmem>> -> memref<1x128xi32, #tpu.memory_space<vmem>>
      %dma_start3A_177 = tpu.memref_squeeze %dma_start3A_176 : memref<1x128xi32, #tpu.memory_space<vmem>> -> memref<128xi32, #tpu.memory_space<vmem>>
      %dma_start3A_178 = arith.constant 0 : i32
      %dma_start3A_179 = arith.constant 0 : i32
      %dma_start3A_180 = tpu.memref_slice %arg11[%dma_start3A_178, %dma_start3A_179] : memref<65x16xf32, #tpu.memory_space<vmem_shared>> -> memref<65x16xf32, #tpu.memory_space<vmem_shared>>
      tpu.enqueue_indirect_dma source(%dma_start3A_174 : memref<128x16xf32, #tpu.memory_space<vmem>>) target(%dma_start3A_180 : memref<65x16xf32, #tpu.memory_space<vmem_shared>>) offsets(%dma_start3A_177 : memref<128xi32, #tpu.memory_space<vmem>>) semaphore(%run_scoped3A_171 : memref<!tpu.dma_semaphore, #tpu.memory_space<semaphore_mem>>) {add = true}
      %dma_wait3A_181 = arith.constant 256 : i32
      %dma_wait3A_182 = arith.constant 0 : i32
      %dma_wait3A_183 = tpu.memref_slice %arg7[%dma_wait3A_181, %dma_wait3A_182] : memref<2048x16xf32, #tpu.memory_space<vmem>> -> memref<128x16xf32, #tpu.memory_space<vmem>>
      %dma_wait3A_184 = arith.constant 0 : i32
      %dma_wait3A_185 = tpu.memref_slice %arg5[%run_scoped3A_68, %dma_wait3A_184] : memref<79x128xi32, #tpu.memory_space<vmem>> -> memref<1x128xi32, #tpu.memory_space<vmem>>
      %dma_wait3A_186 = tpu.memref_squeeze %dma_wait3A_185 : memref<1x128xi32, #tpu.memory_space<vmem>> -> memref<128xi32, #tpu.memory_space<vmem>>
      %dma_wait3A_187 = arith.constant 0 : i32
      %dma_wait3A_188 = arith.constant 0 : i32
      %dma_wait3A_189 = tpu.memref_slice %arg11[%dma_wait3A_187, %dma_wait3A_188] : memref<65x16xf32, #tpu.memory_space<vmem_shared>> -> memref<65x16xf32, #tpu.memory_space<vmem_shared>>
      tpu.wait_indirect_dma semaphore(%run_scoped3A_171 : memref<!tpu.dma_semaphore, #tpu.memory_space<semaphore_mem>>) src(%dma_wait3A_183 : memref<128x16xf32, #tpu.memory_space<vmem>>) dst(%dma_wait3A_189 : memref<65x16xf32, #tpu.memory_space<vmem_shared>>)
      tpu.yield
    }) : () -> ()
    %run_scoped3A_69 = arith.constant 19 : i32
    "tpu.region"() ({
      %run_scoped3A_171 = tpu.sem_alloc : memref<!tpu.dma_semaphore, #tpu.memory_space<semaphore_mem>>
      %dma_start3A_172 = arith.constant 384 : i32
      %dma_start3A_173 = arith.constant 0 : i32
      %dma_start3A_174 = tpu.memref_slice %arg7[%dma_start3A_172, %dma_start3A_173] : memref<2048x16xf32, #tpu.memory_space<vmem>> -> memref<128x16xf32, #tpu.memory_space<vmem>>
      %dma_start3A_175 = arith.constant 0 : i32
      %dma_start3A_176 = tpu.memref_slice %arg5[%run_scoped3A_69, %dma_start3A_175] : memref<79x128xi32, #tpu.memory_space<vmem>> -> memref<1x128xi32, #tpu.memory_space<vmem>>
      %dma_start3A_177 = tpu.memref_squeeze %dma_start3A_176 : memref<1x128xi32, #tpu.memory_space<vmem>> -> memref<128xi32, #tpu.memory_space<vmem>>
      %dma_start3A_178 = arith.constant 0 : i32
      %dma_start3A_179 = arith.constant 0 : i32
      %dma_start3A_180 = tpu.memref_slice %arg12[%dma_start3A_178, %dma_start3A_179] : memref<65x16xf32, #tpu.memory_space<vmem_shared>> -> memref<65x16xf32, #tpu.memory_space<vmem_shared>>
      tpu.enqueue_indirect_dma source(%dma_start3A_174 : memref<128x16xf32, #tpu.memory_space<vmem>>) target(%dma_start3A_180 : memref<65x16xf32, #tpu.memory_space<vmem_shared>>) offsets(%dma_start3A_177 : memref<128xi32, #tpu.memory_space<vmem>>) semaphore(%run_scoped3A_171 : memref<!tpu.dma_semaphore, #tpu.memory_space<semaphore_mem>>) {add = true}
      %dma_wait3A_181 = arith.constant 384 : i32
      %dma_wait3A_182 = arith.constant 0 : i32
      %dma_wait3A_183 = tpu.memref_slice %arg7[%dma_wait3A_181, %dma_wait3A_182] : memref<2048x16xf32, #tpu.memory_space<vmem>> -> memref<128x16xf32, #tpu.memory_space<vmem>>
      %dma_wait3A_184 = arith.constant 0 : i32
      %dma_wait3A_185 = tpu.memref_slice %arg5[%run_scoped3A_69, %dma_wait3A_184] : memref<79x128xi32, #tpu.memory_space<vmem>> -> memref<1x128xi32, #tpu.memory_space<vmem>>
      %dma_wait3A_186 = tpu.memref_squeeze %dma_wait3A_185 : memref<1x128xi32, #tpu.memory_space<vmem>> -> memref<128xi32, #tpu.memory_space<vmem>>
      %dma_wait3A_187 = arith.constant 0 : i32
      %dma_wait3A_188 = arith.constant 0 : i32
      %dma_wait3A_189 = tpu.memref_slice %arg12[%dma_wait3A_187, %dma_wait3A_188] : memref<65x16xf32, #tpu.memory_space<vmem_shared>> -> memref<65x16xf32, #tpu.memory_space<vmem_shared>>
      tpu.wait_indirect_dma semaphore(%run_scoped3A_171 : memref<!tpu.dma_semaphore, #tpu.memory_space<semaphore_mem>>) src(%dma_wait3A_183 : memref<128x16xf32, #tpu.memory_space<vmem>>) dst(%dma_wait3A_189 : memref<65x16xf32, #tpu.memory_space<vmem_shared>>)
      tpu.yield
    }) : () -> ()
    %run_scoped3A_70 = arith.constant 20 : i32
    "tpu.region"() ({
      %run_scoped3A_171 = tpu.sem_alloc : memref<!tpu.dma_semaphore, #tpu.memory_space<semaphore_mem>>
      %dma_start3A_172 = arith.constant 512 : i32
      %dma_start3A_173 = arith.constant 0 : i32
      %dma_start3A_174 = tpu.memref_slice %arg7[%dma_start3A_172, %dma_start3A_173] : memref<2048x16xf32, #tpu.memory_space<vmem>> -> memref<128x16xf32, #tpu.memory_space<vmem>>
      %dma_start3A_175 = arith.constant 0 : i32
      %dma_start3A_176 = tpu.memref_slice %arg5[%run_scoped3A_70, %dma_start3A_175] : memref<79x128xi32, #tpu.memory_space<vmem>> -> memref<1x128xi32, #tpu.memory_space<vmem>>
      %dma_start3A_177 = tpu.memref_squeeze %dma_start3A_176 : memref<1x128xi32, #tpu.memory_space<vmem>> -> memref<128xi32, #tpu.memory_space<vmem>>
      %dma_start3A_178 = arith.constant 0 : i32
      %dma_start3A_179 = arith.constant 0 : i32
      %dma_start3A_180 = tpu.memref_slice %arg9[%dma_start3A_178, %dma_start3A_179] : memref<65x16xf32, #tpu.memory_space<vmem_shared>> -> memref<65x16xf32, #tpu.memory_space<vmem_shared>>
      tpu.enqueue_indirect_dma source(%dma_start3A_174 : memref<128x16xf32, #tpu.memory_space<vmem>>) target(%dma_start3A_180 : memref<65x16xf32, #tpu.memory_space<vmem_shared>>) offsets(%dma_start3A_177 : memref<128xi32, #tpu.memory_space<vmem>>) semaphore(%run_scoped3A_171 : memref<!tpu.dma_semaphore, #tpu.memory_space<semaphore_mem>>) {add = true}
      %dma_wait3A_181 = arith.constant 512 : i32
      %dma_wait3A_182 = arith.constant 0 : i32
      %dma_wait3A_183 = tpu.memref_slice %arg7[%dma_wait3A_181, %dma_wait3A_182] : memref<2048x16xf32, #tpu.memory_space<vmem>> -> memref<128x16xf32, #tpu.memory_space<vmem>>
      %dma_wait3A_184 = arith.constant 0 : i32
      %dma_wait3A_185 = tpu.memref_slice %arg5[%run_scoped3A_70, %dma_wait3A_184] : memref<79x128xi32, #tpu.memory_space<vmem>> -> memref<1x128xi32, #tpu.memory_space<vmem>>
      %dma_wait3A_186 = tpu.memref_squeeze %dma_wait3A_185 : memref<1x128xi32, #tpu.memory_space<vmem>> -> memref<128xi32, #tpu.memory_space<vmem>>
      %dma_wait3A_187 = arith.constant 0 : i32
      %dma_wait3A_188 = arith.constant 0 : i32
      %dma_wait3A_189 = tpu.memref_slice %arg9[%dma_wait3A_187, %dma_wait3A_188] : memref<65x16xf32, #tpu.memory_space<vmem_shared>> -> memref<65x16xf32, #tpu.memory_space<vmem_shared>>
      tpu.wait_indirect_dma semaphore(%run_scoped3A_171 : memref<!tpu.dma_semaphore, #tpu.memory_space<semaphore_mem>>) src(%dma_wait3A_183 : memref<128x16xf32, #tpu.memory_space<vmem>>) dst(%dma_wait3A_189 : memref<65x16xf32, #tpu.memory_space<vmem_shared>>)
      tpu.yield
    }) : () -> ()
    %run_scoped3A_71 = arith.constant 21 : i32
    "tpu.region"() ({
      %run_scoped3A_171 = tpu.sem_alloc : memref<!tpu.dma_semaphore, #tpu.memory_space<semaphore_mem>>
      %dma_start3A_172 = arith.constant 640 : i32
      %dma_start3A_173 = arith.constant 0 : i32
      %dma_start3A_174 = tpu.memref_slice %arg7[%dma_start3A_172, %dma_start3A_173] : memref<2048x16xf32, #tpu.memory_space<vmem>> -> memref<128x16xf32, #tpu.memory_space<vmem>>
      %dma_start3A_175 = arith.constant 0 : i32
      %dma_start3A_176 = tpu.memref_slice %arg5[%run_scoped3A_71, %dma_start3A_175] : memref<79x128xi32, #tpu.memory_space<vmem>> -> memref<1x128xi32, #tpu.memory_space<vmem>>
      %dma_start3A_177 = tpu.memref_squeeze %dma_start3A_176 : memref<1x128xi32, #tpu.memory_space<vmem>> -> memref<128xi32, #tpu.memory_space<vmem>>
      %dma_start3A_178 = arith.constant 0 : i32
      %dma_start3A_179 = arith.constant 0 : i32
      %dma_start3A_180 = tpu.memref_slice %arg10[%dma_start3A_178, %dma_start3A_179] : memref<65x16xf32, #tpu.memory_space<vmem_shared>> -> memref<65x16xf32, #tpu.memory_space<vmem_shared>>
      tpu.enqueue_indirect_dma source(%dma_start3A_174 : memref<128x16xf32, #tpu.memory_space<vmem>>) target(%dma_start3A_180 : memref<65x16xf32, #tpu.memory_space<vmem_shared>>) offsets(%dma_start3A_177 : memref<128xi32, #tpu.memory_space<vmem>>) semaphore(%run_scoped3A_171 : memref<!tpu.dma_semaphore, #tpu.memory_space<semaphore_mem>>) {add = true}
      %dma_wait3A_181 = arith.constant 640 : i32
      %dma_wait3A_182 = arith.constant 0 : i32
      %dma_wait3A_183 = tpu.memref_slice %arg7[%dma_wait3A_181, %dma_wait3A_182] : memref<2048x16xf32, #tpu.memory_space<vmem>> -> memref<128x16xf32, #tpu.memory_space<vmem>>
      %dma_wait3A_184 = arith.constant 0 : i32
      %dma_wait3A_185 = tpu.memref_slice %arg5[%run_scoped3A_71, %dma_wait3A_184] : memref<79x128xi32, #tpu.memory_space<vmem>> -> memref<1x128xi32, #tpu.memory_space<vmem>>
      %dma_wait3A_186 = tpu.memref_squeeze %dma_wait3A_185 : memref<1x128xi32, #tpu.memory_space<vmem>> -> memref<128xi32, #tpu.memory_space<vmem>>
      %dma_wait3A_187 = arith.constant 0 : i32
      %dma_wait3A_188 = arith.constant 0 : i32
      %dma_wait3A_189 = tpu.memref_slice %arg10[%dma_wait3A_187, %dma_wait3A_188] : memref<65x16xf32, #tpu.memory_space<vmem_shared>> -> memref<65x16xf32, #tpu.memory_space<vmem_shared>>
      tpu.wait_indirect_dma semaphore(%run_scoped3A_171 : memref<!tpu.dma_semaphore, #tpu.memory_space<semaphore_mem>>) src(%dma_wait3A_183 : memref<128x16xf32, #tpu.memory_space<vmem>>) dst(%dma_wait3A_189 : memref<65x16xf32, #tpu.memory_space<vmem_shared>>)
      tpu.yield
    }) : () -> ()
    %run_scoped3A_72 = arith.constant 22 : i32
    "tpu.region"() ({
      %run_scoped3A_171 = tpu.sem_alloc : memref<!tpu.dma_semaphore, #tpu.memory_space<semaphore_mem>>
      %dma_start3A_172 = arith.constant 768 : i32
      %dma_start3A_173 = arith.constant 0 : i32
      %dma_start3A_174 = tpu.memref_slice %arg7[%dma_start3A_172, %dma_start3A_173] : memref<2048x16xf32, #tpu.memory_space<vmem>> -> memref<128x16xf32, #tpu.memory_space<vmem>>
      %dma_start3A_175 = arith.constant 0 : i32
      %dma_start3A_176 = tpu.memref_slice %arg5[%run_scoped3A_72, %dma_start3A_175] : memref<79x128xi32, #tpu.memory_space<vmem>> -> memref<1x128xi32, #tpu.memory_space<vmem>>
      %dma_start3A_177 = tpu.memref_squeeze %dma_start3A_176 : memref<1x128xi32, #tpu.memory_space<vmem>> -> memref<128xi32, #tpu.memory_space<vmem>>
      %dma_start3A_178 = arith.constant 0 : i32
      %dma_start3A_179 = arith.constant 0 : i32
      %dma_start3A_180 = tpu.memref_slice %arg11[%dma_start3A_178, %dma_start3A_179] : memref<65x16xf32, #tpu.memory_space<vmem_shared>> -> memref<65x16xf32, #tpu.memory_space<vmem_shared>>
      tpu.enqueue_indirect_dma source(%dma_start3A_174 : memref<128x16xf32, #tpu.memory_space<vmem>>) target(%dma_start3A_180 : memref<65x16xf32, #tpu.memory_space<vmem_shared>>) offsets(%dma_start3A_177 : memref<128xi32, #tpu.memory_space<vmem>>) semaphore(%run_scoped3A_171 : memref<!tpu.dma_semaphore, #tpu.memory_space<semaphore_mem>>) {add = true}
      %dma_wait3A_181 = arith.constant 768 : i32
      %dma_wait3A_182 = arith.constant 0 : i32
      %dma_wait3A_183 = tpu.memref_slice %arg7[%dma_wait3A_181, %dma_wait3A_182] : memref<2048x16xf32, #tpu.memory_space<vmem>> -> memref<128x16xf32, #tpu.memory_space<vmem>>
      %dma_wait3A_184 = arith.constant 0 : i32
      %dma_wait3A_185 = tpu.memref_slice %arg5[%run_scoped3A_72, %dma_wait3A_184] : memref<79x128xi32, #tpu.memory_space<vmem>> -> memref<1x128xi32, #tpu.memory_space<vmem>>
      %dma_wait3A_186 = tpu.memref_squeeze %dma_wait3A_185 : memref<1x128xi32, #tpu.memory_space<vmem>> -> memref<128xi32, #tpu.memory_space<vmem>>
      %dma_wait3A_187 = arith.constant 0 : i32
      %dma_wait3A_188 = arith.constant 0 : i32
      %dma_wait3A_189 = tpu.memref_slice %arg11[%dma_wait3A_187, %dma_wait3A_188] : memref<65x16xf32, #tpu.memory_space<vmem_shared>> -> memref<65x16xf32, #tpu.memory_space<vmem_shared>>
      tpu.wait_indirect_dma semaphore(%run_scoped3A_171 : memref<!tpu.dma_semaphore, #tpu.memory_space<semaphore_mem>>) src(%dma_wait3A_183 : memref<128x16xf32, #tpu.memory_space<vmem>>) dst(%dma_wait3A_189 : memref<65x16xf32, #tpu.memory_space<vmem_shared>>)
      tpu.yield
    }) : () -> ()
    %run_scoped3A_73 = arith.constant 23 : i32
    "tpu.region"() ({
      %run_scoped3A_171 = tpu.sem_alloc : memref<!tpu.dma_semaphore, #tpu.memory_space<semaphore_mem>>
      %dma_start3A_172 = arith.constant 896 : i32
      %dma_start3A_173 = arith.constant 0 : i32
      %dma_start3A_174 = tpu.memref_slice %arg7[%dma_start3A_172, %dma_start3A_173] : memref<2048x16xf32, #tpu.memory_space<vmem>> -> memref<128x16xf32, #tpu.memory_space<vmem>>
      %dma_start3A_175 = arith.constant 0 : i32
      %dma_start3A_176 = tpu.memref_slice %arg5[%run_scoped3A_73, %dma_start3A_175] : memref<79x128xi32, #tpu.memory_space<vmem>> -> memref<1x128xi32, #tpu.memory_space<vmem>>
      %dma_start3A_177 = tpu.memref_squeeze %dma_start3A_176 : memref<1x128xi32, #tpu.memory_space<vmem>> -> memref<128xi32, #tpu.memory_space<vmem>>
      %dma_start3A_178 = arith.constant 0 : i32
      %dma_start3A_179 = arith.constant 0 : i32
      %dma_start3A_180 = tpu.memref_slice %arg12[%dma_start3A_178, %dma_start3A_179] : memref<65x16xf32, #tpu.memory_space<vmem_shared>> -> memref<65x16xf32, #tpu.memory_space<vmem_shared>>
      tpu.enqueue_indirect_dma source(%dma_start3A_174 : memref<128x16xf32, #tpu.memory_space<vmem>>) target(%dma_start3A_180 : memref<65x16xf32, #tpu.memory_space<vmem_shared>>) offsets(%dma_start3A_177 : memref<128xi32, #tpu.memory_space<vmem>>) semaphore(%run_scoped3A_171 : memref<!tpu.dma_semaphore, #tpu.memory_space<semaphore_mem>>) {add = true}
      %dma_wait3A_181 = arith.constant 896 : i32
      %dma_wait3A_182 = arith.constant 0 : i32
      %dma_wait3A_183 = tpu.memref_slice %arg7[%dma_wait3A_181, %dma_wait3A_182] : memref<2048x16xf32, #tpu.memory_space<vmem>> -> memref<128x16xf32, #tpu.memory_space<vmem>>
      %dma_wait3A_184 = arith.constant 0 : i32
      %dma_wait3A_185 = tpu.memref_slice %arg5[%run_scoped3A_73, %dma_wait3A_184] : memref<79x128xi32, #tpu.memory_space<vmem>> -> memref<1x128xi32, #tpu.memory_space<vmem>>
      %dma_wait3A_186 = tpu.memref_squeeze %dma_wait3A_185 : memref<1x128xi32, #tpu.memory_space<vmem>> -> memref<128xi32, #tpu.memory_space<vmem>>
      %dma_wait3A_187 = arith.constant 0 : i32
      %dma_wait3A_188 = arith.constant 0 : i32
      %dma_wait3A_189 = tpu.memref_slice %arg12[%dma_wait3A_187, %dma_wait3A_188] : memref<65x16xf32, #tpu.memory_space<vmem_shared>> -> memref<65x16xf32, #tpu.memory_space<vmem_shared>>
      tpu.wait_indirect_dma semaphore(%run_scoped3A_171 : memref<!tpu.dma_semaphore, #tpu.memory_space<semaphore_mem>>) src(%dma_wait3A_183 : memref<128x16xf32, #tpu.memory_space<vmem>>) dst(%dma_wait3A_189 : memref<65x16xf32, #tpu.memory_space<vmem_shared>>)
      tpu.yield
    }) : () -> ()
    %run_scoped3A_74 = arith.constant 24 : i32
    "tpu.region"() ({
      %run_scoped3A_171 = tpu.sem_alloc : memref<!tpu.dma_semaphore, #tpu.memory_space<semaphore_mem>>
      %dma_start3A_172 = arith.constant 1024 : i32
      %dma_start3A_173 = arith.constant 0 : i32
      %dma_start3A_174 = tpu.memref_slice %arg7[%dma_start3A_172, %dma_start3A_173] : memref<2048x16xf32, #tpu.memory_space<vmem>> -> memref<128x16xf32, #tpu.memory_space<vmem>>
      %dma_start3A_175 = arith.constant 0 : i32
      %dma_start3A_176 = tpu.memref_slice %arg5[%run_scoped3A_74, %dma_start3A_175] : memref<79x128xi32, #tpu.memory_space<vmem>> -> memref<1x128xi32, #tpu.memory_space<vmem>>
      %dma_start3A_177 = tpu.memref_squeeze %dma_start3A_176 : memref<1x128xi32, #tpu.memory_space<vmem>> -> memref<128xi32, #tpu.memory_space<vmem>>
      %dma_start3A_178 = arith.constant 0 : i32
      %dma_start3A_179 = arith.constant 0 : i32
      %dma_start3A_180 = tpu.memref_slice %arg9[%dma_start3A_178, %dma_start3A_179] : memref<65x16xf32, #tpu.memory_space<vmem_shared>> -> memref<65x16xf32, #tpu.memory_space<vmem_shared>>
      tpu.enqueue_indirect_dma source(%dma_start3A_174 : memref<128x16xf32, #tpu.memory_space<vmem>>) target(%dma_start3A_180 : memref<65x16xf32, #tpu.memory_space<vmem_shared>>) offsets(%dma_start3A_177 : memref<128xi32, #tpu.memory_space<vmem>>) semaphore(%run_scoped3A_171 : memref<!tpu.dma_semaphore, #tpu.memory_space<semaphore_mem>>) {add = true}
      %dma_wait3A_181 = arith.constant 1024 : i32
      %dma_wait3A_182 = arith.constant 0 : i32
      %dma_wait3A_183 = tpu.memref_slice %arg7[%dma_wait3A_181, %dma_wait3A_182] : memref<2048x16xf32, #tpu.memory_space<vmem>> -> memref<128x16xf32, #tpu.memory_space<vmem>>
      %dma_wait3A_184 = arith.constant 0 : i32
      %dma_wait3A_185 = tpu.memref_slice %arg5[%run_scoped3A_74, %dma_wait3A_184] : memref<79x128xi32, #tpu.memory_space<vmem>> -> memref<1x128xi32, #tpu.memory_space<vmem>>
      %dma_wait3A_186 = tpu.memref_squeeze %dma_wait3A_185 : memref<1x128xi32, #tpu.memory_space<vmem>> -> memref<128xi32, #tpu.memory_space<vmem>>
      %dma_wait3A_187 = arith.constant 0 : i32
      %dma_wait3A_188 = arith.constant 0 : i32
      %dma_wait3A_189 = tpu.memref_slice %arg9[%dma_wait3A_187, %dma_wait3A_188] : memref<65x16xf32, #tpu.memory_space<vmem_shared>> -> memref<65x16xf32, #tpu.memory_space<vmem_shared>>
      tpu.wait_indirect_dma semaphore(%run_scoped3A_171 : memref<!tpu.dma_semaphore, #tpu.memory_space<semaphore_mem>>) src(%dma_wait3A_183 : memref<128x16xf32, #tpu.memory_space<vmem>>) dst(%dma_wait3A_189 : memref<65x16xf32, #tpu.memory_space<vmem_shared>>)
      tpu.yield
    }) : () -> ()
    %run_scoped3A_75 = arith.constant 25 : i32
    "tpu.region"() ({
      %run_scoped3A_171 = tpu.sem_alloc : memref<!tpu.dma_semaphore, #tpu.memory_space<semaphore_mem>>
      %dma_start3A_172 = arith.constant 1152 : i32
      %dma_start3A_173 = arith.constant 0 : i32
      %dma_start3A_174 = tpu.memref_slice %arg7[%dma_start3A_172, %dma_start3A_173] : memref<2048x16xf32, #tpu.memory_space<vmem>> -> memref<128x16xf32, #tpu.memory_space<vmem>>
      %dma_start3A_175 = arith.constant 0 : i32
      %dma_start3A_176 = tpu.memref_slice %arg5[%run_scoped3A_75, %dma_start3A_175] : memref<79x128xi32, #tpu.memory_space<vmem>> -> memref<1x128xi32, #tpu.memory_space<vmem>>
      %dma_start3A_177 = tpu.memref_squeeze %dma_start3A_176 : memref<1x128xi32, #tpu.memory_space<vmem>> -> memref<128xi32, #tpu.memory_space<vmem>>
      %dma_start3A_178 = arith.constant 0 : i32
      %dma_start3A_179 = arith.constant 0 : i32
      %dma_start3A_180 = tpu.memref_slice %arg10[%dma_start3A_178, %dma_start3A_179] : memref<65x16xf32, #tpu.memory_space<vmem_shared>> -> memref<65x16xf32, #tpu.memory_space<vmem_shared>>
      tpu.enqueue_indirect_dma source(%dma_start3A_174 : memref<128x16xf32, #tpu.memory_space<vmem>>) target(%dma_start3A_180 : memref<65x16xf32, #tpu.memory_space<vmem_shared>>) offsets(%dma_start3A_177 : memref<128xi32, #tpu.memory_space<vmem>>) semaphore(%run_scoped3A_171 : memref<!tpu.dma_semaphore, #tpu.memory_space<semaphore_mem>>) {add = true}
      %dma_wait3A_181 = arith.constant 1152 : i32
      %dma_wait3A_182 = arith.constant 0 : i32
      %dma_wait3A_183 = tpu.memref_slice %arg7[%dma_wait3A_181, %dma_wait3A_182] : memref<2048x16xf32, #tpu.memory_space<vmem>> -> memref<128x16xf32, #tpu.memory_space<vmem>>
      %dma_wait3A_184 = arith.constant 0 : i32
      %dma_wait3A_185 = tpu.memref_slice %arg5[%run_scoped3A_75, %dma_wait3A_184] : memref<79x128xi32, #tpu.memory_space<vmem>> -> memref<1x128xi32, #tpu.memory_space<vmem>>
      %dma_wait3A_186 = tpu.memref_squeeze %dma_wait3A_185 : memref<1x128xi32, #tpu.memory_space<vmem>> -> memref<128xi32, #tpu.memory_space<vmem>>
      %dma_wait3A_187 = arith.constant 0 : i32
      %dma_wait3A_188 = arith.constant 0 : i32
      %dma_wait3A_189 = tpu.memref_slice %arg10[%dma_wait3A_187, %dma_wait3A_188] : memref<65x16xf32, #tpu.memory_space<vmem_shared>> -> memref<65x16xf32, #tpu.memory_space<vmem_shared>>
      tpu.wait_indirect_dma semaphore(%run_scoped3A_171 : memref<!tpu.dma_semaphore, #tpu.memory_space<semaphore_mem>>) src(%dma_wait3A_183 : memref<128x16xf32, #tpu.memory_space<vmem>>) dst(%dma_wait3A_189 : memref<65x16xf32, #tpu.memory_space<vmem_shared>>)
      tpu.yield
    }) : () -> ()
    %run_scoped3A_76 = arith.constant 26 : i32
    "tpu.region"() ({
      %run_scoped3A_171 = tpu.sem_alloc : memref<!tpu.dma_semaphore, #tpu.memory_space<semaphore_mem>>
      %dma_start3A_172 = arith.constant 1280 : i32
      %dma_start3A_173 = arith.constant 0 : i32
      %dma_start3A_174 = tpu.memref_slice %arg7[%dma_start3A_172, %dma_start3A_173] : memref<2048x16xf32, #tpu.memory_space<vmem>> -> memref<128x16xf32, #tpu.memory_space<vmem>>
      %dma_start3A_175 = arith.constant 0 : i32
      %dma_start3A_176 = tpu.memref_slice %arg5[%run_scoped3A_76, %dma_start3A_175] : memref<79x128xi32, #tpu.memory_space<vmem>> -> memref<1x128xi32, #tpu.memory_space<vmem>>
      %dma_start3A_177 = tpu.memref_squeeze %dma_start3A_176 : memref<1x128xi32, #tpu.memory_space<vmem>> -> memref<128xi32, #tpu.memory_space<vmem>>
      %dma_start3A_178 = arith.constant 0 : i32
      %dma_start3A_179 = arith.constant 0 : i32
      %dma_start3A_180 = tpu.memref_slice %arg11[%dma_start3A_178, %dma_start3A_179] : memref<65x16xf32, #tpu.memory_space<vmem_shared>> -> memref<65x16xf32, #tpu.memory_space<vmem_shared>>
      tpu.enqueue_indirect_dma source(%dma_start3A_174 : memref<128x16xf32, #tpu.memory_space<vmem>>) target(%dma_start3A_180 : memref<65x16xf32, #tpu.memory_space<vmem_shared>>) offsets(%dma_start3A_177 : memref<128xi32, #tpu.memory_space<vmem>>) semaphore(%run_scoped3A_171 : memref<!tpu.dma_semaphore, #tpu.memory_space<semaphore_mem>>) {add = true}
      %dma_wait3A_181 = arith.constant 1280 : i32
      %dma_wait3A_182 = arith.constant 0 : i32
      %dma_wait3A_183 = tpu.memref_slice %arg7[%dma_wait3A_181, %dma_wait3A_182] : memref<2048x16xf32, #tpu.memory_space<vmem>> -> memref<128x16xf32, #tpu.memory_space<vmem>>
      %dma_wait3A_184 = arith.constant 0 : i32
      %dma_wait3A_185 = tpu.memref_slice %arg5[%run_scoped3A_76, %dma_wait3A_184] : memref<79x128xi32, #tpu.memory_space<vmem>> -> memref<1x128xi32, #tpu.memory_space<vmem>>
      %dma_wait3A_186 = tpu.memref_squeeze %dma_wait3A_185 : memref<1x128xi32, #tpu.memory_space<vmem>> -> memref<128xi32, #tpu.memory_space<vmem>>
      %dma_wait3A_187 = arith.constant 0 : i32
      %dma_wait3A_188 = arith.constant 0 : i32
      %dma_wait3A_189 = tpu.memref_slice %arg11[%dma_wait3A_187, %dma_wait3A_188] : memref<65x16xf32, #tpu.memory_space<vmem_shared>> -> memref<65x16xf32, #tpu.memory_space<vmem_shared>>
      tpu.wait_indirect_dma semaphore(%run_scoped3A_171 : memref<!tpu.dma_semaphore, #tpu.memory_space<semaphore_mem>>) src(%dma_wait3A_183 : memref<128x16xf32, #tpu.memory_space<vmem>>) dst(%dma_wait3A_189 : memref<65x16xf32, #tpu.memory_space<vmem_shared>>)
      tpu.yield
    }) : () -> ()
    %run_scoped3A_77 = arith.constant 27 : i32
    "tpu.region"() ({
      %run_scoped3A_171 = tpu.sem_alloc : memref<!tpu.dma_semaphore, #tpu.memory_space<semaphore_mem>>
      %dma_start3A_172 = arith.constant 1408 : i32
      %dma_start3A_173 = arith.constant 0 : i32
      %dma_start3A_174 = tpu.memref_slice %arg7[%dma_start3A_172, %dma_start3A_173] : memref<2048x16xf32, #tpu.memory_space<vmem>> -> memref<128x16xf32, #tpu.memory_space<vmem>>
      %dma_start3A_175 = arith.constant 0 : i32
      %dma_start3A_176 = tpu.memref_slice %arg5[%run_scoped3A_77, %dma_start3A_175] : memref<79x128xi32, #tpu.memory_space<vmem>> -> memref<1x128xi32, #tpu.memory_space<vmem>>
      %dma_start3A_177 = tpu.memref_squeeze %dma_start3A_176 : memref<1x128xi32, #tpu.memory_space<vmem>> -> memref<128xi32, #tpu.memory_space<vmem>>
      %dma_start3A_178 = arith.constant 0 : i32
      %dma_start3A_179 = arith.constant 0 : i32
      %dma_start3A_180 = tpu.memref_slice %arg12[%dma_start3A_178, %dma_start3A_179] : memref<65x16xf32, #tpu.memory_space<vmem_shared>> -> memref<65x16xf32, #tpu.memory_space<vmem_shared>>
      tpu.enqueue_indirect_dma source(%dma_start3A_174 : memref<128x16xf32, #tpu.memory_space<vmem>>) target(%dma_start3A_180 : memref<65x16xf32, #tpu.memory_space<vmem_shared>>) offsets(%dma_start3A_177 : memref<128xi32, #tpu.memory_space<vmem>>) semaphore(%run_scoped3A_171 : memref<!tpu.dma_semaphore, #tpu.memory_space<semaphore_mem>>) {add = true}
      %dma_wait3A_181 = arith.constant 1408 : i32
      %dma_wait3A_182 = arith.constant 0 : i32
      %dma_wait3A_183 = tpu.memref_slice %arg7[%dma_wait3A_181, %dma_wait3A_182] : memref<2048x16xf32, #tpu.memory_space<vmem>> -> memref<128x16xf32, #tpu.memory_space<vmem>>
      %dma_wait3A_184 = arith.constant 0 : i32
      %dma_wait3A_185 = tpu.memref_slice %arg5[%run_scoped3A_77, %dma_wait3A_184] : memref<79x128xi32, #tpu.memory_space<vmem>> -> memref<1x128xi32, #tpu.memory_space<vmem>>
      %dma_wait3A_186 = tpu.memref_squeeze %dma_wait3A_185 : memref<1x128xi32, #tpu.memory_space<vmem>> -> memref<128xi32, #tpu.memory_space<vmem>>
      %dma_wait3A_187 = arith.constant 0 : i32
      %dma_wait3A_188 = arith.constant 0 : i32
      %dma_wait3A_189 = tpu.memref_slice %arg12[%dma_wait3A_187, %dma_wait3A_188] : memref<65x16xf32, #tpu.memory_space<vmem_shared>> -> memref<65x16xf32, #tpu.memory_space<vmem_shared>>
      tpu.wait_indirect_dma semaphore(%run_scoped3A_171 : memref<!tpu.dma_semaphore, #tpu.memory_space<semaphore_mem>>) src(%dma_wait3A_183 : memref<128x16xf32, #tpu.memory_space<vmem>>) dst(%dma_wait3A_189 : memref<65x16xf32, #tpu.memory_space<vmem_shared>>)
      tpu.yield
    }) : () -> ()
    %run_scoped3A_78 = arith.constant 28 : i32
    "tpu.region"() ({
      %run_scoped3A_171 = tpu.sem_alloc : memref<!tpu.dma_semaphore, #tpu.memory_space<semaphore_mem>>
      %dma_start3A_172 = arith.constant 1536 : i32
      %dma_start3A_173 = arith.constant 0 : i32
      %dma_start3A_174 = tpu.memref_slice %arg7[%dma_start3A_172, %dma_start3A_173] : memref<2048x16xf32, #tpu.memory_space<vmem>> -> memref<128x16xf32, #tpu.memory_space<vmem>>
      %dma_start3A_175 = arith.constant 0 : i32
      %dma_start3A_176 = tpu.memref_slice %arg5[%run_scoped3A_78, %dma_start3A_175] : memref<79x128xi32, #tpu.memory_space<vmem>> -> memref<1x128xi32, #tpu.memory_space<vmem>>
      %dma_start3A_177 = tpu.memref_squeeze %dma_start3A_176 : memref<1x128xi32, #tpu.memory_space<vmem>> -> memref<128xi32, #tpu.memory_space<vmem>>
      %dma_start3A_178 = arith.constant 0 : i32
      %dma_start3A_179 = arith.constant 0 : i32
      %dma_start3A_180 = tpu.memref_slice %arg9[%dma_start3A_178, %dma_start3A_179] : memref<65x16xf32, #tpu.memory_space<vmem_shared>> -> memref<65x16xf32, #tpu.memory_space<vmem_shared>>
      tpu.enqueue_indirect_dma source(%dma_start3A_174 : memref<128x16xf32, #tpu.memory_space<vmem>>) target(%dma_start3A_180 : memref<65x16xf32, #tpu.memory_space<vmem_shared>>) offsets(%dma_start3A_177 : memref<128xi32, #tpu.memory_space<vmem>>) semaphore(%run_scoped3A_171 : memref<!tpu.dma_semaphore, #tpu.memory_space<semaphore_mem>>) {add = true}
      %dma_wait3A_181 = arith.constant 1536 : i32
      %dma_wait3A_182 = arith.constant 0 : i32
      %dma_wait3A_183 = tpu.memref_slice %arg7[%dma_wait3A_181, %dma_wait3A_182] : memref<2048x16xf32, #tpu.memory_space<vmem>> -> memref<128x16xf32, #tpu.memory_space<vmem>>
      %dma_wait3A_184 = arith.constant 0 : i32
      %dma_wait3A_185 = tpu.memref_slice %arg5[%run_scoped3A_78, %dma_wait3A_184] : memref<79x128xi32, #tpu.memory_space<vmem>> -> memref<1x128xi32, #tpu.memory_space<vmem>>
      %dma_wait3A_186 = tpu.memref_squeeze %dma_wait3A_185 : memref<1x128xi32, #tpu.memory_space<vmem>> -> memref<128xi32, #tpu.memory_space<vmem>>
      %dma_wait3A_187 = arith.constant 0 : i32
      %dma_wait3A_188 = arith.constant 0 : i32
      %dma_wait3A_189 = tpu.memref_slice %arg9[%dma_wait3A_187, %dma_wait3A_188] : memref<65x16xf32, #tpu.memory_space<vmem_shared>> -> memref<65x16xf32, #tpu.memory_space<vmem_shared>>
      tpu.wait_indirect_dma semaphore(%run_scoped3A_171 : memref<!tpu.dma_semaphore, #tpu.memory_space<semaphore_mem>>) src(%dma_wait3A_183 : memref<128x16xf32, #tpu.memory_space<vmem>>) dst(%dma_wait3A_189 : memref<65x16xf32, #tpu.memory_space<vmem_shared>>)
      tpu.yield
    }) : () -> ()
    %run_scoped3A_79 = arith.constant 29 : i32
    "tpu.region"() ({
      %run_scoped3A_171 = tpu.sem_alloc : memref<!tpu.dma_semaphore, #tpu.memory_space<semaphore_mem>>
      %dma_start3A_172 = arith.constant 1664 : i32
      %dma_start3A_173 = arith.constant 0 : i32
      %dma_start3A_174 = tpu.memref_slice %arg7[%dma_start3A_172, %dma_start3A_173] : memref<2048x16xf32, #tpu.memory_space<vmem>> -> memref<128x16xf32, #tpu.memory_space<vmem>>
      %dma_start3A_175 = arith.constant 0 : i32
      %dma_start3A_176 = tpu.memref_slice %arg5[%run_scoped3A_79, %dma_start3A_175] : memref<79x128xi32, #tpu.memory_space<vmem>> -> memref<1x128xi32, #tpu.memory_space<vmem>>
      %dma_start3A_177 = tpu.memref_squeeze %dma_start3A_176 : memref<1x128xi32, #tpu.memory_space<vmem>> -> memref<128xi32, #tpu.memory_space<vmem>>
      %dma_start3A_178 = arith.constant 0 : i32
      %dma_start3A_179 = arith.constant 0 : i32
      %dma_start3A_180 = tpu.memref_slice %arg10[%dma_start3A_178, %dma_start3A_179] : memref<65x16xf32, #tpu.memory_space<vmem_shared>> -> memref<65x16xf32, #tpu.memory_space<vmem_shared>>
      tpu.enqueue_indirect_dma source(%dma_start3A_174 : memref<128x16xf32, #tpu.memory_space<vmem>>) target(%dma_start3A_180 : memref<65x16xf32, #tpu.memory_space<vmem_shared>>) offsets(%dma_start3A_177 : memref<128xi32, #tpu.memory_space<vmem>>) semaphore(%run_scoped3A_171 : memref<!tpu.dma_semaphore, #tpu.memory_space<semaphore_mem>>) {add = true}
      %dma_wait3A_181 = arith.constant 1664 : i32
      %dma_wait3A_182 = arith.constant 0 : i32
      %dma_wait3A_183 = tpu.memref_slice %arg7[%dma_wait3A_181, %dma_wait3A_182] : memref<2048x16xf32, #tpu.memory_space<vmem>> -> memref<128x16xf32, #tpu.memory_space<vmem>>
      %dma_wait3A_184 = arith.constant 0 : i32
      %dma_wait3A_185 = tpu.memref_slice %arg5[%run_scoped3A_79, %dma_wait3A_184] : memref<79x128xi32, #tpu.memory_space<vmem>> -> memref<1x128xi32, #tpu.memory_space<vmem>>
      %dma_wait3A_186 = tpu.memref_squeeze %dma_wait3A_185 : memref<1x128xi32, #tpu.memory_space<vmem>> -> memref<128xi32, #tpu.memory_space<vmem>>
      %dma_wait3A_187 = arith.constant 0 : i32
      %dma_wait3A_188 = arith.constant 0 : i32
      %dma_wait3A_189 = tpu.memref_slice %arg10[%dma_wait3A_187, %dma_wait3A_188] : memref<65x16xf32, #tpu.memory_space<vmem_shared>> -> memref<65x16xf32, #tpu.memory_space<vmem_shared>>
      tpu.wait_indirect_dma semaphore(%run_scoped3A_171 : memref<!tpu.dma_semaphore, #tpu.memory_space<semaphore_mem>>) src(%dma_wait3A_183 : memref<128x16xf32, #tpu.memory_space<vmem>>) dst(%dma_wait3A_189 : memref<65x16xf32, #tpu.memory_space<vmem_shared>>)
      tpu.yield
    }) : () -> ()
    %run_scoped3A_80 = arith.constant 30 : i32
    "tpu.region"() ({
      %run_scoped3A_171 = tpu.sem_alloc : memref<!tpu.dma_semaphore, #tpu.memory_space<semaphore_mem>>
      %dma_start3A_172 = arith.constant 1792 : i32
      %dma_start3A_173 = arith.constant 0 : i32
      %dma_start3A_174 = tpu.memref_slice %arg7[%dma_start3A_172, %dma_start3A_173] : memref<2048x16xf32, #tpu.memory_space<vmem>> -> memref<128x16xf32, #tpu.memory_space<vmem>>
      %dma_start3A_175 = arith.constant 0 : i32
      %dma_start3A_176 = tpu.memref_slice %arg5[%run_scoped3A_80, %dma_start3A_175] : memref<79x128xi32, #tpu.memory_space<vmem>> -> memref<1x128xi32, #tpu.memory_space<vmem>>
      %dma_start3A_177 = tpu.memref_squeeze %dma_start3A_176 : memref<1x128xi32, #tpu.memory_space<vmem>> -> memref<128xi32, #tpu.memory_space<vmem>>
      %dma_start3A_178 = arith.constant 0 : i32
      %dma_start3A_179 = arith.constant 0 : i32
      %dma_start3A_180 = tpu.memref_slice %arg11[%dma_start3A_178, %dma_start3A_179] : memref<65x16xf32, #tpu.memory_space<vmem_shared>> -> memref<65x16xf32, #tpu.memory_space<vmem_shared>>
      tpu.enqueue_indirect_dma source(%dma_start3A_174 : memref<128x16xf32, #tpu.memory_space<vmem>>) target(%dma_start3A_180 : memref<65x16xf32, #tpu.memory_space<vmem_shared>>) offsets(%dma_start3A_177 : memref<128xi32, #tpu.memory_space<vmem>>) semaphore(%run_scoped3A_171 : memref<!tpu.dma_semaphore, #tpu.memory_space<semaphore_mem>>) {add = true}
      %dma_wait3A_181 = arith.constant 1792 : i32
      %dma_wait3A_182 = arith.constant 0 : i32
      %dma_wait3A_183 = tpu.memref_slice %arg7[%dma_wait3A_181, %dma_wait3A_182] : memref<2048x16xf32, #tpu.memory_space<vmem>> -> memref<128x16xf32, #tpu.memory_space<vmem>>
      %dma_wait3A_184 = arith.constant 0 : i32
      %dma_wait3A_185 = tpu.memref_slice %arg5[%run_scoped3A_80, %dma_wait3A_184] : memref<79x128xi32, #tpu.memory_space<vmem>> -> memref<1x128xi32, #tpu.memory_space<vmem>>
      %dma_wait3A_186 = tpu.memref_squeeze %dma_wait3A_185 : memref<1x128xi32, #tpu.memory_space<vmem>> -> memref<128xi32, #tpu.memory_space<vmem>>
      %dma_wait3A_187 = arith.constant 0 : i32
      %dma_wait3A_188 = arith.constant 0 : i32
      %dma_wait3A_189 = tpu.memref_slice %arg11[%dma_wait3A_187, %dma_wait3A_188] : memref<65x16xf32, #tpu.memory_space<vmem_shared>> -> memref<65x16xf32, #tpu.memory_space<vmem_shared>>
      tpu.wait_indirect_dma semaphore(%run_scoped3A_171 : memref<!tpu.dma_semaphore, #tpu.memory_space<semaphore_mem>>) src(%dma_wait3A_183 : memref<128x16xf32, #tpu.memory_space<vmem>>) dst(%dma_wait3A_189 : memref<65x16xf32, #tpu.memory_space<vmem_shared>>)
      tpu.yield
    }) : () -> ()
    %run_scoped3A_81 = arith.constant 31 : i32
    "tpu.region"() ({
      %run_scoped3A_171 = tpu.sem_alloc : memref<!tpu.dma_semaphore, #tpu.memory_space<semaphore_mem>>
      %dma_start3A_172 = arith.constant 1920 : i32
      %dma_start3A_173 = arith.constant 0 : i32
      %dma_start3A_174 = tpu.memref_slice %arg7[%dma_start3A_172, %dma_start3A_173] : memref<2048x16xf32, #tpu.memory_space<vmem>> -> memref<128x16xf32, #tpu.memory_space<vmem>>
      %dma_start3A_175 = arith.constant 0 : i32
      %dma_start3A_176 = tpu.memref_slice %arg5[%run_scoped3A_81, %dma_start3A_175] : memref<79x128xi32, #tpu.memory_space<vmem>> -> memref<1x128xi32, #tpu.memory_space<vmem>>
      %dma_start3A_177 = tpu.memref_squeeze %dma_start3A_176 : memref<1x128xi32, #tpu.memory_space<vmem>> -> memref<128xi32, #tpu.memory_space<vmem>>
      %dma_start3A_178 = arith.constant 0 : i32
      %dma_start3A_179 = arith.constant 0 : i32
      %dma_start3A_180 = tpu.memref_slice %arg12[%dma_start3A_178, %dma_start3A_179] : memref<65x16xf32, #tpu.memory_space<vmem_shared>> -> memref<65x16xf32, #tpu.memory_space<vmem_shared>>
      tpu.enqueue_indirect_dma source(%dma_start3A_174 : memref<128x16xf32, #tpu.memory_space<vmem>>) target(%dma_start3A_180 : memref<65x16xf32, #tpu.memory_space<vmem_shared>>) offsets(%dma_start3A_177 : memref<128xi32, #tpu.memory_space<vmem>>) semaphore(%run_scoped3A_171 : memref<!tpu.dma_semaphore, #tpu.memory_space<semaphore_mem>>) {add = true}
      %dma_wait3A_181 = arith.constant 1920 : i32
      %dma_wait3A_182 = arith.constant 0 : i32
      %dma_wait3A_183 = tpu.memref_slice %arg7[%dma_wait3A_181, %dma_wait3A_182] : memref<2048x16xf32, #tpu.memory_space<vmem>> -> memref<128x16xf32, #tpu.memory_space<vmem>>
      %dma_wait3A_184 = arith.constant 0 : i32
      %dma_wait3A_185 = tpu.memref_slice %arg5[%run_scoped3A_81, %dma_wait3A_184] : memref<79x128xi32, #tpu.memory_space<vmem>> -> memref<1x128xi32, #tpu.memory_space<vmem>>
      %dma_wait3A_186 = tpu.memref_squeeze %dma_wait3A_185 : memref<1x128xi32, #tpu.memory_space<vmem>> -> memref<128xi32, #tpu.memory_space<vmem>>
      %dma_wait3A_187 = arith.constant 0 : i32
      %dma_wait3A_188 = arith.constant 0 : i32
      %dma_wait3A_189 = tpu.memref_slice %arg12[%dma_wait3A_187, %dma_wait3A_188] : memref<65x16xf32, #tpu.memory_space<vmem_shared>> -> memref<65x16xf32, #tpu.memory_space<vmem_shared>>
      tpu.wait_indirect_dma semaphore(%run_scoped3A_171 : memref<!tpu.dma_semaphore, #tpu.memory_space<semaphore_mem>>) src(%dma_wait3A_183 : memref<128x16xf32, #tpu.memory_space<vmem>>) dst(%dma_wait3A_189 : memref<65x16xf32, #tpu.memory_space<vmem_shared>>)
      tpu.yield
    }) : () -> ()
    %dma_wait3A_82 = arith.constant 0 : i32
    %dma_wait3A_83 = tpu.memref_slice %arg2[%add3A_61, %dma_wait3A_82] : memref<320000x16xf32, #tpu.memory_space<hbm>> -> memref<2048x16xf32, #tpu.memory_space<hbm>>
    %dma_wait3A_84 = arith.constant 0 : i32
    %dma_wait3A_85 = tpu.memref_slice %arg2[%add3A_61, %dma_wait3A_84] : memref<320000x16xf32, #tpu.memory_space<hbm>> -> memref<2048x16xf32, #tpu.memory_space<hbm>>
    tpu.wait_dma2 semaphore(%arg14 : memref<!tpu.dma_semaphore, #tpu.memory_space<semaphore_mem>>) src(%dma_wait3A_85 : memref<2048x16xf32, #tpu.memory_space<hbm>>) dst(%arg6 : memref<2048x16xf32, #tpu.memory_space<vmem>>)
    %add3A_86 = arith.constant 6144 : i32
    %add3A_87 = arith.addi %mul3A_2, %add3A_86 : i32
    %dma_start3A_88 = arith.constant 0 : i32
    %dma_start3A_89 = tpu.memref_slice %arg2[%add3A_87, %dma_start3A_88] : memref<320000x16xf32, #tpu.memory_space<hbm>> -> memref<2048x16xf32, #tpu.memory_space<hbm>>
    %dma_start3A_90 = arith.constant 0 : i32
    %dma_start3A_91 = tpu.memref_slice %arg2[%add3A_87, %dma_start3A_90] : memref<320000x16xf32, #tpu.memory_space<hbm>> -> memref<2048x16xf32, #tpu.memory_space<hbm>>
    tpu.enqueue_dma source(%dma_start3A_91 : memref<2048x16xf32, #tpu.memory_space<hbm>>) target(%arg7 : memref<2048x16xf32, #tpu.memory_space<vmem>>) target_semaphore(%arg15 : memref<!tpu.dma_semaphore, #tpu.memory_space<semaphore_mem>>)
    %run_scoped3A_92 = arith.constant 32 : i32
    "tpu.region"() ({
      %run_scoped3A_171 = tpu.sem_alloc : memref<!tpu.dma_semaphore, #tpu.memory_space<semaphore_mem>>
      %dma_start3A_172 = arith.constant 0 : i32
      %dma_start3A_173 = arith.constant 0 : i32
      %dma_start3A_174 = tpu.memref_slice %arg6[%dma_start3A_172, %dma_start3A_173] : memref<2048x16xf32, #tpu.memory_space<vmem>> -> memref<128x16xf32, #tpu.memory_space<vmem>>
      %dma_start3A_175 = arith.constant 0 : i32
      %dma_start3A_176 = tpu.memref_slice %arg5[%run_scoped3A_92, %dma_start3A_175] : memref<79x128xi32, #tpu.memory_space<vmem>> -> memref<1x128xi32, #tpu.memory_space<vmem>>
      %dma_start3A_177 = tpu.memref_squeeze %dma_start3A_176 : memref<1x128xi32, #tpu.memory_space<vmem>> -> memref<128xi32, #tpu.memory_space<vmem>>
      %dma_start3A_178 = arith.constant 0 : i32
      %dma_start3A_179 = arith.constant 0 : i32
      %dma_start3A_180 = tpu.memref_slice %arg9[%dma_start3A_178, %dma_start3A_179] : memref<65x16xf32, #tpu.memory_space<vmem_shared>> -> memref<65x16xf32, #tpu.memory_space<vmem_shared>>
      tpu.enqueue_indirect_dma source(%dma_start3A_174 : memref<128x16xf32, #tpu.memory_space<vmem>>) target(%dma_start3A_180 : memref<65x16xf32, #tpu.memory_space<vmem_shared>>) offsets(%dma_start3A_177 : memref<128xi32, #tpu.memory_space<vmem>>) semaphore(%run_scoped3A_171 : memref<!tpu.dma_semaphore, #tpu.memory_space<semaphore_mem>>) {add = true}
      %dma_wait3A_181 = arith.constant 0 : i32
      %dma_wait3A_182 = arith.constant 0 : i32
      %dma_wait3A_183 = tpu.memref_slice %arg6[%dma_wait3A_181, %dma_wait3A_182] : memref<2048x16xf32, #tpu.memory_space<vmem>> -> memref<128x16xf32, #tpu.memory_space<vmem>>
      %dma_wait3A_184 = arith.constant 0 : i32
      %dma_wait3A_185 = tpu.memref_slice %arg5[%run_scoped3A_92, %dma_wait3A_184] : memref<79x128xi32, #tpu.memory_space<vmem>> -> memref<1x128xi32, #tpu.memory_space<vmem>>
      %dma_wait3A_186 = tpu.memref_squeeze %dma_wait3A_185 : memref<1x128xi32, #tpu.memory_space<vmem>> -> memref<128xi32, #tpu.memory_space<vmem>>
      %dma_wait3A_187 = arith.constant 0 : i32
      %dma_wait3A_188 = arith.constant 0 : i32
      %dma_wait3A_189 = tpu.memref_slice %arg9[%dma_wait3A_187, %dma_wait3A_188] : memref<65x16xf32, #tpu.memory_space<vmem_shared>> -> memref<65x16xf32, #tpu.memory_space<vmem_shared>>
      tpu.wait_indirect_dma semaphore(%run_scoped3A_171 : memref<!tpu.dma_semaphore, #tpu.memory_space<semaphore_mem>>) src(%dma_wait3A_183 : memref<128x16xf32, #tpu.memory_space<vmem>>) dst(%dma_wait3A_189 : memref<65x16xf32, #tpu.memory_space<vmem_shared>>)
      tpu.yield
    }) : () -> ()
    %run_scoped3A_93 = arith.constant 33 : i32
    "tpu.region"() ({
      %run_scoped3A_171 = tpu.sem_alloc : memref<!tpu.dma_semaphore, #tpu.memory_space<semaphore_mem>>
      %dma_start3A_172 = arith.constant 128 : i32
      %dma_start3A_173 = arith.constant 0 : i32
      %dma_start3A_174 = tpu.memref_slice %arg6[%dma_start3A_172, %dma_start3A_173] : memref<2048x16xf32, #tpu.memory_space<vmem>> -> memref<128x16xf32, #tpu.memory_space<vmem>>
      %dma_start3A_175 = arith.constant 0 : i32
      %dma_start3A_176 = tpu.memref_slice %arg5[%run_scoped3A_93, %dma_start3A_175] : memref<79x128xi32, #tpu.memory_space<vmem>> -> memref<1x128xi32, #tpu.memory_space<vmem>>
      %dma_start3A_177 = tpu.memref_squeeze %dma_start3A_176 : memref<1x128xi32, #tpu.memory_space<vmem>> -> memref<128xi32, #tpu.memory_space<vmem>>
      %dma_start3A_178 = arith.constant 0 : i32
      %dma_start3A_179 = arith.constant 0 : i32
      %dma_start3A_180 = tpu.memref_slice %arg10[%dma_start3A_178, %dma_start3A_179] : memref<65x16xf32, #tpu.memory_space<vmem_shared>> -> memref<65x16xf32, #tpu.memory_space<vmem_shared>>
      tpu.enqueue_indirect_dma source(%dma_start3A_174 : memref<128x16xf32, #tpu.memory_space<vmem>>) target(%dma_start3A_180 : memref<65x16xf32, #tpu.memory_space<vmem_shared>>) offsets(%dma_start3A_177 : memref<128xi32, #tpu.memory_space<vmem>>) semaphore(%run_scoped3A_171 : memref<!tpu.dma_semaphore, #tpu.memory_space<semaphore_mem>>) {add = true}
      %dma_wait3A_181 = arith.constant 128 : i32
      %dma_wait3A_182 = arith.constant 0 : i32
      %dma_wait3A_183 = tpu.memref_slice %arg6[%dma_wait3A_181, %dma_wait3A_182] : memref<2048x16xf32, #tpu.memory_space<vmem>> -> memref<128x16xf32, #tpu.memory_space<vmem>>
      %dma_wait3A_184 = arith.constant 0 : i32
      %dma_wait3A_185 = tpu.memref_slice %arg5[%run_scoped3A_93, %dma_wait3A_184] : memref<79x128xi32, #tpu.memory_space<vmem>> -> memref<1x128xi32, #tpu.memory_space<vmem>>
      %dma_wait3A_186 = tpu.memref_squeeze %dma_wait3A_185 : memref<1x128xi32, #tpu.memory_space<vmem>> -> memref<128xi32, #tpu.memory_space<vmem>>
      %dma_wait3A_187 = arith.constant 0 : i32
      %dma_wait3A_188 = arith.constant 0 : i32
      %dma_wait3A_189 = tpu.memref_slice %arg10[%dma_wait3A_187, %dma_wait3A_188] : memref<65x16xf32, #tpu.memory_space<vmem_shared>> -> memref<65x16xf32, #tpu.memory_space<vmem_shared>>
      tpu.wait_indirect_dma semaphore(%run_scoped3A_171 : memref<!tpu.dma_semaphore, #tpu.memory_space<semaphore_mem>>) src(%dma_wait3A_183 : memref<128x16xf32, #tpu.memory_space<vmem>>) dst(%dma_wait3A_189 : memref<65x16xf32, #tpu.memory_space<vmem_shared>>)
      tpu.yield
    }) : () -> ()
    %run_scoped3A_94 = arith.constant 34 : i32
    "tpu.region"() ({
      %run_scoped3A_171 = tpu.sem_alloc : memref<!tpu.dma_semaphore, #tpu.memory_space<semaphore_mem>>
      %dma_start3A_172 = arith.constant 256 : i32
      %dma_start3A_173 = arith.constant 0 : i32
      %dma_start3A_174 = tpu.memref_slice %arg6[%dma_start3A_172, %dma_start3A_173] : memref<2048x16xf32, #tpu.memory_space<vmem>> -> memref<128x16xf32, #tpu.memory_space<vmem>>
      %dma_start3A_175 = arith.constant 0 : i32
      %dma_start3A_176 = tpu.memref_slice %arg5[%run_scoped3A_94, %dma_start3A_175] : memref<79x128xi32, #tpu.memory_space<vmem>> -> memref<1x128xi32, #tpu.memory_space<vmem>>
      %dma_start3A_177 = tpu.memref_squeeze %dma_start3A_176 : memref<1x128xi32, #tpu.memory_space<vmem>> -> memref<128xi32, #tpu.memory_space<vmem>>
      %dma_start3A_178 = arith.constant 0 : i32
      %dma_start3A_179 = arith.constant 0 : i32
      %dma_start3A_180 = tpu.memref_slice %arg11[%dma_start3A_178, %dma_start3A_179] : memref<65x16xf32, #tpu.memory_space<vmem_shared>> -> memref<65x16xf32, #tpu.memory_space<vmem_shared>>
      tpu.enqueue_indirect_dma source(%dma_start3A_174 : memref<128x16xf32, #tpu.memory_space<vmem>>) target(%dma_start3A_180 : memref<65x16xf32, #tpu.memory_space<vmem_shared>>) offsets(%dma_start3A_177 : memref<128xi32, #tpu.memory_space<vmem>>) semaphore(%run_scoped3A_171 : memref<!tpu.dma_semaphore, #tpu.memory_space<semaphore_mem>>) {add = true}
      %dma_wait3A_181 = arith.constant 256 : i32
      %dma_wait3A_182 = arith.constant 0 : i32
      %dma_wait3A_183 = tpu.memref_slice %arg6[%dma_wait3A_181, %dma_wait3A_182] : memref<2048x16xf32, #tpu.memory_space<vmem>> -> memref<128x16xf32, #tpu.memory_space<vmem>>
      %dma_wait3A_184 = arith.constant 0 : i32
      %dma_wait3A_185 = tpu.memref_slice %arg5[%run_scoped3A_94, %dma_wait3A_184] : memref<79x128xi32, #tpu.memory_space<vmem>> -> memref<1x128xi32, #tpu.memory_space<vmem>>
      %dma_wait3A_186 = tpu.memref_squeeze %dma_wait3A_185 : memref<1x128xi32, #tpu.memory_space<vmem>> -> memref<128xi32, #tpu.memory_space<vmem>>
      %dma_wait3A_187 = arith.constant 0 : i32
      %dma_wait3A_188 = arith.constant 0 : i32
      %dma_wait3A_189 = tpu.memref_slice %arg11[%dma_wait3A_187, %dma_wait3A_188] : memref<65x16xf32, #tpu.memory_space<vmem_shared>> -> memref<65x16xf32, #tpu.memory_space<vmem_shared>>
      tpu.wait_indirect_dma semaphore(%run_scoped3A_171 : memref<!tpu.dma_semaphore, #tpu.memory_space<semaphore_mem>>) src(%dma_wait3A_183 : memref<128x16xf32, #tpu.memory_space<vmem>>) dst(%dma_wait3A_189 : memref<65x16xf32, #tpu.memory_space<vmem_shared>>)
      tpu.yield
    }) : () -> ()
    %run_scoped3A_95 = arith.constant 35 : i32
    "tpu.region"() ({
      %run_scoped3A_171 = tpu.sem_alloc : memref<!tpu.dma_semaphore, #tpu.memory_space<semaphore_mem>>
      %dma_start3A_172 = arith.constant 384 : i32
      %dma_start3A_173 = arith.constant 0 : i32
      %dma_start3A_174 = tpu.memref_slice %arg6[%dma_start3A_172, %dma_start3A_173] : memref<2048x16xf32, #tpu.memory_space<vmem>> -> memref<128x16xf32, #tpu.memory_space<vmem>>
      %dma_start3A_175 = arith.constant 0 : i32
      %dma_start3A_176 = tpu.memref_slice %arg5[%run_scoped3A_95, %dma_start3A_175] : memref<79x128xi32, #tpu.memory_space<vmem>> -> memref<1x128xi32, #tpu.memory_space<vmem>>
      %dma_start3A_177 = tpu.memref_squeeze %dma_start3A_176 : memref<1x128xi32, #tpu.memory_space<vmem>> -> memref<128xi32, #tpu.memory_space<vmem>>
      %dma_start3A_178 = arith.constant 0 : i32
      %dma_start3A_179 = arith.constant 0 : i32
      %dma_start3A_180 = tpu.memref_slice %arg12[%dma_start3A_178, %dma_start3A_179] : memref<65x16xf32, #tpu.memory_space<vmem_shared>> -> memref<65x16xf32, #tpu.memory_space<vmem_shared>>
      tpu.enqueue_indirect_dma source(%dma_start3A_174 : memref<128x16xf32, #tpu.memory_space<vmem>>) target(%dma_start3A_180 : memref<65x16xf32, #tpu.memory_space<vmem_shared>>) offsets(%dma_start3A_177 : memref<128xi32, #tpu.memory_space<vmem>>) semaphore(%run_scoped3A_171 : memref<!tpu.dma_semaphore, #tpu.memory_space<semaphore_mem>>) {add = true}
      %dma_wait3A_181 = arith.constant 384 : i32
      %dma_wait3A_182 = arith.constant 0 : i32
      %dma_wait3A_183 = tpu.memref_slice %arg6[%dma_wait3A_181, %dma_wait3A_182] : memref<2048x16xf32, #tpu.memory_space<vmem>> -> memref<128x16xf32, #tpu.memory_space<vmem>>
      %dma_wait3A_184 = arith.constant 0 : i32
      %dma_wait3A_185 = tpu.memref_slice %arg5[%run_scoped3A_95, %dma_wait3A_184] : memref<79x128xi32, #tpu.memory_space<vmem>> -> memref<1x128xi32, #tpu.memory_space<vmem>>
      %dma_wait3A_186 = tpu.memref_squeeze %dma_wait3A_185 : memref<1x128xi32, #tpu.memory_space<vmem>> -> memref<128xi32, #tpu.memory_space<vmem>>
      %dma_wait3A_187 = arith.constant 0 : i32
      %dma_wait3A_188 = arith.constant 0 : i32
      %dma_wait3A_189 = tpu.memref_slice %arg12[%dma_wait3A_187, %dma_wait3A_188] : memref<65x16xf32, #tpu.memory_space<vmem_shared>> -> memref<65x16xf32, #tpu.memory_space<vmem_shared>>
      tpu.wait_indirect_dma semaphore(%run_scoped3A_171 : memref<!tpu.dma_semaphore, #tpu.memory_space<semaphore_mem>>) src(%dma_wait3A_183 : memref<128x16xf32, #tpu.memory_space<vmem>>) dst(%dma_wait3A_189 : memref<65x16xf32, #tpu.memory_space<vmem_shared>>)
      tpu.yield
    }) : () -> ()
    %run_scoped3A_96 = arith.constant 36 : i32
    "tpu.region"() ({
      %run_scoped3A_171 = tpu.sem_alloc : memref<!tpu.dma_semaphore, #tpu.memory_space<semaphore_mem>>
      %dma_start3A_172 = arith.constant 512 : i32
      %dma_start3A_173 = arith.constant 0 : i32
      %dma_start3A_174 = tpu.memref_slice %arg6[%dma_start3A_172, %dma_start3A_173] : memref<2048x16xf32, #tpu.memory_space<vmem>> -> memref<128x16xf32, #tpu.memory_space<vmem>>
      %dma_start3A_175 = arith.constant 0 : i32
      %dma_start3A_176 = tpu.memref_slice %arg5[%run_scoped3A_96, %dma_start3A_175] : memref<79x128xi32, #tpu.memory_space<vmem>> -> memref<1x128xi32, #tpu.memory_space<vmem>>
      %dma_start3A_177 = tpu.memref_squeeze %dma_start3A_176 : memref<1x128xi32, #tpu.memory_space<vmem>> -> memref<128xi32, #tpu.memory_space<vmem>>
      %dma_start3A_178 = arith.constant 0 : i32
      %dma_start3A_179 = arith.constant 0 : i32
      %dma_start3A_180 = tpu.memref_slice %arg9[%dma_start3A_178, %dma_start3A_179] : memref<65x16xf32, #tpu.memory_space<vmem_shared>> -> memref<65x16xf32, #tpu.memory_space<vmem_shared>>
      tpu.enqueue_indirect_dma source(%dma_start3A_174 : memref<128x16xf32, #tpu.memory_space<vmem>>) target(%dma_start3A_180 : memref<65x16xf32, #tpu.memory_space<vmem_shared>>) offsets(%dma_start3A_177 : memref<128xi32, #tpu.memory_space<vmem>>) semaphore(%run_scoped3A_171 : memref<!tpu.dma_semaphore, #tpu.memory_space<semaphore_mem>>) {add = true}
      %dma_wait3A_181 = arith.constant 512 : i32
      %dma_wait3A_182 = arith.constant 0 : i32
      %dma_wait3A_183 = tpu.memref_slice %arg6[%dma_wait3A_181, %dma_wait3A_182] : memref<2048x16xf32, #tpu.memory_space<vmem>> -> memref<128x16xf32, #tpu.memory_space<vmem>>
      %dma_wait3A_184 = arith.constant 0 : i32
      %dma_wait3A_185 = tpu.memref_slice %arg5[%run_scoped3A_96, %dma_wait3A_184] : memref<79x128xi32, #tpu.memory_space<vmem>> -> memref<1x128xi32, #tpu.memory_space<vmem>>
      %dma_wait3A_186 = tpu.memref_squeeze %dma_wait3A_185 : memref<1x128xi32, #tpu.memory_space<vmem>> -> memref<128xi32, #tpu.memory_space<vmem>>
      %dma_wait3A_187 = arith.constant 0 : i32
      %dma_wait3A_188 = arith.constant 0 : i32
      %dma_wait3A_189 = tpu.memref_slice %arg9[%dma_wait3A_187, %dma_wait3A_188] : memref<65x16xf32, #tpu.memory_space<vmem_shared>> -> memref<65x16xf32, #tpu.memory_space<vmem_shared>>
      tpu.wait_indirect_dma semaphore(%run_scoped3A_171 : memref<!tpu.dma_semaphore, #tpu.memory_space<semaphore_mem>>) src(%dma_wait3A_183 : memref<128x16xf32, #tpu.memory_space<vmem>>) dst(%dma_wait3A_189 : memref<65x16xf32, #tpu.memory_space<vmem_shared>>)
      tpu.yield
    }) : () -> ()
    %run_scoped3A_97 = arith.constant 37 : i32
    "tpu.region"() ({
      %run_scoped3A_171 = tpu.sem_alloc : memref<!tpu.dma_semaphore, #tpu.memory_space<semaphore_mem>>
      %dma_start3A_172 = arith.constant 640 : i32
      %dma_start3A_173 = arith.constant 0 : i32
      %dma_start3A_174 = tpu.memref_slice %arg6[%dma_start3A_172, %dma_start3A_173] : memref<2048x16xf32, #tpu.memory_space<vmem>> -> memref<128x16xf32, #tpu.memory_space<vmem>>
      %dma_start3A_175 = arith.constant 0 : i32
      %dma_start3A_176 = tpu.memref_slice %arg5[%run_scoped3A_97, %dma_start3A_175] : memref<79x128xi32, #tpu.memory_space<vmem>> -> memref<1x128xi32, #tpu.memory_space<vmem>>
      %dma_start3A_177 = tpu.memref_squeeze %dma_start3A_176 : memref<1x128xi32, #tpu.memory_space<vmem>> -> memref<128xi32, #tpu.memory_space<vmem>>
      %dma_start3A_178 = arith.constant 0 : i32
      %dma_start3A_179 = arith.constant 0 : i32
      %dma_start3A_180 = tpu.memref_slice %arg10[%dma_start3A_178, %dma_start3A_179] : memref<65x16xf32, #tpu.memory_space<vmem_shared>> -> memref<65x16xf32, #tpu.memory_space<vmem_shared>>
      tpu.enqueue_indirect_dma source(%dma_start3A_174 : memref<128x16xf32, #tpu.memory_space<vmem>>) target(%dma_start3A_180 : memref<65x16xf32, #tpu.memory_space<vmem_shared>>) offsets(%dma_start3A_177 : memref<128xi32, #tpu.memory_space<vmem>>) semaphore(%run_scoped3A_171 : memref<!tpu.dma_semaphore, #tpu.memory_space<semaphore_mem>>) {add = true}
      %dma_wait3A_181 = arith.constant 640 : i32
      %dma_wait3A_182 = arith.constant 0 : i32
      %dma_wait3A_183 = tpu.memref_slice %arg6[%dma_wait3A_181, %dma_wait3A_182] : memref<2048x16xf32, #tpu.memory_space<vmem>> -> memref<128x16xf32, #tpu.memory_space<vmem>>
      %dma_wait3A_184 = arith.constant 0 : i32
      %dma_wait3A_185 = tpu.memref_slice %arg5[%run_scoped3A_97, %dma_wait3A_184] : memref<79x128xi32, #tpu.memory_space<vmem>> -> memref<1x128xi32, #tpu.memory_space<vmem>>
      %dma_wait3A_186 = tpu.memref_squeeze %dma_wait3A_185 : memref<1x128xi32, #tpu.memory_space<vmem>> -> memref<128xi32, #tpu.memory_space<vmem>>
      %dma_wait3A_187 = arith.constant 0 : i32
      %dma_wait3A_188 = arith.constant 0 : i32
      %dma_wait3A_189 = tpu.memref_slice %arg10[%dma_wait3A_187, %dma_wait3A_188] : memref<65x16xf32, #tpu.memory_space<vmem_shared>> -> memref<65x16xf32, #tpu.memory_space<vmem_shared>>
      tpu.wait_indirect_dma semaphore(%run_scoped3A_171 : memref<!tpu.dma_semaphore, #tpu.memory_space<semaphore_mem>>) src(%dma_wait3A_183 : memref<128x16xf32, #tpu.memory_space<vmem>>) dst(%dma_wait3A_189 : memref<65x16xf32, #tpu.memory_space<vmem_shared>>)
      tpu.yield
    }) : () -> ()
    %run_scoped3A_98 = arith.constant 38 : i32
    "tpu.region"() ({
      %run_scoped3A_171 = tpu.sem_alloc : memref<!tpu.dma_semaphore, #tpu.memory_space<semaphore_mem>>
      %dma_start3A_172 = arith.constant 768 : i32
      %dma_start3A_173 = arith.constant 0 : i32
      %dma_start3A_174 = tpu.memref_slice %arg6[%dma_start3A_172, %dma_start3A_173] : memref<2048x16xf32, #tpu.memory_space<vmem>> -> memref<128x16xf32, #tpu.memory_space<vmem>>
      %dma_start3A_175 = arith.constant 0 : i32
      %dma_start3A_176 = tpu.memref_slice %arg5[%run_scoped3A_98, %dma_start3A_175] : memref<79x128xi32, #tpu.memory_space<vmem>> -> memref<1x128xi32, #tpu.memory_space<vmem>>
      %dma_start3A_177 = tpu.memref_squeeze %dma_start3A_176 : memref<1x128xi32, #tpu.memory_space<vmem>> -> memref<128xi32, #tpu.memory_space<vmem>>
      %dma_start3A_178 = arith.constant 0 : i32
      %dma_start3A_179 = arith.constant 0 : i32
      %dma_start3A_180 = tpu.memref_slice %arg11[%dma_start3A_178, %dma_start3A_179] : memref<65x16xf32, #tpu.memory_space<vmem_shared>> -> memref<65x16xf32, #tpu.memory_space<vmem_shared>>
      tpu.enqueue_indirect_dma source(%dma_start3A_174 : memref<128x16xf32, #tpu.memory_space<vmem>>) target(%dma_start3A_180 : memref<65x16xf32, #tpu.memory_space<vmem_shared>>) offsets(%dma_start3A_177 : memref<128xi32, #tpu.memory_space<vmem>>) semaphore(%run_scoped3A_171 : memref<!tpu.dma_semaphore, #tpu.memory_space<semaphore_mem>>) {add = true}
      %dma_wait3A_181 = arith.constant 768 : i32
      %dma_wait3A_182 = arith.constant 0 : i32
      %dma_wait3A_183 = tpu.memref_slice %arg6[%dma_wait3A_181, %dma_wait3A_182] : memref<2048x16xf32, #tpu.memory_space<vmem>> -> memref<128x16xf32, #tpu.memory_space<vmem>>
      %dma_wait3A_184 = arith.constant 0 : i32
      %dma_wait3A_185 = tpu.memref_slice %arg5[%run_scoped3A_98, %dma_wait3A_184] : memref<79x128xi32, #tpu.memory_space<vmem>> -> memref<1x128xi32, #tpu.memory_space<vmem>>
      %dma_wait3A_186 = tpu.memref_squeeze %dma_wait3A_185 : memref<1x128xi32, #tpu.memory_space<vmem>> -> memref<128xi32, #tpu.memory_space<vmem>>
      %dma_wait3A_187 = arith.constant 0 : i32
      %dma_wait3A_188 = arith.constant 0 : i32
      %dma_wait3A_189 = tpu.memref_slice %arg11[%dma_wait3A_187, %dma_wait3A_188] : memref<65x16xf32, #tpu.memory_space<vmem_shared>> -> memref<65x16xf32, #tpu.memory_space<vmem_shared>>
      tpu.wait_indirect_dma semaphore(%run_scoped3A_171 : memref<!tpu.dma_semaphore, #tpu.memory_space<semaphore_mem>>) src(%dma_wait3A_183 : memref<128x16xf32, #tpu.memory_space<vmem>>) dst(%dma_wait3A_189 : memref<65x16xf32, #tpu.memory_space<vmem_shared>>)
      tpu.yield
    }) : () -> ()
    %run_scoped3A_99 = arith.constant 39 : i32
    "tpu.region"() ({
      %run_scoped3A_171 = tpu.sem_alloc : memref<!tpu.dma_semaphore, #tpu.memory_space<semaphore_mem>>
      %dma_start3A_172 = arith.constant 896 : i32
      %dma_start3A_173 = arith.constant 0 : i32
      %dma_start3A_174 = tpu.memref_slice %arg6[%dma_start3A_172, %dma_start3A_173] : memref<2048x16xf32, #tpu.memory_space<vmem>> -> memref<128x16xf32, #tpu.memory_space<vmem>>
      %dma_start3A_175 = arith.constant 0 : i32
      %dma_start3A_176 = tpu.memref_slice %arg5[%run_scoped3A_99, %dma_start3A_175] : memref<79x128xi32, #tpu.memory_space<vmem>> -> memref<1x128xi32, #tpu.memory_space<vmem>>
      %dma_start3A_177 = tpu.memref_squeeze %dma_start3A_176 : memref<1x128xi32, #tpu.memory_space<vmem>> -> memref<128xi32, #tpu.memory_space<vmem>>
      %dma_start3A_178 = arith.constant 0 : i32
      %dma_start3A_179 = arith.constant 0 : i32
      %dma_start3A_180 = tpu.memref_slice %arg12[%dma_start3A_178, %dma_start3A_179] : memref<65x16xf32, #tpu.memory_space<vmem_shared>> -> memref<65x16xf32, #tpu.memory_space<vmem_shared>>
      tpu.enqueue_indirect_dma source(%dma_start3A_174 : memref<128x16xf32, #tpu.memory_space<vmem>>) target(%dma_start3A_180 : memref<65x16xf32, #tpu.memory_space<vmem_shared>>) offsets(%dma_start3A_177 : memref<128xi32, #tpu.memory_space<vmem>>) semaphore(%run_scoped3A_171 : memref<!tpu.dma_semaphore, #tpu.memory_space<semaphore_mem>>) {add = true}
      %dma_wait3A_181 = arith.constant 896 : i32
      %dma_wait3A_182 = arith.constant 0 : i32
      %dma_wait3A_183 = tpu.memref_slice %arg6[%dma_wait3A_181, %dma_wait3A_182] : memref<2048x16xf32, #tpu.memory_space<vmem>> -> memref<128x16xf32, #tpu.memory_space<vmem>>
      %dma_wait3A_184 = arith.constant 0 : i32
      %dma_wait3A_185 = tpu.memref_slice %arg5[%run_scoped3A_99, %dma_wait3A_184] : memref<79x128xi32, #tpu.memory_space<vmem>> -> memref<1x128xi32, #tpu.memory_space<vmem>>
      %dma_wait3A_186 = tpu.memref_squeeze %dma_wait3A_185 : memref<1x128xi32, #tpu.memory_space<vmem>> -> memref<128xi32, #tpu.memory_space<vmem>>
      %dma_wait3A_187 = arith.constant 0 : i32
      %dma_wait3A_188 = arith.constant 0 : i32
      %dma_wait3A_189 = tpu.memref_slice %arg12[%dma_wait3A_187, %dma_wait3A_188] : memref<65x16xf32, #tpu.memory_space<vmem_shared>> -> memref<65x16xf32, #tpu.memory_space<vmem_shared>>
      tpu.wait_indirect_dma semaphore(%run_scoped3A_171 : memref<!tpu.dma_semaphore, #tpu.memory_space<semaphore_mem>>) src(%dma_wait3A_183 : memref<128x16xf32, #tpu.memory_space<vmem>>) dst(%dma_wait3A_189 : memref<65x16xf32, #tpu.memory_space<vmem_shared>>)
      tpu.yield
    }) : () -> ()
    %run_scoped3A_100 = arith.constant 40 : i32
    "tpu.region"() ({
      %run_scoped3A_171 = tpu.sem_alloc : memref<!tpu.dma_semaphore, #tpu.memory_space<semaphore_mem>>
      %dma_start3A_172 = arith.constant 1024 : i32
      %dma_start3A_173 = arith.constant 0 : i32
      %dma_start3A_174 = tpu.memref_slice %arg6[%dma_start3A_172, %dma_start3A_173] : memref<2048x16xf32, #tpu.memory_space<vmem>> -> memref<128x16xf32, #tpu.memory_space<vmem>>
      %dma_start3A_175 = arith.constant 0 : i32
      %dma_start3A_176 = tpu.memref_slice %arg5[%run_scoped3A_100, %dma_start3A_175] : memref<79x128xi32, #tpu.memory_space<vmem>> -> memref<1x128xi32, #tpu.memory_space<vmem>>
      %dma_start3A_177 = tpu.memref_squeeze %dma_start3A_176 : memref<1x128xi32, #tpu.memory_space<vmem>> -> memref<128xi32, #tpu.memory_space<vmem>>
      %dma_start3A_178 = arith.constant 0 : i32
      %dma_start3A_179 = arith.constant 0 : i32
      %dma_start3A_180 = tpu.memref_slice %arg9[%dma_start3A_178, %dma_start3A_179] : memref<65x16xf32, #tpu.memory_space<vmem_shared>> -> memref<65x16xf32, #tpu.memory_space<vmem_shared>>
      tpu.enqueue_indirect_dma source(%dma_start3A_174 : memref<128x16xf32, #tpu.memory_space<vmem>>) target(%dma_start3A_180 : memref<65x16xf32, #tpu.memory_space<vmem_shared>>) offsets(%dma_start3A_177 : memref<128xi32, #tpu.memory_space<vmem>>) semaphore(%run_scoped3A_171 : memref<!tpu.dma_semaphore, #tpu.memory_space<semaphore_mem>>) {add = true}
      %dma_wait3A_181 = arith.constant 1024 : i32
      %dma_wait3A_182 = arith.constant 0 : i32
      %dma_wait3A_183 = tpu.memref_slice %arg6[%dma_wait3A_181, %dma_wait3A_182] : memref<2048x16xf32, #tpu.memory_space<vmem>> -> memref<128x16xf32, #tpu.memory_space<vmem>>
      %dma_wait3A_184 = arith.constant 0 : i32
      %dma_wait3A_185 = tpu.memref_slice %arg5[%run_scoped3A_100, %dma_wait3A_184] : memref<79x128xi32, #tpu.memory_space<vmem>> -> memref<1x128xi32, #tpu.memory_space<vmem>>
      %dma_wait3A_186 = tpu.memref_squeeze %dma_wait3A_185 : memref<1x128xi32, #tpu.memory_space<vmem>> -> memref<128xi32, #tpu.memory_space<vmem>>
      %dma_wait3A_187 = arith.constant 0 : i32
      %dma_wait3A_188 = arith.constant 0 : i32
      %dma_wait3A_189 = tpu.memref_slice %arg9[%dma_wait3A_187, %dma_wait3A_188] : memref<65x16xf32, #tpu.memory_space<vmem_shared>> -> memref<65x16xf32, #tpu.memory_space<vmem_shared>>
      tpu.wait_indirect_dma semaphore(%run_scoped3A_171 : memref<!tpu.dma_semaphore, #tpu.memory_space<semaphore_mem>>) src(%dma_wait3A_183 : memref<128x16xf32, #tpu.memory_space<vmem>>) dst(%dma_wait3A_189 : memref<65x16xf32, #tpu.memory_space<vmem_shared>>)
      tpu.yield
    }) : () -> ()
    %run_scoped3A_101 = arith.constant 41 : i32
    "tpu.region"() ({
      %run_scoped3A_171 = tpu.sem_alloc : memref<!tpu.dma_semaphore, #tpu.memory_space<semaphore_mem>>
      %dma_start3A_172 = arith.constant 1152 : i32
      %dma_start3A_173 = arith.constant 0 : i32
      %dma_start3A_174 = tpu.memref_slice %arg6[%dma_start3A_172, %dma_start3A_173] : memref<2048x16xf32, #tpu.memory_space<vmem>> -> memref<128x16xf32, #tpu.memory_space<vmem>>
      %dma_start3A_175 = arith.constant 0 : i32
      %dma_start3A_176 = tpu.memref_slice %arg5[%run_scoped3A_101, %dma_start3A_175] : memref<79x128xi32, #tpu.memory_space<vmem>> -> memref<1x128xi32, #tpu.memory_space<vmem>>
      %dma_start3A_177 = tpu.memref_squeeze %dma_start3A_176 : memref<1x128xi32, #tpu.memory_space<vmem>> -> memref<128xi32, #tpu.memory_space<vmem>>
      %dma_start3A_178 = arith.constant 0 : i32
      %dma_start3A_179 = arith.constant 0 : i32
      %dma_start3A_180 = tpu.memref_slice %arg10[%dma_start3A_178, %dma_start3A_179] : memref<65x16xf32, #tpu.memory_space<vmem_shared>> -> memref<65x16xf32, #tpu.memory_space<vmem_shared>>
      tpu.enqueue_indirect_dma source(%dma_start3A_174 : memref<128x16xf32, #tpu.memory_space<vmem>>) target(%dma_start3A_180 : memref<65x16xf32, #tpu.memory_space<vmem_shared>>) offsets(%dma_start3A_177 : memref<128xi32, #tpu.memory_space<vmem>>) semaphore(%run_scoped3A_171 : memref<!tpu.dma_semaphore, #tpu.memory_space<semaphore_mem>>) {add = true}
      %dma_wait3A_181 = arith.constant 1152 : i32
      %dma_wait3A_182 = arith.constant 0 : i32
      %dma_wait3A_183 = tpu.memref_slice %arg6[%dma_wait3A_181, %dma_wait3A_182] : memref<2048x16xf32, #tpu.memory_space<vmem>> -> memref<128x16xf32, #tpu.memory_space<vmem>>
      %dma_wait3A_184 = arith.constant 0 : i32
      %dma_wait3A_185 = tpu.memref_slice %arg5[%run_scoped3A_101, %dma_wait3A_184] : memref<79x128xi32, #tpu.memory_space<vmem>> -> memref<1x128xi32, #tpu.memory_space<vmem>>
      %dma_wait3A_186 = tpu.memref_squeeze %dma_wait3A_185 : memref<1x128xi32, #tpu.memory_space<vmem>> -> memref<128xi32, #tpu.memory_space<vmem>>
      %dma_wait3A_187 = arith.constant 0 : i32
      %dma_wait3A_188 = arith.constant 0 : i32
      %dma_wait3A_189 = tpu.memref_slice %arg10[%dma_wait3A_187, %dma_wait3A_188] : memref<65x16xf32, #tpu.memory_space<vmem_shared>> -> memref<65x16xf32, #tpu.memory_space<vmem_shared>>
      tpu.wait_indirect_dma semaphore(%run_scoped3A_171 : memref<!tpu.dma_semaphore, #tpu.memory_space<semaphore_mem>>) src(%dma_wait3A_183 : memref<128x16xf32, #tpu.memory_space<vmem>>) dst(%dma_wait3A_189 : memref<65x16xf32, #tpu.memory_space<vmem_shared>>)
      tpu.yield
    }) : () -> ()
    %run_scoped3A_102 = arith.constant 42 : i32
    "tpu.region"() ({
      %run_scoped3A_171 = tpu.sem_alloc : memref<!tpu.dma_semaphore, #tpu.memory_space<semaphore_mem>>
      %dma_start3A_172 = arith.constant 1280 : i32
      %dma_start3A_173 = arith.constant 0 : i32
      %dma_start3A_174 = tpu.memref_slice %arg6[%dma_start3A_172, %dma_start3A_173] : memref<2048x16xf32, #tpu.memory_space<vmem>> -> memref<128x16xf32, #tpu.memory_space<vmem>>
      %dma_start3A_175 = arith.constant 0 : i32
      %dma_start3A_176 = tpu.memref_slice %arg5[%run_scoped3A_102, %dma_start3A_175] : memref<79x128xi32, #tpu.memory_space<vmem>> -> memref<1x128xi32, #tpu.memory_space<vmem>>
      %dma_start3A_177 = tpu.memref_squeeze %dma_start3A_176 : memref<1x128xi32, #tpu.memory_space<vmem>> -> memref<128xi32, #tpu.memory_space<vmem>>
      %dma_start3A_178 = arith.constant 0 : i32
      %dma_start3A_179 = arith.constant 0 : i32
      %dma_start3A_180 = tpu.memref_slice %arg11[%dma_start3A_178, %dma_start3A_179] : memref<65x16xf32, #tpu.memory_space<vmem_shared>> -> memref<65x16xf32, #tpu.memory_space<vmem_shared>>
      tpu.enqueue_indirect_dma source(%dma_start3A_174 : memref<128x16xf32, #tpu.memory_space<vmem>>) target(%dma_start3A_180 : memref<65x16xf32, #tpu.memory_space<vmem_shared>>) offsets(%dma_start3A_177 : memref<128xi32, #tpu.memory_space<vmem>>) semaphore(%run_scoped3A_171 : memref<!tpu.dma_semaphore, #tpu.memory_space<semaphore_mem>>) {add = true}
      %dma_wait3A_181 = arith.constant 1280 : i32
      %dma_wait3A_182 = arith.constant 0 : i32
      %dma_wait3A_183 = tpu.memref_slice %arg6[%dma_wait3A_181, %dma_wait3A_182] : memref<2048x16xf32, #tpu.memory_space<vmem>> -> memref<128x16xf32, #tpu.memory_space<vmem>>
      %dma_wait3A_184 = arith.constant 0 : i32
      %dma_wait3A_185 = tpu.memref_slice %arg5[%run_scoped3A_102, %dma_wait3A_184] : memref<79x128xi32, #tpu.memory_space<vmem>> -> memref<1x128xi32, #tpu.memory_space<vmem>>
      %dma_wait3A_186 = tpu.memref_squeeze %dma_wait3A_185 : memref<1x128xi32, #tpu.memory_space<vmem>> -> memref<128xi32, #tpu.memory_space<vmem>>
      %dma_wait3A_187 = arith.constant 0 : i32
      %dma_wait3A_188 = arith.constant 0 : i32
      %dma_wait3A_189 = tpu.memref_slice %arg11[%dma_wait3A_187, %dma_wait3A_188] : memref<65x16xf32, #tpu.memory_space<vmem_shared>> -> memref<65x16xf32, #tpu.memory_space<vmem_shared>>
      tpu.wait_indirect_dma semaphore(%run_scoped3A_171 : memref<!tpu.dma_semaphore, #tpu.memory_space<semaphore_mem>>) src(%dma_wait3A_183 : memref<128x16xf32, #tpu.memory_space<vmem>>) dst(%dma_wait3A_189 : memref<65x16xf32, #tpu.memory_space<vmem_shared>>)
      tpu.yield
    }) : () -> ()
    %run_scoped3A_103 = arith.constant 43 : i32
    "tpu.region"() ({
      %run_scoped3A_171 = tpu.sem_alloc : memref<!tpu.dma_semaphore, #tpu.memory_space<semaphore_mem>>
      %dma_start3A_172 = arith.constant 1408 : i32
      %dma_start3A_173 = arith.constant 0 : i32
      %dma_start3A_174 = tpu.memref_slice %arg6[%dma_start3A_172, %dma_start3A_173] : memref<2048x16xf32, #tpu.memory_space<vmem>> -> memref<128x16xf32, #tpu.memory_space<vmem>>
      %dma_start3A_175 = arith.constant 0 : i32
      %dma_start3A_176 = tpu.memref_slice %arg5[%run_scoped3A_103, %dma_start3A_175] : memref<79x128xi32, #tpu.memory_space<vmem>> -> memref<1x128xi32, #tpu.memory_space<vmem>>
      %dma_start3A_177 = tpu.memref_squeeze %dma_start3A_176 : memref<1x128xi32, #tpu.memory_space<vmem>> -> memref<128xi32, #tpu.memory_space<vmem>>
      %dma_start3A_178 = arith.constant 0 : i32
      %dma_start3A_179 = arith.constant 0 : i32
      %dma_start3A_180 = tpu.memref_slice %arg12[%dma_start3A_178, %dma_start3A_179] : memref<65x16xf32, #tpu.memory_space<vmem_shared>> -> memref<65x16xf32, #tpu.memory_space<vmem_shared>>
      tpu.enqueue_indirect_dma source(%dma_start3A_174 : memref<128x16xf32, #tpu.memory_space<vmem>>) target(%dma_start3A_180 : memref<65x16xf32, #tpu.memory_space<vmem_shared>>) offsets(%dma_start3A_177 : memref<128xi32, #tpu.memory_space<vmem>>) semaphore(%run_scoped3A_171 : memref<!tpu.dma_semaphore, #tpu.memory_space<semaphore_mem>>) {add = true}
      %dma_wait3A_181 = arith.constant 1408 : i32
      %dma_wait3A_182 = arith.constant 0 : i32
      %dma_wait3A_183 = tpu.memref_slice %arg6[%dma_wait3A_181, %dma_wait3A_182] : memref<2048x16xf32, #tpu.memory_space<vmem>> -> memref<128x16xf32, #tpu.memory_space<vmem>>
      %dma_wait3A_184 = arith.constant 0 : i32
      %dma_wait3A_185 = tpu.memref_slice %arg5[%run_scoped3A_103, %dma_wait3A_184] : memref<79x128xi32, #tpu.memory_space<vmem>> -> memref<1x128xi32, #tpu.memory_space<vmem>>
      %dma_wait3A_186 = tpu.memref_squeeze %dma_wait3A_185 : memref<1x128xi32, #tpu.memory_space<vmem>> -> memref<128xi32, #tpu.memory_space<vmem>>
      %dma_wait3A_187 = arith.constant 0 : i32
      %dma_wait3A_188 = arith.constant 0 : i32
      %dma_wait3A_189 = tpu.memref_slice %arg12[%dma_wait3A_187, %dma_wait3A_188] : memref<65x16xf32, #tpu.memory_space<vmem_shared>> -> memref<65x16xf32, #tpu.memory_space<vmem_shared>>
      tpu.wait_indirect_dma semaphore(%run_scoped3A_171 : memref<!tpu.dma_semaphore, #tpu.memory_space<semaphore_mem>>) src(%dma_wait3A_183 : memref<128x16xf32, #tpu.memory_space<vmem>>) dst(%dma_wait3A_189 : memref<65x16xf32, #tpu.memory_space<vmem_shared>>)
      tpu.yield
    }) : () -> ()
    %run_scoped3A_104 = arith.constant 44 : i32
    "tpu.region"() ({
      %run_scoped3A_171 = tpu.sem_alloc : memref<!tpu.dma_semaphore, #tpu.memory_space<semaphore_mem>>
      %dma_start3A_172 = arith.constant 1536 : i32
      %dma_start3A_173 = arith.constant 0 : i32
      %dma_start3A_174 = tpu.memref_slice %arg6[%dma_start3A_172, %dma_start3A_173] : memref<2048x16xf32, #tpu.memory_space<vmem>> -> memref<128x16xf32, #tpu.memory_space<vmem>>
      %dma_start3A_175 = arith.constant 0 : i32
      %dma_start3A_176 = tpu.memref_slice %arg5[%run_scoped3A_104, %dma_start3A_175] : memref<79x128xi32, #tpu.memory_space<vmem>> -> memref<1x128xi32, #tpu.memory_space<vmem>>
      %dma_start3A_177 = tpu.memref_squeeze %dma_start3A_176 : memref<1x128xi32, #tpu.memory_space<vmem>> -> memref<128xi32, #tpu.memory_space<vmem>>
      %dma_start3A_178 = arith.constant 0 : i32
      %dma_start3A_179 = arith.constant 0 : i32
      %dma_start3A_180 = tpu.memref_slice %arg9[%dma_start3A_178, %dma_start3A_179] : memref<65x16xf32, #tpu.memory_space<vmem_shared>> -> memref<65x16xf32, #tpu.memory_space<vmem_shared>>
      tpu.enqueue_indirect_dma source(%dma_start3A_174 : memref<128x16xf32, #tpu.memory_space<vmem>>) target(%dma_start3A_180 : memref<65x16xf32, #tpu.memory_space<vmem_shared>>) offsets(%dma_start3A_177 : memref<128xi32, #tpu.memory_space<vmem>>) semaphore(%run_scoped3A_171 : memref<!tpu.dma_semaphore, #tpu.memory_space<semaphore_mem>>) {add = true}
      %dma_wait3A_181 = arith.constant 1536 : i32
      %dma_wait3A_182 = arith.constant 0 : i32
      %dma_wait3A_183 = tpu.memref_slice %arg6[%dma_wait3A_181, %dma_wait3A_182] : memref<2048x16xf32, #tpu.memory_space<vmem>> -> memref<128x16xf32, #tpu.memory_space<vmem>>
      %dma_wait3A_184 = arith.constant 0 : i32
      %dma_wait3A_185 = tpu.memref_slice %arg5[%run_scoped3A_104, %dma_wait3A_184] : memref<79x128xi32, #tpu.memory_space<vmem>> -> memref<1x128xi32, #tpu.memory_space<vmem>>
      %dma_wait3A_186 = tpu.memref_squeeze %dma_wait3A_185 : memref<1x128xi32, #tpu.memory_space<vmem>> -> memref<128xi32, #tpu.memory_space<vmem>>
      %dma_wait3A_187 = arith.constant 0 : i32
      %dma_wait3A_188 = arith.constant 0 : i32
      %dma_wait3A_189 = tpu.memref_slice %arg9[%dma_wait3A_187, %dma_wait3A_188] : memref<65x16xf32, #tpu.memory_space<vmem_shared>> -> memref<65x16xf32, #tpu.memory_space<vmem_shared>>
      tpu.wait_indirect_dma semaphore(%run_scoped3A_171 : memref<!tpu.dma_semaphore, #tpu.memory_space<semaphore_mem>>) src(%dma_wait3A_183 : memref<128x16xf32, #tpu.memory_space<vmem>>) dst(%dma_wait3A_189 : memref<65x16xf32, #tpu.memory_space<vmem_shared>>)
      tpu.yield
    }) : () -> ()
    %run_scoped3A_105 = arith.constant 45 : i32
    "tpu.region"() ({
      %run_scoped3A_171 = tpu.sem_alloc : memref<!tpu.dma_semaphore, #tpu.memory_space<semaphore_mem>>
      %dma_start3A_172 = arith.constant 1664 : i32
      %dma_start3A_173 = arith.constant 0 : i32
      %dma_start3A_174 = tpu.memref_slice %arg6[%dma_start3A_172, %dma_start3A_173] : memref<2048x16xf32, #tpu.memory_space<vmem>> -> memref<128x16xf32, #tpu.memory_space<vmem>>
      %dma_start3A_175 = arith.constant 0 : i32
      %dma_start3A_176 = tpu.memref_slice %arg5[%run_scoped3A_105, %dma_start3A_175] : memref<79x128xi32, #tpu.memory_space<vmem>> -> memref<1x128xi32, #tpu.memory_space<vmem>>
      %dma_start3A_177 = tpu.memref_squeeze %dma_start3A_176 : memref<1x128xi32, #tpu.memory_space<vmem>> -> memref<128xi32, #tpu.memory_space<vmem>>
      %dma_start3A_178 = arith.constant 0 : i32
      %dma_start3A_179 = arith.constant 0 : i32
      %dma_start3A_180 = tpu.memref_slice %arg10[%dma_start3A_178, %dma_start3A_179] : memref<65x16xf32, #tpu.memory_space<vmem_shared>> -> memref<65x16xf32, #tpu.memory_space<vmem_shared>>
      tpu.enqueue_indirect_dma source(%dma_start3A_174 : memref<128x16xf32, #tpu.memory_space<vmem>>) target(%dma_start3A_180 : memref<65x16xf32, #tpu.memory_space<vmem_shared>>) offsets(%dma_start3A_177 : memref<128xi32, #tpu.memory_space<vmem>>) semaphore(%run_scoped3A_171 : memref<!tpu.dma_semaphore, #tpu.memory_space<semaphore_mem>>) {add = true}
      %dma_wait3A_181 = arith.constant 1664 : i32
      %dma_wait3A_182 = arith.constant 0 : i32
      %dma_wait3A_183 = tpu.memref_slice %arg6[%dma_wait3A_181, %dma_wait3A_182] : memref<2048x16xf32, #tpu.memory_space<vmem>> -> memref<128x16xf32, #tpu.memory_space<vmem>>
      %dma_wait3A_184 = arith.constant 0 : i32
      %dma_wait3A_185 = tpu.memref_slice %arg5[%run_scoped3A_105, %dma_wait3A_184] : memref<79x128xi32, #tpu.memory_space<vmem>> -> memref<1x128xi32, #tpu.memory_space<vmem>>
      %dma_wait3A_186 = tpu.memref_squeeze %dma_wait3A_185 : memref<1x128xi32, #tpu.memory_space<vmem>> -> memref<128xi32, #tpu.memory_space<vmem>>
      %dma_wait3A_187 = arith.constant 0 : i32
      %dma_wait3A_188 = arith.constant 0 : i32
      %dma_wait3A_189 = tpu.memref_slice %arg10[%dma_wait3A_187, %dma_wait3A_188] : memref<65x16xf32, #tpu.memory_space<vmem_shared>> -> memref<65x16xf32, #tpu.memory_space<vmem_shared>>
      tpu.wait_indirect_dma semaphore(%run_scoped3A_171 : memref<!tpu.dma_semaphore, #tpu.memory_space<semaphore_mem>>) src(%dma_wait3A_183 : memref<128x16xf32, #tpu.memory_space<vmem>>) dst(%dma_wait3A_189 : memref<65x16xf32, #tpu.memory_space<vmem_shared>>)
      tpu.yield
    }) : () -> ()
    %run_scoped3A_106 = arith.constant 46 : i32
    "tpu.region"() ({
      %run_scoped3A_171 = tpu.sem_alloc : memref<!tpu.dma_semaphore, #tpu.memory_space<semaphore_mem>>
      %dma_start3A_172 = arith.constant 1792 : i32
      %dma_start3A_173 = arith.constant 0 : i32
      %dma_start3A_174 = tpu.memref_slice %arg6[%dma_start3A_172, %dma_start3A_173] : memref<2048x16xf32, #tpu.memory_space<vmem>> -> memref<128x16xf32, #tpu.memory_space<vmem>>
      %dma_start3A_175 = arith.constant 0 : i32
      %dma_start3A_176 = tpu.memref_slice %arg5[%run_scoped3A_106, %dma_start3A_175] : memref<79x128xi32, #tpu.memory_space<vmem>> -> memref<1x128xi32, #tpu.memory_space<vmem>>
      %dma_start3A_177 = tpu.memref_squeeze %dma_start3A_176 : memref<1x128xi32, #tpu.memory_space<vmem>> -> memref<128xi32, #tpu.memory_space<vmem>>
      %dma_start3A_178 = arith.constant 0 : i32
      %dma_start3A_179 = arith.constant 0 : i32
      %dma_start3A_180 = tpu.memref_slice %arg11[%dma_start3A_178, %dma_start3A_179] : memref<65x16xf32, #tpu.memory_space<vmem_shared>> -> memref<65x16xf32, #tpu.memory_space<vmem_shared>>
      tpu.enqueue_indirect_dma source(%dma_start3A_174 : memref<128x16xf32, #tpu.memory_space<vmem>>) target(%dma_start3A_180 : memref<65x16xf32, #tpu.memory_space<vmem_shared>>) offsets(%dma_start3A_177 : memref<128xi32, #tpu.memory_space<vmem>>) semaphore(%run_scoped3A_171 : memref<!tpu.dma_semaphore, #tpu.memory_space<semaphore_mem>>) {add = true}
      %dma_wait3A_181 = arith.constant 1792 : i32
      %dma_wait3A_182 = arith.constant 0 : i32
      %dma_wait3A_183 = tpu.memref_slice %arg6[%dma_wait3A_181, %dma_wait3A_182] : memref<2048x16xf32, #tpu.memory_space<vmem>> -> memref<128x16xf32, #tpu.memory_space<vmem>>
      %dma_wait3A_184 = arith.constant 0 : i32
      %dma_wait3A_185 = tpu.memref_slice %arg5[%run_scoped3A_106, %dma_wait3A_184] : memref<79x128xi32, #tpu.memory_space<vmem>> -> memref<1x128xi32, #tpu.memory_space<vmem>>
      %dma_wait3A_186 = tpu.memref_squeeze %dma_wait3A_185 : memref<1x128xi32, #tpu.memory_space<vmem>> -> memref<128xi32, #tpu.memory_space<vmem>>
      %dma_wait3A_187 = arith.constant 0 : i32
      %dma_wait3A_188 = arith.constant 0 : i32
      %dma_wait3A_189 = tpu.memref_slice %arg11[%dma_wait3A_187, %dma_wait3A_188] : memref<65x16xf32, #tpu.memory_space<vmem_shared>> -> memref<65x16xf32, #tpu.memory_space<vmem_shared>>
      tpu.wait_indirect_dma semaphore(%run_scoped3A_171 : memref<!tpu.dma_semaphore, #tpu.memory_space<semaphore_mem>>) src(%dma_wait3A_183 : memref<128x16xf32, #tpu.memory_space<vmem>>) dst(%dma_wait3A_189 : memref<65x16xf32, #tpu.memory_space<vmem_shared>>)
      tpu.yield
    }) : () -> ()
    %run_scoped3A_107 = arith.constant 47 : i32
    "tpu.region"() ({
      %run_scoped3A_171 = tpu.sem_alloc : memref<!tpu.dma_semaphore, #tpu.memory_space<semaphore_mem>>
      %dma_start3A_172 = arith.constant 1920 : i32
      %dma_start3A_173 = arith.constant 0 : i32
      %dma_start3A_174 = tpu.memref_slice %arg6[%dma_start3A_172, %dma_start3A_173] : memref<2048x16xf32, #tpu.memory_space<vmem>> -> memref<128x16xf32, #tpu.memory_space<vmem>>
      %dma_start3A_175 = arith.constant 0 : i32
      %dma_start3A_176 = tpu.memref_slice %arg5[%run_scoped3A_107, %dma_start3A_175] : memref<79x128xi32, #tpu.memory_space<vmem>> -> memref<1x128xi32, #tpu.memory_space<vmem>>
      %dma_start3A_177 = tpu.memref_squeeze %dma_start3A_176 : memref<1x128xi32, #tpu.memory_space<vmem>> -> memref<128xi32, #tpu.memory_space<vmem>>
      %dma_start3A_178 = arith.constant 0 : i32
      %dma_start3A_179 = arith.constant 0 : i32
      %dma_start3A_180 = tpu.memref_slice %arg12[%dma_start3A_178, %dma_start3A_179] : memref<65x16xf32, #tpu.memory_space<vmem_shared>> -> memref<65x16xf32, #tpu.memory_space<vmem_shared>>
      tpu.enqueue_indirect_dma source(%dma_start3A_174 : memref<128x16xf32, #tpu.memory_space<vmem>>) target(%dma_start3A_180 : memref<65x16xf32, #tpu.memory_space<vmem_shared>>) offsets(%dma_start3A_177 : memref<128xi32, #tpu.memory_space<vmem>>) semaphore(%run_scoped3A_171 : memref<!tpu.dma_semaphore, #tpu.memory_space<semaphore_mem>>) {add = true}
      %dma_wait3A_181 = arith.constant 1920 : i32
      %dma_wait3A_182 = arith.constant 0 : i32
      %dma_wait3A_183 = tpu.memref_slice %arg6[%dma_wait3A_181, %dma_wait3A_182] : memref<2048x16xf32, #tpu.memory_space<vmem>> -> memref<128x16xf32, #tpu.memory_space<vmem>>
      %dma_wait3A_184 = arith.constant 0 : i32
      %dma_wait3A_185 = tpu.memref_slice %arg5[%run_scoped3A_107, %dma_wait3A_184] : memref<79x128xi32, #tpu.memory_space<vmem>> -> memref<1x128xi32, #tpu.memory_space<vmem>>
      %dma_wait3A_186 = tpu.memref_squeeze %dma_wait3A_185 : memref<1x128xi32, #tpu.memory_space<vmem>> -> memref<128xi32, #tpu.memory_space<vmem>>
      %dma_wait3A_187 = arith.constant 0 : i32
      %dma_wait3A_188 = arith.constant 0 : i32
      %dma_wait3A_189 = tpu.memref_slice %arg12[%dma_wait3A_187, %dma_wait3A_188] : memref<65x16xf32, #tpu.memory_space<vmem_shared>> -> memref<65x16xf32, #tpu.memory_space<vmem_shared>>
      tpu.wait_indirect_dma semaphore(%run_scoped3A_171 : memref<!tpu.dma_semaphore, #tpu.memory_space<semaphore_mem>>) src(%dma_wait3A_183 : memref<128x16xf32, #tpu.memory_space<vmem>>) dst(%dma_wait3A_189 : memref<65x16xf32, #tpu.memory_space<vmem_shared>>)
      tpu.yield
    }) : () -> ()
    %dma_wait3A_108 = arith.constant 0 : i32
    %dma_wait3A_109 = tpu.memref_slice %arg2[%add3A_87, %dma_wait3A_108] : memref<320000x16xf32, #tpu.memory_space<hbm>> -> memref<2048x16xf32, #tpu.memory_space<hbm>>
    %dma_wait3A_110 = arith.constant 0 : i32
    %dma_wait3A_111 = tpu.memref_slice %arg2[%add3A_87, %dma_wait3A_110] : memref<320000x16xf32, #tpu.memory_space<hbm>> -> memref<2048x16xf32, #tpu.memory_space<hbm>>
    tpu.wait_dma2 semaphore(%arg15 : memref<!tpu.dma_semaphore, #tpu.memory_space<semaphore_mem>>) src(%dma_wait3A_111 : memref<2048x16xf32, #tpu.memory_space<hbm>>) dst(%arg7 : memref<2048x16xf32, #tpu.memory_space<vmem>>)
    %add3A_112 = arith.constant 8192 : i32
    %add3A_113 = arith.addi %mul3A_2, %add3A_112 : i32
    %dma_start3A_114 = arith.constant 0 : i32
    %dma_start3A_115 = arith.constant 0 : i32
    %dma_start3A_116 = tpu.memref_slice %arg6[%dma_start3A_114, %dma_start3A_115] : memref<2048x16xf32, #tpu.memory_space<vmem>> -> memref<1808x16xf32, #tpu.memory_space<vmem>>
    %dma_start3A_117 = arith.constant 0 : i32
    %dma_start3A_118 = tpu.memref_slice %arg2[%add3A_113, %dma_start3A_117] : memref<320000x16xf32, #tpu.memory_space<hbm>> -> memref<1808x16xf32, #tpu.memory_space<hbm>>
    %dma_start3A_119 = arith.constant 0 : i32
    %dma_start3A_120 = arith.constant 0 : i32
    %dma_start3A_121 = tpu.memref_slice %arg6[%dma_start3A_119, %dma_start3A_120] : memref<2048x16xf32, #tpu.memory_space<vmem>> -> memref<1808x16xf32, #tpu.memory_space<vmem>>
    %dma_start3A_122 = arith.constant 0 : i32
    %dma_start3A_123 = tpu.memref_slice %arg2[%add3A_113, %dma_start3A_122] : memref<320000x16xf32, #tpu.memory_space<hbm>> -> memref<1808x16xf32, #tpu.memory_space<hbm>>
    tpu.enqueue_dma source(%dma_start3A_123 : memref<1808x16xf32, #tpu.memory_space<hbm>>) target(%dma_start3A_121 : memref<1808x16xf32, #tpu.memory_space<vmem>>) target_semaphore(%arg14 : memref<!tpu.dma_semaphore, #tpu.memory_space<semaphore_mem>>)
    %run_scoped3A_124 = arith.constant 48 : i32
    "tpu.region"() ({
      %run_scoped3A_171 = tpu.sem_alloc : memref<!tpu.dma_semaphore, #tpu.memory_space<semaphore_mem>>
      %dma_start3A_172 = arith.constant 0 : i32
      %dma_start3A_173 = arith.constant 0 : i32
      %dma_start3A_174 = tpu.memref_slice %arg7[%dma_start3A_172, %dma_start3A_173] : memref<2048x16xf32, #tpu.memory_space<vmem>> -> memref<128x16xf32, #tpu.memory_space<vmem>>
      %dma_start3A_175 = arith.constant 0 : i32
      %dma_start3A_176 = tpu.memref_slice %arg5[%run_scoped3A_124, %dma_start3A_175] : memref<79x128xi32, #tpu.memory_space<vmem>> -> memref<1x128xi32, #tpu.memory_space<vmem>>
      %dma_start3A_177 = tpu.memref_squeeze %dma_start3A_176 : memref<1x128xi32, #tpu.memory_space<vmem>> -> memref<128xi32, #tpu.memory_space<vmem>>
      %dma_start3A_178 = arith.constant 0 : i32
      %dma_start3A_179 = arith.constant 0 : i32
      %dma_start3A_180 = tpu.memref_slice %arg9[%dma_start3A_178, %dma_start3A_179] : memref<65x16xf32, #tpu.memory_space<vmem_shared>> -> memref<65x16xf32, #tpu.memory_space<vmem_shared>>
      tpu.enqueue_indirect_dma source(%dma_start3A_174 : memref<128x16xf32, #tpu.memory_space<vmem>>) target(%dma_start3A_180 : memref<65x16xf32, #tpu.memory_space<vmem_shared>>) offsets(%dma_start3A_177 : memref<128xi32, #tpu.memory_space<vmem>>) semaphore(%run_scoped3A_171 : memref<!tpu.dma_semaphore, #tpu.memory_space<semaphore_mem>>) {add = true}
      %dma_wait3A_181 = arith.constant 0 : i32
      %dma_wait3A_182 = arith.constant 0 : i32
      %dma_wait3A_183 = tpu.memref_slice %arg7[%dma_wait3A_181, %dma_wait3A_182] : memref<2048x16xf32, #tpu.memory_space<vmem>> -> memref<128x16xf32, #tpu.memory_space<vmem>>
      %dma_wait3A_184 = arith.constant 0 : i32
      %dma_wait3A_185 = tpu.memref_slice %arg5[%run_scoped3A_124, %dma_wait3A_184] : memref<79x128xi32, #tpu.memory_space<vmem>> -> memref<1x128xi32, #tpu.memory_space<vmem>>
      %dma_wait3A_186 = tpu.memref_squeeze %dma_wait3A_185 : memref<1x128xi32, #tpu.memory_space<vmem>> -> memref<128xi32, #tpu.memory_space<vmem>>
      %dma_wait3A_187 = arith.constant 0 : i32
      %dma_wait3A_188 = arith.constant 0 : i32
      %dma_wait3A_189 = tpu.memref_slice %arg9[%dma_wait3A_187, %dma_wait3A_188] : memref<65x16xf32, #tpu.memory_space<vmem_shared>> -> memref<65x16xf32, #tpu.memory_space<vmem_shared>>
      tpu.wait_indirect_dma semaphore(%run_scoped3A_171 : memref<!tpu.dma_semaphore, #tpu.memory_space<semaphore_mem>>) src(%dma_wait3A_183 : memref<128x16xf32, #tpu.memory_space<vmem>>) dst(%dma_wait3A_189 : memref<65x16xf32, #tpu.memory_space<vmem_shared>>)
      tpu.yield
    }) : () -> ()
    %run_scoped3A_125 = arith.constant 49 : i32
    "tpu.region"() ({
      %run_scoped3A_171 = tpu.sem_alloc : memref<!tpu.dma_semaphore, #tpu.memory_space<semaphore_mem>>
      %dma_start3A_172 = arith.constant 128 : i32
      %dma_start3A_173 = arith.constant 0 : i32
      %dma_start3A_174 = tpu.memref_slice %arg7[%dma_start3A_172, %dma_start3A_173] : memref<2048x16xf32, #tpu.memory_space<vmem>> -> memref<128x16xf32, #tpu.memory_space<vmem>>
      %dma_start3A_175 = arith.constant 0 : i32
      %dma_start3A_176 = tpu.memref_slice %arg5[%run_scoped3A_125, %dma_start3A_175] : memref<79x128xi32, #tpu.memory_space<vmem>> -> memref<1x128xi32, #tpu.memory_space<vmem>>
      %dma_start3A_177 = tpu.memref_squeeze %dma_start3A_176 : memref<1x128xi32, #tpu.memory_space<vmem>> -> memref<128xi32, #tpu.memory_space<vmem>>
      %dma_start3A_178 = arith.constant 0 : i32
      %dma_start3A_179 = arith.constant 0 : i32
      %dma_start3A_180 = tpu.memref_slice %arg10[%dma_start3A_178, %dma_start3A_179] : memref<65x16xf32, #tpu.memory_space<vmem_shared>> -> memref<65x16xf32, #tpu.memory_space<vmem_shared>>
      tpu.enqueue_indirect_dma source(%dma_start3A_174 : memref<128x16xf32, #tpu.memory_space<vmem>>) target(%dma_start3A_180 : memref<65x16xf32, #tpu.memory_space<vmem_shared>>) offsets(%dma_start3A_177 : memref<128xi32, #tpu.memory_space<vmem>>) semaphore(%run_scoped3A_171 : memref<!tpu.dma_semaphore, #tpu.memory_space<semaphore_mem>>) {add = true}
      %dma_wait3A_181 = arith.constant 128 : i32
      %dma_wait3A_182 = arith.constant 0 : i32
      %dma_wait3A_183 = tpu.memref_slice %arg7[%dma_wait3A_181, %dma_wait3A_182] : memref<2048x16xf32, #tpu.memory_space<vmem>> -> memref<128x16xf32, #tpu.memory_space<vmem>>
      %dma_wait3A_184 = arith.constant 0 : i32
      %dma_wait3A_185 = tpu.memref_slice %arg5[%run_scoped3A_125, %dma_wait3A_184] : memref<79x128xi32, #tpu.memory_space<vmem>> -> memref<1x128xi32, #tpu.memory_space<vmem>>
      %dma_wait3A_186 = tpu.memref_squeeze %dma_wait3A_185 : memref<1x128xi32, #tpu.memory_space<vmem>> -> memref<128xi32, #tpu.memory_space<vmem>>
      %dma_wait3A_187 = arith.constant 0 : i32
      %dma_wait3A_188 = arith.constant 0 : i32
      %dma_wait3A_189 = tpu.memref_slice %arg10[%dma_wait3A_187, %dma_wait3A_188] : memref<65x16xf32, #tpu.memory_space<vmem_shared>> -> memref<65x16xf32, #tpu.memory_space<vmem_shared>>
      tpu.wait_indirect_dma semaphore(%run_scoped3A_171 : memref<!tpu.dma_semaphore, #tpu.memory_space<semaphore_mem>>) src(%dma_wait3A_183 : memref<128x16xf32, #tpu.memory_space<vmem>>) dst(%dma_wait3A_189 : memref<65x16xf32, #tpu.memory_space<vmem_shared>>)
      tpu.yield
    }) : () -> ()
    %run_scoped3A_126 = arith.constant 50 : i32
    "tpu.region"() ({
      %run_scoped3A_171 = tpu.sem_alloc : memref<!tpu.dma_semaphore, #tpu.memory_space<semaphore_mem>>
      %dma_start3A_172 = arith.constant 256 : i32
      %dma_start3A_173 = arith.constant 0 : i32
      %dma_start3A_174 = tpu.memref_slice %arg7[%dma_start3A_172, %dma_start3A_173] : memref<2048x16xf32, #tpu.memory_space<vmem>> -> memref<128x16xf32, #tpu.memory_space<vmem>>
      %dma_start3A_175 = arith.constant 0 : i32
      %dma_start3A_176 = tpu.memref_slice %arg5[%run_scoped3A_126, %dma_start3A_175] : memref<79x128xi32, #tpu.memory_space<vmem>> -> memref<1x128xi32, #tpu.memory_space<vmem>>
      %dma_start3A_177 = tpu.memref_squeeze %dma_start3A_176 : memref<1x128xi32, #tpu.memory_space<vmem>> -> memref<128xi32, #tpu.memory_space<vmem>>
      %dma_start3A_178 = arith.constant 0 : i32
      %dma_start3A_179 = arith.constant 0 : i32
      %dma_start3A_180 = tpu.memref_slice %arg11[%dma_start3A_178, %dma_start3A_179] : memref<65x16xf32, #tpu.memory_space<vmem_shared>> -> memref<65x16xf32, #tpu.memory_space<vmem_shared>>
      tpu.enqueue_indirect_dma source(%dma_start3A_174 : memref<128x16xf32, #tpu.memory_space<vmem>>) target(%dma_start3A_180 : memref<65x16xf32, #tpu.memory_space<vmem_shared>>) offsets(%dma_start3A_177 : memref<128xi32, #tpu.memory_space<vmem>>) semaphore(%run_scoped3A_171 : memref<!tpu.dma_semaphore, #tpu.memory_space<semaphore_mem>>) {add = true}
      %dma_wait3A_181 = arith.constant 256 : i32
      %dma_wait3A_182 = arith.constant 0 : i32
      %dma_wait3A_183 = tpu.memref_slice %arg7[%dma_wait3A_181, %dma_wait3A_182] : memref<2048x16xf32, #tpu.memory_space<vmem>> -> memref<128x16xf32, #tpu.memory_space<vmem>>
      %dma_wait3A_184 = arith.constant 0 : i32
      %dma_wait3A_185 = tpu.memref_slice %arg5[%run_scoped3A_126, %dma_wait3A_184] : memref<79x128xi32, #tpu.memory_space<vmem>> -> memref<1x128xi32, #tpu.memory_space<vmem>>
      %dma_wait3A_186 = tpu.memref_squeeze %dma_wait3A_185 : memref<1x128xi32, #tpu.memory_space<vmem>> -> memref<128xi32, #tpu.memory_space<vmem>>
      %dma_wait3A_187 = arith.constant 0 : i32
      %dma_wait3A_188 = arith.constant 0 : i32
      %dma_wait3A_189 = tpu.memref_slice %arg11[%dma_wait3A_187, %dma_wait3A_188] : memref<65x16xf32, #tpu.memory_space<vmem_shared>> -> memref<65x16xf32, #tpu.memory_space<vmem_shared>>
      tpu.wait_indirect_dma semaphore(%run_scoped3A_171 : memref<!tpu.dma_semaphore, #tpu.memory_space<semaphore_mem>>) src(%dma_wait3A_183 : memref<128x16xf32, #tpu.memory_space<vmem>>) dst(%dma_wait3A_189 : memref<65x16xf32, #tpu.memory_space<vmem_shared>>)
      tpu.yield
    }) : () -> ()
    %run_scoped3A_127 = arith.constant 51 : i32
    "tpu.region"() ({
      %run_scoped3A_171 = tpu.sem_alloc : memref<!tpu.dma_semaphore, #tpu.memory_space<semaphore_mem>>
      %dma_start3A_172 = arith.constant 384 : i32
      %dma_start3A_173 = arith.constant 0 : i32
      %dma_start3A_174 = tpu.memref_slice %arg7[%dma_start3A_172, %dma_start3A_173] : memref<2048x16xf32, #tpu.memory_space<vmem>> -> memref<128x16xf32, #tpu.memory_space<vmem>>
      %dma_start3A_175 = arith.constant 0 : i32
      %dma_start3A_176 = tpu.memref_slice %arg5[%run_scoped3A_127, %dma_start3A_175] : memref<79x128xi32, #tpu.memory_space<vmem>> -> memref<1x128xi32, #tpu.memory_space<vmem>>
      %dma_start3A_177 = tpu.memref_squeeze %dma_start3A_176 : memref<1x128xi32, #tpu.memory_space<vmem>> -> memref<128xi32, #tpu.memory_space<vmem>>
      %dma_start3A_178 = arith.constant 0 : i32
      %dma_start3A_179 = arith.constant 0 : i32
      %dma_start3A_180 = tpu.memref_slice %arg12[%dma_start3A_178, %dma_start3A_179] : memref<65x16xf32, #tpu.memory_space<vmem_shared>> -> memref<65x16xf32, #tpu.memory_space<vmem_shared>>
      tpu.enqueue_indirect_dma source(%dma_start3A_174 : memref<128x16xf32, #tpu.memory_space<vmem>>) target(%dma_start3A_180 : memref<65x16xf32, #tpu.memory_space<vmem_shared>>) offsets(%dma_start3A_177 : memref<128xi32, #tpu.memory_space<vmem>>) semaphore(%run_scoped3A_171 : memref<!tpu.dma_semaphore, #tpu.memory_space<semaphore_mem>>) {add = true}
      %dma_wait3A_181 = arith.constant 384 : i32
      %dma_wait3A_182 = arith.constant 0 : i32
      %dma_wait3A_183 = tpu.memref_slice %arg7[%dma_wait3A_181, %dma_wait3A_182] : memref<2048x16xf32, #tpu.memory_space<vmem>> -> memref<128x16xf32, #tpu.memory_space<vmem>>
      %dma_wait3A_184 = arith.constant 0 : i32
      %dma_wait3A_185 = tpu.memref_slice %arg5[%run_scoped3A_127, %dma_wait3A_184] : memref<79x128xi32, #tpu.memory_space<vmem>> -> memref<1x128xi32, #tpu.memory_space<vmem>>
      %dma_wait3A_186 = tpu.memref_squeeze %dma_wait3A_185 : memref<1x128xi32, #tpu.memory_space<vmem>> -> memref<128xi32, #tpu.memory_space<vmem>>
      %dma_wait3A_187 = arith.constant 0 : i32
      %dma_wait3A_188 = arith.constant 0 : i32
      %dma_wait3A_189 = tpu.memref_slice %arg12[%dma_wait3A_187, %dma_wait3A_188] : memref<65x16xf32, #tpu.memory_space<vmem_shared>> -> memref<65x16xf32, #tpu.memory_space<vmem_shared>>
      tpu.wait_indirect_dma semaphore(%run_scoped3A_171 : memref<!tpu.dma_semaphore, #tpu.memory_space<semaphore_mem>>) src(%dma_wait3A_183 : memref<128x16xf32, #tpu.memory_space<vmem>>) dst(%dma_wait3A_189 : memref<65x16xf32, #tpu.memory_space<vmem_shared>>)
      tpu.yield
    }) : () -> ()
    %run_scoped3A_128 = arith.constant 52 : i32
    "tpu.region"() ({
      %run_scoped3A_171 = tpu.sem_alloc : memref<!tpu.dma_semaphore, #tpu.memory_space<semaphore_mem>>
      %dma_start3A_172 = arith.constant 512 : i32
      %dma_start3A_173 = arith.constant 0 : i32
      %dma_start3A_174 = tpu.memref_slice %arg7[%dma_start3A_172, %dma_start3A_173] : memref<2048x16xf32, #tpu.memory_space<vmem>> -> memref<128x16xf32, #tpu.memory_space<vmem>>
      %dma_start3A_175 = arith.constant 0 : i32
      %dma_start3A_176 = tpu.memref_slice %arg5[%run_scoped3A_128, %dma_start3A_175] : memref<79x128xi32, #tpu.memory_space<vmem>> -> memref<1x128xi32, #tpu.memory_space<vmem>>
      %dma_start3A_177 = tpu.memref_squeeze %dma_start3A_176 : memref<1x128xi32, #tpu.memory_space<vmem>> -> memref<128xi32, #tpu.memory_space<vmem>>
      %dma_start3A_178 = arith.constant 0 : i32
      %dma_start3A_179 = arith.constant 0 : i32
      %dma_start3A_180 = tpu.memref_slice %arg9[%dma_start3A_178, %dma_start3A_179] : memref<65x16xf32, #tpu.memory_space<vmem_shared>> -> memref<65x16xf32, #tpu.memory_space<vmem_shared>>
      tpu.enqueue_indirect_dma source(%dma_start3A_174 : memref<128x16xf32, #tpu.memory_space<vmem>>) target(%dma_start3A_180 : memref<65x16xf32, #tpu.memory_space<vmem_shared>>) offsets(%dma_start3A_177 : memref<128xi32, #tpu.memory_space<vmem>>) semaphore(%run_scoped3A_171 : memref<!tpu.dma_semaphore, #tpu.memory_space<semaphore_mem>>) {add = true}
      %dma_wait3A_181 = arith.constant 512 : i32
      %dma_wait3A_182 = arith.constant 0 : i32
      %dma_wait3A_183 = tpu.memref_slice %arg7[%dma_wait3A_181, %dma_wait3A_182] : memref<2048x16xf32, #tpu.memory_space<vmem>> -> memref<128x16xf32, #tpu.memory_space<vmem>>
      %dma_wait3A_184 = arith.constant 0 : i32
      %dma_wait3A_185 = tpu.memref_slice %arg5[%run_scoped3A_128, %dma_wait3A_184] : memref<79x128xi32, #tpu.memory_space<vmem>> -> memref<1x128xi32, #tpu.memory_space<vmem>>
      %dma_wait3A_186 = tpu.memref_squeeze %dma_wait3A_185 : memref<1x128xi32, #tpu.memory_space<vmem>> -> memref<128xi32, #tpu.memory_space<vmem>>
      %dma_wait3A_187 = arith.constant 0 : i32
      %dma_wait3A_188 = arith.constant 0 : i32
      %dma_wait3A_189 = tpu.memref_slice %arg9[%dma_wait3A_187, %dma_wait3A_188] : memref<65x16xf32, #tpu.memory_space<vmem_shared>> -> memref<65x16xf32, #tpu.memory_space<vmem_shared>>
      tpu.wait_indirect_dma semaphore(%run_scoped3A_171 : memref<!tpu.dma_semaphore, #tpu.memory_space<semaphore_mem>>) src(%dma_wait3A_183 : memref<128x16xf32, #tpu.memory_space<vmem>>) dst(%dma_wait3A_189 : memref<65x16xf32, #tpu.memory_space<vmem_shared>>)
      tpu.yield
    }) : () -> ()
    %run_scoped3A_129 = arith.constant 53 : i32
    "tpu.region"() ({
      %run_scoped3A_171 = tpu.sem_alloc : memref<!tpu.dma_semaphore, #tpu.memory_space<semaphore_mem>>
      %dma_start3A_172 = arith.constant 640 : i32
      %dma_start3A_173 = arith.constant 0 : i32
      %dma_start3A_174 = tpu.memref_slice %arg7[%dma_start3A_172, %dma_start3A_173] : memref<2048x16xf32, #tpu.memory_space<vmem>> -> memref<128x16xf32, #tpu.memory_space<vmem>>
      %dma_start3A_175 = arith.constant 0 : i32
      %dma_start3A_176 = tpu.memref_slice %arg5[%run_scoped3A_129, %dma_start3A_175] : memref<79x128xi32, #tpu.memory_space<vmem>> -> memref<1x128xi32, #tpu.memory_space<vmem>>
      %dma_start3A_177 = tpu.memref_squeeze %dma_start3A_176 : memref<1x128xi32, #tpu.memory_space<vmem>> -> memref<128xi32, #tpu.memory_space<vmem>>
      %dma_start3A_178 = arith.constant 0 : i32
      %dma_start3A_179 = arith.constant 0 : i32
      %dma_start3A_180 = tpu.memref_slice %arg10[%dma_start3A_178, %dma_start3A_179] : memref<65x16xf32, #tpu.memory_space<vmem_shared>> -> memref<65x16xf32, #tpu.memory_space<vmem_shared>>
      tpu.enqueue_indirect_dma source(%dma_start3A_174 : memref<128x16xf32, #tpu.memory_space<vmem>>) target(%dma_start3A_180 : memref<65x16xf32, #tpu.memory_space<vmem_shared>>) offsets(%dma_start3A_177 : memref<128xi32, #tpu.memory_space<vmem>>) semaphore(%run_scoped3A_171 : memref<!tpu.dma_semaphore, #tpu.memory_space<semaphore_mem>>) {add = true}
      %dma_wait3A_181 = arith.constant 640 : i32
      %dma_wait3A_182 = arith.constant 0 : i32
      %dma_wait3A_183 = tpu.memref_slice %arg7[%dma_wait3A_181, %dma_wait3A_182] : memref<2048x16xf32, #tpu.memory_space<vmem>> -> memref<128x16xf32, #tpu.memory_space<vmem>>
      %dma_wait3A_184 = arith.constant 0 : i32
      %dma_wait3A_185 = tpu.memref_slice %arg5[%run_scoped3A_129, %dma_wait3A_184] : memref<79x128xi32, #tpu.memory_space<vmem>> -> memref<1x128xi32, #tpu.memory_space<vmem>>
      %dma_wait3A_186 = tpu.memref_squeeze %dma_wait3A_185 : memref<1x128xi32, #tpu.memory_space<vmem>> -> memref<128xi32, #tpu.memory_space<vmem>>
      %dma_wait3A_187 = arith.constant 0 : i32
      %dma_wait3A_188 = arith.constant 0 : i32
      %dma_wait3A_189 = tpu.memref_slice %arg10[%dma_wait3A_187, %dma_wait3A_188] : memref<65x16xf32, #tpu.memory_space<vmem_shared>> -> memref<65x16xf32, #tpu.memory_space<vmem_shared>>
      tpu.wait_indirect_dma semaphore(%run_scoped3A_171 : memref<!tpu.dma_semaphore, #tpu.memory_space<semaphore_mem>>) src(%dma_wait3A_183 : memref<128x16xf32, #tpu.memory_space<vmem>>) dst(%dma_wait3A_189 : memref<65x16xf32, #tpu.memory_space<vmem_shared>>)
      tpu.yield
    }) : () -> ()
    %run_scoped3A_130 = arith.constant 54 : i32
    "tpu.region"() ({
      %run_scoped3A_171 = tpu.sem_alloc : memref<!tpu.dma_semaphore, #tpu.memory_space<semaphore_mem>>
      %dma_start3A_172 = arith.constant 768 : i32
      %dma_start3A_173 = arith.constant 0 : i32
      %dma_start3A_174 = tpu.memref_slice %arg7[%dma_start3A_172, %dma_start3A_173] : memref<2048x16xf32, #tpu.memory_space<vmem>> -> memref<128x16xf32, #tpu.memory_space<vmem>>
      %dma_start3A_175 = arith.constant 0 : i32
      %dma_start3A_176 = tpu.memref_slice %arg5[%run_scoped3A_130, %dma_start3A_175] : memref<79x128xi32, #tpu.memory_space<vmem>> -> memref<1x128xi32, #tpu.memory_space<vmem>>
      %dma_start3A_177 = tpu.memref_squeeze %dma_start3A_176 : memref<1x128xi32, #tpu.memory_space<vmem>> -> memref<128xi32, #tpu.memory_space<vmem>>
      %dma_start3A_178 = arith.constant 0 : i32
      %dma_start3A_179 = arith.constant 0 : i32
      %dma_start3A_180 = tpu.memref_slice %arg11[%dma_start3A_178, %dma_start3A_179] : memref<65x16xf32, #tpu.memory_space<vmem_shared>> -> memref<65x16xf32, #tpu.memory_space<vmem_shared>>
      tpu.enqueue_indirect_dma source(%dma_start3A_174 : memref<128x16xf32, #tpu.memory_space<vmem>>) target(%dma_start3A_180 : memref<65x16xf32, #tpu.memory_space<vmem_shared>>) offsets(%dma_start3A_177 : memref<128xi32, #tpu.memory_space<vmem>>) semaphore(%run_scoped3A_171 : memref<!tpu.dma_semaphore, #tpu.memory_space<semaphore_mem>>) {add = true}
      %dma_wait3A_181 = arith.constant 768 : i32
      %dma_wait3A_182 = arith.constant 0 : i32
      %dma_wait3A_183 = tpu.memref_slice %arg7[%dma_wait3A_181, %dma_wait3A_182] : memref<2048x16xf32, #tpu.memory_space<vmem>> -> memref<128x16xf32, #tpu.memory_space<vmem>>
      %dma_wait3A_184 = arith.constant 0 : i32
      %dma_wait3A_185 = tpu.memref_slice %arg5[%run_scoped3A_130, %dma_wait3A_184] : memref<79x128xi32, #tpu.memory_space<vmem>> -> memref<1x128xi32, #tpu.memory_space<vmem>>
      %dma_wait3A_186 = tpu.memref_squeeze %dma_wait3A_185 : memref<1x128xi32, #tpu.memory_space<vmem>> -> memref<128xi32, #tpu.memory_space<vmem>>
      %dma_wait3A_187 = arith.constant 0 : i32
      %dma_wait3A_188 = arith.constant 0 : i32
      %dma_wait3A_189 = tpu.memref_slice %arg11[%dma_wait3A_187, %dma_wait3A_188] : memref<65x16xf32, #tpu.memory_space<vmem_shared>> -> memref<65x16xf32, #tpu.memory_space<vmem_shared>>
      tpu.wait_indirect_dma semaphore(%run_scoped3A_171 : memref<!tpu.dma_semaphore, #tpu.memory_space<semaphore_mem>>) src(%dma_wait3A_183 : memref<128x16xf32, #tpu.memory_space<vmem>>) dst(%dma_wait3A_189 : memref<65x16xf32, #tpu.memory_space<vmem_shared>>)
      tpu.yield
    }) : () -> ()
    %run_scoped3A_131 = arith.constant 55 : i32
    "tpu.region"() ({
      %run_scoped3A_171 = tpu.sem_alloc : memref<!tpu.dma_semaphore, #tpu.memory_space<semaphore_mem>>
      %dma_start3A_172 = arith.constant 896 : i32
      %dma_start3A_173 = arith.constant 0 : i32
      %dma_start3A_174 = tpu.memref_slice %arg7[%dma_start3A_172, %dma_start3A_173] : memref<2048x16xf32, #tpu.memory_space<vmem>> -> memref<128x16xf32, #tpu.memory_space<vmem>>
      %dma_start3A_175 = arith.constant 0 : i32
      %dma_start3A_176 = tpu.memref_slice %arg5[%run_scoped3A_131, %dma_start3A_175] : memref<79x128xi32, #tpu.memory_space<vmem>> -> memref<1x128xi32, #tpu.memory_space<vmem>>
      %dma_start3A_177 = tpu.memref_squeeze %dma_start3A_176 : memref<1x128xi32, #tpu.memory_space<vmem>> -> memref<128xi32, #tpu.memory_space<vmem>>
      %dma_start3A_178 = arith.constant 0 : i32
      %dma_start3A_179 = arith.constant 0 : i32
      %dma_start3A_180 = tpu.memref_slice %arg12[%dma_start3A_178, %dma_start3A_179] : memref<65x16xf32, #tpu.memory_space<vmem_shared>> -> memref<65x16xf32, #tpu.memory_space<vmem_shared>>
      tpu.enqueue_indirect_dma source(%dma_start3A_174 : memref<128x16xf32, #tpu.memory_space<vmem>>) target(%dma_start3A_180 : memref<65x16xf32, #tpu.memory_space<vmem_shared>>) offsets(%dma_start3A_177 : memref<128xi32, #tpu.memory_space<vmem>>) semaphore(%run_scoped3A_171 : memref<!tpu.dma_semaphore, #tpu.memory_space<semaphore_mem>>) {add = true}
      %dma_wait3A_181 = arith.constant 896 : i32
      %dma_wait3A_182 = arith.constant 0 : i32
      %dma_wait3A_183 = tpu.memref_slice %arg7[%dma_wait3A_181, %dma_wait3A_182] : memref<2048x16xf32, #tpu.memory_space<vmem>> -> memref<128x16xf32, #tpu.memory_space<vmem>>
      %dma_wait3A_184 = arith.constant 0 : i32
      %dma_wait3A_185 = tpu.memref_slice %arg5[%run_scoped3A_131, %dma_wait3A_184] : memref<79x128xi32, #tpu.memory_space<vmem>> -> memref<1x128xi32, #tpu.memory_space<vmem>>
      %dma_wait3A_186 = tpu.memref_squeeze %dma_wait3A_185 : memref<1x128xi32, #tpu.memory_space<vmem>> -> memref<128xi32, #tpu.memory_space<vmem>>
      %dma_wait3A_187 = arith.constant 0 : i32
      %dma_wait3A_188 = arith.constant 0 : i32
      %dma_wait3A_189 = tpu.memref_slice %arg12[%dma_wait3A_187, %dma_wait3A_188] : memref<65x16xf32, #tpu.memory_space<vmem_shared>> -> memref<65x16xf32, #tpu.memory_space<vmem_shared>>
      tpu.wait_indirect_dma semaphore(%run_scoped3A_171 : memref<!tpu.dma_semaphore, #tpu.memory_space<semaphore_mem>>) src(%dma_wait3A_183 : memref<128x16xf32, #tpu.memory_space<vmem>>) dst(%dma_wait3A_189 : memref<65x16xf32, #tpu.memory_space<vmem_shared>>)
      tpu.yield
    }) : () -> ()
    %run_scoped3A_132 = arith.constant 56 : i32
    "tpu.region"() ({
      %run_scoped3A_171 = tpu.sem_alloc : memref<!tpu.dma_semaphore, #tpu.memory_space<semaphore_mem>>
      %dma_start3A_172 = arith.constant 1024 : i32
      %dma_start3A_173 = arith.constant 0 : i32
      %dma_start3A_174 = tpu.memref_slice %arg7[%dma_start3A_172, %dma_start3A_173] : memref<2048x16xf32, #tpu.memory_space<vmem>> -> memref<128x16xf32, #tpu.memory_space<vmem>>
      %dma_start3A_175 = arith.constant 0 : i32
      %dma_start3A_176 = tpu.memref_slice %arg5[%run_scoped3A_132, %dma_start3A_175] : memref<79x128xi32, #tpu.memory_space<vmem>> -> memref<1x128xi32, #tpu.memory_space<vmem>>
      %dma_start3A_177 = tpu.memref_squeeze %dma_start3A_176 : memref<1x128xi32, #tpu.memory_space<vmem>> -> memref<128xi32, #tpu.memory_space<vmem>>
      %dma_start3A_178 = arith.constant 0 : i32
      %dma_start3A_179 = arith.constant 0 : i32
      %dma_start3A_180 = tpu.memref_slice %arg9[%dma_start3A_178, %dma_start3A_179] : memref<65x16xf32, #tpu.memory_space<vmem_shared>> -> memref<65x16xf32, #tpu.memory_space<vmem_shared>>
      tpu.enqueue_indirect_dma source(%dma_start3A_174 : memref<128x16xf32, #tpu.memory_space<vmem>>) target(%dma_start3A_180 : memref<65x16xf32, #tpu.memory_space<vmem_shared>>) offsets(%dma_start3A_177 : memref<128xi32, #tpu.memory_space<vmem>>) semaphore(%run_scoped3A_171 : memref<!tpu.dma_semaphore, #tpu.memory_space<semaphore_mem>>) {add = true}
      %dma_wait3A_181 = arith.constant 1024 : i32
      %dma_wait3A_182 = arith.constant 0 : i32
      %dma_wait3A_183 = tpu.memref_slice %arg7[%dma_wait3A_181, %dma_wait3A_182] : memref<2048x16xf32, #tpu.memory_space<vmem>> -> memref<128x16xf32, #tpu.memory_space<vmem>>
      %dma_wait3A_184 = arith.constant 0 : i32
      %dma_wait3A_185 = tpu.memref_slice %arg5[%run_scoped3A_132, %dma_wait3A_184] : memref<79x128xi32, #tpu.memory_space<vmem>> -> memref<1x128xi32, #tpu.memory_space<vmem>>
      %dma_wait3A_186 = tpu.memref_squeeze %dma_wait3A_185 : memref<1x128xi32, #tpu.memory_space<vmem>> -> memref<128xi32, #tpu.memory_space<vmem>>
      %dma_wait3A_187 = arith.constant 0 : i32
      %dma_wait3A_188 = arith.constant 0 : i32
      %dma_wait3A_189 = tpu.memref_slice %arg9[%dma_wait3A_187, %dma_wait3A_188] : memref<65x16xf32, #tpu.memory_space<vmem_shared>> -> memref<65x16xf32, #tpu.memory_space<vmem_shared>>
      tpu.wait_indirect_dma semaphore(%run_scoped3A_171 : memref<!tpu.dma_semaphore, #tpu.memory_space<semaphore_mem>>) src(%dma_wait3A_183 : memref<128x16xf32, #tpu.memory_space<vmem>>) dst(%dma_wait3A_189 : memref<65x16xf32, #tpu.memory_space<vmem_shared>>)
      tpu.yield
    }) : () -> ()
    %run_scoped3A_133 = arith.constant 57 : i32
    "tpu.region"() ({
      %run_scoped3A_171 = tpu.sem_alloc : memref<!tpu.dma_semaphore, #tpu.memory_space<semaphore_mem>>
      %dma_start3A_172 = arith.constant 1152 : i32
      %dma_start3A_173 = arith.constant 0 : i32
      %dma_start3A_174 = tpu.memref_slice %arg7[%dma_start3A_172, %dma_start3A_173] : memref<2048x16xf32, #tpu.memory_space<vmem>> -> memref<128x16xf32, #tpu.memory_space<vmem>>
      %dma_start3A_175 = arith.constant 0 : i32
      %dma_start3A_176 = tpu.memref_slice %arg5[%run_scoped3A_133, %dma_start3A_175] : memref<79x128xi32, #tpu.memory_space<vmem>> -> memref<1x128xi32, #tpu.memory_space<vmem>>
      %dma_start3A_177 = tpu.memref_squeeze %dma_start3A_176 : memref<1x128xi32, #tpu.memory_space<vmem>> -> memref<128xi32, #tpu.memory_space<vmem>>
      %dma_start3A_178 = arith.constant 0 : i32
      %dma_start3A_179 = arith.constant 0 : i32
      %dma_start3A_180 = tpu.memref_slice %arg10[%dma_start3A_178, %dma_start3A_179] : memref<65x16xf32, #tpu.memory_space<vmem_shared>> -> memref<65x16xf32, #tpu.memory_space<vmem_shared>>
      tpu.enqueue_indirect_dma source(%dma_start3A_174 : memref<128x16xf32, #tpu.memory_space<vmem>>) target(%dma_start3A_180 : memref<65x16xf32, #tpu.memory_space<vmem_shared>>) offsets(%dma_start3A_177 : memref<128xi32, #tpu.memory_space<vmem>>) semaphore(%run_scoped3A_171 : memref<!tpu.dma_semaphore, #tpu.memory_space<semaphore_mem>>) {add = true}
      %dma_wait3A_181 = arith.constant 1152 : i32
      %dma_wait3A_182 = arith.constant 0 : i32
      %dma_wait3A_183 = tpu.memref_slice %arg7[%dma_wait3A_181, %dma_wait3A_182] : memref<2048x16xf32, #tpu.memory_space<vmem>> -> memref<128x16xf32, #tpu.memory_space<vmem>>
      %dma_wait3A_184 = arith.constant 0 : i32
      %dma_wait3A_185 = tpu.memref_slice %arg5[%run_scoped3A_133, %dma_wait3A_184] : memref<79x128xi32, #tpu.memory_space<vmem>> -> memref<1x128xi32, #tpu.memory_space<vmem>>
      %dma_wait3A_186 = tpu.memref_squeeze %dma_wait3A_185 : memref<1x128xi32, #tpu.memory_space<vmem>> -> memref<128xi32, #tpu.memory_space<vmem>>
      %dma_wait3A_187 = arith.constant 0 : i32
      %dma_wait3A_188 = arith.constant 0 : i32
      %dma_wait3A_189 = tpu.memref_slice %arg10[%dma_wait3A_187, %dma_wait3A_188] : memref<65x16xf32, #tpu.memory_space<vmem_shared>> -> memref<65x16xf32, #tpu.memory_space<vmem_shared>>
      tpu.wait_indirect_dma semaphore(%run_scoped3A_171 : memref<!tpu.dma_semaphore, #tpu.memory_space<semaphore_mem>>) src(%dma_wait3A_183 : memref<128x16xf32, #tpu.memory_space<vmem>>) dst(%dma_wait3A_189 : memref<65x16xf32, #tpu.memory_space<vmem_shared>>)
      tpu.yield
    }) : () -> ()
    %run_scoped3A_134 = arith.constant 58 : i32
    "tpu.region"() ({
      %run_scoped3A_171 = tpu.sem_alloc : memref<!tpu.dma_semaphore, #tpu.memory_space<semaphore_mem>>
      %dma_start3A_172 = arith.constant 1280 : i32
      %dma_start3A_173 = arith.constant 0 : i32
      %dma_start3A_174 = tpu.memref_slice %arg7[%dma_start3A_172, %dma_start3A_173] : memref<2048x16xf32, #tpu.memory_space<vmem>> -> memref<128x16xf32, #tpu.memory_space<vmem>>
      %dma_start3A_175 = arith.constant 0 : i32
      %dma_start3A_176 = tpu.memref_slice %arg5[%run_scoped3A_134, %dma_start3A_175] : memref<79x128xi32, #tpu.memory_space<vmem>> -> memref<1x128xi32, #tpu.memory_space<vmem>>
      %dma_start3A_177 = tpu.memref_squeeze %dma_start3A_176 : memref<1x128xi32, #tpu.memory_space<vmem>> -> memref<128xi32, #tpu.memory_space<vmem>>
      %dma_start3A_178 = arith.constant 0 : i32
      %dma_start3A_179 = arith.constant 0 : i32
      %dma_start3A_180 = tpu.memref_slice %arg11[%dma_start3A_178, %dma_start3A_179] : memref<65x16xf32, #tpu.memory_space<vmem_shared>> -> memref<65x16xf32, #tpu.memory_space<vmem_shared>>
      tpu.enqueue_indirect_dma source(%dma_start3A_174 : memref<128x16xf32, #tpu.memory_space<vmem>>) target(%dma_start3A_180 : memref<65x16xf32, #tpu.memory_space<vmem_shared>>) offsets(%dma_start3A_177 : memref<128xi32, #tpu.memory_space<vmem>>) semaphore(%run_scoped3A_171 : memref<!tpu.dma_semaphore, #tpu.memory_space<semaphore_mem>>) {add = true}
      %dma_wait3A_181 = arith.constant 1280 : i32
      %dma_wait3A_182 = arith.constant 0 : i32
      %dma_wait3A_183 = tpu.memref_slice %arg7[%dma_wait3A_181, %dma_wait3A_182] : memref<2048x16xf32, #tpu.memory_space<vmem>> -> memref<128x16xf32, #tpu.memory_space<vmem>>
      %dma_wait3A_184 = arith.constant 0 : i32
      %dma_wait3A_185 = tpu.memref_slice %arg5[%run_scoped3A_134, %dma_wait3A_184] : memref<79x128xi32, #tpu.memory_space<vmem>> -> memref<1x128xi32, #tpu.memory_space<vmem>>
      %dma_wait3A_186 = tpu.memref_squeeze %dma_wait3A_185 : memref<1x128xi32, #tpu.memory_space<vmem>> -> memref<128xi32, #tpu.memory_space<vmem>>
      %dma_wait3A_187 = arith.constant 0 : i32
      %dma_wait3A_188 = arith.constant 0 : i32
      %dma_wait3A_189 = tpu.memref_slice %arg11[%dma_wait3A_187, %dma_wait3A_188] : memref<65x16xf32, #tpu.memory_space<vmem_shared>> -> memref<65x16xf32, #tpu.memory_space<vmem_shared>>
      tpu.wait_indirect_dma semaphore(%run_scoped3A_171 : memref<!tpu.dma_semaphore, #tpu.memory_space<semaphore_mem>>) src(%dma_wait3A_183 : memref<128x16xf32, #tpu.memory_space<vmem>>) dst(%dma_wait3A_189 : memref<65x16xf32, #tpu.memory_space<vmem_shared>>)
      tpu.yield
    }) : () -> ()
    %run_scoped3A_135 = arith.constant 59 : i32
    "tpu.region"() ({
      %run_scoped3A_171 = tpu.sem_alloc : memref<!tpu.dma_semaphore, #tpu.memory_space<semaphore_mem>>
      %dma_start3A_172 = arith.constant 1408 : i32
      %dma_start3A_173 = arith.constant 0 : i32
      %dma_start3A_174 = tpu.memref_slice %arg7[%dma_start3A_172, %dma_start3A_173] : memref<2048x16xf32, #tpu.memory_space<vmem>> -> memref<128x16xf32, #tpu.memory_space<vmem>>
      %dma_start3A_175 = arith.constant 0 : i32
      %dma_start3A_176 = tpu.memref_slice %arg5[%run_scoped3A_135, %dma_start3A_175] : memref<79x128xi32, #tpu.memory_space<vmem>> -> memref<1x128xi32, #tpu.memory_space<vmem>>
      %dma_start3A_177 = tpu.memref_squeeze %dma_start3A_176 : memref<1x128xi32, #tpu.memory_space<vmem>> -> memref<128xi32, #tpu.memory_space<vmem>>
      %dma_start3A_178 = arith.constant 0 : i32
      %dma_start3A_179 = arith.constant 0 : i32
      %dma_start3A_180 = tpu.memref_slice %arg12[%dma_start3A_178, %dma_start3A_179] : memref<65x16xf32, #tpu.memory_space<vmem_shared>> -> memref<65x16xf32, #tpu.memory_space<vmem_shared>>
      tpu.enqueue_indirect_dma source(%dma_start3A_174 : memref<128x16xf32, #tpu.memory_space<vmem>>) target(%dma_start3A_180 : memref<65x16xf32, #tpu.memory_space<vmem_shared>>) offsets(%dma_start3A_177 : memref<128xi32, #tpu.memory_space<vmem>>) semaphore(%run_scoped3A_171 : memref<!tpu.dma_semaphore, #tpu.memory_space<semaphore_mem>>) {add = true}
      %dma_wait3A_181 = arith.constant 1408 : i32
      %dma_wait3A_182 = arith.constant 0 : i32
      %dma_wait3A_183 = tpu.memref_slice %arg7[%dma_wait3A_181, %dma_wait3A_182] : memref<2048x16xf32, #tpu.memory_space<vmem>> -> memref<128x16xf32, #tpu.memory_space<vmem>>
      %dma_wait3A_184 = arith.constant 0 : i32
      %dma_wait3A_185 = tpu.memref_slice %arg5[%run_scoped3A_135, %dma_wait3A_184] : memref<79x128xi32, #tpu.memory_space<vmem>> -> memref<1x128xi32, #tpu.memory_space<vmem>>
      %dma_wait3A_186 = tpu.memref_squeeze %dma_wait3A_185 : memref<1x128xi32, #tpu.memory_space<vmem>> -> memref<128xi32, #tpu.memory_space<vmem>>
      %dma_wait3A_187 = arith.constant 0 : i32
      %dma_wait3A_188 = arith.constant 0 : i32
      %dma_wait3A_189 = tpu.memref_slice %arg12[%dma_wait3A_187, %dma_wait3A_188] : memref<65x16xf32, #tpu.memory_space<vmem_shared>> -> memref<65x16xf32, #tpu.memory_space<vmem_shared>>
      tpu.wait_indirect_dma semaphore(%run_scoped3A_171 : memref<!tpu.dma_semaphore, #tpu.memory_space<semaphore_mem>>) src(%dma_wait3A_183 : memref<128x16xf32, #tpu.memory_space<vmem>>) dst(%dma_wait3A_189 : memref<65x16xf32, #tpu.memory_space<vmem_shared>>)
      tpu.yield
    }) : () -> ()
    %run_scoped3A_136 = arith.constant 60 : i32
    "tpu.region"() ({
      %run_scoped3A_171 = tpu.sem_alloc : memref<!tpu.dma_semaphore, #tpu.memory_space<semaphore_mem>>
      %dma_start3A_172 = arith.constant 1536 : i32
      %dma_start3A_173 = arith.constant 0 : i32
      %dma_start3A_174 = tpu.memref_slice %arg7[%dma_start3A_172, %dma_start3A_173] : memref<2048x16xf32, #tpu.memory_space<vmem>> -> memref<128x16xf32, #tpu.memory_space<vmem>>
      %dma_start3A_175 = arith.constant 0 : i32
      %dma_start3A_176 = tpu.memref_slice %arg5[%run_scoped3A_136, %dma_start3A_175] : memref<79x128xi32, #tpu.memory_space<vmem>> -> memref<1x128xi32, #tpu.memory_space<vmem>>
      %dma_start3A_177 = tpu.memref_squeeze %dma_start3A_176 : memref<1x128xi32, #tpu.memory_space<vmem>> -> memref<128xi32, #tpu.memory_space<vmem>>
      %dma_start3A_178 = arith.constant 0 : i32
      %dma_start3A_179 = arith.constant 0 : i32
      %dma_start3A_180 = tpu.memref_slice %arg9[%dma_start3A_178, %dma_start3A_179] : memref<65x16xf32, #tpu.memory_space<vmem_shared>> -> memref<65x16xf32, #tpu.memory_space<vmem_shared>>
      tpu.enqueue_indirect_dma source(%dma_start3A_174 : memref<128x16xf32, #tpu.memory_space<vmem>>) target(%dma_start3A_180 : memref<65x16xf32, #tpu.memory_space<vmem_shared>>) offsets(%dma_start3A_177 : memref<128xi32, #tpu.memory_space<vmem>>) semaphore(%run_scoped3A_171 : memref<!tpu.dma_semaphore, #tpu.memory_space<semaphore_mem>>) {add = true}
      %dma_wait3A_181 = arith.constant 1536 : i32
      %dma_wait3A_182 = arith.constant 0 : i32
      %dma_wait3A_183 = tpu.memref_slice %arg7[%dma_wait3A_181, %dma_wait3A_182] : memref<2048x16xf32, #tpu.memory_space<vmem>> -> memref<128x16xf32, #tpu.memory_space<vmem>>
      %dma_wait3A_184 = arith.constant 0 : i32
      %dma_wait3A_185 = tpu.memref_slice %arg5[%run_scoped3A_136, %dma_wait3A_184] : memref<79x128xi32, #tpu.memory_space<vmem>> -> memref<1x128xi32, #tpu.memory_space<vmem>>
      %dma_wait3A_186 = tpu.memref_squeeze %dma_wait3A_185 : memref<1x128xi32, #tpu.memory_space<vmem>> -> memref<128xi32, #tpu.memory_space<vmem>>
      %dma_wait3A_187 = arith.constant 0 : i32
      %dma_wait3A_188 = arith.constant 0 : i32
      %dma_wait3A_189 = tpu.memref_slice %arg9[%dma_wait3A_187, %dma_wait3A_188] : memref<65x16xf32, #tpu.memory_space<vmem_shared>> -> memref<65x16xf32, #tpu.memory_space<vmem_shared>>
      tpu.wait_indirect_dma semaphore(%run_scoped3A_171 : memref<!tpu.dma_semaphore, #tpu.memory_space<semaphore_mem>>) src(%dma_wait3A_183 : memref<128x16xf32, #tpu.memory_space<vmem>>) dst(%dma_wait3A_189 : memref<65x16xf32, #tpu.memory_space<vmem_shared>>)
      tpu.yield
    }) : () -> ()
    %run_scoped3A_137 = arith.constant 61 : i32
    "tpu.region"() ({
      %run_scoped3A_171 = tpu.sem_alloc : memref<!tpu.dma_semaphore, #tpu.memory_space<semaphore_mem>>
      %dma_start3A_172 = arith.constant 1664 : i32
      %dma_start3A_173 = arith.constant 0 : i32
      %dma_start3A_174 = tpu.memref_slice %arg7[%dma_start3A_172, %dma_start3A_173] : memref<2048x16xf32, #tpu.memory_space<vmem>> -> memref<128x16xf32, #tpu.memory_space<vmem>>
      %dma_start3A_175 = arith.constant 0 : i32
      %dma_start3A_176 = tpu.memref_slice %arg5[%run_scoped3A_137, %dma_start3A_175] : memref<79x128xi32, #tpu.memory_space<vmem>> -> memref<1x128xi32, #tpu.memory_space<vmem>>
      %dma_start3A_177 = tpu.memref_squeeze %dma_start3A_176 : memref<1x128xi32, #tpu.memory_space<vmem>> -> memref<128xi32, #tpu.memory_space<vmem>>
      %dma_start3A_178 = arith.constant 0 : i32
      %dma_start3A_179 = arith.constant 0 : i32
      %dma_start3A_180 = tpu.memref_slice %arg10[%dma_start3A_178, %dma_start3A_179] : memref<65x16xf32, #tpu.memory_space<vmem_shared>> -> memref<65x16xf32, #tpu.memory_space<vmem_shared>>
      tpu.enqueue_indirect_dma source(%dma_start3A_174 : memref<128x16xf32, #tpu.memory_space<vmem>>) target(%dma_start3A_180 : memref<65x16xf32, #tpu.memory_space<vmem_shared>>) offsets(%dma_start3A_177 : memref<128xi32, #tpu.memory_space<vmem>>) semaphore(%run_scoped3A_171 : memref<!tpu.dma_semaphore, #tpu.memory_space<semaphore_mem>>) {add = true}
      %dma_wait3A_181 = arith.constant 1664 : i32
      %dma_wait3A_182 = arith.constant 0 : i32
      %dma_wait3A_183 = tpu.memref_slice %arg7[%dma_wait3A_181, %dma_wait3A_182] : memref<2048x16xf32, #tpu.memory_space<vmem>> -> memref<128x16xf32, #tpu.memory_space<vmem>>
      %dma_wait3A_184 = arith.constant 0 : i32
      %dma_wait3A_185 = tpu.memref_slice %arg5[%run_scoped3A_137, %dma_wait3A_184] : memref<79x128xi32, #tpu.memory_space<vmem>> -> memref<1x128xi32, #tpu.memory_space<vmem>>
      %dma_wait3A_186 = tpu.memref_squeeze %dma_wait3A_185 : memref<1x128xi32, #tpu.memory_space<vmem>> -> memref<128xi32, #tpu.memory_space<vmem>>
      %dma_wait3A_187 = arith.constant 0 : i32
      %dma_wait3A_188 = arith.constant 0 : i32
      %dma_wait3A_189 = tpu.memref_slice %arg10[%dma_wait3A_187, %dma_wait3A_188] : memref<65x16xf32, #tpu.memory_space<vmem_shared>> -> memref<65x16xf32, #tpu.memory_space<vmem_shared>>
      tpu.wait_indirect_dma semaphore(%run_scoped3A_171 : memref<!tpu.dma_semaphore, #tpu.memory_space<semaphore_mem>>) src(%dma_wait3A_183 : memref<128x16xf32, #tpu.memory_space<vmem>>) dst(%dma_wait3A_189 : memref<65x16xf32, #tpu.memory_space<vmem_shared>>)
      tpu.yield
    }) : () -> ()
    %run_scoped3A_138 = arith.constant 62 : i32
    "tpu.region"() ({
      %run_scoped3A_171 = tpu.sem_alloc : memref<!tpu.dma_semaphore, #tpu.memory_space<semaphore_mem>>
      %dma_start3A_172 = arith.constant 1792 : i32
      %dma_start3A_173 = arith.constant 0 : i32
      %dma_start3A_174 = tpu.memref_slice %arg7[%dma_start3A_172, %dma_start3A_173] : memref<2048x16xf32, #tpu.memory_space<vmem>> -> memref<128x16xf32, #tpu.memory_space<vmem>>
      %dma_start3A_175 = arith.constant 0 : i32
      %dma_start3A_176 = tpu.memref_slice %arg5[%run_scoped3A_138, %dma_start3A_175] : memref<79x128xi32, #tpu.memory_space<vmem>> -> memref<1x128xi32, #tpu.memory_space<vmem>>
      %dma_start3A_177 = tpu.memref_squeeze %dma_start3A_176 : memref<1x128xi32, #tpu.memory_space<vmem>> -> memref<128xi32, #tpu.memory_space<vmem>>
      %dma_start3A_178 = arith.constant 0 : i32
      %dma_start3A_179 = arith.constant 0 : i32
      %dma_start3A_180 = tpu.memref_slice %arg11[%dma_start3A_178, %dma_start3A_179] : memref<65x16xf32, #tpu.memory_space<vmem_shared>> -> memref<65x16xf32, #tpu.memory_space<vmem_shared>>
      tpu.enqueue_indirect_dma source(%dma_start3A_174 : memref<128x16xf32, #tpu.memory_space<vmem>>) target(%dma_start3A_180 : memref<65x16xf32, #tpu.memory_space<vmem_shared>>) offsets(%dma_start3A_177 : memref<128xi32, #tpu.memory_space<vmem>>) semaphore(%run_scoped3A_171 : memref<!tpu.dma_semaphore, #tpu.memory_space<semaphore_mem>>) {add = true}
      %dma_wait3A_181 = arith.constant 1792 : i32
      %dma_wait3A_182 = arith.constant 0 : i32
      %dma_wait3A_183 = tpu.memref_slice %arg7[%dma_wait3A_181, %dma_wait3A_182] : memref<2048x16xf32, #tpu.memory_space<vmem>> -> memref<128x16xf32, #tpu.memory_space<vmem>>
      %dma_wait3A_184 = arith.constant 0 : i32
      %dma_wait3A_185 = tpu.memref_slice %arg5[%run_scoped3A_138, %dma_wait3A_184] : memref<79x128xi32, #tpu.memory_space<vmem>> -> memref<1x128xi32, #tpu.memory_space<vmem>>
      %dma_wait3A_186 = tpu.memref_squeeze %dma_wait3A_185 : memref<1x128xi32, #tpu.memory_space<vmem>> -> memref<128xi32, #tpu.memory_space<vmem>>
      %dma_wait3A_187 = arith.constant 0 : i32
      %dma_wait3A_188 = arith.constant 0 : i32
      %dma_wait3A_189 = tpu.memref_slice %arg11[%dma_wait3A_187, %dma_wait3A_188] : memref<65x16xf32, #tpu.memory_space<vmem_shared>> -> memref<65x16xf32, #tpu.memory_space<vmem_shared>>
      tpu.wait_indirect_dma semaphore(%run_scoped3A_171 : memref<!tpu.dma_semaphore, #tpu.memory_space<semaphore_mem>>) src(%dma_wait3A_183 : memref<128x16xf32, #tpu.memory_space<vmem>>) dst(%dma_wait3A_189 : memref<65x16xf32, #tpu.memory_space<vmem_shared>>)
      tpu.yield
    }) : () -> ()
    %run_scoped3A_139 = arith.constant 63 : i32
    "tpu.region"() ({
      %run_scoped3A_171 = tpu.sem_alloc : memref<!tpu.dma_semaphore, #tpu.memory_space<semaphore_mem>>
      %dma_start3A_172 = arith.constant 1920 : i32
      %dma_start3A_173 = arith.constant 0 : i32
      %dma_start3A_174 = tpu.memref_slice %arg7[%dma_start3A_172, %dma_start3A_173] : memref<2048x16xf32, #tpu.memory_space<vmem>> -> memref<128x16xf32, #tpu.memory_space<vmem>>
      %dma_start3A_175 = arith.constant 0 : i32
      %dma_start3A_176 = tpu.memref_slice %arg5[%run_scoped3A_139, %dma_start3A_175] : memref<79x128xi32, #tpu.memory_space<vmem>> -> memref<1x128xi32, #tpu.memory_space<vmem>>
      %dma_start3A_177 = tpu.memref_squeeze %dma_start3A_176 : memref<1x128xi32, #tpu.memory_space<vmem>> -> memref<128xi32, #tpu.memory_space<vmem>>
      %dma_start3A_178 = arith.constant 0 : i32
      %dma_start3A_179 = arith.constant 0 : i32
      %dma_start3A_180 = tpu.memref_slice %arg12[%dma_start3A_178, %dma_start3A_179] : memref<65x16xf32, #tpu.memory_space<vmem_shared>> -> memref<65x16xf32, #tpu.memory_space<vmem_shared>>
      tpu.enqueue_indirect_dma source(%dma_start3A_174 : memref<128x16xf32, #tpu.memory_space<vmem>>) target(%dma_start3A_180 : memref<65x16xf32, #tpu.memory_space<vmem_shared>>) offsets(%dma_start3A_177 : memref<128xi32, #tpu.memory_space<vmem>>) semaphore(%run_scoped3A_171 : memref<!tpu.dma_semaphore, #tpu.memory_space<semaphore_mem>>) {add = true}
      %dma_wait3A_181 = arith.constant 1920 : i32
      %dma_wait3A_182 = arith.constant 0 : i32
      %dma_wait3A_183 = tpu.memref_slice %arg7[%dma_wait3A_181, %dma_wait3A_182] : memref<2048x16xf32, #tpu.memory_space<vmem>> -> memref<128x16xf32, #tpu.memory_space<vmem>>
      %dma_wait3A_184 = arith.constant 0 : i32
      %dma_wait3A_185 = tpu.memref_slice %arg5[%run_scoped3A_139, %dma_wait3A_184] : memref<79x128xi32, #tpu.memory_space<vmem>> -> memref<1x128xi32, #tpu.memory_space<vmem>>
      %dma_wait3A_186 = tpu.memref_squeeze %dma_wait3A_185 : memref<1x128xi32, #tpu.memory_space<vmem>> -> memref<128xi32, #tpu.memory_space<vmem>>
      %dma_wait3A_187 = arith.constant 0 : i32
      %dma_wait3A_188 = arith.constant 0 : i32
      %dma_wait3A_189 = tpu.memref_slice %arg12[%dma_wait3A_187, %dma_wait3A_188] : memref<65x16xf32, #tpu.memory_space<vmem_shared>> -> memref<65x16xf32, #tpu.memory_space<vmem_shared>>
      tpu.wait_indirect_dma semaphore(%run_scoped3A_171 : memref<!tpu.dma_semaphore, #tpu.memory_space<semaphore_mem>>) src(%dma_wait3A_183 : memref<128x16xf32, #tpu.memory_space<vmem>>) dst(%dma_wait3A_189 : memref<65x16xf32, #tpu.memory_space<vmem_shared>>)
      tpu.yield
    }) : () -> ()
    %dma_wait3A_140 = arith.constant 0 : i32
    %dma_wait3A_141 = arith.constant 0 : i32
    %dma_wait3A_142 = tpu.memref_slice %arg6[%dma_wait3A_140, %dma_wait3A_141] : memref<2048x16xf32, #tpu.memory_space<vmem>> -> memref<1808x16xf32, #tpu.memory_space<vmem>>
    %dma_wait3A_143 = arith.constant 0 : i32
    %dma_wait3A_144 = tpu.memref_slice %arg2[%add3A_113, %dma_wait3A_143] : memref<320000x16xf32, #tpu.memory_space<hbm>> -> memref<1808x16xf32, #tpu.memory_space<hbm>>
    %dma_wait3A_145 = arith.constant 0 : i32
    %dma_wait3A_146 = arith.constant 0 : i32
    %dma_wait3A_147 = tpu.memref_slice %arg6[%dma_wait3A_145, %dma_wait3A_146] : memref<2048x16xf32, #tpu.memory_space<vmem>> -> memref<1808x16xf32, #tpu.memory_space<vmem>>
    %dma_wait3A_148 = arith.constant 0 : i32
    %dma_wait3A_149 = tpu.memref_slice %arg2[%add3A_113, %dma_wait3A_148] : memref<320000x16xf32, #tpu.memory_space<hbm>> -> memref<1808x16xf32, #tpu.memory_space<hbm>>
    tpu.wait_dma2 semaphore(%arg14 : memref<!tpu.dma_semaphore, #tpu.memory_space<semaphore_mem>>) src(%dma_wait3A_149 : memref<1808x16xf32, #tpu.memory_space<hbm>>) dst(%dma_wait3A_147 : memref<1808x16xf32, #tpu.memory_space<vmem>>)
    %run_scoped3A_150 = arith.constant 64 : i32
    "tpu.region"() ({
      %run_scoped3A_171 = tpu.sem_alloc : memref<!tpu.dma_semaphore, #tpu.memory_space<semaphore_mem>>
      %dma_start3A_172 = arith.constant 0 : i32
      %dma_start3A_173 = arith.constant 0 : i32
      %dma_start3A_174 = tpu.memref_slice %arg6[%dma_start3A_172, %dma_start3A_173] : memref<2048x16xf32, #tpu.memory_space<vmem>> -> memref<128x16xf32, #tpu.memory_space<vmem>>
      %dma_start3A_175 = arith.constant 0 : i32
      %dma_start3A_176 = tpu.memref_slice %arg5[%run_scoped3A_150, %dma_start3A_175] : memref<79x128xi32, #tpu.memory_space<vmem>> -> memref<1x128xi32, #tpu.memory_space<vmem>>
      %dma_start3A_177 = tpu.memref_squeeze %dma_start3A_176 : memref<1x128xi32, #tpu.memory_space<vmem>> -> memref<128xi32, #tpu.memory_space<vmem>>
      %dma_start3A_178 = arith.constant 0 : i32
      %dma_start3A_179 = arith.constant 0 : i32
      %dma_start3A_180 = tpu.memref_slice %arg9[%dma_start3A_178, %dma_start3A_179] : memref<65x16xf32, #tpu.memory_space<vmem_shared>> -> memref<65x16xf32, #tpu.memory_space<vmem_shared>>
      tpu.enqueue_indirect_dma source(%dma_start3A_174 : memref<128x16xf32, #tpu.memory_space<vmem>>) target(%dma_start3A_180 : memref<65x16xf32, #tpu.memory_space<vmem_shared>>) offsets(%dma_start3A_177 : memref<128xi32, #tpu.memory_space<vmem>>) semaphore(%run_scoped3A_171 : memref<!tpu.dma_semaphore, #tpu.memory_space<semaphore_mem>>) {add = true}
      %dma_wait3A_181 = arith.constant 0 : i32
      %dma_wait3A_182 = arith.constant 0 : i32
      %dma_wait3A_183 = tpu.memref_slice %arg6[%dma_wait3A_181, %dma_wait3A_182] : memref<2048x16xf32, #tpu.memory_space<vmem>> -> memref<128x16xf32, #tpu.memory_space<vmem>>
      %dma_wait3A_184 = arith.constant 0 : i32
      %dma_wait3A_185 = tpu.memref_slice %arg5[%run_scoped3A_150, %dma_wait3A_184] : memref<79x128xi32, #tpu.memory_space<vmem>> -> memref<1x128xi32, #tpu.memory_space<vmem>>
      %dma_wait3A_186 = tpu.memref_squeeze %dma_wait3A_185 : memref<1x128xi32, #tpu.memory_space<vmem>> -> memref<128xi32, #tpu.memory_space<vmem>>
      %dma_wait3A_187 = arith.constant 0 : i32
      %dma_wait3A_188 = arith.constant 0 : i32
      %dma_wait3A_189 = tpu.memref_slice %arg9[%dma_wait3A_187, %dma_wait3A_188] : memref<65x16xf32, #tpu.memory_space<vmem_shared>> -> memref<65x16xf32, #tpu.memory_space<vmem_shared>>
      tpu.wait_indirect_dma semaphore(%run_scoped3A_171 : memref<!tpu.dma_semaphore, #tpu.memory_space<semaphore_mem>>) src(%dma_wait3A_183 : memref<128x16xf32, #tpu.memory_space<vmem>>) dst(%dma_wait3A_189 : memref<65x16xf32, #tpu.memory_space<vmem_shared>>)
      tpu.yield
    }) : () -> ()
    %run_scoped3A_151 = arith.constant 65 : i32
    "tpu.region"() ({
      %run_scoped3A_171 = tpu.sem_alloc : memref<!tpu.dma_semaphore, #tpu.memory_space<semaphore_mem>>
      %dma_start3A_172 = arith.constant 128 : i32
      %dma_start3A_173 = arith.constant 0 : i32
      %dma_start3A_174 = tpu.memref_slice %arg6[%dma_start3A_172, %dma_start3A_173] : memref<2048x16xf32, #tpu.memory_space<vmem>> -> memref<128x16xf32, #tpu.memory_space<vmem>>
      %dma_start3A_175 = arith.constant 0 : i32
      %dma_start3A_176 = tpu.memref_slice %arg5[%run_scoped3A_151, %dma_start3A_175] : memref<79x128xi32, #tpu.memory_space<vmem>> -> memref<1x128xi32, #tpu.memory_space<vmem>>
      %dma_start3A_177 = tpu.memref_squeeze %dma_start3A_176 : memref<1x128xi32, #tpu.memory_space<vmem>> -> memref<128xi32, #tpu.memory_space<vmem>>
      %dma_start3A_178 = arith.constant 0 : i32
      %dma_start3A_179 = arith.constant 0 : i32
      %dma_start3A_180 = tpu.memref_slice %arg10[%dma_start3A_178, %dma_start3A_179] : memref<65x16xf32, #tpu.memory_space<vmem_shared>> -> memref<65x16xf32, #tpu.memory_space<vmem_shared>>
      tpu.enqueue_indirect_dma source(%dma_start3A_174 : memref<128x16xf32, #tpu.memory_space<vmem>>) target(%dma_start3A_180 : memref<65x16xf32, #tpu.memory_space<vmem_shared>>) offsets(%dma_start3A_177 : memref<128xi32, #tpu.memory_space<vmem>>) semaphore(%run_scoped3A_171 : memref<!tpu.dma_semaphore, #tpu.memory_space<semaphore_mem>>) {add = true}
      %dma_wait3A_181 = arith.constant 128 : i32
      %dma_wait3A_182 = arith.constant 0 : i32
      %dma_wait3A_183 = tpu.memref_slice %arg6[%dma_wait3A_181, %dma_wait3A_182] : memref<2048x16xf32, #tpu.memory_space<vmem>> -> memref<128x16xf32, #tpu.memory_space<vmem>>
      %dma_wait3A_184 = arith.constant 0 : i32
      %dma_wait3A_185 = tpu.memref_slice %arg5[%run_scoped3A_151, %dma_wait3A_184] : memref<79x128xi32, #tpu.memory_space<vmem>> -> memref<1x128xi32, #tpu.memory_space<vmem>>
      %dma_wait3A_186 = tpu.memref_squeeze %dma_wait3A_185 : memref<1x128xi32, #tpu.memory_space<vmem>> -> memref<128xi32, #tpu.memory_space<vmem>>
      %dma_wait3A_187 = arith.constant 0 : i32
      %dma_wait3A_188 = arith.constant 0 : i32
      %dma_wait3A_189 = tpu.memref_slice %arg10[%dma_wait3A_187, %dma_wait3A_188] : memref<65x16xf32, #tpu.memory_space<vmem_shared>> -> memref<65x16xf32, #tpu.memory_space<vmem_shared>>
      tpu.wait_indirect_dma semaphore(%run_scoped3A_171 : memref<!tpu.dma_semaphore, #tpu.memory_space<semaphore_mem>>) src(%dma_wait3A_183 : memref<128x16xf32, #tpu.memory_space<vmem>>) dst(%dma_wait3A_189 : memref<65x16xf32, #tpu.memory_space<vmem_shared>>)
      tpu.yield
    }) : () -> ()
    %run_scoped3A_152 = arith.constant 66 : i32
    "tpu.region"() ({
      %run_scoped3A_171 = tpu.sem_alloc : memref<!tpu.dma_semaphore, #tpu.memory_space<semaphore_mem>>
      %dma_start3A_172 = arith.constant 256 : i32
      %dma_start3A_173 = arith.constant 0 : i32
      %dma_start3A_174 = tpu.memref_slice %arg6[%dma_start3A_172, %dma_start3A_173] : memref<2048x16xf32, #tpu.memory_space<vmem>> -> memref<128x16xf32, #tpu.memory_space<vmem>>
      %dma_start3A_175 = arith.constant 0 : i32
      %dma_start3A_176 = tpu.memref_slice %arg5[%run_scoped3A_152, %dma_start3A_175] : memref<79x128xi32, #tpu.memory_space<vmem>> -> memref<1x128xi32, #tpu.memory_space<vmem>>
      %dma_start3A_177 = tpu.memref_squeeze %dma_start3A_176 : memref<1x128xi32, #tpu.memory_space<vmem>> -> memref<128xi32, #tpu.memory_space<vmem>>
      %dma_start3A_178 = arith.constant 0 : i32
      %dma_start3A_179 = arith.constant 0 : i32
      %dma_start3A_180 = tpu.memref_slice %arg11[%dma_start3A_178, %dma_start3A_179] : memref<65x16xf32, #tpu.memory_space<vmem_shared>> -> memref<65x16xf32, #tpu.memory_space<vmem_shared>>
      tpu.enqueue_indirect_dma source(%dma_start3A_174 : memref<128x16xf32, #tpu.memory_space<vmem>>) target(%dma_start3A_180 : memref<65x16xf32, #tpu.memory_space<vmem_shared>>) offsets(%dma_start3A_177 : memref<128xi32, #tpu.memory_space<vmem>>) semaphore(%run_scoped3A_171 : memref<!tpu.dma_semaphore, #tpu.memory_space<semaphore_mem>>) {add = true}
      %dma_wait3A_181 = arith.constant 256 : i32
      %dma_wait3A_182 = arith.constant 0 : i32
      %dma_wait3A_183 = tpu.memref_slice %arg6[%dma_wait3A_181, %dma_wait3A_182] : memref<2048x16xf32, #tpu.memory_space<vmem>> -> memref<128x16xf32, #tpu.memory_space<vmem>>
      %dma_wait3A_184 = arith.constant 0 : i32
      %dma_wait3A_185 = tpu.memref_slice %arg5[%run_scoped3A_152, %dma_wait3A_184] : memref<79x128xi32, #tpu.memory_space<vmem>> -> memref<1x128xi32, #tpu.memory_space<vmem>>
      %dma_wait3A_186 = tpu.memref_squeeze %dma_wait3A_185 : memref<1x128xi32, #tpu.memory_space<vmem>> -> memref<128xi32, #tpu.memory_space<vmem>>
      %dma_wait3A_187 = arith.constant 0 : i32
      %dma_wait3A_188 = arith.constant 0 : i32
      %dma_wait3A_189 = tpu.memref_slice %arg11[%dma_wait3A_187, %dma_wait3A_188] : memref<65x16xf32, #tpu.memory_space<vmem_shared>> -> memref<65x16xf32, #tpu.memory_space<vmem_shared>>
      tpu.wait_indirect_dma semaphore(%run_scoped3A_171 : memref<!tpu.dma_semaphore, #tpu.memory_space<semaphore_mem>>) src(%dma_wait3A_183 : memref<128x16xf32, #tpu.memory_space<vmem>>) dst(%dma_wait3A_189 : memref<65x16xf32, #tpu.memory_space<vmem_shared>>)
      tpu.yield
    }) : () -> ()
    %run_scoped3A_153 = arith.constant 67 : i32
    "tpu.region"() ({
      %run_scoped3A_171 = tpu.sem_alloc : memref<!tpu.dma_semaphore, #tpu.memory_space<semaphore_mem>>
      %dma_start3A_172 = arith.constant 384 : i32
      %dma_start3A_173 = arith.constant 0 : i32
      %dma_start3A_174 = tpu.memref_slice %arg6[%dma_start3A_172, %dma_start3A_173] : memref<2048x16xf32, #tpu.memory_space<vmem>> -> memref<128x16xf32, #tpu.memory_space<vmem>>
      %dma_start3A_175 = arith.constant 0 : i32
      %dma_start3A_176 = tpu.memref_slice %arg5[%run_scoped3A_153, %dma_start3A_175] : memref<79x128xi32, #tpu.memory_space<vmem>> -> memref<1x128xi32, #tpu.memory_space<vmem>>
      %dma_start3A_177 = tpu.memref_squeeze %dma_start3A_176 : memref<1x128xi32, #tpu.memory_space<vmem>> -> memref<128xi32, #tpu.memory_space<vmem>>
      %dma_start3A_178 = arith.constant 0 : i32
      %dma_start3A_179 = arith.constant 0 : i32
      %dma_start3A_180 = tpu.memref_slice %arg12[%dma_start3A_178, %dma_start3A_179] : memref<65x16xf32, #tpu.memory_space<vmem_shared>> -> memref<65x16xf32, #tpu.memory_space<vmem_shared>>
      tpu.enqueue_indirect_dma source(%dma_start3A_174 : memref<128x16xf32, #tpu.memory_space<vmem>>) target(%dma_start3A_180 : memref<65x16xf32, #tpu.memory_space<vmem_shared>>) offsets(%dma_start3A_177 : memref<128xi32, #tpu.memory_space<vmem>>) semaphore(%run_scoped3A_171 : memref<!tpu.dma_semaphore, #tpu.memory_space<semaphore_mem>>) {add = true}
      %dma_wait3A_181 = arith.constant 384 : i32
      %dma_wait3A_182 = arith.constant 0 : i32
      %dma_wait3A_183 = tpu.memref_slice %arg6[%dma_wait3A_181, %dma_wait3A_182] : memref<2048x16xf32, #tpu.memory_space<vmem>> -> memref<128x16xf32, #tpu.memory_space<vmem>>
      %dma_wait3A_184 = arith.constant 0 : i32
      %dma_wait3A_185 = tpu.memref_slice %arg5[%run_scoped3A_153, %dma_wait3A_184] : memref<79x128xi32, #tpu.memory_space<vmem>> -> memref<1x128xi32, #tpu.memory_space<vmem>>
      %dma_wait3A_186 = tpu.memref_squeeze %dma_wait3A_185 : memref<1x128xi32, #tpu.memory_space<vmem>> -> memref<128xi32, #tpu.memory_space<vmem>>
      %dma_wait3A_187 = arith.constant 0 : i32
      %dma_wait3A_188 = arith.constant 0 : i32
      %dma_wait3A_189 = tpu.memref_slice %arg12[%dma_wait3A_187, %dma_wait3A_188] : memref<65x16xf32, #tpu.memory_space<vmem_shared>> -> memref<65x16xf32, #tpu.memory_space<vmem_shared>>
      tpu.wait_indirect_dma semaphore(%run_scoped3A_171 : memref<!tpu.dma_semaphore, #tpu.memory_space<semaphore_mem>>) src(%dma_wait3A_183 : memref<128x16xf32, #tpu.memory_space<vmem>>) dst(%dma_wait3A_189 : memref<65x16xf32, #tpu.memory_space<vmem_shared>>)
      tpu.yield
    }) : () -> ()
    %run_scoped3A_154 = arith.constant 68 : i32
    "tpu.region"() ({
      %run_scoped3A_171 = tpu.sem_alloc : memref<!tpu.dma_semaphore, #tpu.memory_space<semaphore_mem>>
      %dma_start3A_172 = arith.constant 512 : i32
      %dma_start3A_173 = arith.constant 0 : i32
      %dma_start3A_174 = tpu.memref_slice %arg6[%dma_start3A_172, %dma_start3A_173] : memref<2048x16xf32, #tpu.memory_space<vmem>> -> memref<128x16xf32, #tpu.memory_space<vmem>>
      %dma_start3A_175 = arith.constant 0 : i32
      %dma_start3A_176 = tpu.memref_slice %arg5[%run_scoped3A_154, %dma_start3A_175] : memref<79x128xi32, #tpu.memory_space<vmem>> -> memref<1x128xi32, #tpu.memory_space<vmem>>
      %dma_start3A_177 = tpu.memref_squeeze %dma_start3A_176 : memref<1x128xi32, #tpu.memory_space<vmem>> -> memref<128xi32, #tpu.memory_space<vmem>>
      %dma_start3A_178 = arith.constant 0 : i32
      %dma_start3A_179 = arith.constant 0 : i32
      %dma_start3A_180 = tpu.memref_slice %arg9[%dma_start3A_178, %dma_start3A_179] : memref<65x16xf32, #tpu.memory_space<vmem_shared>> -> memref<65x16xf32, #tpu.memory_space<vmem_shared>>
      tpu.enqueue_indirect_dma source(%dma_start3A_174 : memref<128x16xf32, #tpu.memory_space<vmem>>) target(%dma_start3A_180 : memref<65x16xf32, #tpu.memory_space<vmem_shared>>) offsets(%dma_start3A_177 : memref<128xi32, #tpu.memory_space<vmem>>) semaphore(%run_scoped3A_171 : memref<!tpu.dma_semaphore, #tpu.memory_space<semaphore_mem>>) {add = true}
      %dma_wait3A_181 = arith.constant 512 : i32
      %dma_wait3A_182 = arith.constant 0 : i32
      %dma_wait3A_183 = tpu.memref_slice %arg6[%dma_wait3A_181, %dma_wait3A_182] : memref<2048x16xf32, #tpu.memory_space<vmem>> -> memref<128x16xf32, #tpu.memory_space<vmem>>
      %dma_wait3A_184 = arith.constant 0 : i32
      %dma_wait3A_185 = tpu.memref_slice %arg5[%run_scoped3A_154, %dma_wait3A_184] : memref<79x128xi32, #tpu.memory_space<vmem>> -> memref<1x128xi32, #tpu.memory_space<vmem>>
      %dma_wait3A_186 = tpu.memref_squeeze %dma_wait3A_185 : memref<1x128xi32, #tpu.memory_space<vmem>> -> memref<128xi32, #tpu.memory_space<vmem>>
      %dma_wait3A_187 = arith.constant 0 : i32
      %dma_wait3A_188 = arith.constant 0 : i32
      %dma_wait3A_189 = tpu.memref_slice %arg9[%dma_wait3A_187, %dma_wait3A_188] : memref<65x16xf32, #tpu.memory_space<vmem_shared>> -> memref<65x16xf32, #tpu.memory_space<vmem_shared>>
      tpu.wait_indirect_dma semaphore(%run_scoped3A_171 : memref<!tpu.dma_semaphore, #tpu.memory_space<semaphore_mem>>) src(%dma_wait3A_183 : memref<128x16xf32, #tpu.memory_space<vmem>>) dst(%dma_wait3A_189 : memref<65x16xf32, #tpu.memory_space<vmem_shared>>)
      tpu.yield
    }) : () -> ()
    %run_scoped3A_155 = arith.constant 69 : i32
    "tpu.region"() ({
      %run_scoped3A_171 = tpu.sem_alloc : memref<!tpu.dma_semaphore, #tpu.memory_space<semaphore_mem>>
      %dma_start3A_172 = arith.constant 640 : i32
      %dma_start3A_173 = arith.constant 0 : i32
      %dma_start3A_174 = tpu.memref_slice %arg6[%dma_start3A_172, %dma_start3A_173] : memref<2048x16xf32, #tpu.memory_space<vmem>> -> memref<128x16xf32, #tpu.memory_space<vmem>>
      %dma_start3A_175 = arith.constant 0 : i32
      %dma_start3A_176 = tpu.memref_slice %arg5[%run_scoped3A_155, %dma_start3A_175] : memref<79x128xi32, #tpu.memory_space<vmem>> -> memref<1x128xi32, #tpu.memory_space<vmem>>
      %dma_start3A_177 = tpu.memref_squeeze %dma_start3A_176 : memref<1x128xi32, #tpu.memory_space<vmem>> -> memref<128xi32, #tpu.memory_space<vmem>>
      %dma_start3A_178 = arith.constant 0 : i32
      %dma_start3A_179 = arith.constant 0 : i32
      %dma_start3A_180 = tpu.memref_slice %arg10[%dma_start3A_178, %dma_start3A_179] : memref<65x16xf32, #tpu.memory_space<vmem_shared>> -> memref<65x16xf32, #tpu.memory_space<vmem_shared>>
      tpu.enqueue_indirect_dma source(%dma_start3A_174 : memref<128x16xf32, #tpu.memory_space<vmem>>) target(%dma_start3A_180 : memref<65x16xf32, #tpu.memory_space<vmem_shared>>) offsets(%dma_start3A_177 : memref<128xi32, #tpu.memory_space<vmem>>) semaphore(%run_scoped3A_171 : memref<!tpu.dma_semaphore, #tpu.memory_space<semaphore_mem>>) {add = true}
      %dma_wait3A_181 = arith.constant 640 : i32
      %dma_wait3A_182 = arith.constant 0 : i32
      %dma_wait3A_183 = tpu.memref_slice %arg6[%dma_wait3A_181, %dma_wait3A_182] : memref<2048x16xf32, #tpu.memory_space<vmem>> -> memref<128x16xf32, #tpu.memory_space<vmem>>
      %dma_wait3A_184 = arith.constant 0 : i32
      %dma_wait3A_185 = tpu.memref_slice %arg5[%run_scoped3A_155, %dma_wait3A_184] : memref<79x128xi32, #tpu.memory_space<vmem>> -> memref<1x128xi32, #tpu.memory_space<vmem>>
      %dma_wait3A_186 = tpu.memref_squeeze %dma_wait3A_185 : memref<1x128xi32, #tpu.memory_space<vmem>> -> memref<128xi32, #tpu.memory_space<vmem>>
      %dma_wait3A_187 = arith.constant 0 : i32
      %dma_wait3A_188 = arith.constant 0 : i32
      %dma_wait3A_189 = tpu.memref_slice %arg10[%dma_wait3A_187, %dma_wait3A_188] : memref<65x16xf32, #tpu.memory_space<vmem_shared>> -> memref<65x16xf32, #tpu.memory_space<vmem_shared>>
      tpu.wait_indirect_dma semaphore(%run_scoped3A_171 : memref<!tpu.dma_semaphore, #tpu.memory_space<semaphore_mem>>) src(%dma_wait3A_183 : memref<128x16xf32, #tpu.memory_space<vmem>>) dst(%dma_wait3A_189 : memref<65x16xf32, #tpu.memory_space<vmem_shared>>)
      tpu.yield
    }) : () -> ()
    %run_scoped3A_156 = arith.constant 70 : i32
    "tpu.region"() ({
      %run_scoped3A_171 = tpu.sem_alloc : memref<!tpu.dma_semaphore, #tpu.memory_space<semaphore_mem>>
      %dma_start3A_172 = arith.constant 768 : i32
      %dma_start3A_173 = arith.constant 0 : i32
      %dma_start3A_174 = tpu.memref_slice %arg6[%dma_start3A_172, %dma_start3A_173] : memref<2048x16xf32, #tpu.memory_space<vmem>> -> memref<128x16xf32, #tpu.memory_space<vmem>>
      %dma_start3A_175 = arith.constant 0 : i32
      %dma_start3A_176 = tpu.memref_slice %arg5[%run_scoped3A_156, %dma_start3A_175] : memref<79x128xi32, #tpu.memory_space<vmem>> -> memref<1x128xi32, #tpu.memory_space<vmem>>
      %dma_start3A_177 = tpu.memref_squeeze %dma_start3A_176 : memref<1x128xi32, #tpu.memory_space<vmem>> -> memref<128xi32, #tpu.memory_space<vmem>>
      %dma_start3A_178 = arith.constant 0 : i32
      %dma_start3A_179 = arith.constant 0 : i32
      %dma_start3A_180 = tpu.memref_slice %arg11[%dma_start3A_178, %dma_start3A_179] : memref<65x16xf32, #tpu.memory_space<vmem_shared>> -> memref<65x16xf32, #tpu.memory_space<vmem_shared>>
      tpu.enqueue_indirect_dma source(%dma_start3A_174 : memref<128x16xf32, #tpu.memory_space<vmem>>) target(%dma_start3A_180 : memref<65x16xf32, #tpu.memory_space<vmem_shared>>) offsets(%dma_start3A_177 : memref<128xi32, #tpu.memory_space<vmem>>) semaphore(%run_scoped3A_171 : memref<!tpu.dma_semaphore, #tpu.memory_space<semaphore_mem>>) {add = true}
      %dma_wait3A_181 = arith.constant 768 : i32
      %dma_wait3A_182 = arith.constant 0 : i32
      %dma_wait3A_183 = tpu.memref_slice %arg6[%dma_wait3A_181, %dma_wait3A_182] : memref<2048x16xf32, #tpu.memory_space<vmem>> -> memref<128x16xf32, #tpu.memory_space<vmem>>
      %dma_wait3A_184 = arith.constant 0 : i32
      %dma_wait3A_185 = tpu.memref_slice %arg5[%run_scoped3A_156, %dma_wait3A_184] : memref<79x128xi32, #tpu.memory_space<vmem>> -> memref<1x128xi32, #tpu.memory_space<vmem>>
      %dma_wait3A_186 = tpu.memref_squeeze %dma_wait3A_185 : memref<1x128xi32, #tpu.memory_space<vmem>> -> memref<128xi32, #tpu.memory_space<vmem>>
      %dma_wait3A_187 = arith.constant 0 : i32
      %dma_wait3A_188 = arith.constant 0 : i32
      %dma_wait3A_189 = tpu.memref_slice %arg11[%dma_wait3A_187, %dma_wait3A_188] : memref<65x16xf32, #tpu.memory_space<vmem_shared>> -> memref<65x16xf32, #tpu.memory_space<vmem_shared>>
      tpu.wait_indirect_dma semaphore(%run_scoped3A_171 : memref<!tpu.dma_semaphore, #tpu.memory_space<semaphore_mem>>) src(%dma_wait3A_183 : memref<128x16xf32, #tpu.memory_space<vmem>>) dst(%dma_wait3A_189 : memref<65x16xf32, #tpu.memory_space<vmem_shared>>)
      tpu.yield
    }) : () -> ()
    %run_scoped3A_157 = arith.constant 71 : i32
    "tpu.region"() ({
      %run_scoped3A_171 = tpu.sem_alloc : memref<!tpu.dma_semaphore, #tpu.memory_space<semaphore_mem>>
      %dma_start3A_172 = arith.constant 896 : i32
      %dma_start3A_173 = arith.constant 0 : i32
      %dma_start3A_174 = tpu.memref_slice %arg6[%dma_start3A_172, %dma_start3A_173] : memref<2048x16xf32, #tpu.memory_space<vmem>> -> memref<128x16xf32, #tpu.memory_space<vmem>>
      %dma_start3A_175 = arith.constant 0 : i32
      %dma_start3A_176 = tpu.memref_slice %arg5[%run_scoped3A_157, %dma_start3A_175] : memref<79x128xi32, #tpu.memory_space<vmem>> -> memref<1x128xi32, #tpu.memory_space<vmem>>
      %dma_start3A_177 = tpu.memref_squeeze %dma_start3A_176 : memref<1x128xi32, #tpu.memory_space<vmem>> -> memref<128xi32, #tpu.memory_space<vmem>>
      %dma_start3A_178 = arith.constant 0 : i32
      %dma_start3A_179 = arith.constant 0 : i32
      %dma_start3A_180 = tpu.memref_slice %arg12[%dma_start3A_178, %dma_start3A_179] : memref<65x16xf32, #tpu.memory_space<vmem_shared>> -> memref<65x16xf32, #tpu.memory_space<vmem_shared>>
      tpu.enqueue_indirect_dma source(%dma_start3A_174 : memref<128x16xf32, #tpu.memory_space<vmem>>) target(%dma_start3A_180 : memref<65x16xf32, #tpu.memory_space<vmem_shared>>) offsets(%dma_start3A_177 : memref<128xi32, #tpu.memory_space<vmem>>) semaphore(%run_scoped3A_171 : memref<!tpu.dma_semaphore, #tpu.memory_space<semaphore_mem>>) {add = true}
      %dma_wait3A_181 = arith.constant 896 : i32
      %dma_wait3A_182 = arith.constant 0 : i32
      %dma_wait3A_183 = tpu.memref_slice %arg6[%dma_wait3A_181, %dma_wait3A_182] : memref<2048x16xf32, #tpu.memory_space<vmem>> -> memref<128x16xf32, #tpu.memory_space<vmem>>
      %dma_wait3A_184 = arith.constant 0 : i32
      %dma_wait3A_185 = tpu.memref_slice %arg5[%run_scoped3A_157, %dma_wait3A_184] : memref<79x128xi32, #tpu.memory_space<vmem>> -> memref<1x128xi32, #tpu.memory_space<vmem>>
      %dma_wait3A_186 = tpu.memref_squeeze %dma_wait3A_185 : memref<1x128xi32, #tpu.memory_space<vmem>> -> memref<128xi32, #tpu.memory_space<vmem>>
      %dma_wait3A_187 = arith.constant 0 : i32
      %dma_wait3A_188 = arith.constant 0 : i32
      %dma_wait3A_189 = tpu.memref_slice %arg12[%dma_wait3A_187, %dma_wait3A_188] : memref<65x16xf32, #tpu.memory_space<vmem_shared>> -> memref<65x16xf32, #tpu.memory_space<vmem_shared>>
      tpu.wait_indirect_dma semaphore(%run_scoped3A_171 : memref<!tpu.dma_semaphore, #tpu.memory_space<semaphore_mem>>) src(%dma_wait3A_183 : memref<128x16xf32, #tpu.memory_space<vmem>>) dst(%dma_wait3A_189 : memref<65x16xf32, #tpu.memory_space<vmem_shared>>)
      tpu.yield
    }) : () -> ()
    %run_scoped3A_158 = arith.constant 72 : i32
    "tpu.region"() ({
      %run_scoped3A_171 = tpu.sem_alloc : memref<!tpu.dma_semaphore, #tpu.memory_space<semaphore_mem>>
      %dma_start3A_172 = arith.constant 1024 : i32
      %dma_start3A_173 = arith.constant 0 : i32
      %dma_start3A_174 = tpu.memref_slice %arg6[%dma_start3A_172, %dma_start3A_173] : memref<2048x16xf32, #tpu.memory_space<vmem>> -> memref<128x16xf32, #tpu.memory_space<vmem>>
      %dma_start3A_175 = arith.constant 0 : i32
      %dma_start3A_176 = tpu.memref_slice %arg5[%run_scoped3A_158, %dma_start3A_175] : memref<79x128xi32, #tpu.memory_space<vmem>> -> memref<1x128xi32, #tpu.memory_space<vmem>>
      %dma_start3A_177 = tpu.memref_squeeze %dma_start3A_176 : memref<1x128xi32, #tpu.memory_space<vmem>> -> memref<128xi32, #tpu.memory_space<vmem>>
      %dma_start3A_178 = arith.constant 0 : i32
      %dma_start3A_179 = arith.constant 0 : i32
      %dma_start3A_180 = tpu.memref_slice %arg9[%dma_start3A_178, %dma_start3A_179] : memref<65x16xf32, #tpu.memory_space<vmem_shared>> -> memref<65x16xf32, #tpu.memory_space<vmem_shared>>
      tpu.enqueue_indirect_dma source(%dma_start3A_174 : memref<128x16xf32, #tpu.memory_space<vmem>>) target(%dma_start3A_180 : memref<65x16xf32, #tpu.memory_space<vmem_shared>>) offsets(%dma_start3A_177 : memref<128xi32, #tpu.memory_space<vmem>>) semaphore(%run_scoped3A_171 : memref<!tpu.dma_semaphore, #tpu.memory_space<semaphore_mem>>) {add = true}
      %dma_wait3A_181 = arith.constant 1024 : i32
      %dma_wait3A_182 = arith.constant 0 : i32
      %dma_wait3A_183 = tpu.memref_slice %arg6[%dma_wait3A_181, %dma_wait3A_182] : memref<2048x16xf32, #tpu.memory_space<vmem>> -> memref<128x16xf32, #tpu.memory_space<vmem>>
      %dma_wait3A_184 = arith.constant 0 : i32
      %dma_wait3A_185 = tpu.memref_slice %arg5[%run_scoped3A_158, %dma_wait3A_184] : memref<79x128xi32, #tpu.memory_space<vmem>> -> memref<1x128xi32, #tpu.memory_space<vmem>>
      %dma_wait3A_186 = tpu.memref_squeeze %dma_wait3A_185 : memref<1x128xi32, #tpu.memory_space<vmem>> -> memref<128xi32, #tpu.memory_space<vmem>>
      %dma_wait3A_187 = arith.constant 0 : i32
      %dma_wait3A_188 = arith.constant 0 : i32
      %dma_wait3A_189 = tpu.memref_slice %arg9[%dma_wait3A_187, %dma_wait3A_188] : memref<65x16xf32, #tpu.memory_space<vmem_shared>> -> memref<65x16xf32, #tpu.memory_space<vmem_shared>>
      tpu.wait_indirect_dma semaphore(%run_scoped3A_171 : memref<!tpu.dma_semaphore, #tpu.memory_space<semaphore_mem>>) src(%dma_wait3A_183 : memref<128x16xf32, #tpu.memory_space<vmem>>) dst(%dma_wait3A_189 : memref<65x16xf32, #tpu.memory_space<vmem_shared>>)
      tpu.yield
    }) : () -> ()
    %run_scoped3A_159 = arith.constant 73 : i32
    "tpu.region"() ({
      %run_scoped3A_171 = tpu.sem_alloc : memref<!tpu.dma_semaphore, #tpu.memory_space<semaphore_mem>>
      %dma_start3A_172 = arith.constant 1152 : i32
      %dma_start3A_173 = arith.constant 0 : i32
      %dma_start3A_174 = tpu.memref_slice %arg6[%dma_start3A_172, %dma_start3A_173] : memref<2048x16xf32, #tpu.memory_space<vmem>> -> memref<128x16xf32, #tpu.memory_space<vmem>>
      %dma_start3A_175 = arith.constant 0 : i32
      %dma_start3A_176 = tpu.memref_slice %arg5[%run_scoped3A_159, %dma_start3A_175] : memref<79x128xi32, #tpu.memory_space<vmem>> -> memref<1x128xi32, #tpu.memory_space<vmem>>
      %dma_start3A_177 = tpu.memref_squeeze %dma_start3A_176 : memref<1x128xi32, #tpu.memory_space<vmem>> -> memref<128xi32, #tpu.memory_space<vmem>>
      %dma_start3A_178 = arith.constant 0 : i32
      %dma_start3A_179 = arith.constant 0 : i32
      %dma_start3A_180 = tpu.memref_slice %arg10[%dma_start3A_178, %dma_start3A_179] : memref<65x16xf32, #tpu.memory_space<vmem_shared>> -> memref<65x16xf32, #tpu.memory_space<vmem_shared>>
      tpu.enqueue_indirect_dma source(%dma_start3A_174 : memref<128x16xf32, #tpu.memory_space<vmem>>) target(%dma_start3A_180 : memref<65x16xf32, #tpu.memory_space<vmem_shared>>) offsets(%dma_start3A_177 : memref<128xi32, #tpu.memory_space<vmem>>) semaphore(%run_scoped3A_171 : memref<!tpu.dma_semaphore, #tpu.memory_space<semaphore_mem>>) {add = true}
      %dma_wait3A_181 = arith.constant 1152 : i32
      %dma_wait3A_182 = arith.constant 0 : i32
      %dma_wait3A_183 = tpu.memref_slice %arg6[%dma_wait3A_181, %dma_wait3A_182] : memref<2048x16xf32, #tpu.memory_space<vmem>> -> memref<128x16xf32, #tpu.memory_space<vmem>>
      %dma_wait3A_184 = arith.constant 0 : i32
      %dma_wait3A_185 = tpu.memref_slice %arg5[%run_scoped3A_159, %dma_wait3A_184] : memref<79x128xi32, #tpu.memory_space<vmem>> -> memref<1x128xi32, #tpu.memory_space<vmem>>
      %dma_wait3A_186 = tpu.memref_squeeze %dma_wait3A_185 : memref<1x128xi32, #tpu.memory_space<vmem>> -> memref<128xi32, #tpu.memory_space<vmem>>
      %dma_wait3A_187 = arith.constant 0 : i32
      %dma_wait3A_188 = arith.constant 0 : i32
      %dma_wait3A_189 = tpu.memref_slice %arg10[%dma_wait3A_187, %dma_wait3A_188] : memref<65x16xf32, #tpu.memory_space<vmem_shared>> -> memref<65x16xf32, #tpu.memory_space<vmem_shared>>
      tpu.wait_indirect_dma semaphore(%run_scoped3A_171 : memref<!tpu.dma_semaphore, #tpu.memory_space<semaphore_mem>>) src(%dma_wait3A_183 : memref<128x16xf32, #tpu.memory_space<vmem>>) dst(%dma_wait3A_189 : memref<65x16xf32, #tpu.memory_space<vmem_shared>>)
      tpu.yield
    }) : () -> ()
    %run_scoped3A_160 = arith.constant 74 : i32
    "tpu.region"() ({
      %run_scoped3A_171 = tpu.sem_alloc : memref<!tpu.dma_semaphore, #tpu.memory_space<semaphore_mem>>
      %dma_start3A_172 = arith.constant 1280 : i32
      %dma_start3A_173 = arith.constant 0 : i32
      %dma_start3A_174 = tpu.memref_slice %arg6[%dma_start3A_172, %dma_start3A_173] : memref<2048x16xf32, #tpu.memory_space<vmem>> -> memref<128x16xf32, #tpu.memory_space<vmem>>
      %dma_start3A_175 = arith.constant 0 : i32
      %dma_start3A_176 = tpu.memref_slice %arg5[%run_scoped3A_160, %dma_start3A_175] : memref<79x128xi32, #tpu.memory_space<vmem>> -> memref<1x128xi32, #tpu.memory_space<vmem>>
      %dma_start3A_177 = tpu.memref_squeeze %dma_start3A_176 : memref<1x128xi32, #tpu.memory_space<vmem>> -> memref<128xi32, #tpu.memory_space<vmem>>
      %dma_start3A_178 = arith.constant 0 : i32
      %dma_start3A_179 = arith.constant 0 : i32
      %dma_start3A_180 = tpu.memref_slice %arg11[%dma_start3A_178, %dma_start3A_179] : memref<65x16xf32, #tpu.memory_space<vmem_shared>> -> memref<65x16xf32, #tpu.memory_space<vmem_shared>>
      tpu.enqueue_indirect_dma source(%dma_start3A_174 : memref<128x16xf32, #tpu.memory_space<vmem>>) target(%dma_start3A_180 : memref<65x16xf32, #tpu.memory_space<vmem_shared>>) offsets(%dma_start3A_177 : memref<128xi32, #tpu.memory_space<vmem>>) semaphore(%run_scoped3A_171 : memref<!tpu.dma_semaphore, #tpu.memory_space<semaphore_mem>>) {add = true}
      %dma_wait3A_181 = arith.constant 1280 : i32
      %dma_wait3A_182 = arith.constant 0 : i32
      %dma_wait3A_183 = tpu.memref_slice %arg6[%dma_wait3A_181, %dma_wait3A_182] : memref<2048x16xf32, #tpu.memory_space<vmem>> -> memref<128x16xf32, #tpu.memory_space<vmem>>
      %dma_wait3A_184 = arith.constant 0 : i32
      %dma_wait3A_185 = tpu.memref_slice %arg5[%run_scoped3A_160, %dma_wait3A_184] : memref<79x128xi32, #tpu.memory_space<vmem>> -> memref<1x128xi32, #tpu.memory_space<vmem>>
      %dma_wait3A_186 = tpu.memref_squeeze %dma_wait3A_185 : memref<1x128xi32, #tpu.memory_space<vmem>> -> memref<128xi32, #tpu.memory_space<vmem>>
      %dma_wait3A_187 = arith.constant 0 : i32
      %dma_wait3A_188 = arith.constant 0 : i32
      %dma_wait3A_189 = tpu.memref_slice %arg11[%dma_wait3A_187, %dma_wait3A_188] : memref<65x16xf32, #tpu.memory_space<vmem_shared>> -> memref<65x16xf32, #tpu.memory_space<vmem_shared>>
      tpu.wait_indirect_dma semaphore(%run_scoped3A_171 : memref<!tpu.dma_semaphore, #tpu.memory_space<semaphore_mem>>) src(%dma_wait3A_183 : memref<128x16xf32, #tpu.memory_space<vmem>>) dst(%dma_wait3A_189 : memref<65x16xf32, #tpu.memory_space<vmem_shared>>)
      tpu.yield
    }) : () -> ()
    %run_scoped3A_161 = arith.constant 75 : i32
    "tpu.region"() ({
      %run_scoped3A_171 = tpu.sem_alloc : memref<!tpu.dma_semaphore, #tpu.memory_space<semaphore_mem>>
      %dma_start3A_172 = arith.constant 1408 : i32
      %dma_start3A_173 = arith.constant 0 : i32
      %dma_start3A_174 = tpu.memref_slice %arg6[%dma_start3A_172, %dma_start3A_173] : memref<2048x16xf32, #tpu.memory_space<vmem>> -> memref<128x16xf32, #tpu.memory_space<vmem>>
      %dma_start3A_175 = arith.constant 0 : i32
      %dma_start3A_176 = tpu.memref_slice %arg5[%run_scoped3A_161, %dma_start3A_175] : memref<79x128xi32, #tpu.memory_space<vmem>> -> memref<1x128xi32, #tpu.memory_space<vmem>>
      %dma_start3A_177 = tpu.memref_squeeze %dma_start3A_176 : memref<1x128xi32, #tpu.memory_space<vmem>> -> memref<128xi32, #tpu.memory_space<vmem>>
      %dma_start3A_178 = arith.constant 0 : i32
      %dma_start3A_179 = arith.constant 0 : i32
      %dma_start3A_180 = tpu.memref_slice %arg12[%dma_start3A_178, %dma_start3A_179] : memref<65x16xf32, #tpu.memory_space<vmem_shared>> -> memref<65x16xf32, #tpu.memory_space<vmem_shared>>
      tpu.enqueue_indirect_dma source(%dma_start3A_174 : memref<128x16xf32, #tpu.memory_space<vmem>>) target(%dma_start3A_180 : memref<65x16xf32, #tpu.memory_space<vmem_shared>>) offsets(%dma_start3A_177 : memref<128xi32, #tpu.memory_space<vmem>>) semaphore(%run_scoped3A_171 : memref<!tpu.dma_semaphore, #tpu.memory_space<semaphore_mem>>) {add = true}
      %dma_wait3A_181 = arith.constant 1408 : i32
      %dma_wait3A_182 = arith.constant 0 : i32
      %dma_wait3A_183 = tpu.memref_slice %arg6[%dma_wait3A_181, %dma_wait3A_182] : memref<2048x16xf32, #tpu.memory_space<vmem>> -> memref<128x16xf32, #tpu.memory_space<vmem>>
      %dma_wait3A_184 = arith.constant 0 : i32
      %dma_wait3A_185 = tpu.memref_slice %arg5[%run_scoped3A_161, %dma_wait3A_184] : memref<79x128xi32, #tpu.memory_space<vmem>> -> memref<1x128xi32, #tpu.memory_space<vmem>>
      %dma_wait3A_186 = tpu.memref_squeeze %dma_wait3A_185 : memref<1x128xi32, #tpu.memory_space<vmem>> -> memref<128xi32, #tpu.memory_space<vmem>>
      %dma_wait3A_187 = arith.constant 0 : i32
      %dma_wait3A_188 = arith.constant 0 : i32
      %dma_wait3A_189 = tpu.memref_slice %arg12[%dma_wait3A_187, %dma_wait3A_188] : memref<65x16xf32, #tpu.memory_space<vmem_shared>> -> memref<65x16xf32, #tpu.memory_space<vmem_shared>>
      tpu.wait_indirect_dma semaphore(%run_scoped3A_171 : memref<!tpu.dma_semaphore, #tpu.memory_space<semaphore_mem>>) src(%dma_wait3A_183 : memref<128x16xf32, #tpu.memory_space<vmem>>) dst(%dma_wait3A_189 : memref<65x16xf32, #tpu.memory_space<vmem_shared>>)
      tpu.yield
    }) : () -> ()
    %run_scoped3A_162 = arith.constant 76 : i32
    "tpu.region"() ({
      %run_scoped3A_171 = tpu.sem_alloc : memref<!tpu.dma_semaphore, #tpu.memory_space<semaphore_mem>>
      %dma_start3A_172 = arith.constant 1536 : i32
      %dma_start3A_173 = arith.constant 0 : i32
      %dma_start3A_174 = tpu.memref_slice %arg6[%dma_start3A_172, %dma_start3A_173] : memref<2048x16xf32, #tpu.memory_space<vmem>> -> memref<128x16xf32, #tpu.memory_space<vmem>>
      %dma_start3A_175 = arith.constant 0 : i32
      %dma_start3A_176 = tpu.memref_slice %arg5[%run_scoped3A_162, %dma_start3A_175] : memref<79x128xi32, #tpu.memory_space<vmem>> -> memref<1x128xi32, #tpu.memory_space<vmem>>
      %dma_start3A_177 = tpu.memref_squeeze %dma_start3A_176 : memref<1x128xi32, #tpu.memory_space<vmem>> -> memref<128xi32, #tpu.memory_space<vmem>>
      %dma_start3A_178 = arith.constant 0 : i32
      %dma_start3A_179 = arith.constant 0 : i32
      %dma_start3A_180 = tpu.memref_slice %arg9[%dma_start3A_178, %dma_start3A_179] : memref<65x16xf32, #tpu.memory_space<vmem_shared>> -> memref<65x16xf32, #tpu.memory_space<vmem_shared>>
      tpu.enqueue_indirect_dma source(%dma_start3A_174 : memref<128x16xf32, #tpu.memory_space<vmem>>) target(%dma_start3A_180 : memref<65x16xf32, #tpu.memory_space<vmem_shared>>) offsets(%dma_start3A_177 : memref<128xi32, #tpu.memory_space<vmem>>) semaphore(%run_scoped3A_171 : memref<!tpu.dma_semaphore, #tpu.memory_space<semaphore_mem>>) {add = true}
      %dma_wait3A_181 = arith.constant 1536 : i32
      %dma_wait3A_182 = arith.constant 0 : i32
      %dma_wait3A_183 = tpu.memref_slice %arg6[%dma_wait3A_181, %dma_wait3A_182] : memref<2048x16xf32, #tpu.memory_space<vmem>> -> memref<128x16xf32, #tpu.memory_space<vmem>>
      %dma_wait3A_184 = arith.constant 0 : i32
      %dma_wait3A_185 = tpu.memref_slice %arg5[%run_scoped3A_162, %dma_wait3A_184] : memref<79x128xi32, #tpu.memory_space<vmem>> -> memref<1x128xi32, #tpu.memory_space<vmem>>
      %dma_wait3A_186 = tpu.memref_squeeze %dma_wait3A_185 : memref<1x128xi32, #tpu.memory_space<vmem>> -> memref<128xi32, #tpu.memory_space<vmem>>
      %dma_wait3A_187 = arith.constant 0 : i32
      %dma_wait3A_188 = arith.constant 0 : i32
      %dma_wait3A_189 = tpu.memref_slice %arg9[%dma_wait3A_187, %dma_wait3A_188] : memref<65x16xf32, #tpu.memory_space<vmem_shared>> -> memref<65x16xf32, #tpu.memory_space<vmem_shared>>
      tpu.wait_indirect_dma semaphore(%run_scoped3A_171 : memref<!tpu.dma_semaphore, #tpu.memory_space<semaphore_mem>>) src(%dma_wait3A_183 : memref<128x16xf32, #tpu.memory_space<vmem>>) dst(%dma_wait3A_189 : memref<65x16xf32, #tpu.memory_space<vmem_shared>>)
      tpu.yield
    }) : () -> ()
    %run_scoped3A_163 = arith.constant 77 : i32
    "tpu.region"() ({
      %run_scoped3A_171 = tpu.sem_alloc : memref<!tpu.dma_semaphore, #tpu.memory_space<semaphore_mem>>
      %dma_start3A_172 = arith.constant 1664 : i32
      %dma_start3A_173 = arith.constant 0 : i32
      %dma_start3A_174 = tpu.memref_slice %arg6[%dma_start3A_172, %dma_start3A_173] : memref<2048x16xf32, #tpu.memory_space<vmem>> -> memref<128x16xf32, #tpu.memory_space<vmem>>
      %dma_start3A_175 = arith.constant 0 : i32
      %dma_start3A_176 = tpu.memref_slice %arg5[%run_scoped3A_163, %dma_start3A_175] : memref<79x128xi32, #tpu.memory_space<vmem>> -> memref<1x128xi32, #tpu.memory_space<vmem>>
      %dma_start3A_177 = tpu.memref_squeeze %dma_start3A_176 : memref<1x128xi32, #tpu.memory_space<vmem>> -> memref<128xi32, #tpu.memory_space<vmem>>
      %dma_start3A_178 = arith.constant 0 : i32
      %dma_start3A_179 = arith.constant 0 : i32
      %dma_start3A_180 = tpu.memref_slice %arg10[%dma_start3A_178, %dma_start3A_179] : memref<65x16xf32, #tpu.memory_space<vmem_shared>> -> memref<65x16xf32, #tpu.memory_space<vmem_shared>>
      tpu.enqueue_indirect_dma source(%dma_start3A_174 : memref<128x16xf32, #tpu.memory_space<vmem>>) target(%dma_start3A_180 : memref<65x16xf32, #tpu.memory_space<vmem_shared>>) offsets(%dma_start3A_177 : memref<128xi32, #tpu.memory_space<vmem>>) semaphore(%run_scoped3A_171 : memref<!tpu.dma_semaphore, #tpu.memory_space<semaphore_mem>>) {add = true}
      %dma_wait3A_181 = arith.constant 1664 : i32
      %dma_wait3A_182 = arith.constant 0 : i32
      %dma_wait3A_183 = tpu.memref_slice %arg6[%dma_wait3A_181, %dma_wait3A_182] : memref<2048x16xf32, #tpu.memory_space<vmem>> -> memref<128x16xf32, #tpu.memory_space<vmem>>
      %dma_wait3A_184 = arith.constant 0 : i32
      %dma_wait3A_185 = tpu.memref_slice %arg5[%run_scoped3A_163, %dma_wait3A_184] : memref<79x128xi32, #tpu.memory_space<vmem>> -> memref<1x128xi32, #tpu.memory_space<vmem>>
      %dma_wait3A_186 = tpu.memref_squeeze %dma_wait3A_185 : memref<1x128xi32, #tpu.memory_space<vmem>> -> memref<128xi32, #tpu.memory_space<vmem>>
      %dma_wait3A_187 = arith.constant 0 : i32
      %dma_wait3A_188 = arith.constant 0 : i32
      %dma_wait3A_189 = tpu.memref_slice %arg10[%dma_wait3A_187, %dma_wait3A_188] : memref<65x16xf32, #tpu.memory_space<vmem_shared>> -> memref<65x16xf32, #tpu.memory_space<vmem_shared>>
      tpu.wait_indirect_dma semaphore(%run_scoped3A_171 : memref<!tpu.dma_semaphore, #tpu.memory_space<semaphore_mem>>) src(%dma_wait3A_183 : memref<128x16xf32, #tpu.memory_space<vmem>>) dst(%dma_wait3A_189 : memref<65x16xf32, #tpu.memory_space<vmem_shared>>)
      tpu.yield
    }) : () -> ()
    %run_scoped3A_164 = arith.constant 78 : i32
    "tpu.region"() ({
      %run_scoped3A_171 = tpu.sem_alloc : memref<!tpu.dma_semaphore, #tpu.memory_space<semaphore_mem>>
      %dma_start3A_172 = arith.constant 1792 : i32
      %dma_start3A_173 = arith.constant 0 : i32
      %dma_start3A_174 = tpu.memref_slice %arg6[%dma_start3A_172, %dma_start3A_173] : memref<2048x16xf32, #tpu.memory_space<vmem>> -> memref<128x16xf32, #tpu.memory_space<vmem>>
      %dma_start3A_175 = arith.constant 0 : i32
      %dma_start3A_176 = tpu.memref_slice %arg5[%run_scoped3A_164, %dma_start3A_175] : memref<79x128xi32, #tpu.memory_space<vmem>> -> memref<1x128xi32, #tpu.memory_space<vmem>>
      %dma_start3A_177 = tpu.memref_squeeze %dma_start3A_176 : memref<1x128xi32, #tpu.memory_space<vmem>> -> memref<128xi32, #tpu.memory_space<vmem>>
      %dma_start3A_178 = arith.constant 0 : i32
      %dma_start3A_179 = arith.constant 0 : i32
      %dma_start3A_180 = tpu.memref_slice %arg11[%dma_start3A_178, %dma_start3A_179] : memref<65x16xf32, #tpu.memory_space<vmem_shared>> -> memref<65x16xf32, #tpu.memory_space<vmem_shared>>
      tpu.enqueue_indirect_dma source(%dma_start3A_174 : memref<128x16xf32, #tpu.memory_space<vmem>>) target(%dma_start3A_180 : memref<65x16xf32, #tpu.memory_space<vmem_shared>>) offsets(%dma_start3A_177 : memref<128xi32, #tpu.memory_space<vmem>>) semaphore(%run_scoped3A_171 : memref<!tpu.dma_semaphore, #tpu.memory_space<semaphore_mem>>) {add = true}
      %dma_wait3A_181 = arith.constant 1792 : i32
      %dma_wait3A_182 = arith.constant 0 : i32
      %dma_wait3A_183 = tpu.memref_slice %arg6[%dma_wait3A_181, %dma_wait3A_182] : memref<2048x16xf32, #tpu.memory_space<vmem>> -> memref<128x16xf32, #tpu.memory_space<vmem>>
      %dma_wait3A_184 = arith.constant 0 : i32
      %dma_wait3A_185 = tpu.memref_slice %arg5[%run_scoped3A_164, %dma_wait3A_184] : memref<79x128xi32, #tpu.memory_space<vmem>> -> memref<1x128xi32, #tpu.memory_space<vmem>>
      %dma_wait3A_186 = tpu.memref_squeeze %dma_wait3A_185 : memref<1x128xi32, #tpu.memory_space<vmem>> -> memref<128xi32, #tpu.memory_space<vmem>>
      %dma_wait3A_187 = arith.constant 0 : i32
      %dma_wait3A_188 = arith.constant 0 : i32
      %dma_wait3A_189 = tpu.memref_slice %arg11[%dma_wait3A_187, %dma_wait3A_188] : memref<65x16xf32, #tpu.memory_space<vmem_shared>> -> memref<65x16xf32, #tpu.memory_space<vmem_shared>>
      tpu.wait_indirect_dma semaphore(%run_scoped3A_171 : memref<!tpu.dma_semaphore, #tpu.memory_space<semaphore_mem>>) src(%dma_wait3A_183 : memref<128x16xf32, #tpu.memory_space<vmem>>) dst(%dma_wait3A_189 : memref<65x16xf32, #tpu.memory_space<vmem_shared>>)
      tpu.yield
    }) : () -> ()
    %barrier3A_165 = arith.constant 0 : index
    tpu.barrier barrier_id(%barrier3A_165)
    %eq3A_166 = arith.constant 0 : i32
    %eq3A_167 = arith.cmpi eq, %arg1, %eq3A_166 : i32
    %convert_element_type3A_168 = arith.extui %eq3A_167 : i1 to i32
    %cond3A_169 = arith.constant 0 : i32
    %cond3A_170 = arith.cmpi ne, %convert_element_type3A_168, %cond3A_169 : i32
    scf.if %cond3A_170 {
      %run_scoped3A_171 = arith.constant 0 : i32
      "tpu.region"() ({
        %run_scoped3A_175 = tpu.sem_alloc : memref<!tpu.dma_semaphore, #tpu.memory_space<semaphore_mem>>
        %dma_start3A_176 = arith.constant 0 : i32
        %dma_start3A_177 = arith.constant 0 : i32
        %dma_start3A_178 = tpu.memref_slice %arg4[%arg0, %run_scoped3A_171, %dma_start3A_176, %dma_start3A_177] : memref<2x4x65x16xf32, #tpu.memory_space<hbm>> -> memref<1x1x65x16xf32, #tpu.memory_space<hbm>>
        %dma_start3A_179 = tpu.memref_squeeze %dma_start3A_178 : memref<1x1x65x16xf32, #tpu.memory_space<hbm>> -> memref<65x16xf32, #tpu.memory_space<hbm>>
        tpu.enqueue_dma source(%arg9 : memref<65x16xf32, #tpu.memory_space<vmem_shared>>) target(%dma_start3A_179 : memref<65x16xf32, #tpu.memory_space<hbm>>) target_semaphore(%run_scoped3A_175 : memref<!tpu.dma_semaphore, #tpu.memory_space<semaphore_mem>>)
        %dma_wait3A_180 = arith.constant 0 : i32
        %dma_wait3A_181 = arith.constant 0 : i32
        %dma_wait3A_182 = tpu.memref_slice %arg4[%arg0, %run_scoped3A_171, %dma_wait3A_180, %dma_wait3A_181] : memref<2x4x65x16xf32, #tpu.memory_space<hbm>> -> memref<1x1x65x16xf32, #tpu.memory_space<hbm>>
        %dma_wait3A_183 = tpu.memref_squeeze %dma_wait3A_182 : memref<1x1x65x16xf32, #tpu.memory_space<hbm>> -> memref<65x16xf32, #tpu.memory_space<hbm>>
        tpu.wait_dma2 semaphore(%run_scoped3A_175 : memref<!tpu.dma_semaphore, #tpu.memory_space<semaphore_mem>>) src(%arg9 : memref<65x16xf32, #tpu.memory_space<vmem_shared>>) dst(%dma_wait3A_183 : memref<65x16xf32, #tpu.memory_space<hbm>>)
        tpu.yield
      }) : () -> ()
      %run_scoped3A_172 = arith.constant 1 : i32
      "tpu.region"() ({
        %run_scoped3A_175 = tpu.sem_alloc : memref<!tpu.dma_semaphore, #tpu.memory_space<semaphore_mem>>
        %dma_start3A_176 = arith.constant 0 : i32
        %dma_start3A_177 = arith.constant 0 : i32
        %dma_start3A_178 = tpu.memref_slice %arg4[%arg0, %run_scoped3A_172, %dma_start3A_176, %dma_start3A_177] : memref<2x4x65x16xf32, #tpu.memory_space<hbm>> -> memref<1x1x65x16xf32, #tpu.memory_space<hbm>>
        %dma_start3A_179 = tpu.memref_squeeze %dma_start3A_178 : memref<1x1x65x16xf32, #tpu.memory_space<hbm>> -> memref<65x16xf32, #tpu.memory_space<hbm>>
        tpu.enqueue_dma source(%arg10 : memref<65x16xf32, #tpu.memory_space<vmem_shared>>) target(%dma_start3A_179 : memref<65x16xf32, #tpu.memory_space<hbm>>) target_semaphore(%run_scoped3A_175 : memref<!tpu.dma_semaphore, #tpu.memory_space<semaphore_mem>>)
        %dma_wait3A_180 = arith.constant 0 : i32
        %dma_wait3A_181 = arith.constant 0 : i32
        %dma_wait3A_182 = tpu.memref_slice %arg4[%arg0, %run_scoped3A_172, %dma_wait3A_180, %dma_wait3A_181] : memref<2x4x65x16xf32, #tpu.memory_space<hbm>> -> memref<1x1x65x16xf32, #tpu.memory_space<hbm>>
        %dma_wait3A_183 = tpu.memref_squeeze %dma_wait3A_182 : memref<1x1x65x16xf32, #tpu.memory_space<hbm>> -> memref<65x16xf32, #tpu.memory_space<hbm>>
        tpu.wait_dma2 semaphore(%run_scoped3A_175 : memref<!tpu.dma_semaphore, #tpu.memory_space<semaphore_mem>>) src(%arg10 : memref<65x16xf32, #tpu.memory_space<vmem_shared>>) dst(%dma_wait3A_183 : memref<65x16xf32, #tpu.memory_space<hbm>>)
        tpu.yield
      }) : () -> ()
      %run_scoped3A_173 = arith.constant 2 : i32
      "tpu.region"() ({
        %run_scoped3A_175 = tpu.sem_alloc : memref<!tpu.dma_semaphore, #tpu.memory_space<semaphore_mem>>
        %dma_start3A_176 = arith.constant 0 : i32
        %dma_start3A_177 = arith.constant 0 : i32
        %dma_start3A_178 = tpu.memref_slice %arg4[%arg0, %run_scoped3A_173, %dma_start3A_176, %dma_start3A_177] : memref<2x4x65x16xf32, #tpu.memory_space<hbm>> -> memref<1x1x65x16xf32, #tpu.memory_space<hbm>>
        %dma_start3A_179 = tpu.memref_squeeze %dma_start3A_178 : memref<1x1x65x16xf32, #tpu.memory_space<hbm>> -> memref<65x16xf32, #tpu.memory_space<hbm>>
        tpu.enqueue_dma source(%arg11 : memref<65x16xf32, #tpu.memory_space<vmem_shared>>) target(%dma_start3A_179 : memref<65x16xf32, #tpu.memory_space<hbm>>) target_semaphore(%run_scoped3A_175 : memref<!tpu.dma_semaphore, #tpu.memory_space<semaphore_mem>>)
        %dma_wait3A_180 = arith.constant 0 : i32
        %dma_wait3A_181 = arith.constant 0 : i32
        %dma_wait3A_182 = tpu.memref_slice %arg4[%arg0, %run_scoped3A_173, %dma_wait3A_180, %dma_wait3A_181] : memref<2x4x65x16xf32, #tpu.memory_space<hbm>> -> memref<1x1x65x16xf32, #tpu.memory_space<hbm>>
        %dma_wait3A_183 = tpu.memref_squeeze %dma_wait3A_182 : memref<1x1x65x16xf32, #tpu.memory_space<hbm>> -> memref<65x16xf32, #tpu.memory_space<hbm>>
        tpu.wait_dma2 semaphore(%run_scoped3A_175 : memref<!tpu.dma_semaphore, #tpu.memory_space<semaphore_mem>>) src(%arg11 : memref<65x16xf32, #tpu.memory_space<vmem_shared>>) dst(%dma_wait3A_183 : memref<65x16xf32, #tpu.memory_space<hbm>>)
        tpu.yield
      }) : () -> ()
      %run_scoped3A_174 = arith.constant 3 : i32
      "tpu.region"() ({
        %run_scoped3A_175 = tpu.sem_alloc : memref<!tpu.dma_semaphore, #tpu.memory_space<semaphore_mem>>
        %dma_start3A_176 = arith.constant 0 : i32
        %dma_start3A_177 = arith.constant 0 : i32
        %dma_start3A_178 = tpu.memref_slice %arg4[%arg0, %run_scoped3A_174, %dma_start3A_176, %dma_start3A_177] : memref<2x4x65x16xf32, #tpu.memory_space<hbm>> -> memref<1x1x65x16xf32, #tpu.memory_space<hbm>>
        %dma_start3A_179 = tpu.memref_squeeze %dma_start3A_178 : memref<1x1x65x16xf32, #tpu.memory_space<hbm>> -> memref<65x16xf32, #tpu.memory_space<hbm>>
        tpu.enqueue_dma source(%arg12 : memref<65x16xf32, #tpu.memory_space<vmem_shared>>) target(%dma_start3A_179 : memref<65x16xf32, #tpu.memory_space<hbm>>) target_semaphore(%run_scoped3A_175 : memref<!tpu.dma_semaphore, #tpu.memory_space<semaphore_mem>>)
        %dma_wait3A_180 = arith.constant 0 : i32
        %dma_wait3A_181 = arith.constant 0 : i32
        %dma_wait3A_182 = tpu.memref_slice %arg4[%arg0, %run_scoped3A_174, %dma_wait3A_180, %dma_wait3A_181] : memref<2x4x65x16xf32, #tpu.memory_space<hbm>> -> memref<1x1x65x16xf32, #tpu.memory_space<hbm>>
        %dma_wait3A_183 = tpu.memref_squeeze %dma_wait3A_182 : memref<1x1x65x16xf32, #tpu.memory_space<hbm>> -> memref<65x16xf32, #tpu.memory_space<hbm>>
        tpu.wait_dma2 semaphore(%run_scoped3A_175 : memref<!tpu.dma_semaphore, #tpu.memory_space<semaphore_mem>>) src(%arg12 : memref<65x16xf32, #tpu.memory_space<vmem_shared>>) dst(%dma_wait3A_183 : memref<65x16xf32, #tpu.memory_space<hbm>>)
        tpu.yield
      }) : () -> ()
    } else {
    }
    return
  }
}

module attributes {stable_mosaic.version = 14 : i64} {
  func.func @_mlp_body(%arg0: memref<64x16xf32, #tpu.memory_space<vmem>>, %arg1: memref<2x4x65x16xf32, #tpu.memory_space<vmem>>, %arg2: memref<2x65x128xf32, #tpu.memory_space<vmem>>, %arg3: memref<160x64xf32, #tpu.memory_space<vmem>>, %arg4: memref<64xf32, #tpu.memory_space<vmem>>, %arg5: memref<64x64xf32, #tpu.memory_space<vmem>>, %arg6: memref<64xf32, #tpu.memory_space<vmem>>, %arg7: memref<64x64xf32, #tpu.memory_space<vmem>>) attributes {dimension_semantics = [], scalar_prefetch = 0 : i64, scratch_operands = 0 : i64, tpu.core_type = #tpu.core_type<tc>} {
    %get3A = arith.constant 0 : index
    %get3A_0 = arith.constant 0 : index
    %get3A_1 = arith.constant 0 : index
    %get3A_2 = arith.constant 0 : index
    %get3A_3 = vector.load %arg1[%get3A, %get3A_0, %get3A_1, %get3A_2] : memref<2x4x65x16xf32, #tpu.memory_space<vmem>>, vector<2x4x65x16xf32>
    %slice3A = vector.extract_strided_slice %get3A_3 {offsets = [0, 0, 0, 0], sizes = [1, 1, 64, 16], strides = [1, 1, 1, 1]} : vector<2x4x65x16xf32> to vector<1x1x64x16xf32>
    %squeeze3A = vector.shape_cast %slice3A : vector<1x1x64x16xf32> to vector<64x16xf32>
    %slice3A_4 = vector.extract_strided_slice %get3A_3 {offsets = [0, 1, 0, 0], sizes = [1, 1, 64, 16], strides = [1, 1, 1, 1]} : vector<2x4x65x16xf32> to vector<1x1x64x16xf32>
    %squeeze3A_5 = vector.shape_cast %slice3A_4 : vector<1x1x64x16xf32> to vector<64x16xf32>
    %add3A = arith.addf %squeeze3A, %squeeze3A_5 : vector<64x16xf32>
    %slice3A_6 = vector.extract_strided_slice %get3A_3 {offsets = [0, 2, 0, 0], sizes = [1, 1, 64, 16], strides = [1, 1, 1, 1]} : vector<2x4x65x16xf32> to vector<1x1x64x16xf32>
    %squeeze3A_7 = vector.shape_cast %slice3A_6 : vector<1x1x64x16xf32> to vector<64x16xf32>
    %add3A_8 = arith.addf %add3A, %squeeze3A_7 : vector<64x16xf32>
    %slice3A_9 = vector.extract_strided_slice %get3A_3 {offsets = [0, 3, 0, 0], sizes = [1, 1, 64, 16], strides = [1, 1, 1, 1]} : vector<2x4x65x16xf32> to vector<1x1x64x16xf32>
    %squeeze3A_10 = vector.shape_cast %slice3A_9 : vector<1x1x64x16xf32> to vector<64x16xf32>
    %add3A_11 = arith.addf %add3A_8, %squeeze3A_10 : vector<64x16xf32>
    %slice3A_12 = vector.extract_strided_slice %get3A_3 {offsets = [1, 0, 0, 0], sizes = [1, 1, 64, 16], strides = [1, 1, 1, 1]} : vector<2x4x65x16xf32> to vector<1x1x64x16xf32>
    %squeeze3A_13 = vector.shape_cast %slice3A_12 : vector<1x1x64x16xf32> to vector<64x16xf32>
    %add3A_14 = arith.addf %add3A_11, %squeeze3A_13 : vector<64x16xf32>
    %slice3A_15 = vector.extract_strided_slice %get3A_3 {offsets = [1, 1, 0, 0], sizes = [1, 1, 64, 16], strides = [1, 1, 1, 1]} : vector<2x4x65x16xf32> to vector<1x1x64x16xf32>
    %squeeze3A_16 = vector.shape_cast %slice3A_15 : vector<1x1x64x16xf32> to vector<64x16xf32>
    %add3A_17 = arith.addf %add3A_14, %squeeze3A_16 : vector<64x16xf32>
    %slice3A_18 = vector.extract_strided_slice %get3A_3 {offsets = [1, 2, 0, 0], sizes = [1, 1, 64, 16], strides = [1, 1, 1, 1]} : vector<2x4x65x16xf32> to vector<1x1x64x16xf32>
    %squeeze3A_19 = vector.shape_cast %slice3A_18 : vector<1x1x64x16xf32> to vector<64x16xf32>
    %add3A_20 = arith.addf %add3A_17, %squeeze3A_19 : vector<64x16xf32>
    %slice3A_21 = vector.extract_strided_slice %get3A_3 {offsets = [1, 3, 0, 0], sizes = [1, 1, 64, 16], strides = [1, 1, 1, 1]} : vector<2x4x65x16xf32> to vector<1x1x64x16xf32>
    %squeeze3A_22 = vector.shape_cast %slice3A_21 : vector<1x1x64x16xf32> to vector<64x16xf32>
    %add3A_23 = arith.addf %add3A_20, %squeeze3A_22 : vector<64x16xf32>
    %get3A_24 = arith.constant 0 : index
    %get3A_25 = arith.constant 0 : index
    %get3A_26 = arith.constant 0 : index
    %get3A_27 = vector.load %arg2[%get3A_24, %get3A_25, %get3A_26] : memref<2x65x128xf32, #tpu.memory_space<vmem>>, vector<1x64x128xf32>
    %get3A_28 = vector.shape_cast %get3A_27 : vector<1x64x128xf32> to vector<64x128xf32>
    %get3A_29 = arith.constant 1 : index
    %get3A_30 = arith.constant 0 : index
    %get3A_31 = arith.constant 0 : index
    %get3A_32 = vector.load %arg2[%get3A_29, %get3A_30, %get3A_31] : memref<2x65x128xf32, #tpu.memory_space<vmem>>, vector<1x64x128xf32>
    %get3A_33 = vector.shape_cast %get3A_32 : vector<1x64x128xf32> to vector<64x128xf32>
    %add3A_34 = arith.addf %get3A_28, %get3A_33 : vector<64x128xf32>
    %get3A_35 = arith.constant 0 : index
    %get3A_36 = arith.constant 0 : index
    %get3A_37 = vector.load %arg3[%get3A_35, %get3A_36] : memref<160x64xf32, #tpu.memory_space<vmem>>, vector<160x64xf32>
    %get3A_38 = arith.constant 0 : index
    %get3A_39 = arith.constant 0 : index
    %get3A_40 = vector.load %arg0[%get3A_38, %get3A_39] : memref<64x16xf32, #tpu.memory_space<vmem>>, vector<64x16xf32>
    %slice3A_41 = vector.extract_strided_slice %get3A_37 {offsets = [0, 0], sizes = [16, 64], strides = [1, 1]} : vector<160x64xf32> to vector<16x64xf32>
    %dot_general3A = arith.constant dense<0.000000e+00> : vector<64x64xf32>
    %dot_general3A_42 = tpu.matmul %get3A_40, %slice3A_41, %dot_general3A {dimension_numbers = #tpu.dot_dimension_numbers<[1], [0], [0], [1], [0, 0, 1, 1], [], []>, precision = #tpu.contract_precision<fp32>, transpose_lhs_hint = false} : vector<64x16xf32>, vector<16x64xf32>, vector<64x64xf32> -> vector<64x64xf32>
    %slice3A_43 = vector.extract_strided_slice %get3A_37 {offsets = [16, 0], sizes = [16, 64], strides = [1, 1]} : vector<160x64xf32> to vector<16x64xf32>
    %dot_general3A_44 = arith.constant dense<0.000000e+00> : vector<64x64xf32>
    %dot_general3A_45 = tpu.matmul %add3A_23, %slice3A_43, %dot_general3A_44 {dimension_numbers = #tpu.dot_dimension_numbers<[1], [0], [0], [1], [0, 0, 1, 1], [], []>, precision = #tpu.contract_precision<fp32>, transpose_lhs_hint = false} : vector<64x16xf32>, vector<16x64xf32>, vector<64x64xf32> -> vector<64x64xf32>
    %add3A_46 = arith.addf %dot_general3A_42, %dot_general3A_45 : vector<64x64xf32>
    %slice3A_47 = vector.extract_strided_slice %get3A_37 {offsets = [32, 0], sizes = [128, 64], strides = [1, 1]} : vector<160x64xf32> to vector<128x64xf32>
    %dot_general3A_48 = arith.constant dense<0.000000e+00> : vector<64x64xf32>
    %dot_general3A_49 = tpu.matmul %add3A_34, %slice3A_47, %dot_general3A_48 {dimension_numbers = #tpu.dot_dimension_numbers<[1], [0], [0], [1], [0, 0, 1, 1], [], []>, precision = #tpu.contract_precision<fp32>, transpose_lhs_hint = false} : vector<64x128xf32>, vector<128x64xf32>, vector<64x64xf32> -> vector<64x64xf32>
    %add3A_50 = arith.addf %add3A_46, %dot_general3A_49 : vector<64x64xf32>
    %get3A_51 = arith.constant 0 : index
    %get3A_52 = vector.load %arg4[%get3A_51] : memref<64xf32, #tpu.memory_space<vmem>>, vector<64xf32>
    %broadcast_in_dim3A = vector.shape_cast %get3A_52 : vector<64xf32> to vector<1x64xf32>
    %add3A_53 = vector.broadcast %broadcast_in_dim3A : vector<1x64xf32> to vector<64x64xf32>
    %add3A_54 = arith.addf %add3A_50, %add3A_53 : vector<64x64xf32>
    %logistic3A = arith.negf %add3A_54 : vector<64x64xf32>
    %logistic3A_55 = math.exp %logistic3A : vector<64x64xf32>
    %logistic3A_56 = arith.constant 1.000000e+00 : f32
    %logistic3A_57 = vector.broadcast %logistic3A_56 : f32 to vector<64x64xf32>
    %logistic3A_58 = arith.addf %logistic3A_57, %logistic3A_55 : vector<64x64xf32>
    %logistic3A_59 = arith.divf %logistic3A_57, %logistic3A_58 : vector<64x64xf32>
    %mul3A = arith.mulf %add3A_54, %logistic3A_59 : vector<64x64xf32>
    %get3A_60 = arith.constant 0 : index
    %get3A_61 = arith.constant 0 : index
    %get3A_62 = vector.load %arg5[%get3A_60, %get3A_61] : memref<64x64xf32, #tpu.memory_space<vmem>>, vector<64x64xf32>
    %dot_general3A_63 = arith.constant dense<0.000000e+00> : vector<64x64xf32>
    %dot_general3A_64 = tpu.matmul %mul3A, %get3A_62, %dot_general3A_63 {dimension_numbers = #tpu.dot_dimension_numbers<[1], [0], [0], [1], [0, 0, 1, 1], [], []>, precision = #tpu.contract_precision<fp32>, transpose_lhs_hint = false} : vector<64x64xf32>, vector<64x64xf32>, vector<64x64xf32> -> vector<64x64xf32>
    %get3A_65 = arith.constant 0 : index
    %get3A_66 = vector.load %arg6[%get3A_65] : memref<64xf32, #tpu.memory_space<vmem>>, vector<64xf32>
    %broadcast_in_dim3A_67 = vector.shape_cast %get3A_66 : vector<64xf32> to vector<1x64xf32>
    %add3A_68 = vector.broadcast %broadcast_in_dim3A_67 : vector<1x64xf32> to vector<64x64xf32>
    %add3A_69 = arith.addf %dot_general3A_64, %add3A_68 : vector<64x64xf32>
    %logistic3A_70 = arith.negf %add3A_69 : vector<64x64xf32>
    %logistic3A_71 = math.exp %logistic3A_70 : vector<64x64xf32>
    %logistic3A_72 = arith.constant 1.000000e+00 : f32
    %logistic3A_73 = vector.broadcast %logistic3A_72 : f32 to vector<64x64xf32>
    %logistic3A_74 = arith.addf %logistic3A_73, %logistic3A_71 : vector<64x64xf32>
    %logistic3A_75 = arith.divf %logistic3A_73, %logistic3A_74 : vector<64x64xf32>
    %mul3A_76 = arith.mulf %add3A_69, %logistic3A_75 : vector<64x64xf32>
    %swap3A = arith.constant 0 : index
    %swap3A_77 = arith.constant 0 : index
    %swap3A_78 = vector.load %arg7[%swap3A, %swap3A_77] : memref<64x64xf32, #tpu.memory_space<vmem>>, vector<64x64xf32>
    tpu.vector_store %arg7[%swap3A, %swap3A_77], %mul3A_76 {strides = array<i32>} : memref<64x64xf32, #tpu.memory_space<vmem>>, vector<64x64xf32>,
    return
  }
}

</mosaic_0001>

<sc_bundles>
// kernel: kernel.5.cloned.1.call-start
scs
__scs_entry_jumppad:
0x0: {  	(pc) =	sbr.rel $0x88, $3  }
0x1: {  	(tag) =	ssettag $0x0;
	lr =	simm.s32 $0x1  }
0x2: {  	[smem:$0x3F98] =	sst lr;
	_ =	strace $0xD0000000  }
0x3: {  	_ = 	snop  }
0x4: {  	_ = 	snop  }
0x5: {  	_ = 	snop  }
0x6: {  	_ = 	snop  }
0x7: {  	_ = 	snop  }
__scs_overlays_trampoline_lowered:
0x8: {  	[smem:$0x3FA7] =	sst s0  }
0x9: {  	[smem:$0x3FA8] =	sst s1  }
0xa: {  	[smem:$0x3FA9] =	sst s2  }
0xb: {  	[smem:$0x3FAA] =	sst s3  }
0xc: {  	[smem:$0x3FAB] =	sst s4  }
0xd: {  	[smem:$0x3FAC] =	sst s5  }
0xe: {  	[smem:$0x3FAD] =	sst s6  }
0xf: {  	[smem:$0x3FAE] =	sst s7  }
0x10: {  	[smem:$0x3FAF] =	sst s8  }
0x11: {  	[smem:$0x3FB0] =	sst s9;
	s0 =	simm.s32 @!p0 $0x0  }
0x12: {  	s1 =	sld [smem:$0x3F96];
	s0 =	simm.s32 @p0 $0x1  }
0x13: {  	[smem:$0x3FB1] =	sst s0;
	s0 =	simm.s32 @!p1 $0x0  }
0x14: {  	s2 =	sld [smem:$0x3F95];
	s0 =	simm.s32 @p1 $0x1  }
0x15: {  	[smem:$0x3FB2] =	sst s0;
	s0 =	simm.s32 @!p2 $0x0  }
0x16: {  	s3 =	sld [smem:$0x3FDB];
	s0 =	simm.s32 @p2 $0x1  }
0x17: {  	s4 =	simm.s32 $0x1BF5;
	[smem:$0x3FB4] =	sst s0  }
0x18: {  	s0 =	sld [smem:$0x3F97];
	_ =	swait.ge [sflag:s4], $0x0  }
0x19: {  	s7 =	sld [smem:$0x3F98]  }
0x1a: {  	s8 =	sadd.s32 $0xFFFFE003, lr  }
0x1b: {  	s9 =	sadd.s32 $0xFFFFFEF7, lr;
	s5 =	simm.s32 $0xFFFFFFFF;
	p2 =	slt.u32 s8, $0xFFFFF086  }
0x1c: {  	p1 =	slt.u32 s9, $0xF7A;
	s5 =	simm.s32 @!p2 $0x0  }
0x1d: {  	s5 =	simm.s32 @p1 $0x1;
	p0 =	seq.s32 s7, s2  }
0x1e: {  	s7 =	smul.u32 @!p0 $0xF7A, s2;
	p2 =	seq.s32 @!p0 s5, $0x0  }
0x1f: {  	s9 =	smul.u32 $0xF7A, s1;
	s8 =	simm.s32 @!p0 $0x1BF5;
	p2 =	por !p2, p0  }
0x20: {  	[sflag:s8] =	ssyncset.s32 @!p0 $0xFFFFF086;
	s6 =	sadd.s32 @!p0 s3, s7;
	s7 =	simm.s32 @!p0 $0x108  }
0x21: {  	s3 =	sadd.s32 s3, s9;
	s6 =	sadd.s32 @!p0 $0x88, s6;
	s7 =	simm.s32 @p2 $0x1082  }
0x22: {  	[simem:s7], [sflag:s8] =	dma.local @!p0 [hbm:s6], $0xF7A  }
0x23: {  	s9 =	sor.u32 $0xD0000000, s2;
	s6 =	simm.s32 $0x108;
	_ =	swait.ge @!p0 [sflag:s8], $0x0  }
0x24: {  	s3 =	sadd.s32 $0x88, s3;
	s6 =	simm.s32 @!p1 $0x1082;
	[sflag:s4] =	ssyncset.s32 $0xFFFFF086  }
0x25: {  	[simem:s6], [sflag:s4] =	dma.local [hbm:s3], $0xF7A  }
0x26: {  	[smem:$0x3F98] =	sst s1;
	(tag) =	ssettag s2;
	_ =	strace s9  }
0x27: {  	s1 =	sld [smem:$0x3FA8]  }
0x28: {  	s2 =	sld [smem:$0x3FA9]  }
0x29: {  	s4 =	sld [smem:$0x3FAB]  }
0x2a: {  	p0 =	seq.s32 s5, $0x0;
	s5 =	sld [smem:$0x3FAC]  }
0x2b: {  	s6 =	sld [smem:$0x3FAD]  }
0x2c: {  	s7 =	sld [smem:$0x3FAE]  }
0x2d: {  	s3 =	simm.s32 $0x108;
	s8 =	sld [smem:$0x3FAF]  }
0x2e: {  	s3 =	simm.s32 @!p0 $0x1082;
	s9 =	sld [smem:$0x3FB0]  }
0x2f: {  	lr =	sadd.s32 s0, s3;
	s0 =	sld [smem:$0x3FA7]  }
0x30: {  	s3 =	sld [smem:$0x3FAA]  }
0x31: {  	[smem:$0x3FB3] =	sst s10  }
0x32: {  	s10 =	sld [smem:$0x3FB1];
	_ =	sdelay $0x3  }
0x33: {  	p0 =	seq.s32 s10, $0x1;
	s10 =	sld [smem:$0x3FB3];
	_ =	sdelay $0x3  }
0x34: {  	[smem:$0x3FB3] =	sst s10  }
0x35: {  	s10 =	sld [smem:$0x3FB2];
	_ =	sdelay $0x3  }
0x36: {  	p1 =	seq.s32 s10, $0x1;
	s10 =	sld [smem:$0x3FB3];
	_ =	sdelay $0x3  }
0x37: {  	[smem:$0x3FB3] =	sst s10  }
0x38: {  	s10 =	sld [smem:$0x3FB4]  }
0x39: {  	_ = 	snop;
	(pc) =	sbr.ind lr, $3  }
0x3a: {  	_ = 	snop  }
0x3b: {  	_ = 	snop  }
0x3c: {  	p2 =	seq.s32 s10, $0x1;
	s10 =	sld [smem:$0x3FB3]  }
0x3d: {  	_ =	shalt  }
0x3e: {  	_ =	shalt  }
0x3f: {  	_ =	shalt  }
0x40: {  	_ =	shalt  }
0x41: {  	_ =	shalt  }
0x42: {  	_ =	shalt  }
0x43: {  	_ =	shalt  }
0x44: {  	_ =	shalt  }
0x45: {  	_ =	shalt  }
0x46: {  	_ =	shalt  }
0x47: {  	_ =	shalt  }
0x48: {  	_ =	shalt  }
0x49: {  	_ =	shalt  }
0x4a: {  	_ =	shalt  }
0x4b: {  	_ =	shalt  }
0x4c: {  	_ =	shalt  }
0x4d: {  	_ =	shalt  }
0x4e: {  	_ =	shalt  }
0x4f: {  	_ =	shalt  }
0x50: {  	_ =	shalt  }
0x51: {  	_ =	shalt  }
0x52: {  	_ =	shalt  }
0x53: {  	_ =	shalt  }
0x54: {  	_ =	shalt  }
0x55: {  	_ =	shalt  }
0x56: {  	_ =	shalt  }
0x57: {  	_ =	shalt  }
0x58: {  	_ =	shalt  }
0x59: {  	_ =	shalt  }
0x5a: {  	_ =	shalt  }
0x5b: {  	_ =	shalt  }
0x5c: {  	_ =	shalt  }
0x5d: {  	_ =	shalt  }
0x5e: {  	_ =	shalt  }
0x5f: {  	_ =	shalt  }
0x60: {  	_ =	shalt  }
0x61: {  	_ =	shalt  }
0x62: {  	_ =	shalt  }
0x63: {  	_ =	shalt  }
0x64: {  	_ =	shalt  }
0x65: {  	_ =	shalt  }
0x66: {  	_ =	shalt  }
0x67: {  	_ =	shalt  }
0x68: {  	_ =	shalt  }
0x69: {  	_ =	shalt  }
0x6a: {  	_ =	shalt  }
0x6b: {  	_ =	shalt  }
0x6c: {  	_ =	shalt  }
0x6d: {  	_ =	shalt  }
0x6e: {  	_ =	shalt  }
0x6f: {  	_ =	shalt  }
0x70: {  	_ =	shalt  }
0x71: {  	_ =	shalt  }
0x72: {  	_ =	shalt  }
0x73: {  	_ =	shalt  }
0x74: {  	_ =	shalt  }
0x75: {  	_ =	shalt  }
0x76: {  	_ =	shalt  }
0x77: {  	_ =	shalt  }
0x78: {  	_ =	shalt  }
0x79: {  	_ =	shalt  }
0x7a: {  	_ =	shalt  }
0x7b: {  	_ =	shalt  }
0x7c: {  	_ =	shalt  }
0x7d: {  	_ =	shalt  }
0x7e: {  	_ =	shalt  }
0x7f: {  	_ =	shalt  }
0x80: {  	_ =	shalt  }
0x81: {  	_ =	shalt  }
0x82: {  	_ =	shalt  }
0x83: {  	_ =	shalt  }
0x84: {  	_ =	shalt  }
0x85: {  	_ =	shalt  }
0x86: {  	_ =	shalt  }
0x87: {  	_ =	shalt  }
.Lfunc_end0:
.L_simem_size_0:
called_computation_lowered:
.L_overlay_start_0:
0x88: {  	s2 =	sld [smem:$0x3FD9]  }
0x89: {  	s3 =	sld [smem:$0x3FFE];
	_ =	sdelay $0x1  }
0x8a: {  	s1 =	srdreg.scid  }
0x8b: {  	s0 =	sand.u32 $0x1, s1  }
0x8c: {  	s17 =	sshll.u32 s0, $0xA;
	s2 =	sadd.s32 s3, s2  }
0x8d: {  	s2 =	sadd.s32 s2, s17  }
0x8e: {  	[smem:$0x3FBF] =	sst s2  }
0x8f: {  	_ = 	snop  }
0x90: {  	s2 =	sld [smem:$0x3FC9]  }
0x91: {  	s18 =	sld [smem:$0x3FC5];
	(tm) =	ssettm $0x1  }
0x92: {  	s4 =	sld [smem:$0x3FFB];
	_ =	sdelay $0x3  }
0x93: {  	_ =	strace s4  }
0x94: {  	s4 =	sld [smem:$0x3FFC];
	_ =	sdelay $0x3  }
0x95: {  	_ =	strace s4  }
0x96: {  	s4 =	sld [smem:$0x3FFD];
	_ =	sdelay $0x3  }
0x97: {  	_ =	strace s4  }
0x98: {  	_ =	strace $0x8FFFFFFF  }
0x99: {  	s19 =	sld [smem:$0x3FDB];
	_ =	sdelay $0x1  }
0x9a: {  	s5 =	simm.s32 $_scs_section_size  }
0x9b: {  	s6 =	simm.s32 $_size__tile_overlayer_lowered;
	s7 =	simm.s32 $_tile_overlayer_lowered  }
0x9c: {  	s22 =	simm.s32 $0x1BFF;
	s21 =	sshll.u32 s7, $0x1;
	s4 =	sadd.s32 s5, s19  }
0x9d: {  	s8 =	simm.s32 $0x0;
	s20 =	sshll.u32 s6, $0x1;
	s6 =	sadd.s32 s21, s4  }
0x9e: {  	[timem:s8], [sflag:s22] =	dma.local [hbm:s6], s20  }
0x9f: {  	_ =	swait.ge [sflag:s22], s20  }
0xa0: {  	s5 =	ssub.s32 $0x0, s20;
	[sflag:s22] =	ssyncset.done $0x0  }
0xa1: {  	[sflag:s22] =	ssyncadd.s32 s5;
	_ =	sdelay $0x1  }
0xa2: {  	s23 =	simm.s32 $0x1B8B  }
0xa3: {  	_ =	swait.ge [sflag:s23], $0x1  }
0xa4: {  	[sflag:s23] =	ssyncset.done $0x0  }
0xa5: {  	s25 =	simm.s32 $0x1B8E;
	s24 =	sld [smem:$0x3FFE];
	[sflag:s23] =	ssyncadd.s32 $0xFFFFFFFF  }
0xa6: {  	s26 =	simm.s32 $execute0_lowered;
	[smem:$0x3FD2] =	sst s25  }
0xa7: {  	s6 =	sshll.u32 s26, $0x1;
	_ =	strace $0x80000046;
	[dreg:$0x1] =	wrdreg $0xFFFFFFFF  }
0xa8: {  	s28 =	simm.s32 $_size_execute0_lowered;
	s4 =	sadd.s32 s4, s6;
	[dreg:$0x0] =	wrdreg $0x0  }
0xa9: {  	s6 =	sshll.u32 s28, $0x1;
	[dreg:$0x2] =	wrdreg s4  }
0xaa: {  	[dreg:$0x3] =	wrdreg s6  }
0xab: {  	[dreg:$0x4] =	wrdreg $0xC0  }
0xac: {  	_ =	task [dreg:s8], $0x5FFFF  }
0xad: {  	[dreg:$0x1] =	wrdreg $0xFFFFFFFF  }
0xae: {  	[dreg:$0x0] =	wrdreg $0x60  }
0xaf: {  	[dreg:$0x2] =	wrdreg s2  }
0xb0: {  	[dreg:$0x3] =	wrdreg s24  }
0xb1: {  	[dreg:$0x4] =	wrdreg s18  }
0xb2: {  	[dreg:$0x5] =	wrdreg $0xFEB00  }
0xb3: {  	[dreg:$0x6] =	wrdreg $0x9  }
0xb4: {  	_ =	task.clear_ibuf [dreg:s8], $0x7FFFF;
	_ =	strace $0x90000046  }
0xb5: {  	s29 =	simm.s32 $0x9;
	_ =	strace $0x80000048  }
0xb6: {  	_ =	swait.ge [sflag:s29], $0x1  }
0xb7: {  	[sflag:s29] =	ssyncadd.s32 $0xFFFFFFFF  }
0xb8: {  	_ =	strace $0x90000048  }
0xb9: {  	_ =	sfence  }
0xba: {  	s30 =	sld [smem:$0x0];
	_ =	sdelay $0x2  }
0xbb: {  	s31 =	sshll.u32 s1, $0xD;
	s1 =	sshrl.u32 s1, $0x2  }
0xbc: {  	s3 =	sand.u32 $0x4000, s31;
	s1 =	sadd.s32 s1, s30  }
0xbd: {  	s0 =	sor.u32 s3, s0;
	s1 =	sshll.u32 s1, $0x11  }
0xbe: {  	s0 =	sor.u32 s1, s0  }
0xbf: {  	s0 =	sadd.s32 $0x8F2B, s0  }
0xc0: {  	[sflag:s0] =	ssyncadd.remote.s32 $0x1  }
0xc1: {  	_ =	sfence.sel $0xFFFF  }
0xc2: {  	[dreg:$0x0] =	wrdreg $0xFFFFFFFF;
	(pc) =	sbr.abs _section_cstart, $3  }
0xc3: {  	[dreg:$0x1] =	wrdreg $0xFFFFFFFF  }
0xc4: {  	_ =	task.clear_ibuf [dreg:s8], $0x2FFFF;
	_ =	strace $0x9FFFFFFF  }
0xc5: {  	(tm) =	ssettm $0x7FFFFFFF  }
tec
execute0_lowered:
.L_overlay_start_1:
0x0: {  	(tag) =	ssettag $0x1  }
0x1: {  	s0 =	rddreg [dreg:$0x0]  }
0x2: {  	s1 =	srdreg.scid;
	s22 =	stileid.u32  }
0x3: {  	s4 =	rddreg [dreg:$0x1];
	s3 =	simm.s32 $0x0;
	s16 =	simm.s32 $0x4E20  }
0x4: {  	s18 =	simm.s32 $0x4E200;
	s28 =	simm.s32 $0x3;
	s29 =	simm.s32 $0x80  }
0x5: {  	s30 =	simm.s32 $0x0;
	s5 =	sand.u32 $0x1, s1;
	s1 =	rddreg [dreg:$0x2]  }
0x6: {  	s2 =	sshll.u32 s22, $0x1;
	[smem:$0x7FF] =	sst s3;
	s13 =	sadd.s32 $0x27000, s0  }
0x7: {  	p0 =	sne.s32 s22, $0x0;
	s25 =	sor.u32 s5, s2;
	s8 =	smul.u32 $0x410, s5  }
0x8: {  	p1 =	sgt.u32 s22, $0x6;
	s2 =	rddreg [dreg:$0x3];
	s6 =	smul.u32 $0x4E2, s25  }
0x9: {  	_ =	strace $0x80000047;
	s5 =	ssub.s32 $0x2, s5;
	s7 =	smul.u32 $0x4F0, s25  }
0xa: {  	s19 =	sshrl.u32 s5, $0x1;
	s10 =	sshll.u32 s25, $0x7;
	s20 =	sshll.u32 s25, $0xB  }
0xb: {  	s21 =	sshll.u32 s25, $0x4;
	p2 =	sne.s32 s25, $0x1F;
	s25 =	simm.s32 $0x7530  }
0xc: {  	s14 =	sadd.s32 s8, s4;
	s15 =	ssub.s32 s5, s19;
	s11 =	sor.u32 $0x1000, s10  }
0xd: {  	s5 =	sadd.s32 s0, s20;
	s24 =	sor.u32 $0x2000, s10;
	s19 =	simm.s32 $0x9CB0  }
0xe: {  	s20 =	simm.s32 $0xDCB0;
	s6 =	sadd.s32 s6, s4;
	s9 =	sadd.s32 s7, s4  }
0xf: {  	s23 =	sshrl.u32 s11, $0x3;
	s26 =	sshll.u32 s11, $0x4;
	s31 =	sshrl.u32 s24, $0x3  }
0x10: {  	s12 =	sshll.u32 s24, $0x4;
	s14 =	sadd.s32 $0x15400, s14;
	s15 =	smax.u32 s15, $0x1  }
0x11: {  	s24 =	simm.s32 $0x1;
	s4 =	sadd.s32 $0x1A00, s6;
	s6 =	sadd.s32 s1, s21  }
0x12: {  	s7 =	sadd.s32 s1, s23;
	s8 =	sadd.s32 $0x15E00, s9;
	s9 =	sadd.s32 s0, s26  }
0x13: {  	s10 =	sadd.s32 s1, s31;
	s11 =	sadd.s32 s0, s12;
	s12 =	sadd.s32 $0x4E0, s1  }
0x14: {  	v0 =	vimm.f32 $0.0e+00;
	v1 =	vimm.s32 $0x40;
	s21 =	simm.s32 $0xDD30;
	s23 =	simm.s32 $0x4;
	s26 =	simm.s32 $0x2  }
.LBB2_1:
0x15: {  	[tilespmem:s16], [sflag:$0x1] =	stream.linear.gather [hbm4b:s1+s3], $0x2710, $0x38;
	[tilespmem:$0x100B8] =	vst v63  }
0x16: {  	s0 =	simm.s32 $0x2710  }
0x17: {  	[tilespmem:s3], [sflag:$0x1] =	stream.strided.gather [hbm4b:s4+s0], $0x4E20, s18, s0, $0x38;
	[tilespmem:$0x100B8] =	vst v63  }
0x18: {  	_ = 	snop  }
0x19: {  	[tilespmem:s19], [sflag:$0x2] =	stream.linear.gather [hbm4b:s5+s3], $0x4000, $0x38;
	[tilespmem:$0x100B8] =	vst v63  }
.Ltmp0:
0x1a: {  	_ = 	snop;
	(pc) =	sbr.rel @p0 .LBB2_5-.Ltmp0, $4  }
0x1b: {  	_ = 	snop  }
0x1c: {  	[tilespmem:s20], [sflag:$0x3] =	stream.linear.gather [hbm4b:s6+s3], $0x80, $0x38;
	[tilespmem:$0x100B8] =	vst v63  }
0x1d: {  	_ = 	snop  }
0x1e: {  	[tilespmem:s21], [sflag:$0x3] =	stream.linear.gather [hbm4b:s7+s3], $0x80, $0x38;
	[tilespmem:$0x100B8] =	vst v63  }
0x1f: {  	s0 =	sshra.s32 s3, $0x2;
	s22 =	sadd.s32 $0x200, s3  }
.LBB2_3:
0x20: {  	p3 =	sne.s32 s22, $0x8000;
	[tilespmem:s0+$0xDEA0] =	vst v0  }
0x21: {  	[tilespmem:s0+$0xDE30] =	vst v0  }
0x22: {  	[tilespmem:s0+$0xDE40] =	vst v0  }
.Ltmp1:
0x23: {  	[tilespmem:s0+$0xDE50] =	vst v0;
	(pc) =	sbr.rel @p3 .LBB2_3-.Ltmp1, $4  }
0x24: {  	[tilespmem:s0+$0xDE60] =	vst v0  }
0x25: {  	[tilespmem:s0+$0xDE70] =	vst v0  }
0x26: {  	[tilespmem:s0+$0xDE80] =	vst v0  }
0x27: {  	[tilespmem:s0+$0xDE90] =	vst v0;
	s0 =	sshra.s32 s22, $0x2;
	s22 =	sadd.s32 $0x200, s22  }
0x28: {  	[tilespmem:s0+$0xDEA0] =	vst v0  }
0x29: {  	[tilespmem:s0+$0xDE30] =	vst v0  }
0x2a: {  	[tilespmem:s0+$0xDE40] =	vst v0  }
0x2b: {  	[tilespmem:s0+$0xDE50] =	vst v0  }
0x2c: {  	[tilespmem:s0+$0xDE60] =	vst v0  }
0x2d: {  	[tilespmem:s0+$0xDE70] =	vst v0  }
0x2e: {  	[tilespmem:s0+$0xDE80] =	vst v0  }
0x2f: {  	[tilespmem:s0+$0xDE90] =	vst v0;
	s31 =	simm.s32 $0xDE30  }
0x30: {  	[spmem:s2] =	stream.linear.scatter [tilespmem:s31], [sflag:$0x4], $0x2080, $0x38;
	[tilespmem:$0x100B8] =	vst v63  }
0x31: {  	_ =	swait.ge [sflag:s23], $0x2080  }
0x32: {  	[sflag:s23] =	ssyncset.done $0x0  }
0x33: {  	[sflag:s23] =	ssyncadd.s32 $0xFFFFDF80  }
.LBB2_5:
0x34: {  	[bflag:$0x0] =	sbarrier.arrive $0xFFFF  }
0x35: {  	_ =	swait.ge [sflag:s24], $0x2710  }
0x36: {  	[sflag:s24] =	ssyncset.done $0x0  }
0x37: {  	[sflag:s24] =	ssyncadd.s32 $0xFFFFD8F0  }
0x38: {  	_ =	swait.ge [sflag:s24], $0x4E20  }
0x39: {  	[sflag:s24] =	ssyncset.done $0x0  }
0x3a: {  	s31 =	simm.s32 $0x0;
	[sflag:s24] =	ssyncadd.s32 $0xFFFFB1E0  }
0x3b: {  	v2 =	vld [tilespmem:s31+$0x2710];
	_ =	sdelay $0x5  }
0x3c: {  	v3 =	vld [tilespmem:s31+$0x2720];
	_ =	sdelay $0x1  }
0x3d: {  	v2 =	vld.idx.msk [tilespmem:v2+s16+$0x0], $0xffff;
	_ =	sdelay $0x4  }
0x3e: {  	[tilespmem:s31+$0x7530] =	vst v2;
	v2 =	vld [tilespmem:s31+$0x2730]  }
0x3f: {  	v3 =	vld.idx.msk [tilespmem:v3+s16+$0x0], $0xffff;
	_ =	sdelay $0x4  }
0x40: {  	[tilespmem:s31+$0x7540] =	vst v3;
	v3 =	vld [tilespmem:s31+$0x2740];
	_ =	sdelay $0x1  }
0x41: {  	v2 =	vld.idx.msk [tilespmem:v2+s16+$0x0], $0xffff;
	_ =	sdelay $0x4  }
0x42: {  	[tilespmem:s31+$0x7550] =	vst v2;
	v2 =	vld [tilespmem:s31+$0x2750]  }
0x43: {  	v3 =	vld.idx.msk [tilespmem:v3+s16+$0x0], $0xffff;
	_ =	sdelay $0x4  }
0x44: {  	[tilespmem:s31+$0x7560] =	vst v3;
	v3 =	vld [tilespmem:s31+$0x2760];
	_ =	sdelay $0x1  }
0x45: {  	v2 =	vld.idx.msk [tilespmem:v2+s16+$0x0], $0xffff;
	_ =	sdelay $0x4  }
0x46: {  	v4 =	vld [tilespmem:s31+$0x2770];
	[tilespmem:s31+$0x7570] =	vst v2  }
0x47: {  	v2 =	vld.idx.msk [tilespmem:v3+s16+$0x0], $0xffff;
	_ =	sdelay $0x4  }
0x48: {  	[tilespmem:s31+$0x7580] =	vst v2;
	v2 =	vld [tilespmem:s31+$0x2780];
	_ =	sdelay $0x1  }
0x49: {  	v3 =	vld.idx.msk [tilespmem:v4+s16+$0x0], $0xffff;
	_ =	sdelay $0x3  }
0x4a: {  	s22 =	simm.s32 $0x80;
	s0 =	simm.s32 $0x400  }
.LBB2_6:
0x4b: {  	p3 =	sne.s32 s0, $0x9A00;
	v4 =	vld [tilespmem:s22+$0x2710];
	[tilespmem:s31+$0x7590] =	vst v3  }
0x4c: {  	v2 =	vld.idx.msk [tilespmem:v2+s16+$0x0], $0xffff;
	_ =	sdelay $0x5  }
0x4d: {  	v3 =	vld [tilespmem:s22+$0x2720];
	[tilespmem:s31+$0x75A0] =	vst v2;
	s31 =	smov.u32 s22  }
0x4e: {  	v2 =	vld.idx.msk [tilespmem:v4+s16+$0x0], $0xffff;
	_ =	sdelay $0x5  }
0x4f: {  	[tilespmem:s31+$0x7530] =	vst v2;
	v2 =	vld [tilespmem:s31+$0x2730]  }
0x50: {  	v3 =	vld.idx.msk [tilespmem:v3+s16+$0x0], $0xffff;
	_ =	sdelay $0x5  }
0x51: {  	[tilespmem:s31+$0x7540] =	vst v3;
	v3 =	vld [tilespmem:s31+$0x2740]  }
0x52: {  	v2 =	vld.idx.msk [tilespmem:v2+s16+$0x0], $0xffff;
	_ =	sdelay $0x5  }
0x53: {  	[tilespmem:s31+$0x7550] =	vst v2;
	v2 =	vld [tilespmem:s31+$0x2750]  }
0x54: {  	v3 =	vld.idx.msk [tilespmem:v3+s16+$0x0], $0xffff;
	_ =	sdelay $0x5  }
0x55: {  	[tilespmem:s31+$0x7560] =	vst v3;
	v3 =	vld [tilespmem:s31+$0x2760]  }
0x56: {  	v2 =	vld.idx.msk [tilespmem:v2+s16+$0x0], $0xffff;
	_ =	sdelay $0x5  }
0x57: {  	[tilespmem:s31+$0x7570] =	vst v2;
	v4 =	vld [tilespmem:s31+$0x2770]  }
0x58: {  	v2 =	vld.idx.msk [tilespmem:v3+s16+$0x0], $0xffff;
	_ =	sdelay $0x5  }
0x59: {  	[tilespmem:s31+$0x7580] =	vst v2;
	v2 =	vld [tilespmem:s31+$0x2780]  }
0x5a: {  	v3 =	vld.idx.msk [tilespmem:v4+s16+$0x0], $0xffff  }
.Ltmp2:
0x5b: {  	(pc) =	sbr.rel @p3 .LBB2_6-.Ltmp2, $2  }
0x5c: {  	_ =	sdelay $0x2  }
0x5d: {  	s22 =	sshra.s32 s0, $0x2;
	s0 =	sadd.s32 $0x200, s0  }
0x5e: {  	_ =	sdelay $0x1  }
0x5f: {  	v4 =	vld [tilespmem:s22+$0x2710]  }
0x60: {  	[tilespmem:s31+$0x7590] =	vst v3  }
0x61: {  	v2 =	vld.idx.msk [tilespmem:v2+s16+$0x0], $0xffff;
	_ =	sdelay $0x3  }
0x62: {  	v3 =	vld [tilespmem:s22+$0x2720]  }
0x63: {  	[tilespmem:s31+$0x75A0] =	vst v2  }
0x64: {  	v2 =	vld.idx.msk [tilespmem:v4+s16+$0x0], $0xffff;
	_ =	sdelay $0x4  }
0x65: {  	[tilespmem:s22+$0x7530] =	vst v2;
	v2 =	vld [tilespmem:s22+$0x2730]  }
0x66: {  	v3 =	vld.idx.msk [tilespmem:v3+s16+$0x0], $0xffff;
	_ =	sdelay $0x4  }
0x67: {  	[tilespmem:s22+$0x7540] =	vst v3;
	v3 =	vld [tilespmem:s22+$0x2740];
	_ =	sdelay $0x1  }
0x68: {  	v2 =	vld.idx.msk [tilespmem:v2+s16+$0x0], $0xffff;
	_ =	sdelay $0x4  }
0x69: {  	[tilespmem:s22+$0x7550] =	vst v2;
	v2 =	vld [tilespmem:s22+$0x2750]  }
0x6a: {  	v3 =	vld.idx.msk [tilespmem:v3+s16+$0x0], $0xffff;
	_ =	sdelay $0x4  }
0x6b: {  	[tilespmem:s22+$0x7560] =	vst v3;
	v3 =	vld [tilespmem:s22+$0x2760];
	_ =	sdelay $0x1  }
0x6c: {  	v2 =	vld.idx.msk [tilespmem:v2+s16+$0x0], $0xffff;
	_ =	sdelay $0x4  }
0x6d: {  	[tilespmem:s22+$0x7570] =	vst v2;
	v2 =	vld [tilespmem:s22+$0x2770]  }
0x6e: {  	v3 =	vld.idx.msk [tilespmem:v3+s16+$0x0], $0xffff;
	_ =	sdelay $0x4  }
0x6f: {  	[tilespmem:s22+$0x7580] =	vst v3;
	v3 =	vld [tilespmem:s22+$0x2780];
	_ =	sdelay $0x1  }
0x70: {  	v2 =	vld.idx.msk [tilespmem:v2+s16+$0x0], $0xffff;
	_ =	sdelay $0x4  }
0x71: {  	[tilespmem:s22+$0x7590] =	vst v2  }
0x72: {  	v2 =	vld.idx.msk [tilespmem:v3+s16+$0x0], $0xffff;
	_ =	sdelay $0x4  }
0x73: {  	[tilespmem:s22+$0x75A0] =	vst v2  }
0x74: {  	v2 =	vld [tilespmem:$0x4E10];
	_ =	sdelay $0x7  }
0x75: {  	v2 =	vld.idx.msk [tilespmem:v2+s16+$0x0], $0xffff;
	[tilespmem:$0x9C40] =	vst v1  }
0x76: {  	[tilespmem:$0x9C50] =	vst v1  }
0x77: {  	[tilespmem:$0x9C60] =	vst v1  }
0x78: {  	[tilespmem:$0x9C70] =	vst v1  }
0x79: {  	[tilespmem:$0x9C80] =	vst v1  }
0x7a: {  	[tilespmem:$0x9C90] =	vst v1  }
0x7b: {  	[tilespmem:$0x9CA0] =	vst v1  }
0x7c: {  	[tilespmem:$0x9C30] =	vst v2  }
0x7d: {  	[hbm4b:s8+s3] =	stream.linear.scatter [tilespmem:s25], [sflag:$0x4], $0x2780, $0x38;
	[tilespmem:$0x100B8] =	vst v63  }
0x7e: {  	_ =	swait.ge [sflag:s23], $0x2780  }
0x7f: {  	[sflag:s23] =	ssyncset.done $0x0  }
0x80: {  	[sflag:s23] =	ssyncadd.s32 $0xFFFFD880  }
0x81: {  	_ =	swait.ge [sflag:s26], $0x4000  }
0x82: {  	[sflag:s26] =	ssyncset.done $0x0  }
0x83: {  	[sflag:s26] =	ssyncadd.s32 $0xFFFFC000  }
0x84: {  	_ =	swait.ge [sflag:s28], $0x80  }
0x85: {  	[sflag:s28] =	ssyncset.done $0x0  }
0x86: {  	[sflag:s28] =	ssyncadd.s32 $0xFFFFFF80  }
0x87: {  	_ =	swait.ge [sflag:s28], $0x80  }
0x88: {  	[sflag:s28] =	ssyncset.done $0x0  }
0x89: {  	[sflag:s28] =	ssyncadd.s32 $0xFFFFFF80  }
0x8a: {  	[spmem:s2] =	stream.indirect.scatter.add.f32 [tilespmem:s19], [sflag:$0x4], $0x80, s20, s29, $0xb8;
	[tilespmem:$0x100B8] =	vst v63  }
0x8b: {  	_ =	swait.ge [sflag:s23], $0x4000  }
0x8c: {  	[sflag:s23] =	ssyncset.done $0x0  }
0x8d: {  	[sflag:s23] =	ssyncadd.s32 $0xFFFFC000  }
0x8e: {  	[tilespmem:s19], [sflag:$0x4] =	stream.linear.gather [hbm4b:s9+s3], $0x4000, $0x38;
	[tilespmem:$0x100B8] =	vst v63  }
0x8f: {  	_ =	swait.ge [sflag:s23], $0x4000  }
0x90: {  	[sflag:s23] =	ssyncset.done $0x0  }
0x91: {  	[sflag:s23] =	ssyncadd.s32 $0xFFFFC000  }
0x92: {  	[spmem:s2] =	stream.indirect.scatter.add.f32 [tilespmem:s19], [sflag:$0x4], $0x80, s21, s29, $0xb8;
	[tilespmem:$0x100B8] =	vst v63  }
0x93: {  	_ =	swait.ge [sflag:s23], $0x4000  }
0x94: {  	s0 =	simm.s32 @!p1 $0x0;
	[sflag:s23] =	ssyncset.done $0x0  }
0x95: {  	s31 =	simm.s32 @!p1 $0x4;
	s22 =	simm.s32 @!p1 $0xDDB0;
	[sflag:s23] =	ssyncadd.s32 $0xFFFFC000  }
0x96: {  	[tilespmem:s22], [sflag:$0x4] =	stream.linear.gather @!p1 [hbm4b:s10+s0], $0x80, $0x38;
	[tilespmem:$0x100B8] =	vst v63  }
0x97: {  	_ =	swait.ge @!p1 [sflag:s31], $0x80  }
0x98: {  	[sflag:s31] =	ssyncset.done @!p1 $0x0  }
0x99: {  	s17 =	simm.s32 @!p1 $0x9CB0;
	[sflag:s31] =	ssyncadd.s32 @!p1 $0xFFFFFF80  }
0x9a: {  	[tilespmem:s17], [sflag:$0x4] =	stream.linear.gather @!p1 [hbm4b:s11+s0], $0x4000, $0x38;
	[tilespmem:$0x100B8] =	vst v63  }
0x9b: {  	_ =	swait.ge @!p1 [sflag:s31], $0x4000  }
0x9c: {  	[sflag:s31] =	ssyncset.done @!p1 $0x0  }
0x9d: {  	s0 =	simm.s32 @!p1 $0x80;
	[sflag:s31] =	ssyncadd.s32 @!p1 $0xFFFFC000  }
0x9e: {  	[spmem:s2] =	stream.indirect.scatter.add.f32 @!p1 [tilespmem:s17], [sflag:$0x4], $0x80, s22, s0, $0xb8;
	[tilespmem:$0x100B8] =	vst v63  }
0x9f: {  	_ =	swait.ge @!p1 [sflag:s31], $0x4000  }
0xa0: {  	s0 =	simm.s32 @!p2 $0x0;
	[sflag:s31] =	ssyncset.done @!p1 $0x0  }
0xa1: {  	s17 =	simm.s32 @!p2 $0xDDB0;
	s22 =	simm.s32 @!p2 $0x4;
	[sflag:s31] =	ssyncadd.s32 @!p1 $0xFFFFC000  }
0xa2: {  	[tilespmem:s17], [sflag:$0x4] =	stream.linear.gather @!p2 [hbm4b:s12+s0], $0x10, $0x38;
	[tilespmem:$0x100B8] =	vst v63  }
0xa3: {  	_ =	swait.ge @!p2 [sflag:s22], $0x10  }
0xa4: {  	[sflag:s22] =	ssyncset.done @!p2 $0x0  }
0xa5: {  	v2 =	vimm.s32 @!p2 $0x40;
	[sflag:s22] =	ssyncadd.s32 @!p2 $0xFFFFFFF0  }
0xa6: {  	[tilespmem:$0xDDC0] =	vst @!p2 v2  }
0xa7: {  	[tilespmem:$0xDDD0] =	vst @!p2 v2  }
0xa8: {  	[tilespmem:$0xDDE0] =	vst @!p2 v2  }
0xa9: {  	[tilespmem:$0xDDF0] =	vst @!p2 v2  }
0xaa: {  	[tilespmem:$0xDE00] =	vst @!p2 v2  }
0xab: {  	[tilespmem:$0xDE10] =	vst @!p2 v2  }
0xac: {  	s31 =	simm.s32 @!p2 $0x9CB0;
	[tilespmem:$0xDE20] =	vst @!p2 v2  }
0xad: {  	[tilespmem:s31], [sflag:$0x4] =	stream.linear.gather @!p2 [hbm4b:s13+s0], $0x800, $0x38;
	[tilespmem:$0x100B8] =	vst v63  }
0xae: {  	_ =	swait.ge @!p2 [sflag:s22], $0x800  }
0xaf: {  	[sflag:s22] =	ssyncset.done @!p2 $0x0  }
0xb0: {  	s0 =	simm.s32 @!p2 $0x80;
	[sflag:s22] =	ssyncadd.s32 @!p2 $0xFFFFF800  }
0xb1: {  	[spmem:s2] =	stream.indirect.scatter.add.f32 @!p2 [tilespmem:s31], [sflag:$0x4], $0x80, s17, s0, $0xb8;
	[tilespmem:$0x100B8] =	vst v63  }
0xb2: {  	_ =	swait.ge @!p2 [sflag:s22], $0x4000  }
0xb3: {  	s30 =	sadd.s32 $0x1, s30;
	[sflag:s22] =	ssyncset.done @!p2 $0x0  }
0xb4: {  	p3 =	sne.s32 s30, s15;
	[sflag:s22] =	ssyncadd.s32 @!p2 $0xFFFFC000  }
0xb5: {  	s0 =	sshrl.u32 @!p0 s2, $0x3;
	s17 =	simm.s32 @!p0 $0x1C04;
	[bflag:$0x0] =	sbarrier.arrive $0xFFFF  }
0xb6: {  	[hbm:s14], [sflag:s17] =	dma.local @!p0 [spmem:s0], $0x410  }
.Ltmp3:
0xb7: {  	_ = 	snop;
	(pc) =	sbr.rel @p3 .LBB2_1-.Ltmp3, $4  }
0xb8: {  	s0 =	simm.s32 @!p0 $0x4  }
0xb9: {  	_ =	swait.ge @!p0 [sflag:s0], $0x410  }
0xba: {  	[sflag:s0] =	ssyncset.done @!p0 $0x0  }
0xbb: {  	[sflag:s0] =	ssyncadd.s32 @!p0 $0xFFFFFBF0  }
0xbc: {  	_ =	sfence.sel $0x180000  }
0xbd: {  	[bflag:$0x0] =	sbarrier.arrive $0xFFFF  }
0xbe: {  	_ =	strace $0x90000047  }
0xbf: {  	[bflag:$0x2] =	sbarrier.arrive $0xFFFF  }
0xc0: {  	s0 =	rddreg [dreg:$0x4]  }
0xc1: {  	s0 =	sadd.s32 @!p0 $0x100000, s0  }
0xc2: {  	[sflag:s0] =	ssyncadd.tile.s32 @!p0 $0x1;
	_ =	shalt  }
.Lfunc_end2:
_tile_overlayer_lowered:
.L_overlay_start_2:
0xc3: {  	(tag) =	ssettag $0x2  }
0xc4: {  	s0 =	rddreg [dreg:$0x0];
	s2 =	stileid.u32  }
0xc5: {  	s1 =	rddreg [dreg:$0x1];
	p0 =	sne.s32 s2, $0x0  }
0xc6: {  	s3 =	rddreg [dreg:$0x2];
	[bflag:$0x3] =	sbarrier.arrive $0xFFFF;
	s2 =	simm.s32 @!p0 $0x1C04  }
0xc7: {  	[timem:s3], [sflag:s2] =	dma.local @!p0 [hbm:s0], s1  }
0xc8: {  	s0 =	simm.s32 @!p0 $0x4  }
0xc9: {  	_ =	swait.ge @!p0 [sflag:s0], s1  }
0xca: {  	s1 =	ssub.s32 @!p0 $0x0, s1;
	[sflag:s0] =	ssyncset.done @!p0 $0x0  }
0xcb: {  	[sflag:s0] =	ssyncadd.s32 @!p0 s1  }
0xcc: {  	[bflag:$0x3] =	sbarrier.arrive $0xFFFF  }
0xcd: {  	_ =	shalt  }

// kernel: kernel.8.cloned.1.call-start
scs
__scs_entry_jumppad:
0x0: {  	(pc) =	sbr.rel $0x88, $3  }
0x1: {  	(tag) =	ssettag $0x0;
	lr =	simm.s32 $0x1  }
0x2: {  	[smem:$0x3F98] =	sst lr;
	_ =	strace $0xD0000000  }
0x3: {  	_ = 	snop  }
0x4: {  	_ = 	snop  }
0x5: {  	_ = 	snop  }
0x6: {  	_ = 	snop  }
0x7: {  	_ = 	snop  }
__scs_overlays_trampoline_lowered:
0x8: {  	[smem:$0x3FA7] =	sst s0  }
0x9: {  	[smem:$0x3FA8] =	sst s1  }
0xa: {  	[smem:$0x3FA9] =	sst s2  }
0xb: {  	[smem:$0x3FAA] =	sst s3  }
0xc: {  	[smem:$0x3FAB] =	sst s4  }
0xd: {  	[smem:$0x3FAC] =	sst s5  }
0xe: {  	[smem:$0x3FAD] =	sst s6  }
0xf: {  	[smem:$0x3FAE] =	sst s7  }
0x10: {  	[smem:$0x3FAF] =	sst s8  }
0x11: {  	[smem:$0x3FB0] =	sst s9;
	s0 =	simm.s32 @!p0 $0x0  }
0x12: {  	s1 =	sld [smem:$0x3F96];
	s0 =	simm.s32 @p0 $0x1  }
0x13: {  	[smem:$0x3FB1] =	sst s0;
	s0 =	simm.s32 @!p1 $0x0  }
0x14: {  	s2 =	sld [smem:$0x3F95];
	s0 =	simm.s32 @p1 $0x1  }
0x15: {  	[smem:$0x3FB2] =	sst s0;
	s0 =	simm.s32 @!p2 $0x0  }
0x16: {  	s3 =	sld [smem:$0x3FDB];
	s0 =	simm.s32 @p2 $0x1  }
0x17: {  	s4 =	simm.s32 $0x1BF5;
	[smem:$0x3FB4] =	sst s0  }
0x18: {  	s0 =	sld [smem:$0x3F97];
	_ =	swait.ge [sflag:s4], $0x0  }
0x19: {  	s7 =	sld [smem:$0x3F98]  }
0x1a: {  	s8 =	sadd.s32 $0xFFFFE003, lr  }
0x1b: {  	s9 =	sadd.s32 $0xFFFFFEF7, lr;
	s5 =	simm.s32 $0xFFFFFFFF;
	p2 =	slt.u32 s8, $0xFFFFF086  }
0x1c: {  	p1 =	slt.u32 s9, $0xF7A;
	s5 =	simm.s32 @!p2 $0x0  }
0x1d: {  	s5 =	simm.s32 @p1 $0x1;
	p0 =	seq.s32 s7, s2  }
0x1e: {  	s7 =	smul.u32 @!p0 $0xF7A, s2;
	p2 =	seq.s32 @!p0 s5, $0x0  }
0x1f: {  	s9 =	smul.u32 $0xF7A, s1;
	s8 =	simm.s32 @!p0 $0x1BF5;
	p2 =	por !p2, p0  }
0x20: {  	[sflag:s8] =	ssyncset.s32 @!p0 $0xFFFFF086;
	s6 =	sadd.s32 @!p0 s3, s7;
	s7 =	simm.s32 @!p0 $0x108  }
0x21: {  	s3 =	sadd.s32 s3, s9;
	s6 =	sadd.s32 @!p0 $0x88, s6;
	s7 =	simm.s32 @p2 $0x1082  }
0x22: {  	[simem:s7], [sflag:s8] =	dma.local @!p0 [hbm:s6], $0xF7A  }
0x23: {  	s9 =	sor.u32 $0xD0000000, s2;
	s6 =	simm.s32 $0x108;
	_ =	swait.ge @!p0 [sflag:s8], $0x0  }
0x24: {  	s3 =	sadd.s32 $0x88, s3;
	s6 =	simm.s32 @!p1 $0x1082;
	[sflag:s4] =	ssyncset.s32 $0xFFFFF086  }
0x25: {  	[simem:s6], [sflag:s4] =	dma.local [hbm:s3], $0xF7A  }
0x26: {  	[smem:$0x3F98] =	sst s1;
	(tag) =	ssettag s2;
	_ =	strace s9  }
0x27: {  	s1 =	sld [smem:$0x3FA8]  }
0x28: {  	s2 =	sld [smem:$0x3FA9]  }
0x29: {  	s4 =	sld [smem:$0x3FAB]  }
0x2a: {  	p0 =	seq.s32 s5, $0x0;
	s5 =	sld [smem:$0x3FAC]  }
0x2b: {  	s6 =	sld [smem:$0x3FAD]  }
0x2c: {  	s7 =	sld [smem:$0x3FAE]  }
0x2d: {  	s3 =	simm.s32 $0x108;
	s8 =	sld [smem:$0x3FAF]  }
0x2e: {  	s3 =	simm.s32 @!p0 $0x1082;
	s9 =	sld [smem:$0x3FB0]  }
0x2f: {  	lr =	sadd.s32 s0, s3;
	s0 =	sld [smem:$0x3FA7]  }
0x30: {  	s3 =	sld [smem:$0x3FAA]  }
0x31: {  	[smem:$0x3FB3] =	sst s10  }
0x32: {  	s10 =	sld [smem:$0x3FB1];
	_ =	sdelay $0x3  }
0x33: {  	p0 =	seq.s32 s10, $0x1;
	s10 =	sld [smem:$0x3FB3];
	_ =	sdelay $0x3  }
0x34: {  	[smem:$0x3FB3] =	sst s10  }
0x35: {  	s10 =	sld [smem:$0x3FB2];
	_ =	sdelay $0x3  }
0x36: {  	p1 =	seq.s32 s10, $0x1;
	s10 =	sld [smem:$0x3FB3];
	_ =	sdelay $0x3  }
0x37: {  	[smem:$0x3FB3] =	sst s10  }
0x38: {  	s10 =	sld [smem:$0x3FB4]  }
0x39: {  	_ = 	snop;
	(pc) =	sbr.ind lr, $3  }
0x3a: {  	_ = 	snop  }
0x3b: {  	_ = 	snop  }
0x3c: {  	p2 =	seq.s32 s10, $0x1;
	s10 =	sld [smem:$0x3FB3]  }
0x3d: {  	_ =	shalt  }
0x3e: {  	_ =	shalt  }
0x3f: {  	_ =	shalt  }
0x40: {  	_ =	shalt  }
0x41: {  	_ =	shalt  }
0x42: {  	_ =	shalt  }
0x43: {  	_ =	shalt  }
0x44: {  	_ =	shalt  }
0x45: {  	_ =	shalt  }
0x46: {  	_ =	shalt  }
0x47: {  	_ =	shalt  }
0x48: {  	_ =	shalt  }
0x49: {  	_ =	shalt  }
0x4a: {  	_ =	shalt  }
0x4b: {  	_ =	shalt  }
0x4c: {  	_ =	shalt  }
0x4d: {  	_ =	shalt  }
0x4e: {  	_ =	shalt  }
0x4f: {  	_ =	shalt  }
0x50: {  	_ =	shalt  }
0x51: {  	_ =	shalt  }
0x52: {  	_ =	shalt  }
0x53: {  	_ =	shalt  }
0x54: {  	_ =	shalt  }
0x55: {  	_ =	shalt  }
0x56: {  	_ =	shalt  }
0x57: {  	_ =	shalt  }
0x58: {  	_ =	shalt  }
0x59: {  	_ =	shalt  }
0x5a: {  	_ =	shalt  }
0x5b: {  	_ =	shalt  }
0x5c: {  	_ =	shalt  }
0x5d: {  	_ =	shalt  }
0x5e: {  	_ =	shalt  }
0x5f: {  	_ =	shalt  }
0x60: {  	_ =	shalt  }
0x61: {  	_ =	shalt  }
0x62: {  	_ =	shalt  }
0x63: {  	_ =	shalt  }
0x64: {  	_ =	shalt  }
0x65: {  	_ =	shalt  }
0x66: {  	_ =	shalt  }
0x67: {  	_ =	shalt  }
0x68: {  	_ =	shalt  }
0x69: {  	_ =	shalt  }
0x6a: {  	_ =	shalt  }
0x6b: {  	_ =	shalt  }
0x6c: {  	_ =	shalt  }
0x6d: {  	_ =	shalt  }
0x6e: {  	_ =	shalt  }
0x6f: {  	_ =	shalt  }
0x70: {  	_ =	shalt  }
0x71: {  	_ =	shalt  }
0x72: {  	_ =	shalt  }
0x73: {  	_ =	shalt  }
0x74: {  	_ =	shalt  }
0x75: {  	_ =	shalt  }
0x76: {  	_ =	shalt  }
0x77: {  	_ =	shalt  }
0x78: {  	_ =	shalt  }
0x79: {  	_ =	shalt  }
0x7a: {  	_ =	shalt  }
0x7b: {  	_ =	shalt  }
0x7c: {  	_ =	shalt  }
0x7d: {  	_ =	shalt  }
0x7e: {  	_ =	shalt  }
0x7f: {  	_ =	shalt  }
0x80: {  	_ =	shalt  }
0x81: {  	_ =	shalt  }
0x82: {  	_ =	shalt  }
0x83: {  	_ =	shalt  }
0x84: {  	_ =	shalt  }
0x85: {  	_ =	shalt  }
0x86: {  	_ =	shalt  }
0x87: {  	_ =	shalt  }
.Lfunc_end0:
.L_simem_size_0:
called_computation.1_lowered:
.L_overlay_start_0:
0x88: {  	s2 =	sld [smem:$0x3FD9]  }
0x89: {  	s3 =	sld [smem:$0x3FFE];
	_ =	sdelay $0x1  }
0x8a: {  	s1 =	srdreg.scid  }
0x8b: {  	s0 =	sand.u32 $0x1, s1  }
0x8c: {  	s16 =	sshll.u32 s0, $0xA;
	s2 =	sadd.s32 s3, s2  }
0x8d: {  	s2 =	sadd.s32 s2, s16  }
0x8e: {  	[smem:$0x3FBF] =	sst s2  }
0x8f: {  	_ = 	snop  }
0x90: {  	(tm) =	ssettm $0x1  }
0x91: {  	s17 =	sld [smem:$0x3FFB];
	_ =	sdelay $0x3  }
0x92: {  	_ =	strace s17  }
0x93: {  	s2 =	sld [smem:$0x3FFC];
	_ =	sdelay $0x3  }
0x94: {  	_ =	strace s2  }
0x95: {  	s2 =	sld [smem:$0x3FFD];
	_ =	sdelay $0x3  }
0x96: {  	_ =	strace s2  }
0x97: {  	_ =	strace $0x8FFFFFFF  }
0x98: {  	s18 =	sld [smem:$0x3FDB];
	_ =	sdelay $0x1  }
0x99: {  	s19 =	simm.s32 $_scs_section_size  }
0x9a: {  	s4 =	simm.s32 $_size__tile_overlayer_lowered;
	s5 =	simm.s32 $_tile_overlayer_lowered  }
0x9b: {  	s22 =	simm.s32 $0x1BFF;
	s21 =	sshll.u32 s5, $0x1;
	s2 =	sadd.s32 s19, s18  }
0x9c: {  	s6 =	simm.s32 $0x0;
	s20 =	sshll.u32 s4, $0x1;
	s4 =	sadd.s32 s21, s2  }
0x9d: {  	[timem:s6], [sflag:s22] =	dma.local [hbm:s4], s20  }
0x9e: {  	_ =	swait.ge [sflag:s22], s20  }
0x9f: {  	s3 =	ssub.s32 $0x0, s20;
	[sflag:s22] =	ssyncset.done $0x0  }
0xa0: {  	[sflag:s22] =	ssyncadd.s32 s3;
	_ =	sdelay $0x1  }
0xa1: {  	s23 =	simm.s32 $0x1B8B  }
0xa2: {  	_ =	swait.ge [sflag:s23], $0x1  }
0xa3: {  	[sflag:s23] =	ssyncset.done $0x0  }
0xa4: {  	s25 =	simm.s32 $0x1B8E;
	s24 =	sld [smem:$0x3FFE];
	[sflag:s23] =	ssyncadd.s32 $0xFFFFFFFF  }
0xa5: {  	s26 =	simm.s32 $execute0_lowered;
	[smem:$0x3FD2] =	sst s25  }
0xa6: {  	s4 =	sshll.u32 s26, $0x1;
	_ =	strace $0x80000049;
	[dreg:$0x1] =	wrdreg $0xFFFFFFFF  }
0xa7: {  	s28 =	simm.s32 $_size_execute0_lowered;
	s2 =	sadd.s32 s2, s4;
	[dreg:$0x0] =	wrdreg $0x0  }
0xa8: {  	s4 =	sshll.u32 s28, $0x1;
	[dreg:$0x2] =	wrdreg s2  }
0xa9: {  	[dreg:$0x3] =	wrdreg s4  }
0xaa: {  	[dreg:$0x4] =	wrdreg $0xC0  }
0xab: {  	_ =	task [dreg:s6], $0x5FFFF  }
0xac: {  	[dreg:$0x1] =	wrdreg $0xFFFFFFFF  }
0xad: {  	[dreg:$0x0] =	wrdreg $0x60  }
0xae: {  	[dreg:$0x2] =	wrdreg s24  }
0xaf: {  	[dreg:$0x3] =	wrdreg $0x12B900  }
0xb0: {  	[dreg:$0x4] =	wrdreg $0x12BD80  }
0xb1: {  	[dreg:$0x5] =	wrdreg $0x12C200  }
0xb2: {  	[dreg:$0x6] =	wrdreg $0x12C680  }
0xb3: {  	[dreg:$0x7] =	wrdreg $0x9  }
0xb4: {  	_ =	task.clear_ibuf [dreg:s6], $0x8FFFF;
	_ =	strace $0x90000049  }
0xb5: {  	s29 =	simm.s32 $0x9;
	_ =	strace $0x8000004B  }
0xb6: {  	_ =	swait.ge [sflag:s29], $0x1  }
0xb7: {  	[sflag:s29] =	ssyncadd.s32 $0xFFFFFFFF  }
0xb8: {  	_ =	strace $0x9000004B  }
0xb9: {  	_ =	sfence  }
0xba: {  	s30 =	sld [smem:$0x0];
	_ =	sdelay $0x2  }
0xbb: {  	s31 =	sshll.u32 s1, $0xD;
	s1 =	sshrl.u32 s1, $0x2  }
0xbc: {  	s3 =	sand.u32 $0x4000, s31;
	s1 =	sadd.s32 s1, s30  }
0xbd: {  	s0 =	sor.u32 s3, s0;
	s1 =	sshll.u32 s1, $0x11  }
0xbe: {  	s0 =	sor.u32 s1, s0  }
0xbf: {  	s0 =	sadd.s32 $0x8F2B, s0  }
0xc0: {  	[sflag:s0] =	ssyncadd.remote.s32 $0x1  }
0xc1: {  	_ =	sfence.sel $0xFFFF  }
0xc2: {  	[dreg:$0x0] =	wrdreg $0xFFFFFFFF;
	(pc) =	sbr.abs _section_cstart, $3  }
0xc3: {  	[dreg:$0x1] =	wrdreg $0xFFFFFFFF  }
0xc4: {  	_ =	task.clear_ibuf [dreg:s6], $0x2FFFF;
	_ =	strace $0x9FFFFFFF  }
0xc5: {  	(tm) =	ssettm $0x7FFFFFFF  }
tec
execute0_lowered:
.L_overlay_start_1:
0x0: {  	(tag) =	ssettag $0x1  }
0x1: {  	s0 =	rddreg [dreg:$0x0]  }
0x2: {  	s1 =	rddreg [dreg:$0x1]  }
0x3: {  	s2 =	rddreg [dreg:$0x2]  }
0x4: {  	s3 =	rddreg [dreg:$0x3]  }
0x5: {  	s4 =	rddreg [dreg:$0x4]  }
0x6: {  	s5 =	srdreg.scid;
	s6 =	stileid.u32;
	s30 =	simm.s32 $0x0  }
0x7: {  	s17 =	simm.s32 $0x2780;
	s20 =	simm.s32 $0x4;
	s19 =	simm.s32 $0xFF80  }
0x8: {  	s28 =	simm.s32 $0x11780;
	s5 =	sand.u32 $0x1, s5;
	s8 =	sshll.u32 s6, $0x1  }
0x9: {  	s29 =	simm.s32 $0x11F80;
	s8 =	sor.u32 s5, s8;
	s7 =	smul.u32 $0x1040, s5  }
0xa: {  	s11 =	simm.s32 $0x8780;
	[smem:$0x7FF] =	sst s30;
	s9 =	smul.u32 $0x4F0, s8  }
0xb: {  	s10 =	sadd.s32 $0x501C00, s0;
	s5 =	ssub.s32 $0x2, s5;
	s12 =	smul.u32 $0x27100, s8  }
0xc: {  	p0 =	sne.s32 s6, $0x0;
	s13 =	sshrl.u32 s5, $0x1;
	s8 =	smul.u32 $0x4E20, s8  }
0xd: {  	_ =	strace $0x8000004A;
	s7 =	sshrl.u32 s7, $0x3;
	s5 =	ssub.s32 s5, s13  }
0xe: {  	s9 =	sadd.s32 s9, s0;
	s0 =	sadd.s32 s7, s0;
	s8 =	sadd.s32 s10, s8  }
0xf: {  	s21 =	sshrl.u32 s12, $0x3;
	s31 =	smax.u32 s5, $0x1;
	[dreg:$0x7] =	wrdreg s8  }
0x10: {  	s12 =	simm.s32 $0x0;
	s9 =	sadd.s32 $0x15E00, s9;
	[dreg:$0xf] =	wrdreg s31  }
0x11: {  	s22 =	sadd.s32 s10, s21;
	s24 =	sadd.s32 $0x1A00, s0;
	[dreg:$0x6] =	wrdreg s9  }
0x12: {  	s25 =	sadd.s32 $0x1A82, s0;
	s26 =	sadd.s32 $0x1B04, s0;
	[dreg:$0xb] =	wrdreg s24  }
0x13: {  	s0 =	sadd.s32 $0x1B86, s0;
	s18 =	sadd.s32 $0x1000, s22;
	[dreg:$0xc] =	wrdreg s25  }
0x14: {  	s10 =	sadd.s32 $0x2000, s22;
	s23 =	sadd.s32 $0x3000, s22;
	[dreg:$0xd] =	wrdreg s26  }
.Ltmp0:
0x15: {  	s9 =	sadd.s32 $0x4000, s22;
	[dreg:$0xe] =	wrdreg s0;
	(pc) =	sbr.rel .LBB2_1-.Ltmp0, $4  }
0x16: {  	s0 =	simm.s32 $0xA780;
	s24 =	simm.s32 $0xBF80;
	[dreg:$0x8] =	wrdreg s10  }
0x17: {  	s25 =	simm.s32 $0x10780;
	s26 =	simm.s32 $0x10F80;
	[dreg:$0x9] =	wrdreg s23  }
0x18: {  	s22 =	simm.s32 $0x4F80;
	[dreg:$0xa] =	wrdreg s9;
	s23 =	simm.s32 $0x80  }
0x19: {  	v0 =	vimm.f32 $0.0e+00;
	[dreg:$0x10] =	wrdreg s18;
	s9 =	simm.s32 $0x7780;
	s10 =	simm.s32 $0x7F80  }
.LBB2_5:
0x1a: {  	[bflag:$0x0] =	sbarrier.arrive $0xFFFF;
	s14 =	simm.s32 $0x1  }
0x1b: {  	_ =	swait.ge [sflag:s14], $0x2780  }
0x1c: {  	[sflag:s14] =	ssyncset.done $0x0  }
0x1d: {  	s5 =	simm.s32 $0x2;
	[sflag:s14] =	ssyncadd.s32 $0xFFFFD880  }
0x1e: {  	_ =	swait.ge [sflag:s5], $0x8000  }
0x1f: {  	[sflag:s5] =	ssyncset.done $0x0  }
0x20: {  	[sflag:s5] =	ssyncadd.s32 $0xFFFF8000  }
0x21: {  	[tilespmem:s0], [sflag:$0x3] =	stream.linear.gather [hbm4b:s18+s30], $0x8000, $0x38;
	[tilespmem:$0x12CB0] =	vst v63  }
0x22: {  	_ = 	snop  }
0x23: {  	[spmem:s1] =	stream.indirect.scatter.add.f32 [tilespmem:s17], [sflag:$0x4], $0x10, s30, s23, $0xb8;
	[tilespmem:$0x12CB0] =	vst v63  }
0x24: {  	_ =	swait.ge [sflag:s20], $0x800  }
0x25: {  	[sflag:s20] =	ssyncset.done $0x0  }
0x26: {  	s31 =	simm.s32 $0x2F80;
	[sflag:s20] =	ssyncadd.s32 $0xFFFFF800  }
0x27: {  	[spmem:s2] =	stream.indirect.scatter.add.f32 [tilespmem:s31], [sflag:$0x4], $0x10, s23, s23, $0xb8;
	[tilespmem:$0x12CB0] =	vst v63  }
0x28: {  	_ =	swait.ge [sflag:s20], $0x800  }
0x29: {  	[sflag:s20] =	ssyncset.done $0x0  }
0x2a: {  	s6 =	simm.s32 $0x100;
	s7 =	simm.s32 $0x3780;
	[sflag:s20] =	ssyncadd.s32 $0xFFFFF800  }
0x2b: {  	[spmem:s3] =	stream.indirect.scatter.add.f32 [tilespmem:s7], [sflag:$0x4], $0x10, s6, s23, $0xb8;
	[tilespmem:$0x12CB0] =	vst v63  }
0x2c: {  	_ =	swait.ge [sflag:s20], $0x800  }
0x2d: {  	[sflag:s20] =	ssyncset.done $0x0  }
0x2e: {  	s8 =	simm.s32 $0x180;
	s13 =	simm.s32 $0x3F80;
	[sflag:s20] =	ssyncadd.s32 $0xFFFFF800  }
0x2f: {  	[spmem:s4] =	stream.indirect.scatter.add.f32 [tilespmem:s13], [sflag:$0x4], $0x10, s8, s23, $0xb8;
	[tilespmem:$0x12CB0] =	vst v63  }
0x30: {  	_ =	swait.ge [sflag:s20], $0x800  }
0x31: {  	[sflag:s20] =	ssyncset.done $0x0  }
0x32: {  	s15 =	simm.s32 $0x200;
	s16 =	simm.s32 $0x4780;
	[sflag:s20] =	ssyncadd.s32 $0xFFFFF800  }
0x33: {  	[spmem:s1] =	stream.indirect.scatter.add.f32 [tilespmem:s16], [sflag:$0x4], $0x10, s15, s23, $0xb8;
	[tilespmem:$0x12CB0] =	vst v63  }
0x34: {  	_ =	swait.ge [sflag:s20], $0x800  }
0x35: {  	[sflag:s20] =	ssyncset.done $0x0  }
0x36: {  	s18 =	simm.s32 $0x4F80;
	s17 =	simm.s32 $0x280;
	[sflag:s20] =	ssyncadd.s32 $0xFFFFF800  }
0x37: {  	[spmem:s2] =	stream.indirect.scatter.add.f32 [tilespmem:s18], [sflag:$0x4], $0x10, s17, s23, $0xb8;
	[tilespmem:$0x12CB0] =	vst v63  }
0x38: {  	_ =	swait.ge [sflag:s20], $0x800  }
0x39: {  	[sflag:s20] =	ssyncset.done $0x0  }
0x3a: {  	s21 =	simm.s32 $0x300;
	s31 =	simm.s32 $0x5780;
	[sflag:s20] =	ssyncadd.s32 $0xFFFFF800  }
0x3b: {  	[spmem:s3] =	stream.indirect.scatter.add.f32 [tilespmem:s31], [sflag:$0x4], $0x10, s21, s23, $0xb8;
	[tilespmem:$0x12CB0] =	vst v63  }
0x3c: {  	_ =	swait.ge [sflag:s20], $0x800  }
0x3d: {  	[sflag:s20] =	ssyncset.done $0x0  }
0x3e: {  	s0 =	simm.s32 $0x380;
	s7 =	simm.s32 $0x5F80;
	[sflag:s20] =	ssyncadd.s32 $0xFFFFF800  }
0x3f: {  	[spmem:s4] =	stream.indirect.scatter.add.f32 [tilespmem:s7], [sflag:$0x4], $0x10, s0, s23, $0xb8;
	[tilespmem:$0x12CB0] =	vst v63  }
0x40: {  	_ =	swait.ge [sflag:s20], $0x800  }
0x41: {  	[sflag:s20] =	ssyncset.done $0x0  }
0x42: {  	s8 =	simm.s32 $0x400;
	s15 =	simm.s32 $0x6780;
	[sflag:s20] =	ssyncadd.s32 $0xFFFFF800  }
0x43: {  	[spmem:s1] =	stream.indirect.scatter.add.f32 [tilespmem:s15], [sflag:$0x4], $0x10, s8, s23, $0xb8;
	[tilespmem:$0x12CB0] =	vst v63  }
0x44: {  	_ =	swait.ge [sflag:s20], $0x800  }
0x45: {  	[sflag:s20] =	ssyncset.done $0x0  }
0x46: {  	s16 =	simm.s32 $0x480;
	s18 =	simm.s32 $0x6F80;
	[sflag:s20] =	ssyncadd.s32 $0xFFFFF800  }
0x47: {  	[spmem:s2] =	stream.indirect.scatter.add.f32 [tilespmem:s18], [sflag:$0x4], $0x10, s16, s23, $0xb8;
	[tilespmem:$0x12CB0] =	vst v63  }
0x48: {  	_ =	swait.ge [sflag:s20], $0x800  }
0x49: {  	[sflag:s20] =	ssyncset.done $0x0  }
0x4a: {  	s21 =	simm.s32 $0x500;
	s31 =	simm.s32 $0x7780;
	[sflag:s20] =	ssyncadd.s32 $0xFFFFF800  }
0x4b: {  	[spmem:s3] =	stream.indirect.scatter.add.f32 [tilespmem:s31], [sflag:$0x4], $0x10, s21, s23, $0xb8;
	[tilespmem:$0x12CB0] =	vst v63  }
0x4c: {  	_ =	swait.ge [sflag:s20], $0x800  }
0x4d: {  	[sflag:s20] =	ssyncset.done $0x0  }
0x4e: {  	s8 =	simm.s32 $0x580;
	s15 =	simm.s32 $0x7F80;
	[sflag:s20] =	ssyncadd.s32 $0xFFFFF800  }
0x4f: {  	[spmem:s4] =	stream.indirect.scatter.add.f32 [tilespmem:s15], [sflag:$0x4], $0x10, s8, s23, $0xb8;
	[tilespmem:$0x12CB0] =	vst v63  }
0x50: {  	_ =	swait.ge [sflag:s20], $0x800  }
0x51: {  	[sflag:s20] =	ssyncset.done $0x0  }
0x52: {  	s16 =	simm.s32 $0x600;
	s18 =	simm.s32 $0x8780;
	[sflag:s20] =	ssyncadd.s32 $0xFFFFF800  }
0x53: {  	[spmem:s1] =	stream.indirect.scatter.add.f32 [tilespmem:s18], [sflag:$0x4], $0x10, s16, s23, $0xb8;
	[tilespmem:$0x12CB0] =	vst v63  }
0x54: {  	_ =	swait.ge [sflag:s20], $0x800  }
0x55: {  	[sflag:s20] =	ssyncset.done $0x0  }
0x56: {  	s21 =	simm.s32 $0x680;
	s31 =	simm.s32 $0x8F80;
	[sflag:s20] =	ssyncadd.s32 $0xFFFFF800  }
0x57: {  	[spmem:s2] =	stream.indirect.scatter.add.f32 [tilespmem:s31], [sflag:$0x4], $0x10, s21, s23, $0xb8;
	[tilespmem:$0x12CB0] =	vst v63  }
0x58: {  	_ =	swait.ge [sflag:s20], $0x800  }
0x59: {  	[sflag:s20] =	ssyncset.done $0x0  }
0x5a: {  	s0 =	simm.s32 $0x700;
	s8 =	simm.s32 $0x9780;
	[sflag:s20] =	ssyncadd.s32 $0xFFFFF800  }
0x5b: {  	[spmem:s3] =	stream.indirect.scatter.add.f32 [tilespmem:s8], [sflag:$0x4], $0x10, s0, s23, $0xb8;
	[tilespmem:$0x12CB0] =	vst v63  }
0x5c: {  	_ =	swait.ge [sflag:s20], $0x800  }
0x5d: {  	[sflag:s20] =	ssyncset.done $0x0  }
0x5e: {  	s15 =	simm.s32 $0x780;
	s16 =	simm.s32 $0x9F80;
	[sflag:s20] =	ssyncadd.s32 $0xFFFFF800  }
0x5f: {  	[spmem:s4] =	stream.indirect.scatter.add.f32 [tilespmem:s16], [sflag:$0x4], $0x10, s15, s23, $0xb8;
	[tilespmem:$0x12CB0] =	vst v63  }
0x60: {  	_ =	swait.ge [sflag:s20], $0x800  }
0x61: {  	[sflag:s20] =	ssyncset.done $0x0  }
0x62: {  	s0 =	simm.s32 $0x3;
	[sflag:s20] =	ssyncadd.s32 $0xFFFFF800  }
0x63: {  	_ =	swait.ge [sflag:s0], $0x8000  }
0x64: {  	[sflag:s0] =	ssyncset.done $0x0  }
0x65: {  	s13 =	simm.s32 $0x2780;
	s18 =	rddreg [dreg:$0x8];
	[sflag:s0] =	ssyncadd.s32 $0xFFFF8000  }
0x66: {  	[tilespmem:s13], [sflag:$0x2] =	stream.linear.gather [hbm4b:s18+s30], $0x8000, $0x38;
	[tilespmem:$0x12CB0] =	vst v63  }
0x67: {  	s17 =	simm.s32 $0xA780;
	s21 =	simm.s32 $0x800  }
0x68: {  	[spmem:s1] =	stream.indirect.scatter.add.f32 [tilespmem:s17], [sflag:$0x4], $0x10, s21, s23, $0xb8;
	[tilespmem:$0x12CB0] =	vst v63  }
0x69: {  	_ =	swait.ge [sflag:s20], $0x800  }
0x6a: {  	[sflag:s20] =	ssyncset.done $0x0  }
0x6b: {  	s31 =	simm.s32 $0x880;
	s8 =	simm.s32 $0xAF80;
	[sflag:s20] =	ssyncadd.s32 $0xFFFFF800  }
0x6c: {  	[spmem:s2] =	stream.indirect.scatter.add.f32 [tilespmem:s8], [sflag:$0x4], $0x10, s31, s23, $0xb8;
	[tilespmem:$0x12CB0] =	vst v63  }
0x6d: {  	_ =	swait.ge [sflag:s20], $0x800  }
0x6e: {  	[sflag:s20] =	ssyncset.done $0x0  }
0x6f: {  	s15 =	simm.s32 $0x900;
	s21 =	simm.s32 $0xB780;
	[sflag:s20] =	ssyncadd.s32 $0xFFFFF800  }
0x70: {  	[spmem:s3] =	stream.indirect.scatter.add.f32 [tilespmem:s21], [sflag:$0x4], $0x10, s15, s23, $0xb8;
	[tilespmem:$0x12CB0] =	vst v63  }
0x71: {  	_ =	swait.ge [sflag:s20], $0x800  }
0x72: {  	[sflag:s20] =	ssyncset.done $0x0  }
0x73: {  	s16 =	simm.s32 $0x980;
	[sflag:s20] =	ssyncadd.s32 $0xFFFFF800  }
0x74: {  	[spmem:s4] =	stream.indirect.scatter.add.f32 [tilespmem:s24], [sflag:$0x4], $0x10, s16, s23, $0xb8;
	[tilespmem:$0x12CB0] =	vst v63  }
0x75: {  	_ =	swait.ge [sflag:s20], $0x800  }
0x76: {  	[sflag:s20] =	ssyncset.done $0x0  }
0x77: {  	s18 =	simm.s32 $0xA00;
	s31 =	simm.s32 $0xC780;
	[sflag:s20] =	ssyncadd.s32 $0xFFFFF800  }
0x78: {  	[spmem:s1] =	stream.indirect.scatter.add.f32 [tilespmem:s31], [sflag:$0x4], $0x10, s18, s23, $0xb8;
	[tilespmem:$0x12CB0] =	vst v63  }
0x79: {  	_ =	swait.ge [sflag:s20], $0x800  }
0x7a: {  	[sflag:s20] =	ssyncset.done $0x0  }
0x7b: {  	s15 =	simm.s32 $0xA80;
	s16 =	simm.s32 $0xCF80;
	[sflag:s20] =	ssyncadd.s32 $0xFFFFF800  }
0x7c: {  	[spmem:s2] =	stream.indirect.scatter.add.f32 [tilespmem:s16], [sflag:$0x4], $0x10, s15, s23, $0xb8;
	[tilespmem:$0x12CB0] =	vst v63  }
0x7d: {  	_ =	swait.ge [sflag:s20], $0x800  }
0x7e: {  	[sflag:s20] =	ssyncset.done $0x0  }
0x7f: {  	s18 =	simm.s32 $0xB00;
	s31 =	simm.s32 $0xD780;
	[sflag:s20] =	ssyncadd.s32 $0xFFFFF800  }
0x80: {  	[spmem:s3] =	stream.indirect.scatter.add.f32 [tilespmem:s31], [sflag:$0x4], $0x10, s18, s23, $0xb8;
	[tilespmem:$0x12CB0] =	vst v63  }
0x81: {  	_ =	swait.ge [sflag:s20], $0x800  }
0x82: {  	[sflag:s20] =	ssyncset.done $0x0  }
0x83: {  	s15 =	simm.s32 $0xB80;
	s16 =	simm.s32 $0xDF80;
	[sflag:s20] =	ssyncadd.s32 $0xFFFFF800  }
0x84: {  	[spmem:s4] =	stream.indirect.scatter.add.f32 [tilespmem:s16], [sflag:$0x4], $0x10, s15, s23, $0xb8;
	[tilespmem:$0x12CB0] =	vst v63  }
0x85: {  	_ =	swait.ge [sflag:s20], $0x800  }
0x86: {  	[sflag:s20] =	ssyncset.done $0x0  }
0x87: {  	s18 =	simm.s32 $0xC00;
	s31 =	simm.s32 $0xE780;
	[sflag:s20] =	ssyncadd.s32 $0xFFFFF800  }
0x88: {  	[spmem:s1] =	stream.indirect.scatter.add.f32 [tilespmem:s31], [sflag:$0x4], $0x10, s18, s23, $0xb8;
	[tilespmem:$0x12CB0] =	vst v63  }
0x89: {  	_ =	swait.ge [sflag:s20], $0x800  }
0x8a: {  	[sflag:s20] =	ssyncset.done $0x0  }
0x8b: {  	s8 =	simm.s32 $0xC80;
	s15 =	simm.s32 $0xEF80;
	[sflag:s20] =	ssyncadd.s32 $0xFFFFF800  }
0x8c: {  	[spmem:s2] =	stream.indirect.scatter.add.f32 [tilespmem:s15], [sflag:$0x4], $0x10, s8, s23, $0xb8;
	[tilespmem:$0x12CB0] =	vst v63  }
0x8d: {  	_ =	swait.ge [sflag:s20], $0x800  }
0x8e: {  	[sflag:s20] =	ssyncset.done $0x0  }
0x8f: {  	s16 =	simm.s32 $0xD00;
	s18 =	simm.s32 $0xF780;
	[sflag:s20] =	ssyncadd.s32 $0xFFFFF800  }
0x90: {  	[spmem:s3] =	stream.indirect.scatter.add.f32 [tilespmem:s18], [sflag:$0x4], $0x10, s16, s23, $0xb8;
	[tilespmem:$0x12CB0] =	vst v63  }
0x91: {  	_ =	swait.ge [sflag:s20], $0x800  }
0x92: {  	[sflag:s20] =	ssyncset.done $0x0  }
0x93: {  	s31 =	simm.s32 $0xD80;
	[sflag:s20] =	ssyncadd.s32 $0xFFFFF800  }
0x94: {  	[spmem:s4] =	stream.indirect.scatter.add.f32 [tilespmem:s19], [sflag:$0x4], $0x10, s31, s23, $0xb8;
	[tilespmem:$0x12CB0] =	vst v63  }
0x95: {  	_ =	swait.ge [sflag:s20], $0x800  }
0x96: {  	[sflag:s20] =	ssyncset.done $0x0  }
0x97: {  	s8 =	simm.s32 $0xE00;
	[sflag:s20] =	ssyncadd.s32 $0xFFFFF800  }
0x98: {  	[spmem:s1] =	stream.indirect.scatter.add.f32 [tilespmem:s25], [sflag:$0x4], $0x10, s8, s23, $0xb8;
	[tilespmem:$0x12CB0] =	vst v63  }
0x99: {  	_ =	swait.ge [sflag:s20], $0x800  }
0x9a: {  	[sflag:s20] =	ssyncset.done $0x0  }
0x9b: {  	s15 =	simm.s32 $0xE80;
	[sflag:s20] =	ssyncadd.s32 $0xFFFFF800  }
0x9c: {  	[spmem:s2] =	stream.indirect.scatter.add.f32 [tilespmem:s26], [sflag:$0x4], $0x10, s15, s23, $0xb8;
	[tilespmem:$0x12CB0] =	vst v63  }
0x9d: {  	_ =	swait.ge [sflag:s20], $0x800  }
0x9e: {  	[sflag:s20] =	ssyncset.done $0x0  }
0x9f: {  	s16 =	simm.s32 $0xF00;
	[sflag:s20] =	ssyncadd.s32 $0xFFFFF800  }
0xa0: {  	[spmem:s3] =	stream.indirect.scatter.add.f32 [tilespmem:s28], [sflag:$0x4], $0x10, s16, s23, $0xb8;
	[tilespmem:$0x12CB0] =	vst v63  }
0xa1: {  	_ =	swait.ge [sflag:s20], $0x800  }
0xa2: {  	[sflag:s20] =	ssyncset.done $0x0  }
0xa3: {  	s18 =	simm.s32 $0xF80;
	[sflag:s20] =	ssyncadd.s32 $0xFFFFF800  }
0xa4: {  	[spmem:s4] =	stream.indirect.scatter.add.f32 [tilespmem:s29], [sflag:$0x4], $0x10, s18, s23, $0xb8;
	[tilespmem:$0x12CB0] =	vst v63  }
0xa5: {  	_ =	swait.ge [sflag:s20], $0x800  }
0xa6: {  	[sflag:s20] =	ssyncset.done $0x0  }
0xa7: {  	[sflag:s20] =	ssyncadd.s32 $0xFFFFF800  }
0xa8: {  	_ =	swait.ge [sflag:s5], $0x8000  }
0xa9: {  	[sflag:s5] =	ssyncset.done $0x0  }
0xaa: {  	s31 =	rddreg [dreg:$0x9];
	[sflag:s5] =	ssyncadd.s32 $0xFFFF8000  }
0xab: {  	[tilespmem:s17], [sflag:$0x3] =	stream.linear.gather [hbm4b:s31+s30], $0x8000, $0x38;
	[tilespmem:$0x12CB0] =	vst v63  }
0xac: {  	s8 =	simm.s32 $0x1000  }
0xad: {  	[spmem:s1] =	stream.indirect.scatter.add.f32 [tilespmem:s13], [sflag:$0x4], $0x10, s8, s23, $0xb8;
	[tilespmem:$0x12CB0] =	vst v63  }
0xae: {  	_ =	swait.ge [sflag:s20], $0x800  }
0xaf: {  	[sflag:s20] =	ssyncset.done $0x0  }
0xb0: {  	s15 =	simm.s32 $0x1080;
	s31 =	simm.s32 $0x2F80;
	[sflag:s20] =	ssyncadd.s32 $0xFFFFF800  }
0xb1: {  	[spmem:s2] =	stream.indirect.scatter.add.f32 [tilespmem:s31], [sflag:$0x4], $0x10, s15, s23, $0xb8;
	[tilespmem:$0x12CB0] =	vst v63  }
0xb2: {  	_ =	swait.ge [sflag:s20], $0x800  }
0xb3: {  	[sflag:s20] =	ssyncset.done $0x0  }
0xb4: {  	s16 =	simm.s32 $0x1100;
	s31 =	simm.s32 $0x3780;
	[sflag:s20] =	ssyncadd.s32 $0xFFFFF800  }
0xb5: {  	[spmem:s3] =	stream.indirect.scatter.add.f32 [tilespmem:s31], [sflag:$0x4], $0x10, s16, s23, $0xb8;
	[tilespmem:$0x12CB0] =	vst v63  }
0xb6: {  	_ =	swait.ge [sflag:s20], $0x800  }
0xb7: {  	[sflag:s20] =	ssyncset.done $0x0  }
0xb8: {  	s6 =	simm.s32 $0x3F80;
	s18 =	simm.s32 $0x1180;
	[sflag:s20] =	ssyncadd.s32 $0xFFFFF800  }
0xb9: {  	[spmem:s4] =	stream.indirect.scatter.add.f32 [tilespmem:s6], [sflag:$0x4], $0x10, s18, s23, $0xb8;
	[tilespmem:$0x12CB0] =	vst v63  }
0xba: {  	_ =	swait.ge [sflag:s20], $0x800  }
0xbb: {  	[sflag:s20] =	ssyncset.done $0x0  }
0xbc: {  	s30 =	simm.s32 $0x4780;
	s8 =	simm.s32 $0x1200;
	[sflag:s20] =	ssyncadd.s32 $0xFFFFF800  }
0xbd: {  	[spmem:s1] =	stream.indirect.scatter.add.f32 [tilespmem:s30], [sflag:$0x4], $0x10, s8, s23, $0xb8;
	[tilespmem:$0x12CB0] =	vst v63  }
0xbe: {  	_ =	swait.ge [sflag:s20], $0x800  }
0xbf: {  	[sflag:s20] =	ssyncset.done $0x0  }
0xc0: {  	s15 =	simm.s32 $0x1280;
	[sflag:s20] =	ssyncadd.s32 $0xFFFFF800  }
0xc1: {  	[spmem:s2] =	stream.indirect.scatter.add.f32 [tilespmem:s22], [sflag:$0x4], $0x10, s15, s23, $0xb8;
	[tilespmem:$0x12CB0] =	vst v63  }
0xc2: {  	_ =	swait.ge [sflag:s20], $0x800  }
0xc3: {  	[sflag:s20] =	ssyncset.done $0x0  }
0xc4: {  	s16 =	simm.s32 $0x1300;
	s6 =	simm.s32 $0x5780;
	[sflag:s20] =	ssyncadd.s32 $0xFFFFF800  }
0xc5: {  	[spmem:s3] =	stream.indirect.scatter.add.f32 [tilespmem:s6], [sflag:$0x4], $0x10, s16, s23, $0xb8;
	[tilespmem:$0x12CB0] =	vst v63  }
0xc6: {  	_ =	swait.ge [sflag:s20], $0x800  }
0xc7: {  	[sflag:s20] =	ssyncset.done $0x0  }
0xc8: {  	s7 =	simm.s32 $0x5F80;
	s18 =	simm.s32 $0x1380;
	[sflag:s20] =	ssyncadd.s32 $0xFFFFF800  }
0xc9: {  	[spmem:s4] =	stream.indirect.scatter.add.f32 [tilespmem:s7], [sflag:$0x4], $0x10, s18, s23, $0xb8;
	[tilespmem:$0x12CB0] =	vst v63  }
0xca: {  	_ =	swait.ge [sflag:s20], $0x800  }
0xcb: {  	[sflag:s20] =	ssyncset.done $0x0  }
0xcc: {  	s8 =	simm.s32 $0x1400;
	s7 =	simm.s32 $0x6780;
	[sflag:s20] =	ssyncadd.s32 $0xFFFFF800  }
0xcd: {  	[spmem:s1] =	stream.indirect.scatter.add.f32 [tilespmem:s7], [sflag:$0x4], $0x10, s8, s23, $0xb8;
	[tilespmem:$0x12CB0] =	vst v63  }
0xce: {  	_ =	swait.ge [sflag:s20], $0x800  }
0xcf: {  	[sflag:s20] =	ssyncset.done $0x0  }
0xd0: {  	s15 =	simm.s32 $0x1480;
	s8 =	simm.s32 $0x6F80;
	[sflag:s20] =	ssyncadd.s32 $0xFFFFF800  }
0xd1: {  	[spmem:s2] =	stream.indirect.scatter.add.f32 [tilespmem:s8], [sflag:$0x4], $0x10, s15, s23, $0xb8;
	[tilespmem:$0x12CB0] =	vst v63  }
0xd2: {  	_ =	swait.ge [sflag:s20], $0x800  }
0xd3: {  	[sflag:s20] =	ssyncset.done $0x0  }
0xd4: {  	s16 =	simm.s32 $0x1500;
	[sflag:s20] =	ssyncadd.s32 $0xFFFFF800  }
0xd5: {  	[spmem:s3] =	stream.indirect.scatter.add.f32 [tilespmem:s9], [sflag:$0x4], $0x10, s16, s23, $0xb8;
	[tilespmem:$0x12CB0] =	vst v63  }
0xd6: {  	_ =	swait.ge [sflag:s20], $0x800  }
0xd7: {  	[sflag:s20] =	ssyncset.done $0x0  }
0xd8: {  	s18 =	simm.s32 $0x1580;
	[sflag:s20] =	ssyncadd.s32 $0xFFFFF800  }
0xd9: {  	[spmem:s4] =	stream.indirect.scatter.add.f32 [tilespmem:s10], [sflag:$0x4], $0x10, s18, s23, $0xb8;
	[tilespmem:$0x12CB0] =	vst v63  }
0xda: {  	_ =	swait.ge [sflag:s20], $0x800  }
0xdb: {  	[sflag:s20] =	ssyncset.done $0x0  }
0xdc: {  	s15 =	simm.s32 $0x1600;
	[sflag:s20] =	ssyncadd.s32 $0xFFFFF800  }
0xdd: {  	[spmem:s1] =	stream.indirect.scatter.add.f32 [tilespmem:s11], [sflag:$0x4], $0x10, s15, s23, $0xb8;
	[tilespmem:$0x12CB0] =	vst v63  }
0xde: {  	_ =	swait.ge [sflag:s20], $0x800  }
0xdf: {  	[sflag:s20] =	ssyncset.done $0x0  }
0xe0: {  	s16 =	simm.s32 $0x1680;
	s15 =	simm.s32 $0x8F80;
	[sflag:s20] =	ssyncadd.s32 $0xFFFFF800  }
0xe1: {  	[spmem:s2] =	stream.indirect.scatter.add.f32 [tilespmem:s15], [sflag:$0x4], $0x10, s16, s23, $0xb8;
	[tilespmem:$0x12CB0] =	vst v63  }
0xe2: {  	_ =	swait.ge [sflag:s20], $0x800  }
0xe3: {  	[sflag:s20] =	ssyncset.done $0x0  }
0xe4: {  	s18 =	simm.s32 $0x1700;
	s16 =	simm.s32 $0x9780;
	[sflag:s20] =	ssyncadd.s32 $0xFFFFF800  }
0xe5: {  	[spmem:s3] =	stream.indirect.scatter.add.f32 [tilespmem:s16], [sflag:$0x4], $0x10, s18, s23, $0xb8;
	[tilespmem:$0x12CB0] =	vst v63  }
0xe6: {  	_ =	swait.ge [sflag:s20], $0x800  }
0xe7: {  	[sflag:s20] =	ssyncset.done $0x0  }
0xe8: {  	s14 =	simm.s32 $0x1780;
	s18 =	simm.s32 $0x9F80;
	[sflag:s20] =	ssyncadd.s32 $0xFFFFF800  }
0xe9: {  	[spmem:s4] =	stream.indirect.scatter.add.f32 [tilespmem:s18], [sflag:$0x4], $0x10, s14, s23, $0xb8;
	[tilespmem:$0x12CB0] =	vst v63  }
0xea: {  	_ =	swait.ge [sflag:s20], $0x800  }
0xeb: {  	[sflag:s20] =	ssyncset.done $0x0  }
0xec: {  	[sflag:s20] =	ssyncadd.s32 $0xFFFFF800  }
0xed: {  	_ =	swait.ge [sflag:s0], $0x8000  }
0xee: {  	[sflag:s0] =	ssyncset.done $0x0  }
0xef: {  	s30 =	simm.s32 $0x0;
	[sflag:s0] =	ssyncadd.s32 $0xFFFF8000;
	s0 =	rddreg [dreg:$0xa]  }
0xf0: {  	[tilespmem:s13], [sflag:$0x2] =	stream.linear.gather [hbm4b:s0+s30], $0x7100, $0x38;
	[tilespmem:$0x12CB0] =	vst v63  }
0xf1: {  	s18 =	simm.s32 $0x1800  }
0xf2: {  	[spmem:s1] =	stream.indirect.scatter.add.f32 [tilespmem:s17], [sflag:$0x4], $0x10, s18, s23, $0xb8;
	[tilespmem:$0x12CB0] =	vst v63  }
0xf3: {  	_ =	swait.ge [sflag:s20], $0x800  }
0xf4: {  	[sflag:s20] =	ssyncset.done $0x0  }
0xf5: {  	s14 =	simm.s32 $0xAF80;
	s13 =	simm.s32 $0x1880;
	[sflag:s20] =	ssyncadd.s32 $0xFFFFF800  }
0xf6: {  	[spmem:s2] =	stream.indirect.scatter.add.f32 [tilespmem:s14], [sflag:$0x4], $0x10, s13, s23, $0xb8;
	[tilespmem:$0x12CB0] =	vst v63  }
0xf7: {  	_ =	swait.ge [sflag:s20], $0x800  }
0xf8: {  	[sflag:s20] =	ssyncset.done $0x0  }
0xf9: {  	s18 =	simm.s32 $0x1900;
	[sflag:s20] =	ssyncadd.s32 $0xFFFFF800  }
0xfa: {  	[spmem:s3] =	stream.indirect.scatter.add.f32 [tilespmem:s21], [sflag:$0x4], $0x10, s18, s23, $0xb8;
	[tilespmem:$0x12CB0] =	vst v63  }
0xfb: {  	_ =	swait.ge [sflag:s20], $0x800  }
0xfc: {  	[sflag:s20] =	ssyncset.done $0x0  }
0xfd: {  	s21 =	simm.s32 $0x1980;
	[sflag:s20] =	ssyncadd.s32 $0xFFFFF800  }
0xfe: {  	[spmem:s4] =	stream.indirect.scatter.add.f32 [tilespmem:s24], [sflag:$0x4], $0x10, s21, s23, $0xb8;
	[tilespmem:$0x12CB0] =	vst v63  }
0xff: {  	_ =	swait.ge [sflag:s20], $0x800  }
0x100: {  	[sflag:s20] =	ssyncset.done $0x0  }
0x101: {  	s13 =	simm.s32 $0x1A00;
	s14 =	simm.s32 $0xC780;
	[sflag:s20] =	ssyncadd.s32 $0xFFFFF800  }
0x102: {  	[spmem:s1] =	stream.indirect.scatter.add.f32 [tilespmem:s14], [sflag:$0x4], $0x10, s13, s23, $0xb8;
	[tilespmem:$0x12CB0] =	vst v63  }
0x103: {  	_ =	swait.ge [sflag:s20], $0x800  }
0x104: {  	[sflag:s20] =	ssyncset.done $0x0  }
0x105: {  	s18 =	simm.s32 $0x1A80;
	s21 =	simm.s32 $0xCF80;
	[sflag:s20] =	ssyncadd.s32 $0xFFFFF800  }
0x106: {  	[spmem:s2] =	stream.indirect.scatter.add.f32 [tilespmem:s21], [sflag:$0x4], $0x10, s18, s23, $0xb8;
	[tilespmem:$0x12CB0] =	vst v63  }
0x107: {  	_ =	swait.ge [sflag:s20], $0x800  }
0x108: {  	[sflag:s20] =	ssyncset.done $0x0  }
0x109: {  	s13 =	simm.s32 $0x1B00;
	s14 =	simm.s32 $0xD780;
	[sflag:s20] =	ssyncadd.s32 $0xFFFFF800  }
0x10a: {  	[spmem:s3] =	stream.indirect.scatter.add.f32 [tilespmem:s14], [sflag:$0x4], $0x10, s13, s23, $0xb8;
	[tilespmem:$0x12CB0] =	vst v63  }
0x10b: {  	_ =	swait.ge [sflag:s20], $0x800  }
0x10c: {  	[sflag:s20] =	ssyncset.done $0x0  }
0x10d: {  	s18 =	simm.s32 $0x1B80;
	s21 =	simm.s32 $0xDF80;
	[sflag:s20] =	ssyncadd.s32 $0xFFFFF800  }
0x10e: {  	[spmem:s4] =	stream.indirect.scatter.add.f32 [tilespmem:s21], [sflag:$0x4], $0x10, s18, s23, $0xb8;
	[tilespmem:$0x12CB0] =	vst v63  }
0x10f: {  	_ =	swait.ge [sflag:s20], $0x800  }
0x110: {  	[sflag:s20] =	ssyncset.done $0x0  }
0x111: {  	s13 =	simm.s32 $0x1C00;
	s14 =	simm.s32 $0xE780;
	[sflag:s20] =	ssyncadd.s32 $0xFFFFF800  }
0x112: {  	[spmem:s1] =	stream.indirect.scatter.add.f32 [tilespmem:s14], [sflag:$0x4], $0x10, s13, s23, $0xb8;
	[tilespmem:$0x12CB0] =	vst v63  }
0x113: {  	_ =	swait.ge [sflag:s20], $0x800  }
0x114: {  	[sflag:s20] =	ssyncset.done $0x0  }
0x115: {  	s18 =	simm.s32 $0x1C80;
	s21 =	simm.s32 $0xEF80;
	[sflag:s20] =	ssyncadd.s32 $0xFFFFF800  }
0x116: {  	[spmem:s2] =	stream.indirect.scatter.add.f32 [tilespmem:s21], [sflag:$0x4], $0x10, s18, s23, $0xb8;
	[tilespmem:$0x12CB0] =	vst v63  }
0x117: {  	_ =	swait.ge [sflag:s20], $0x800  }
0x118: {  	[sflag:s20] =	ssyncset.done $0x0  }
0x119: {  	s14 =	simm.s32 $0x1D00;
	s18 =	simm.s32 $0xF780;
	[sflag:s20] =	ssyncadd.s32 $0xFFFFF800  }
0x11a: {  	[spmem:s3] =	stream.indirect.scatter.add.f32 [tilespmem:s18], [sflag:$0x4], $0x10, s14, s23, $0xb8;
	[tilespmem:$0x12CB0] =	vst v63  }
0x11b: {  	_ =	swait.ge [sflag:s20], $0x800  }
0x11c: {  	[sflag:s20] =	ssyncset.done $0x0  }
0x11d: {  	s21 =	simm.s32 $0x1D80;
	[sflag:s20] =	ssyncadd.s32 $0xFFFFF800  }
0x11e: {  	[spmem:s4] =	stream.indirect.scatter.add.f32 [tilespmem:s19], [sflag:$0x4], $0x10, s21, s23, $0xb8;
	[tilespmem:$0x12CB0] =	vst v63  }
0x11f: {  	_ =	swait.ge [sflag:s20], $0x800  }
0x120: {  	[sflag:s20] =	ssyncset.done $0x0  }
0x121: {  	s13 =	simm.s32 $0x1E00;
	[sflag:s20] =	ssyncadd.s32 $0xFFFFF800  }
0x122: {  	[spmem:s1] =	stream.indirect.scatter.add.f32 [tilespmem:s25], [sflag:$0x4], $0x10, s13, s23, $0xb8;
	[tilespmem:$0x12CB0] =	vst v63  }
0x123: {  	_ =	swait.ge [sflag:s20], $0x800  }
0x124: {  	[sflag:s20] =	ssyncset.done $0x0  }
0x125: {  	s14 =	simm.s32 $0x1E80;
	[sflag:s20] =	ssyncadd.s32 $0xFFFFF800  }
0x126: {  	[spmem:s2] =	stream.indirect.scatter.add.f32 [tilespmem:s26], [sflag:$0x4], $0x10, s14, s23, $0xb8;
	[tilespmem:$0x12CB0] =	vst v63  }
0x127: {  	_ =	swait.ge [sflag:s20], $0x800  }
0x128: {  	[sflag:s20] =	ssyncset.done $0x0  }
0x129: {  	s18 =	simm.s32 $0x1F00;
	[sflag:s20] =	ssyncadd.s32 $0xFFFFF800  }
0x12a: {  	[spmem:s3] =	stream.indirect.scatter.add.f32 [tilespmem:s28], [sflag:$0x4], $0x10, s18, s23, $0xb8;
	[tilespmem:$0x12CB0] =	vst v63  }
0x12b: {  	_ =	swait.ge [sflag:s20], $0x800  }
0x12c: {  	[sflag:s20] =	ssyncset.done $0x0  }
0x12d: {  	s21 =	simm.s32 $0x1F80;
	[sflag:s20] =	ssyncadd.s32 $0xFFFFF800  }
0x12e: {  	[spmem:s4] =	stream.indirect.scatter.add.f32 [tilespmem:s29], [sflag:$0x4], $0x10, s21, s23, $0xb8;
	[tilespmem:$0x12CB0] =	vst v63  }
0x12f: {  	_ =	swait.ge [sflag:s20], $0x800  }
0x130: {  	[sflag:s20] =	ssyncset.done $0x0  }
0x131: {  	[sflag:s20] =	ssyncadd.s32 $0xFFFFF800  }
0x132: {  	_ =	swait.ge [sflag:s5], $0x7100  }
0x133: {  	[sflag:s5] =	ssyncset.done $0x0  }
0x134: {  	s17 =	simm.s32 $0x2780;
	[sflag:s5] =	ssyncadd.s32 $0xFFFF8F00;
	s5 =	simm.s32 $0x2000  }
0x135: {  	[spmem:s1] =	stream.indirect.scatter.add.f32 [tilespmem:s17], [sflag:$0x4], $0x10, s5, s23, $0xb8;
	[tilespmem:$0x12CB0] =	vst v63  }
0x136: {  	_ =	swait.ge [sflag:s20], $0x800  }
0x137: {  	[sflag:s20] =	ssyncset.done $0x0  }
0x138: {  	s13 =	simm.s32 $0x2080;
	s14 =	simm.s32 $0x2F80;
	[sflag:s20] =	ssyncadd.s32 $0xFFFFF800  }
0x139: {  	[spmem:s2] =	stream.indirect.scatter.add.f32 [tilespmem:s14], [sflag:$0x4], $0x10, s13, s23, $0xb8;
	[tilespmem:$0x12CB0] =	vst v63  }
0x13a: {  	_ =	swait.ge [sflag:s20], $0x800  }
0x13b: {  	[sflag:s20] =	ssyncset.done $0x0  }
0x13c: {  	s18 =	simm.s32 $0x2100;
	[sflag:s20] =	ssyncadd.s32 $0xFFFFF800  }
0x13d: {  	[spmem:s3] =	stream.indirect.scatter.add.f32 [tilespmem:s31], [sflag:$0x4], $0x10, s18, s23, $0xb8;
	[tilespmem:$0x12CB0] =	vst v63  }
0x13e: {  	_ =	swait.ge [sflag:s20], $0x800  }
0x13f: {  	[sflag:s20] =	ssyncset.done $0x0  }
0x140: {  	s21 =	simm.s32 $0x2180;
	s31 =	simm.s32 $0x3F80;
	[sflag:s20] =	ssyncadd.s32 $0xFFFFF800  }
0x141: {  	[spmem:s4] =	stream.indirect.scatter.add.f32 [tilespmem:s31], [sflag:$0x4], $0x10, s21, s23, $0xb8;
	[tilespmem:$0x12CB0] =	vst v63  }
0x142: {  	_ =	swait.ge [sflag:s20], $0x800  }
0x143: {  	[sflag:s20] =	ssyncset.done $0x0  }
0x144: {  	s5 =	simm.s32 $0x2200;
	s13 =	simm.s32 $0x4780;
	[sflag:s20] =	ssyncadd.s32 $0xFFFFF800  }
0x145: {  	[spmem:s1] =	stream.indirect.scatter.add.f32 [tilespmem:s13], [sflag:$0x4], $0x10, s5, s23, $0xb8;
	[tilespmem:$0x12CB0] =	vst v63  }
0x146: {  	_ =	swait.ge [sflag:s20], $0x800  }
0x147: {  	[sflag:s20] =	ssyncset.done $0x0  }
0x148: {  	s14 =	simm.s32 $0x2280;
	[sflag:s20] =	ssyncadd.s32 $0xFFFFF800  }
0x149: {  	[spmem:s2] =	stream.indirect.scatter.add.f32 [tilespmem:s22], [sflag:$0x4], $0x10, s14, s23, $0xb8;
	[tilespmem:$0x12CB0] =	vst v63  }
0x14a: {  	_ =	swait.ge [sflag:s20], $0x800  }
0x14b: {  	[sflag:s20] =	ssyncset.done $0x0  }
0x14c: {  	s18 =	simm.s32 $0x2300;
	[sflag:s20] =	ssyncadd.s32 $0xFFFFF800  }
0x14d: {  	[spmem:s3] =	stream.indirect.scatter.add.f32 [tilespmem:s6], [sflag:$0x4], $0x10, s18, s23, $0xb8;
	[tilespmem:$0x12CB0] =	vst v63  }
0x14e: {  	_ =	swait.ge [sflag:s20], $0x800  }
0x14f: {  	[sflag:s20] =	ssyncset.done $0x0  }
0x150: {  	s21 =	simm.s32 $0x2380;
	s31 =	simm.s32 $0x5F80;
	[sflag:s20] =	ssyncadd.s32 $0xFFFFF800  }
0x151: {  	[spmem:s4] =	stream.indirect.scatter.add.f32 [tilespmem:s31], [sflag:$0x4], $0x10, s21, s23, $0xb8;
	[tilespmem:$0x12CB0] =	vst v63  }
0x152: {  	_ =	swait.ge [sflag:s20], $0x800  }
0x153: {  	[sflag:s20] =	ssyncset.done $0x0  }
0x154: {  	s6 =	simm.s32 $0x2400;
	[sflag:s20] =	ssyncadd.s32 $0xFFFFF800  }
0x155: {  	[spmem:s1] =	stream.indirect.scatter.add.f32 [tilespmem:s7], [sflag:$0x4], $0x10, s6, s23, $0xb8;
	[tilespmem:$0x12CB0] =	vst v63  }
0x156: {  	_ =	swait.ge [sflag:s20], $0x800  }
0x157: {  	[sflag:s20] =	ssyncset.done $0x0  }
0x158: {  	s7 =	simm.s32 $0x2480;
	[sflag:s20] =	ssyncadd.s32 $0xFFFFF800  }
0x159: {  	[spmem:s2] =	stream.indirect.scatter.add.f32 [tilespmem:s8], [sflag:$0x4], $0x10, s7, s23, $0xb8;
	[tilespmem:$0x12CB0] =	vst v63  }
0x15a: {  	_ =	swait.ge [sflag:s20], $0x800  }
0x15b: {  	[sflag:s20] =	ssyncset.done $0x0  }
0x15c: {  	s8 =	simm.s32 $0x2500;
	[sflag:s20] =	ssyncadd.s32 $0xFFFFF800  }
0x15d: {  	[spmem:s3] =	stream.indirect.scatter.add.f32 [tilespmem:s9], [sflag:$0x4], $0x10, s8, s23, $0xb8;
	[tilespmem:$0x12CB0] =	vst v63  }
0x15e: {  	_ =	swait.ge [sflag:s20], $0x800  }
0x15f: {  	[sflag:s20] =	ssyncset.done $0x0  }
0x160: {  	s13 =	simm.s32 $0x2580;
	[sflag:s20] =	ssyncadd.s32 $0xFFFFF800  }
0x161: {  	[spmem:s4] =	stream.indirect.scatter.add.f32 [tilespmem:s10], [sflag:$0x4], $0x10, s13, s23, $0xb8;
	[tilespmem:$0x12CB0] =	vst v63  }
0x162: {  	_ =	swait.ge [sflag:s20], $0x800  }
0x163: {  	[sflag:s20] =	ssyncset.done $0x0  }
0x164: {  	s14 =	simm.s32 $0x2600;
	[sflag:s20] =	ssyncadd.s32 $0xFFFFF800  }
0x165: {  	[spmem:s1] =	stream.indirect.scatter.add.f32 [tilespmem:s11], [sflag:$0x4], $0x10, s14, s23, $0xb8;
	[tilespmem:$0x12CB0] =	vst v63  }
0x166: {  	_ =	swait.ge [sflag:s20], $0x800  }
0x167: {  	[sflag:s20] =	ssyncset.done $0x0  }
0x168: {  	s18 =	simm.s32 $0x2680;
	[sflag:s20] =	ssyncadd.s32 $0xFFFFF800  }
0x169: {  	[spmem:s2] =	stream.indirect.scatter.add.f32 [tilespmem:s15], [sflag:$0x4], $0x10, s18, s23, $0xb8;
	[tilespmem:$0x12CB0] =	vst v63  }
0x16a: {  	_ =	swait.ge [sflag:s20], $0x800  }
0x16b: {  	[sflag:s20] =	ssyncset.done $0x0  }
0x16c: {  	s21 =	simm.s32 $0x2700;
	[sflag:s20] =	ssyncadd.s32 $0xFFFFF800  }
0x16d: {  	[spmem:s3] =	stream.indirect.scatter.add.f32 [tilespmem:s16], [sflag:$0x4], $0x10, s21, s23, $0xb8;
	[tilespmem:$0x12CB0] =	vst v63  }
0x16e: {  	s18 =	rddreg [dreg:$0x10];
	_ =	swait.ge [sflag:s20], $0x800  }
0x16f: {  	[sflag:s20] =	ssyncset.done $0x0  }
0x170: {  	[sflag:s20] =	ssyncadd.s32 $0xFFFFF800  }
0x171: {  	[bflag:$0x0] =	sbarrier.arrive $0xFFFF  }
0x172: {  	s14 =	sshrl.u32 @!p0 s1, $0x3;
	s15 =	simm.s32 @!p0 $0x1C04;
	s16 =	rddreg [dreg:$0xb]  }
0x173: {  	[hbm:s16], [sflag:s15] =	dma.local @!p0 [spmem:s14], $0x82  }
0x174: {  	s14 =	simm.s32 @!p0 $0x4  }
0x175: {  	_ =	swait.ge @!p0 [sflag:s14], $0x82  }
0x176: {  	[sflag:s14] =	ssyncset.done @!p0 $0x0  }
0x177: {  	s16 =	sshrl.u32 @!p0 s2, $0x3;
	s21 =	rddreg [dreg:$0xc];
	[sflag:s14] =	ssyncadd.s32 @!p0 $0xFFFFFF7E  }
0x178: {  	[hbm:s21], [sflag:s15] =	dma.local @!p0 [spmem:s16], $0x82  }
0x179: {  	_ =	swait.ge @!p0 [sflag:s14], $0x82  }
0x17a: {  	[sflag:s14] =	ssyncset.done @!p0 $0x0  }
0x17b: {  	s16 =	sshrl.u32 @!p0 s3, $0x3;
	s21 =	rddreg [dreg:$0xd];
	[sflag:s14] =	ssyncadd.s32 @!p0 $0xFFFFFF7E  }
0x17c: {  	[hbm:s21], [sflag:s15] =	dma.local @!p0 [spmem:s16], $0x82  }
0x17d: {  	_ =	swait.ge @!p0 [sflag:s14], $0x82  }
0x17e: {  	[sflag:s14] =	ssyncset.done @!p0 $0x0  }
0x17f: {  	s16 =	sshrl.u32 @!p0 s4, $0x3;
	s21 =	rddreg [dreg:$0xe];
	[sflag:s14] =	ssyncadd.s32 @!p0 $0xFFFFFF7E  }
0x180: {  	[hbm:s21], [sflag:s15] =	dma.local @!p0 [spmem:s16], $0x82  }
0x181: {  	_ =	swait.ge @!p0 [sflag:s14], $0x82  }
0x182: {  	s12 =	sadd.s32 $0x1, s12;
	s31 =	rddreg [dreg:$0xf]  }
0x183: {  	p1 =	sne.s32 s12, s31  }
.Ltmp1:
0x184: {  	_ = 	snop;
	(pc) =	sbr.rel @!p1 .LBB2_6-.Ltmp1, $3  }
0x185: {  	_ =	sdelay $0x1  }
0x186: {  	[sflag:s14] =	ssyncset.done @!p0 $0x0  }
0x187: {  	s0 =	simm.s32 $0xA780;
	[sflag:s14] =	ssyncadd.s32 @!p0 $0xFFFFFF7E  }
.LBB2_1:
0x188: {  	s14 =	rddreg [dreg:$0x6]  }
0x189: {  	[tilespmem:s30], [sflag:$0x1] =	stream.linear.gather [hbm4b:s14+s30], $0x2780, $0x38;
	[tilespmem:$0x12CB0] =	vst v63  }
.Ltmp2:
0x18a: {  	_ = 	snop;
	(pc) =	sbr.rel @p0 .LBB2_5-.Ltmp2, $4  }
0x18b: {  	s31 =	rddreg [dreg:$0x7]  }
0x18c: {  	[tilespmem:s17], [sflag:$0x2] =	stream.linear.gather [hbm4b:s31+s30], $0x8000, $0x38;
	[tilespmem:$0x12CB0] =	vst v63  }
0x18d: {  	_ = 	snop  }
0x18e: {  	[tilespmem:s0], [sflag:$0x3] =	stream.linear.gather [hbm4b:s18+s30], $0x8000, $0x38;
	[tilespmem:$0x12CB0] =	vst v63  }
0x18f: {  	s14 =	simm.s32 $0x40;
	s15 =	simm.s32 $0x0  }
.LBB2_3:
0x190: {  	p1 =	sne.s32 s14, $0x1000;
	[tilespmem:s15+$0x12780] =	vst v0;
	s15 =	smov.u32 s14;
	s14 =	sadd.s32 $0x40, s14  }
.Ltmp3:
0x191: {  	(pc) =	sbr.rel @p1 .LBB2_3-.Ltmp3, $2  }
0x192: {  	_ =	sdelay $0x2  }
0x193: {  	s15 =	sshra.s32 s15, $0x2  }
0x194: {  	[tilespmem:s15+$0x12780] =	vst v0;
	s14 =	simm.s32 $0x12780  }
0x195: {  	[spmem:s1] =	stream.linear.scatter [tilespmem:s14], [sflag:$0x4], $0x410, $0x38;
	[tilespmem:$0x12CB0] =	vst v63  }
0x196: {  	_ =	swait.ge [sflag:s20], $0x410  }
0x197: {  	[sflag:s20] =	ssyncset.done $0x0  }
0x198: {  	[sflag:s20] =	ssyncadd.s32 $0xFFFFFBF0  }
0x199: {  	[spmem:s2] =	stream.linear.scatter [tilespmem:s14], [sflag:$0x4], $0x410, $0x38;
	[tilespmem:$0x12CB0] =	vst v63  }
0x19a: {  	_ =	swait.ge [sflag:s20], $0x410  }
0x19b: {  	[sflag:s20] =	ssyncset.done $0x0  }
0x19c: {  	[sflag:s20] =	ssyncadd.s32 $0xFFFFFBF0  }
0x19d: {  	[spmem:s3] =	stream.linear.scatter [tilespmem:s14], [sflag:$0x4], $0x410, $0x38;
	[tilespmem:$0x12CB0] =	vst v63  }
0x19e: {  	_ =	swait.ge [sflag:s20], $0x410  }
0x19f: {  	[sflag:s20] =	ssyncset.done $0x0  }
.Ltmp4:
0x1a0: {  	[sflag:s20] =	ssyncadd.s32 $0xFFFFFBF0;
	(pc) =	sbr.rel .LBB2_5-.Ltmp4, $4  }
0x1a1: {  	[spmem:s4] =	stream.linear.scatter [tilespmem:s14], [sflag:$0x4], $0x410, $0x38;
	[tilespmem:$0x12CB0] =	vst v63  }
0x1a2: {  	_ =	swait.ge [sflag:s20], $0x410  }
0x1a3: {  	[sflag:s20] =	ssyncset.done $0x0  }
0x1a4: {  	[sflag:s20] =	ssyncadd.s32 $0xFFFFFBF0  }
.LBB2_6:
0x1a5: {  	_ =	sfence.sel $0x180000  }
0x1a6: {  	[bflag:$0x0] =	sbarrier.arrive $0xFFFF  }
0x1a7: {  	_ =	strace $0x9000004A  }
0x1a8: {  	[bflag:$0x2] =	sbarrier.arrive $0xFFFF  }
0x1a9: {  	s0 =	rddreg [dreg:$0x5]  }
0x1aa: {  	s0 =	sadd.s32 @!p0 $0x100000, s0  }
0x1ab: {  	[sflag:s0] =	ssyncadd.tile.s32 @!p0 $0x1;
	_ =	shalt  }
.Lfunc_end2:
_tile_overlayer_lowered:
.L_overlay_start_2:
0x1ac: {  	(tag) =	ssettag $0x2  }
0x1ad: {  	s0 =	rddreg [dreg:$0x0];
	s2 =	stileid.u32  }
0x1ae: {  	s1 =	rddreg [dreg:$0x1];
	p0 =	sne.s32 s2, $0x0  }
0x1af: {  	s3 =	rddreg [dreg:$0x2];
	[bflag:$0x3] =	sbarrier.arrive $0xFFFF;
	s2 =	simm.s32 @!p0 $0x1C04  }
0x1b0: {  	[timem:s3], [sflag:s2] =	dma.local @!p0 [hbm:s0], s1  }
0x1b1: {  	s0 =	simm.s32 @!p0 $0x4  }
0x1b2: {  	_ =	swait.ge @!p0 [sflag:s0], s1  }
0x1b3: {  	s1 =	ssub.s32 @!p0 $0x0, s1;
	[sflag:s0] =	ssyncset.done @!p0 $0x0  }
0x1b4: {  	[sflag:s0] =	ssyncadd.s32 @!p0 s1  }
0x1b5: {  	[bflag:$0x3] =	sbarrier.arrive $0xFFFF  }
0x1b6: {  	_ =	shalt  }

</sc_bundles>
